<compile_context>
chip_gen: v7x
topology: tpu7x:2x2x1
jax: 0.10.2.dev20260603
libtpu: 0.0.44.dev20260713+nightly
codegen_flags: <defaults>
</compile_context>

<pallas_src>
import functools

import jax
import jax.numpy as jnp
from jax import lax
from jax.experimental import pallas as pl
from jax.experimental.pallas import tpu as pltpu
from jax.experimental.pallas import tpu_sc as plsc

B, Q, C = 1024, 900, 91
CA = 46
CB = C - CA
NQT = Q // 8
QTQ = NQT // 4


def _sc_matcher(cls_t, obj_t, tgt):
    mesh = plsc.VectorSubcoreMesh(core_axis_name="c", subcore_axis_name="s")

    @functools.partial(
        pl.kernel,
        mesh=mesh,
        compiler_params=pltpu.CompilerParams(needs_layout_passes=False),
        out_type=jax.ShapeDtypeStruct((B,), jnp.int32),
        scratch_types=[
            pltpu.VMEM((CA, 8, 128), jnp.float32),
            pltpu.VMEM((CB, 8, 128), jnp.float32),
            pltpu.VMEM((8, 128), jnp.float32),
            pltpu.VMEM((8, 128), jnp.float32),
            pltpu.VMEM((8, 128), jnp.float32),
            pltpu.VMEM((128,), jnp.int32),
            pltpu.VMEM((128,), jnp.float32),
            pltpu.VMEM((128,), jnp.int32),
            pltpu.VMEM((128,), jnp.float32),
            pltpu.VMEM((128,), jnp.int32),
            pltpu.VMEM_SHARED((16, 128), jnp.float32),
            pltpu.VMEM_SHARED((16, 128), jnp.int32),
            pltpu.SemaphoreType.DMA,
            pltpu.SemaphoreType.DMA,
            pltpu.SemaphoreType.DMA,
        ],
    )
    def k(cls_hbm, obj_hbm, tgt_hbm, out_hbm, cls_a, cls_b, obj_b,
          sa_v, ga_v, tgt_v, br_v, bq_v, tr_v, tq_v, shr, shq,
          sem_a, sem_b, sem_o):
        co = lax.axis_index("c")
        s = lax.axis_index("s")
        btl = lax.rem(s, 4)
        qq = s // 4
        b0 = (co * 4 + btl) * 128
        lane = lax.iota(jnp.int32, 16)
        pltpu.sync_copy(tgt_hbm.at[pl.ds(b0, 128)], tgt_v)

        def init_body(lg, carry):
            off = 16 * lg
            br_v[pl.ds(off, 16)] = jnp.full((16,), -1.0, jnp.float32)
            bq_v[pl.ds(off, 16)] = jnp.zeros((16,), jnp.int32)
            return carry

        lax.fori_loop(0, 8, init_body, 0)

        def start_a(q0):
            pltpu.async_copy(
                cls_hbm.at[pl.ds(0, CA), pl.ds(q0, 8), pl.ds(b0, 128)],
                cls_a, sem_a,
            )

        def start_b(q0):
            pltpu.async_copy(
                cls_hbm.at[pl.ds(CA, CB), pl.ds(q0, 8), pl.ds(b0, 128)],
                cls_b, sem_b,
            )

        def wait_a():
            pltpu.make_async_copy(
                cls_hbm.at[pl.ds(0, CA), pl.ds(0, 8), pl.ds(0, 128)],
                cls_a, sem_a,
            ).wait()

        def wait_b():
            pltpu.make_async_copy(
                cls_hbm.at[pl.ds(CA, CB), pl.ds(0, 8), pl.ds(0, 128)],
                cls_b, sem_b,
            ).wait()

        def start_obj(q0):
            pltpu.async_copy(
                obj_hbm.at[pl.ds(q0, 8), pl.ds(b0, 128)], obj_b, sem_o
            )

        def wait_obj():
            pltpu.make_async_copy(
                obj_hbm.at[pl.ds(0, 8), pl.ds(0, 128)], obj_b, sem_o
            ).wait()

        def phase_a(nqs):
            def body(i, carry):
                qs = i // 8
                lg = lax.rem(i, 8)
                off = 16 * lg
                a0 = jnp.zeros((16,), jnp.float32)
                a1 = jnp.zeros((16,), jnp.float32)
                a2 = jnp.zeros((16,), jnp.float32)
                a3 = jnp.zeros((16,), jnp.float32)
                for c in range(0, CA - 3, 4):
                    a0 += jnp.exp(cls_a[c, qs, pl.ds(off, 16)])
                    a1 += jnp.exp(cls_a[c + 1, qs, pl.ds(off, 16)])
                    a2 += jnp.exp(cls_a[c + 2, qs, pl.ds(off, 16)])
                    a3 += jnp.exp(cls_a[c + 3, qs, pl.ds(off, 16)])
                for c in range(CA - CA % 4, CA):
                    a0 += jnp.exp(cls_a[c, qs, pl.ds(off, 16)])
                sa_v[qs, pl.ds(off, 16)] = (a0 + a1) + (a2 + a3)
                t16 = tgt_v[pl.ds(off, 16)]
                ta = jnp.where(t16 < CA, t16, CA - 1)
                ga_v[qs, pl.ds(off, 16)] = plsc.load_gather(
                    cls_a,
                    [ta, jnp.full((16,), qs, jnp.int32), lane + off],
                )
                return carry

            lax.fori_loop(0, nqs * 8, body, 0)

        def phase_b(q0, nqs):
            def body(i, carry):
                qs = i // 8
                lg = lax.rem(i, 8)
                off = 16 * lg
                br = br_v[pl.ds(off, 16)]
                bq = bq_v[pl.ds(off, 16)]
                a0 = jnp.zeros((16,), jnp.float32)
                a1 = jnp.zeros((16,), jnp.float32)
                a2 = jnp.zeros((16,), jnp.float32)
                a3 = jnp.zeros((16,), jnp.float32)
                for c in range(0, CB - 3, 4):
                    a0 += jnp.exp(cls_b[c, qs, pl.ds(off, 16)])
                    a1 += jnp.exp(cls_b[c + 1, qs, pl.ds(off, 16)])
                    a2 += jnp.exp(cls_b[c + 2, qs, pl.ds(off, 16)])
                    a3 += jnp.exp(cls_b[c + 3, qs, pl.ds(off, 16)])
                for c in range(CB - CB % 4, CB):
                    a0 += jnp.exp(cls_b[c, qs, pl.ds(off, 16)])
                ssum = sa_v[qs, pl.ds(off, 16)] + (a0 + a1) + (a2 + a3)
                t16 = tgt_v[pl.ds(off, 16)]
                tb = jnp.where(t16 < CA, 0, t16 - CA)
                gb = plsc.load_gather(
                    cls_b,
                    [tb, jnp.full((16,), qs, jnp.int32), lane + off],
                )
                gv = jnp.where(t16 < CA, ga_v[qs, pl.ds(off, 16)], gb)
                ov = obj_b[qs, pl.ds(off, 16)]
                r = jnp.exp(gv) / ((1.0 + jnp.exp(-ov)) * ssum)
                upd = r > br
                qvec = jnp.full((16,), q0 + qs, jnp.int32)
                br_v[pl.ds(off, 16)] = jnp.where(upd, r, br)
                bq_v[pl.ds(off, 16)] = jnp.where(upd, qvec, bq)
                return carry

            lax.fori_loop(0, nqs * 8, body, 0)

        qt_lo = QTQ * qq
        qt_hi = qt_lo + QTQ
        start_a(qt_lo * 8)

        def qt_body(qt, carry):
            q0 = qt * 8
            wait_a()
            start_b(q0)
            start_obj(q0)
            phase_a(8)
            wait_b()
            wait_obj()
            @pl.when(qt + 1 < qt_hi)
            def _prefetch():
                start_a((qt + 1) * 8)

            phase_b(q0, 8)
            return carry

        lax.fori_loop(qt_lo, qt_hi, qt_body, 0)

        pltpu.sync_copy(
            cls_hbm.at[pl.ds(0, CA), pl.ds(8 * NQT, 4), pl.ds(b0, 128)],
            cls_a.at[:, pl.ds(0, 4), :],
        )
        pltpu.sync_copy(
            cls_hbm.at[pl.ds(CA, CB), pl.ds(8 * NQT, 4), pl.ds(b0, 128)],
            cls_b.at[:, pl.ds(0, 4), :],
        )
        pltpu.sync_copy(
            obj_hbm.at[pl.ds(8 * NQT, 4), pl.ds(b0, 128)],
            obj_b.at[pl.ds(0, 4), :],
        )
        phase_a(4)
        phase_b(8 * NQT, 4)

        pltpu.sync_copy(br_v, shr.at[s])
        pltpu.sync_copy(bq_v, shq.at[s])
        plsc.subcore_barrier()

        @pl.when(qq == 0)
        def _merge():
            for step in range(1, 4):
                pltpu.sync_copy(shr.at[4 * step + btl], tr_v)
                pltpu.sync_copy(shq.at[4 * step + btl], tq_v)

                def mbody(lg, carry):
                    off = 16 * lg
                    br = br_v[pl.ds(off, 16)]
                    bq = bq_v[pl.ds(off, 16)]
                    tr = tr_v[pl.ds(off, 16)]
                    tq = tq_v[pl.ds(off, 16)]
                    upd = (tr > br) | ((tr == br) & (tq < bq))
                    br_v[pl.ds(off, 16)] = jnp.where(upd, tr, br)
                    bq_v[pl.ds(off, 16)] = jnp.where(upd, tq, bq)
                    return carry

                lax.fori_loop(0, 8, mbody, 0)
            pltpu.sync_copy(bq_v, out_hbm.at[pl.ds(b0, 128)])

    return k(cls_t, obj_t, tgt)


def kernel(class_logits, obj_logits, targets):
    return _sc_matcher(
        jnp.transpose(class_logits, (2, 1, 0)),
        obj_logits.T,
        targets.astype(jnp.int32),
    )

# --- scband reference (transcript-rebuilt; emitter-appended) ---
"""Pipeline reference for scband-hungarian-matcher-17875653886511 (READ-ONLY COPY).

The authoritative reference and input builder live on the scoring server;
editing this copy changes nothing except your own understanding.
"""

import jax, jax.numpy as jnp
import numpy as np

COST_CLASS = 1.0
COST_OBJ = 1.0


def setup_inputs(seed: int = 0) -> dict:
    key = jax.random.key(seed)
    k1, k2, k3 = jax.random.split(key, 3)
    class_logits = jax.random.normal(k1, (1024, 900, 91), dtype=jnp.float32)
    obj_logits = jax.random.normal(k2, (1024, 900), dtype=jnp.float32)
    targets = jax.random.randint(k3, (1024,), 0, 91, dtype=jnp.int64)
    return {"class_logits": class_logits, "obj_logits": obj_logits, "targets": targets}


def reference(class_logits, obj_logits, targets):
    # log_softmax over class dim
    log_probs = jax.nn.log_softmax(class_logits, axis=-1)
    B, Q, C = log_probs.shape
    # gather the log-prob of the per-sample GT class for every query
    gather_idx = jnp.broadcast_to(targets.reshape(-1, 1, 1), (B, Q, 1))
    cls_cost = -jnp.take_along_axis(log_probs, gather_idx, axis=-1).squeeze(-1)
    obj_cost = -jax.nn.log_sigmoid(obj_logits)
    total = COST_CLASS * cls_cost + COST_OBJ * obj_cost
    return jnp.argmin(total, axis=-1)

if __name__ == "__main__":
    import jax
    _d = setup_inputs()
    print(jax.jit(kernel)(*tuple(_d.values())))

</pallas_src>

<mosaic_0001>
#map = affine_map<(d0, d1) -> (0, 0, 0)>
#map1 = affine_map<(d0, d1) -> (0, 0)>
#map2 = affine_map<(d0, d1) -> (0)>
module attributes {stable_mosaic.version = 14 : i64} {
  func.func @k(%arg0: i32, %arg1: i32, %arg2: memref<91x900x1024xf32, #tpu.memory_space<hbm>>, %arg3: memref<900x1024xf32, #tpu.memory_space<hbm>>, %arg4: memref<1024xi32, #tpu.memory_space<hbm>>, %arg5: memref<1024xi32, #tpu.memory_space<hbm>>, %arg6: memref<46x8x128xf32, #tpu.memory_space<vmem>>, %arg7: memref<45x8x128xf32, #tpu.memory_space<vmem>>, %arg8: memref<8x128xf32, #tpu.memory_space<vmem>>, %arg9: memref<8x128xf32, #tpu.memory_space<vmem>>, %arg10: memref<8x128xf32, #tpu.memory_space<vmem>>, %arg11: memref<128xi32, #tpu.memory_space<vmem>>, %arg12: memref<128xf32, #tpu.memory_space<vmem>>, %arg13: memref<128xi32, #tpu.memory_space<vmem>>, %arg14: memref<128xf32, #tpu.memory_space<vmem>>, %arg15: memref<128xi32, #tpu.memory_space<vmem>>, %arg16: memref<16x128xf32, #tpu.memory_space<vmem_shared>>, %arg17: memref<16x128xi32, #tpu.memory_space<vmem_shared>>, %arg18: memref<!tpu.dma_semaphore, #tpu.memory_space<semaphore_mem>>, %arg19: memref<!tpu.dma_semaphore, #tpu.memory_space<semaphore_mem>>, %arg20: memref<!tpu.dma_semaphore, #tpu.memory_space<semaphore_mem>>) attributes {dimension_semantics = [#tpu.dimension_semantics<core_parallel>, #tpu.dimension_semantics<subcore_parallel>], iteration_bounds = array<i64: 2, 16>, scalar_prefetch = 0 : i64, scratch_operands = 15 : i64, tpu.core_type = #tpu.core_type<sc_vector_subcore>, window_params = [{transform_indices = #map}, {transform_indices = #map1}, {transform_indices = #map2}, {transform_indices = #map2}]} {
    %rem3A = arith.constant 4 : i32
    %rem3A_0 = arith.remsi %arg1, %rem3A : i32
    %jit3A = arith.constant 4 : i32
    %div3A = arith.divsi %arg1, %jit3A : i32
    %sign3A = arith.constant 0 : i32
    %sign3A_1 = arith.cmpi sgt, %arg1, %sign3A : i32
    %sign3A_2 = arith.extui %sign3A_1 : i1 to i32
    %sign3A_3 = arith.constant 0 : i32
    %sign3A_4 = arith.cmpi slt, %arg1, %sign3A_3 : i32
    %sign3A_5 = arith.extui %sign3A_4 : i1 to i32
    %sign3A_6 = arith.subi %sign3A_2, %sign3A_5 : i32
    %sign3A_7 = arith.constant 0 : i32
    %sign3A_8 = arith.cmpi sgt, %jit3A, %sign3A_7 : i32
    %sign3A_9 = arith.extui %sign3A_8 : i1 to i32
    %sign3A_10 = arith.constant 0 : i32
    %sign3A_11 = arith.cmpi slt, %jit3A, %sign3A_10 : i32
    %sign3A_12 = arith.extui %sign3A_11 : i1 to i32
    %sign3A_13 = arith.subi %sign3A_9, %sign3A_12 : i32
    %ne3A = arith.cmpi ne, %sign3A_6, %sign3A_13 : i32
    %rem3A_14 = arith.remsi %arg1, %jit3A : i32
    %ne3A_15 = arith.constant 0 : i32
    %ne3A_16 = arith.cmpi ne, %rem3A_14, %ne3A_15 : i32
    %and3A = arith.andi %ne3A, %ne3A_16 : i1
    %sub3A = arith.constant 1 : i32
    %sub3A_17 = arith.subi %div3A, %sub3A : i32
    %select_n3A = arith.select %and3A, %sub3A_17, %div3A : i32
    %mul3A = arith.constant 4 : i32
    %mul3A_18 = arith.muli %arg0, %mul3A : i32
    %add3A = arith.addi %mul3A_18, %rem3A_0 : i32
    %mul3A_19 = arith.constant 128 : i32
    %mul3A_20 = arith.muli %add3A, %mul3A_19 : i32
    %iota3A = tpu.iota {dimensions = array<i32: 0>} : vector<16xi32>
    "tpu.region"() ({
      %run_scoped3A = tpu.sem_alloc : memref<!tpu.dma_semaphore, #tpu.memory_space<semaphore_mem>>
      %dma_start3A_57 = tpu.memref_slice %arg4[%mul3A_20] : memref<1024xi32, #tpu.memory_space<hbm>> -> memref<128xi32, #tpu.memory_space<hbm>>
      %dma_start3A_58 = tpu.memref_slice %arg4[%mul3A_20] : memref<1024xi32, #tpu.memory_space<hbm>> -> memref<128xi32, #tpu.memory_space<hbm>>
      tpu.enqueue_dma source(%dma_start3A_58 : memref<128xi32, #tpu.memory_space<hbm>>) target(%arg11 : memref<128xi32, #tpu.memory_space<vmem>>) target_semaphore(%run_scoped3A : memref<!tpu.dma_semaphore, #tpu.memory_space<semaphore_mem>>)
      %dma_wait3A = tpu.memref_slice %arg4[%mul3A_20] : memref<1024xi32, #tpu.memory_space<hbm>> -> memref<128xi32, #tpu.memory_space<hbm>>
      %dma_wait3A_59 = tpu.memref_slice %arg4[%mul3A_20] : memref<1024xi32, #tpu.memory_space<hbm>> -> memref<128xi32, #tpu.memory_space<hbm>>
      tpu.wait_dma2 semaphore(%run_scoped3A : memref<!tpu.dma_semaphore, #tpu.memory_space<semaphore_mem>>) src(%dma_wait3A_59 : memref<128xi32, #tpu.memory_space<hbm>>) dst(%arg11 : memref<128xi32, #tpu.memory_space<vmem>>)
      tpu.yield
    }) : () -> ()
    %scan3A = arith.constant 0 : i32
    %scan3A_21 = arith.constant 0 : i32
    %scan3A_22 = arith.constant 8 : i32
    %scan3A_23 = arith.addi %scan3A_21, %scan3A_22 : i32
    %scan3A_24 = arith.constant 1 : i32
    scf.for %scan3A_57 = %scan3A_21 to %scan3A_23 step %scan3A_24  : i32 {
      %mul3A_58 = arith.constant 16 : i32
      %mul3A_59 = arith.muli %mul3A_58, %scan3A_57 : i32
      %broadcast_in_dim3A = arith.constant -1.000000e+00 : f32
      %broadcast_in_dim3A_60 = vector.broadcast %broadcast_in_dim3A : f32 to vector<16xf32>
      %swap3A = arith.index_cast %mul3A_59 : i32 to index
      %swap3A_61 = tpu.vector_load %arg12[%swap3A] {strides = array<i32>} : memref<128xf32, #tpu.memory_space<vmem>>, vector<16xf32>,
      tpu.vector_store %arg12[%swap3A], %broadcast_in_dim3A_60 {strides = array<i32>} : memref<128xf32, #tpu.memory_space<vmem>>, vector<16xf32>,
      %broadcast_in_dim3A_62 = arith.constant 0 : i32
      %broadcast_in_dim3A_63 = vector.broadcast %broadcast_in_dim3A_62 : i32 to vector<16xi32>
      %swap3A_64 = arith.index_cast %mul3A_59 : i32 to index
      %swap3A_65 = tpu.vector_load %arg13[%swap3A_64] {strides = array<i32>} : memref<128xi32, #tpu.memory_space<vmem>>, vector<16xi32>,
      tpu.vector_store %arg13[%swap3A_64], %broadcast_in_dim3A_63 {strides = array<i32>} : memref<128xi32, #tpu.memory_space<vmem>>, vector<16xi32>,
    }
    %scan3A_25 = arith.constant 8 : i32
    %mul3A_26 = arith.constant 28 : i32
    %mul3A_27 = arith.muli %mul3A_26, %select_n3A : i32
    %add3A_28 = arith.constant 28 : i32
    %add3A_29 = arith.addi %mul3A_27, %add3A_28 : i32
    %mul3A_30 = arith.constant 8 : i32
    %mul3A_31 = arith.muli %mul3A_27, %mul3A_30 : i32
    %dma_start3A = arith.constant 0 : i32
    %dma_start3A_32 = tpu.memref_slice %arg2[%dma_start3A, %mul3A_31, %mul3A_20] : memref<91x900x1024xf32, #tpu.memory_space<hbm>> -> memref<46x8x128xf32, #tpu.memory_space<hbm>>
    %dma_start3A_33 = arith.constant 0 : i32
    %dma_start3A_34 = tpu.memref_slice %arg2[%dma_start3A_33, %mul3A_31, %mul3A_20] : memref<91x900x1024xf32, #tpu.memory_space<hbm>> -> memref<46x8x128xf32, #tpu.memory_space<hbm>>
    tpu.enqueue_dma source(%dma_start3A_34 : memref<46x8x128xf32, #tpu.memory_space<hbm>>) target(%arg6 : memref<46x8x128xf32, #tpu.memory_space<vmem>>) target_semaphore(%arg18 : memref<!tpu.dma_semaphore, #tpu.memory_space<semaphore_mem>>)
    %while3A = arith.constant 0 : i32
    %while3A_35 = arith.subi %add3A_29, %mul3A_27 : i32
    %while3A_36 = arith.addi %mul3A_27, %while3A_35 : i32
    %while3A_37 = arith.constant 1 : i32
    %while3A_38 = arith.divsi %while3A_35, %while3A_37 : i32
    %while3A_39 = arith.muli %while3A_38, %while3A_37 : i32
    %while3A_40 = arith.addi %mul3A_27, %while3A_39 : i32
    %while3A_41 = arith.constant 1 : i32
    scf.for %while3A_57 = %mul3A_27 to %while3A_40 step %while3A_41  : i32 {
      %mul3A_58 = arith.constant 8 : i32
      %mul3A_59 = arith.muli %while3A_57, %mul3A_58 : i32
      %dma_wait3A = arith.constant 0 : i32
      %dma_wait3A_60 = arith.constant 0 : i32
      %dma_wait3A_61 = arith.constant 0 : i32
      %dma_wait3A_62 = tpu.memref_slice %arg2[%dma_wait3A, %dma_wait3A_60, %dma_wait3A_61] : memref<91x900x1024xf32, #tpu.memory_space<hbm>> -> memref<46x8x128xf32, #tpu.memory_space<hbm>>
      %dma_wait3A_63 = arith.constant 0 : i32
      %dma_wait3A_64 = arith.constant 0 : i32
      %dma_wait3A_65 = arith.constant 0 : i32
      %dma_wait3A_66 = tpu.memref_slice %arg2[%dma_wait3A_63, %dma_wait3A_64, %dma_wait3A_65] : memref<91x900x1024xf32, #tpu.memory_space<hbm>> -> memref<46x8x128xf32, #tpu.memory_space<hbm>>
      tpu.wait_dma2 semaphore(%arg18 : memref<!tpu.dma_semaphore, #tpu.memory_space<semaphore_mem>>) src(%dma_wait3A_66 : memref<46x8x128xf32, #tpu.memory_space<hbm>>) dst(%arg6 : memref<46x8x128xf32, #tpu.memory_space<vmem>>)
      %dma_start3A_67 = arith.constant 46 : i32
      %dma_start3A_68 = tpu.memref_slice %arg2[%dma_start3A_67, %mul3A_59, %mul3A_20] : memref<91x900x1024xf32, #tpu.memory_space<hbm>> -> memref<45x8x128xf32, #tpu.memory_space<hbm>>
      %dma_start3A_69 = arith.constant 46 : i32
      %dma_start3A_70 = tpu.memref_slice %arg2[%dma_start3A_69, %mul3A_59, %mul3A_20] : memref<91x900x1024xf32, #tpu.memory_space<hbm>> -> memref<45x8x128xf32, #tpu.memory_space<hbm>>
      tpu.enqueue_dma source(%dma_start3A_70 : memref<45x8x128xf32, #tpu.memory_space<hbm>>) target(%arg7 : memref<45x8x128xf32, #tpu.memory_space<vmem>>) target_semaphore(%arg19 : memref<!tpu.dma_semaphore, #tpu.memory_space<semaphore_mem>>)
      %dma_start3A_71 = tpu.memref_slice %arg3[%mul3A_59, %mul3A_20] : memref<900x1024xf32, #tpu.memory_space<hbm>> -> memref<8x128xf32, #tpu.memory_space<hbm>>
      %dma_start3A_72 = tpu.memref_slice %arg3[%mul3A_59, %mul3A_20] : memref<900x1024xf32, #tpu.memory_space<hbm>> -> memref<8x128xf32, #tpu.memory_space<hbm>>
      tpu.enqueue_dma source(%dma_start3A_72 : memref<8x128xf32, #tpu.memory_space<hbm>>) target(%arg8 : memref<8x128xf32, #tpu.memory_space<vmem>>) target_semaphore(%arg20 : memref<!tpu.dma_semaphore, #tpu.memory_space<semaphore_mem>>)
      %scan3A_73 = arith.constant 0 : i32
      %scan3A_74 = arith.constant 0 : i32
      %scan3A_75 = arith.constant 64 : i32
      %scan3A_76 = arith.addi %scan3A_74, %scan3A_75 : i32
      %scan3A_77 = arith.constant 1 : i32
      scf.for %scan3A_104 = %scan3A_74 to %scan3A_76 step %scan3A_77  : i32 {
        %jit3A_105 = arith.constant 8 : i32
        %div3A_106 = arith.divsi %scan3A_104, %jit3A_105 : i32
        %sign3A_107 = arith.constant 0 : i32
        %sign3A_108 = arith.cmpi sgt, %scan3A_104, %sign3A_107 : i32
        %sign3A_109 = arith.extui %sign3A_108 : i1 to i32
        %sign3A_110 = arith.constant 0 : i32
        %sign3A_111 = arith.cmpi slt, %scan3A_104, %sign3A_110 : i32
        %sign3A_112 = arith.extui %sign3A_111 : i1 to i32
        %sign3A_113 = arith.subi %sign3A_109, %sign3A_112 : i32
        %sign3A_114 = arith.constant 0 : i32
        %sign3A_115 = arith.cmpi sgt, %jit3A_105, %sign3A_114 : i32
        %sign3A_116 = arith.extui %sign3A_115 : i1 to i32
        %sign3A_117 = arith.constant 0 : i32
        %sign3A_118 = arith.cmpi slt, %jit3A_105, %sign3A_117 : i32
        %sign3A_119 = arith.extui %sign3A_118 : i1 to i32
        %sign3A_120 = arith.subi %sign3A_116, %sign3A_119 : i32
        %ne3A_121 = arith.cmpi ne, %sign3A_113, %sign3A_120 : i32
        %rem3A_122 = arith.remsi %scan3A_104, %jit3A_105 : i32
        %ne3A_123 = arith.constant 0 : i32
        %ne3A_124 = arith.cmpi ne, %rem3A_122, %ne3A_123 : i32
        %and3A_125 = arith.andi %ne3A_121, %ne3A_124 : i1
        %sub3A_126 = arith.constant 1 : i32
        %sub3A_127 = arith.subi %div3A_106, %sub3A_126 : i32
        %select_n3A_128 = arith.select %and3A_125, %sub3A_127, %div3A_106 : i32
        %rem3A_129 = arith.constant 8 : i32
        %rem3A_130 = arith.remsi %scan3A_104, %rem3A_129 : i32
        %mul3A_131 = arith.constant 16 : i32
        %mul3A_132 = arith.muli %mul3A_131, %rem3A_130 : i32
        %broadcast_in_dim3A = arith.constant 0.000000e+00 : f32
        %broadcast_in_dim3A_133 = vector.broadcast %broadcast_in_dim3A : f32 to vector<16xf32>
        %broadcast_in_dim3A_134 = arith.constant 0.000000e+00 : f32
        %broadcast_in_dim3A_135 = vector.broadcast %broadcast_in_dim3A_134 : f32 to vector<16xf32>
        %broadcast_in_dim3A_136 = arith.constant 0.000000e+00 : f32
        %broadcast_in_dim3A_137 = vector.broadcast %broadcast_in_dim3A_136 : f32 to vector<16xf32>
        %broadcast_in_dim3A_138 = arith.constant 0.000000e+00 : f32
        %broadcast_in_dim3A_139 = vector.broadcast %broadcast_in_dim3A_138 : f32 to vector<16xf32>
        %get3A = arith.constant 0 : i32
        %get3A_140 = arith.index_cast %get3A : i32 to index
        %get3A_141 = arith.index_cast %select_n3A_128 : i32 to index
        %get3A_142 = arith.index_cast %mul3A_132 : i32 to index
        %get3A_143 = tpu.vector_load %arg6[%get3A_140, %get3A_141, %get3A_142] {strides = array<i32>} : memref<46x8x128xf32, #tpu.memory_space<vmem>>, vector<16xf32>,
        %exp3A = math.exp %get3A_143 : vector<16xf32>
        %add3A_144 = arith.addf %broadcast_in_dim3A_133, %exp3A : vector<16xf32>
        %get3A_145 = arith.constant 1 : i32
        %get3A_146 = arith.index_cast %get3A_145 : i32 to index
        %get3A_147 = arith.index_cast %select_n3A_128 : i32 to index
        %get3A_148 = arith.index_cast %mul3A_132 : i32 to index
        %get3A_149 = tpu.vector_load %arg6[%get3A_146, %get3A_147, %get3A_148] {strides = array<i32>} : memref<46x8x128xf32, #tpu.memory_space<vmem>>, vector<16xf32>,
        %exp3A_150 = math.exp %get3A_149 : vector<16xf32>
        %add3A_151 = arith.addf %broadcast_in_dim3A_135, %exp3A_150 : vector<16xf32>
        %get3A_152 = arith.constant 2 : i32
        %get3A_153 = arith.index_cast %get3A_152 : i32 to index
        %get3A_154 = arith.index_cast %select_n3A_128 : i32 to index
        %get3A_155 = arith.index_cast %mul3A_132 : i32 to index
        %get3A_156 = tpu.vector_load %arg6[%get3A_153, %get3A_154, %get3A_155] {strides = array<i32>} : memref<46x8x128xf32, #tpu.memory_space<vmem>>, vector<16xf32>,
        %exp3A_157 = math.exp %get3A_156 : vector<16xf32>
        %add3A_158 = arith.addf %broadcast_in_dim3A_137, %exp3A_157 : vector<16xf32>
        %get3A_159 = arith.constant 3 : i32
        %get3A_160 = arith.index_cast %get3A_159 : i32 to index
        %get3A_161 = arith.index_cast %select_n3A_128 : i32 to index
        %get3A_162 = arith.index_cast %mul3A_132 : i32 to index
        %get3A_163 = tpu.vector_load %arg6[%get3A_160, %get3A_161, %get3A_162] {strides = array<i32>} : memref<46x8x128xf32, #tpu.memory_space<vmem>>, vector<16xf32>,
        %exp3A_164 = math.exp %get3A_163 : vector<16xf32>
        %add3A_165 = arith.addf %broadcast_in_dim3A_139, %exp3A_164 : vector<16xf32>
        %get3A_166 = arith.constant 4 : i32
        %get3A_167 = arith.index_cast %get3A_166 : i32 to index
        %get3A_168 = arith.index_cast %select_n3A_128 : i32 to index
        %get3A_169 = arith.index_cast %mul3A_132 : i32 to index
        %get3A_170 = tpu.vector_load %arg6[%get3A_167, %get3A_168, %get3A_169] {strides = array<i32>} : memref<46x8x128xf32, #tpu.memory_space<vmem>>, vector<16xf32>,
        %exp3A_171 = math.exp %get3A_170 : vector<16xf32>
        %add3A_172 = arith.addf %add3A_144, %exp3A_171 : vector<16xf32>
        %get3A_173 = arith.constant 5 : i32
        %get3A_174 = arith.index_cast %get3A_173 : i32 to index
        %get3A_175 = arith.index_cast %select_n3A_128 : i32 to index
        %get3A_176 = arith.index_cast %mul3A_132 : i32 to index
        %get3A_177 = tpu.vector_load %arg6[%get3A_174, %get3A_175, %get3A_176] {strides = array<i32>} : memref<46x8x128xf32, #tpu.memory_space<vmem>>, vector<16xf32>,
        %exp3A_178 = math.exp %get3A_177 : vector<16xf32>
        %add3A_179 = arith.addf %add3A_151, %exp3A_178 : vector<16xf32>
        %get3A_180 = arith.constant 6 : i32
        %get3A_181 = arith.index_cast %get3A_180 : i32 to index
        %get3A_182 = arith.index_cast %select_n3A_128 : i32 to index
        %get3A_183 = arith.index_cast %mul3A_132 : i32 to index
        %get3A_184 = tpu.vector_load %arg6[%get3A_181, %get3A_182, %get3A_183] {strides = array<i32>} : memref<46x8x128xf32, #tpu.memory_space<vmem>>, vector<16xf32>,
        %exp3A_185 = math.exp %get3A_184 : vector<16xf32>
        %add3A_186 = arith.addf %add3A_158, %exp3A_185 : vector<16xf32>
        %get3A_187 = arith.constant 7 : i32
        %get3A_188 = arith.index_cast %get3A_187 : i32 to index
        %get3A_189 = arith.index_cast %select_n3A_128 : i32 to index
        %get3A_190 = arith.index_cast %mul3A_132 : i32 to index
        %get3A_191 = tpu.vector_load %arg6[%get3A_188, %get3A_189, %get3A_190] {strides = array<i32>} : memref<46x8x128xf32, #tpu.memory_space<vmem>>, vector<16xf32>,
        %exp3A_192 = math.exp %get3A_191 : vector<16xf32>
        %add3A_193 = arith.addf %add3A_165, %exp3A_192 : vector<16xf32>
        %get3A_194 = arith.constant 8 : i32
        %get3A_195 = arith.index_cast %get3A_194 : i32 to index
        %get3A_196 = arith.index_cast %select_n3A_128 : i32 to index
        %get3A_197 = arith.index_cast %mul3A_132 : i32 to index
        %get3A_198 = tpu.vector_load %arg6[%get3A_195, %get3A_196, %get3A_197] {strides = array<i32>} : memref<46x8x128xf32, #tpu.memory_space<vmem>>, vector<16xf32>,
        %exp3A_199 = math.exp %get3A_198 : vector<16xf32>
        %add3A_200 = arith.addf %add3A_172, %exp3A_199 : vector<16xf32>
        %get3A_201 = arith.constant 9 : i32
        %get3A_202 = arith.index_cast %get3A_201 : i32 to index
        %get3A_203 = arith.index_cast %select_n3A_128 : i32 to index
        %get3A_204 = arith.index_cast %mul3A_132 : i32 to index
        %get3A_205 = tpu.vector_load %arg6[%get3A_202, %get3A_203, %get3A_204] {strides = array<i32>} : memref<46x8x128xf32, #tpu.memory_space<vmem>>, vector<16xf32>,
        %exp3A_206 = math.exp %get3A_205 : vector<16xf32>
        %add3A_207 = arith.addf %add3A_179, %exp3A_206 : vector<16xf32>
        %get3A_208 = arith.constant 10 : i32
        %get3A_209 = arith.index_cast %get3A_208 : i32 to index
        %get3A_210 = arith.index_cast %select_n3A_128 : i32 to index
        %get3A_211 = arith.index_cast %mul3A_132 : i32 to index
        %get3A_212 = tpu.vector_load %arg6[%get3A_209, %get3A_210, %get3A_211] {strides = array<i32>} : memref<46x8x128xf32, #tpu.memory_space<vmem>>, vector<16xf32>,
        %exp3A_213 = math.exp %get3A_212 : vector<16xf32>
        %add3A_214 = arith.addf %add3A_186, %exp3A_213 : vector<16xf32>
        %get3A_215 = arith.constant 11 : i32
        %get3A_216 = arith.index_cast %get3A_215 : i32 to index
        %get3A_217 = arith.index_cast %select_n3A_128 : i32 to index
        %get3A_218 = arith.index_cast %mul3A_132 : i32 to index
        %get3A_219 = tpu.vector_load %arg6[%get3A_216, %get3A_217, %get3A_218] {strides = array<i32>} : memref<46x8x128xf32, #tpu.memory_space<vmem>>, vector<16xf32>,
        %exp3A_220 = math.exp %get3A_219 : vector<16xf32>
        %add3A_221 = arith.addf %add3A_193, %exp3A_220 : vector<16xf32>
        %get3A_222 = arith.constant 12 : i32
        %get3A_223 = arith.index_cast %get3A_222 : i32 to index
        %get3A_224 = arith.index_cast %select_n3A_128 : i32 to index
        %get3A_225 = arith.index_cast %mul3A_132 : i32 to index
        %get3A_226 = tpu.vector_load %arg6[%get3A_223, %get3A_224, %get3A_225] {strides = array<i32>} : memref<46x8x128xf32, #tpu.memory_space<vmem>>, vector<16xf32>,
        %exp3A_227 = math.exp %get3A_226 : vector<16xf32>
        %add3A_228 = arith.addf %add3A_200, %exp3A_227 : vector<16xf32>
        %get3A_229 = arith.constant 13 : i32
        %get3A_230 = arith.index_cast %get3A_229 : i32 to index
        %get3A_231 = arith.index_cast %select_n3A_128 : i32 to index
        %get3A_232 = arith.index_cast %mul3A_132 : i32 to index
        %get3A_233 = tpu.vector_load %arg6[%get3A_230, %get3A_231, %get3A_232] {strides = array<i32>} : memref<46x8x128xf32, #tpu.memory_space<vmem>>, vector<16xf32>,
        %exp3A_234 = math.exp %get3A_233 : vector<16xf32>
        %add3A_235 = arith.addf %add3A_207, %exp3A_234 : vector<16xf32>
        %get3A_236 = arith.constant 14 : i32
        %get3A_237 = arith.index_cast %get3A_236 : i32 to index
        %get3A_238 = arith.index_cast %select_n3A_128 : i32 to index
        %get3A_239 = arith.index_cast %mul3A_132 : i32 to index
        %get3A_240 = tpu.vector_load %arg6[%get3A_237, %get3A_238, %get3A_239] {strides = array<i32>} : memref<46x8x128xf32, #tpu.memory_space<vmem>>, vector<16xf32>,
        %exp3A_241 = math.exp %get3A_240 : vector<16xf32>
        %add3A_242 = arith.addf %add3A_214, %exp3A_241 : vector<16xf32>
        %get3A_243 = arith.constant 15 : i32
        %get3A_244 = arith.index_cast %get3A_243 : i32 to index
        %get3A_245 = arith.index_cast %select_n3A_128 : i32 to index
        %get3A_246 = arith.index_cast %mul3A_132 : i32 to index
        %get3A_247 = tpu.vector_load %arg6[%get3A_244, %get3A_245, %get3A_246] {strides = array<i32>} : memref<46x8x128xf32, #tpu.memory_space<vmem>>, vector<16xf32>,
        %exp3A_248 = math.exp %get3A_247 : vector<16xf32>
        %add3A_249 = arith.addf %add3A_221, %exp3A_248 : vector<16xf32>
        %get3A_250 = arith.constant 16 : i32
        %get3A_251 = arith.index_cast %get3A_250 : i32 to index
        %get3A_252 = arith.index_cast %select_n3A_128 : i32 to index
        %get3A_253 = arith.index_cast %mul3A_132 : i32 to index
        %get3A_254 = tpu.vector_load %arg6[%get3A_251, %get3A_252, %get3A_253] {strides = array<i32>} : memref<46x8x128xf32, #tpu.memory_space<vmem>>, vector<16xf32>,
        %exp3A_255 = math.exp %get3A_254 : vector<16xf32>
        %add3A_256 = arith.addf %add3A_228, %exp3A_255 : vector<16xf32>
        %get3A_257 = arith.constant 17 : i32
        %get3A_258 = arith.index_cast %get3A_257 : i32 to index
        %get3A_259 = arith.index_cast %select_n3A_128 : i32 to index
        %get3A_260 = arith.index_cast %mul3A_132 : i32 to index
        %get3A_261 = tpu.vector_load %arg6[%get3A_258, %get3A_259, %get3A_260] {strides = array<i32>} : memref<46x8x128xf32, #tpu.memory_space<vmem>>, vector<16xf32>,
        %exp3A_262 = math.exp %get3A_261 : vector<16xf32>
        %add3A_263 = arith.addf %add3A_235, %exp3A_262 : vector<16xf32>
        %get3A_264 = arith.constant 18 : i32
        %get3A_265 = arith.index_cast %get3A_264 : i32 to index
        %get3A_266 = arith.index_cast %select_n3A_128 : i32 to index
        %get3A_267 = arith.index_cast %mul3A_132 : i32 to index
        %get3A_268 = tpu.vector_load %arg6[%get3A_265, %get3A_266, %get3A_267] {strides = array<i32>} : memref<46x8x128xf32, #tpu.memory_space<vmem>>, vector<16xf32>,
        %exp3A_269 = math.exp %get3A_268 : vector<16xf32>
        %add3A_270 = arith.addf %add3A_242, %exp3A_269 : vector<16xf32>
        %get3A_271 = arith.constant 19 : i32
        %get3A_272 = arith.index_cast %get3A_271 : i32 to index
        %get3A_273 = arith.index_cast %select_n3A_128 : i32 to index
        %get3A_274 = arith.index_cast %mul3A_132 : i32 to index
        %get3A_275 = tpu.vector_load %arg6[%get3A_272, %get3A_273, %get3A_274] {strides = array<i32>} : memref<46x8x128xf32, #tpu.memory_space<vmem>>, vector<16xf32>,
        %exp3A_276 = math.exp %get3A_275 : vector<16xf32>
        %add3A_277 = arith.addf %add3A_249, %exp3A_276 : vector<16xf32>
        %get3A_278 = arith.constant 20 : i32
        %get3A_279 = arith.index_cast %get3A_278 : i32 to index
        %get3A_280 = arith.index_cast %select_n3A_128 : i32 to index
        %get3A_281 = arith.index_cast %mul3A_132 : i32 to index
        %get3A_282 = tpu.vector_load %arg6[%get3A_279, %get3A_280, %get3A_281] {strides = array<i32>} : memref<46x8x128xf32, #tpu.memory_space<vmem>>, vector<16xf32>,
        %exp3A_283 = math.exp %get3A_282 : vector<16xf32>
        %add3A_284 = arith.addf %add3A_256, %exp3A_283 : vector<16xf32>
        %get3A_285 = arith.constant 21 : i32
        %get3A_286 = arith.index_cast %get3A_285 : i32 to index
        %get3A_287 = arith.index_cast %select_n3A_128 : i32 to index
        %get3A_288 = arith.index_cast %mul3A_132 : i32 to index
        %get3A_289 = tpu.vector_load %arg6[%get3A_286, %get3A_287, %get3A_288] {strides = array<i32>} : memref<46x8x128xf32, #tpu.memory_space<vmem>>, vector<16xf32>,
        %exp3A_290 = math.exp %get3A_289 : vector<16xf32>
        %add3A_291 = arith.addf %add3A_263, %exp3A_290 : vector<16xf32>
        %get3A_292 = arith.constant 22 : i32
        %get3A_293 = arith.index_cast %get3A_292 : i32 to index
        %get3A_294 = arith.index_cast %select_n3A_128 : i32 to index
        %get3A_295 = arith.index_cast %mul3A_132 : i32 to index
        %get3A_296 = tpu.vector_load %arg6[%get3A_293, %get3A_294, %get3A_295] {strides = array<i32>} : memref<46x8x128xf32, #tpu.memory_space<vmem>>, vector<16xf32>,
        %exp3A_297 = math.exp %get3A_296 : vector<16xf32>
        %add3A_298 = arith.addf %add3A_270, %exp3A_297 : vector<16xf32>
        %get3A_299 = arith.constant 23 : i32
        %get3A_300 = arith.index_cast %get3A_299 : i32 to index
        %get3A_301 = arith.index_cast %select_n3A_128 : i32 to index
        %get3A_302 = arith.index_cast %mul3A_132 : i32 to index
        %get3A_303 = tpu.vector_load %arg6[%get3A_300, %get3A_301, %get3A_302] {strides = array<i32>} : memref<46x8x128xf32, #tpu.memory_space<vmem>>, vector<16xf32>,
        %exp3A_304 = math.exp %get3A_303 : vector<16xf32>
        %add3A_305 = arith.addf %add3A_277, %exp3A_304 : vector<16xf32>
        %get3A_306 = arith.constant 24 : i32
        %get3A_307 = arith.index_cast %get3A_306 : i32 to index
        %get3A_308 = arith.index_cast %select_n3A_128 : i32 to index
        %get3A_309 = arith.index_cast %mul3A_132 : i32 to index
        %get3A_310 = tpu.vector_load %arg6[%get3A_307, %get3A_308, %get3A_309] {strides = array<i32>} : memref<46x8x128xf32, #tpu.memory_space<vmem>>, vector<16xf32>,
        %exp3A_311 = math.exp %get3A_310 : vector<16xf32>
        %add3A_312 = arith.addf %add3A_284, %exp3A_311 : vector<16xf32>
        %get3A_313 = arith.constant 25 : i32
        %get3A_314 = arith.index_cast %get3A_313 : i32 to index
        %get3A_315 = arith.index_cast %select_n3A_128 : i32 to index
        %get3A_316 = arith.index_cast %mul3A_132 : i32 to index
        %get3A_317 = tpu.vector_load %arg6[%get3A_314, %get3A_315, %get3A_316] {strides = array<i32>} : memref<46x8x128xf32, #tpu.memory_space<vmem>>, vector<16xf32>,
        %exp3A_318 = math.exp %get3A_317 : vector<16xf32>
        %add3A_319 = arith.addf %add3A_291, %exp3A_318 : vector<16xf32>
        %get3A_320 = arith.constant 26 : i32
        %get3A_321 = arith.index_cast %get3A_320 : i32 to index
        %get3A_322 = arith.index_cast %select_n3A_128 : i32 to index
        %get3A_323 = arith.index_cast %mul3A_132 : i32 to index
        %get3A_324 = tpu.vector_load %arg6[%get3A_321, %get3A_322, %get3A_323] {strides = array<i32>} : memref<46x8x128xf32, #tpu.memory_space<vmem>>, vector<16xf32>,
        %exp3A_325 = math.exp %get3A_324 : vector<16xf32>
        %add3A_326 = arith.addf %add3A_298, %exp3A_325 : vector<16xf32>
        %get3A_327 = arith.constant 27 : i32
        %get3A_328 = arith.index_cast %get3A_327 : i32 to index
        %get3A_329 = arith.index_cast %select_n3A_128 : i32 to index
        %get3A_330 = arith.index_cast %mul3A_132 : i32 to index
        %get3A_331 = tpu.vector_load %arg6[%get3A_328, %get3A_329, %get3A_330] {strides = array<i32>} : memref<46x8x128xf32, #tpu.memory_space<vmem>>, vector<16xf32>,
        %exp3A_332 = math.exp %get3A_331 : vector<16xf32>
        %add3A_333 = arith.addf %add3A_305, %exp3A_332 : vector<16xf32>
        %get3A_334 = arith.constant 28 : i32
        %get3A_335 = arith.index_cast %get3A_334 : i32 to index
        %get3A_336 = arith.index_cast %select_n3A_128 : i32 to index
        %get3A_337 = arith.index_cast %mul3A_132 : i32 to index
        %get3A_338 = tpu.vector_load %arg6[%get3A_335, %get3A_336, %get3A_337] {strides = array<i32>} : memref<46x8x128xf32, #tpu.memory_space<vmem>>, vector<16xf32>,
        %exp3A_339 = math.exp %get3A_338 : vector<16xf32>
        %add3A_340 = arith.addf %add3A_312, %exp3A_339 : vector<16xf32>
        %get3A_341 = arith.constant 29 : i32
        %get3A_342 = arith.index_cast %get3A_341 : i32 to index
        %get3A_343 = arith.index_cast %select_n3A_128 : i32 to index
        %get3A_344 = arith.index_cast %mul3A_132 : i32 to index
        %get3A_345 = tpu.vector_load %arg6[%get3A_342, %get3A_343, %get3A_344] {strides = array<i32>} : memref<46x8x128xf32, #tpu.memory_space<vmem>>, vector<16xf32>,
        %exp3A_346 = math.exp %get3A_345 : vector<16xf32>
        %add3A_347 = arith.addf %add3A_319, %exp3A_346 : vector<16xf32>
        %get3A_348 = arith.constant 30 : i32
        %get3A_349 = arith.index_cast %get3A_348 : i32 to index
        %get3A_350 = arith.index_cast %select_n3A_128 : i32 to index
        %get3A_351 = arith.index_cast %mul3A_132 : i32 to index
        %get3A_352 = tpu.vector_load %arg6[%get3A_349, %get3A_350, %get3A_351] {strides = array<i32>} : memref<46x8x128xf32, #tpu.memory_space<vmem>>, vector<16xf32>,
        %exp3A_353 = math.exp %get3A_352 : vector<16xf32>
        %add3A_354 = arith.addf %add3A_326, %exp3A_353 : vector<16xf32>
        %get3A_355 = arith.constant 31 : i32
        %get3A_356 = arith.index_cast %get3A_355 : i32 to index
        %get3A_357 = arith.index_cast %select_n3A_128 : i32 to index
        %get3A_358 = arith.index_cast %mul3A_132 : i32 to index
        %get3A_359 = tpu.vector_load %arg6[%get3A_356, %get3A_357, %get3A_358] {strides = array<i32>} : memref<46x8x128xf32, #tpu.memory_space<vmem>>, vector<16xf32>,
        %exp3A_360 = math.exp %get3A_359 : vector<16xf32>
        %add3A_361 = arith.addf %add3A_333, %exp3A_360 : vector<16xf32>
        %get3A_362 = arith.constant 32 : i32
        %get3A_363 = arith.index_cast %get3A_362 : i32 to index
        %get3A_364 = arith.index_cast %select_n3A_128 : i32 to index
        %get3A_365 = arith.index_cast %mul3A_132 : i32 to index
        %get3A_366 = tpu.vector_load %arg6[%get3A_363, %get3A_364, %get3A_365] {strides = array<i32>} : memref<46x8x128xf32, #tpu.memory_space<vmem>>, vector<16xf32>,
        %exp3A_367 = math.exp %get3A_366 : vector<16xf32>
        %add3A_368 = arith.addf %add3A_340, %exp3A_367 : vector<16xf32>
        %get3A_369 = arith.constant 33 : i32
        %get3A_370 = arith.index_cast %get3A_369 : i32 to index
        %get3A_371 = arith.index_cast %select_n3A_128 : i32 to index
        %get3A_372 = arith.index_cast %mul3A_132 : i32 to index
        %get3A_373 = tpu.vector_load %arg6[%get3A_370, %get3A_371, %get3A_372] {strides = array<i32>} : memref<46x8x128xf32, #tpu.memory_space<vmem>>, vector<16xf32>,
        %exp3A_374 = math.exp %get3A_373 : vector<16xf32>
        %add3A_375 = arith.addf %add3A_347, %exp3A_374 : vector<16xf32>
        %get3A_376 = arith.constant 34 : i32
        %get3A_377 = arith.index_cast %get3A_376 : i32 to index
        %get3A_378 = arith.index_cast %select_n3A_128 : i32 to index
        %get3A_379 = arith.index_cast %mul3A_132 : i32 to index
        %get3A_380 = tpu.vector_load %arg6[%get3A_377, %get3A_378, %get3A_379] {strides = array<i32>} : memref<46x8x128xf32, #tpu.memory_space<vmem>>, vector<16xf32>,
        %exp3A_381 = math.exp %get3A_380 : vector<16xf32>
        %add3A_382 = arith.addf %add3A_354, %exp3A_381 : vector<16xf32>
        %get3A_383 = arith.constant 35 : i32
        %get3A_384 = arith.index_cast %get3A_383 : i32 to index
        %get3A_385 = arith.index_cast %select_n3A_128 : i32 to index
        %get3A_386 = arith.index_cast %mul3A_132 : i32 to index
        %get3A_387 = tpu.vector_load %arg6[%get3A_384, %get3A_385, %get3A_386] {strides = array<i32>} : memref<46x8x128xf32, #tpu.memory_space<vmem>>, vector<16xf32>,
        %exp3A_388 = math.exp %get3A_387 : vector<16xf32>
        %add3A_389 = arith.addf %add3A_361, %exp3A_388 : vector<16xf32>
        %get3A_390 = arith.constant 36 : i32
        %get3A_391 = arith.index_cast %get3A_390 : i32 to index
        %get3A_392 = arith.index_cast %select_n3A_128 : i32 to index
        %get3A_393 = arith.index_cast %mul3A_132 : i32 to index
        %get3A_394 = tpu.vector_load %arg6[%get3A_391, %get3A_392, %get3A_393] {strides = array<i32>} : memref<46x8x128xf32, #tpu.memory_space<vmem>>, vector<16xf32>,
        %exp3A_395 = math.exp %get3A_394 : vector<16xf32>
        %add3A_396 = arith.addf %add3A_368, %exp3A_395 : vector<16xf32>
        %get3A_397 = arith.constant 37 : i32
        %get3A_398 = arith.index_cast %get3A_397 : i32 to index
        %get3A_399 = arith.index_cast %select_n3A_128 : i32 to index
        %get3A_400 = arith.index_cast %mul3A_132 : i32 to index
        %get3A_401 = tpu.vector_load %arg6[%get3A_398, %get3A_399, %get3A_400] {strides = array<i32>} : memref<46x8x128xf32, #tpu.memory_space<vmem>>, vector<16xf32>,
        %exp3A_402 = math.exp %get3A_401 : vector<16xf32>
        %add3A_403 = arith.addf %add3A_375, %exp3A_402 : vector<16xf32>
        %get3A_404 = arith.constant 38 : i32
        %get3A_405 = arith.index_cast %get3A_404 : i32 to index
        %get3A_406 = arith.index_cast %select_n3A_128 : i32 to index
        %get3A_407 = arith.index_cast %mul3A_132 : i32 to index
        %get3A_408 = tpu.vector_load %arg6[%get3A_405, %get3A_406, %get3A_407] {strides = array<i32>} : memref<46x8x128xf32, #tpu.memory_space<vmem>>, vector<16xf32>,
        %exp3A_409 = math.exp %get3A_408 : vector<16xf32>
        %add3A_410 = arith.addf %add3A_382, %exp3A_409 : vector<16xf32>
        %get3A_411 = arith.constant 39 : i32
        %get3A_412 = arith.index_cast %get3A_411 : i32 to index
        %get3A_413 = arith.index_cast %select_n3A_128 : i32 to index
        %get3A_414 = arith.index_cast %mul3A_132 : i32 to index
        %get3A_415 = tpu.vector_load %arg6[%get3A_412, %get3A_413, %get3A_414] {strides = array<i32>} : memref<46x8x128xf32, #tpu.memory_space<vmem>>, vector<16xf32>,
        %exp3A_416 = math.exp %get3A_415 : vector<16xf32>
        %add3A_417 = arith.addf %add3A_389, %exp3A_416 : vector<16xf32>
        %get3A_418 = arith.constant 40 : i32
        %get3A_419 = arith.index_cast %get3A_418 : i32 to index
        %get3A_420 = arith.index_cast %select_n3A_128 : i32 to index
        %get3A_421 = arith.index_cast %mul3A_132 : i32 to index
        %get3A_422 = tpu.vector_load %arg6[%get3A_419, %get3A_420, %get3A_421] {strides = array<i32>} : memref<46x8x128xf32, #tpu.memory_space<vmem>>, vector<16xf32>,
        %exp3A_423 = math.exp %get3A_422 : vector<16xf32>
        %add3A_424 = arith.addf %add3A_396, %exp3A_423 : vector<16xf32>
        %get3A_425 = arith.constant 41 : i32
        %get3A_426 = arith.index_cast %get3A_425 : i32 to index
        %get3A_427 = arith.index_cast %select_n3A_128 : i32 to index
        %get3A_428 = arith.index_cast %mul3A_132 : i32 to index
        %get3A_429 = tpu.vector_load %arg6[%get3A_426, %get3A_427, %get3A_428] {strides = array<i32>} : memref<46x8x128xf32, #tpu.memory_space<vmem>>, vector<16xf32>,
        %exp3A_430 = math.exp %get3A_429 : vector<16xf32>
        %add3A_431 = arith.addf %add3A_403, %exp3A_430 : vector<16xf32>
        %get3A_432 = arith.constant 42 : i32
        %get3A_433 = arith.index_cast %get3A_432 : i32 to index
        %get3A_434 = arith.index_cast %select_n3A_128 : i32 to index
        %get3A_435 = arith.index_cast %mul3A_132 : i32 to index
        %get3A_436 = tpu.vector_load %arg6[%get3A_433, %get3A_434, %get3A_435] {strides = array<i32>} : memref<46x8x128xf32, #tpu.memory_space<vmem>>, vector<16xf32>,
        %exp3A_437 = math.exp %get3A_436 : vector<16xf32>
        %add3A_438 = arith.addf %add3A_410, %exp3A_437 : vector<16xf32>
        %get3A_439 = arith.constant 43 : i32
        %get3A_440 = arith.index_cast %get3A_439 : i32 to index
        %get3A_441 = arith.index_cast %select_n3A_128 : i32 to index
        %get3A_442 = arith.index_cast %mul3A_132 : i32 to index
        %get3A_443 = tpu.vector_load %arg6[%get3A_440, %get3A_441, %get3A_442] {strides = array<i32>} : memref<46x8x128xf32, #tpu.memory_space<vmem>>, vector<16xf32>,
        %exp3A_444 = math.exp %get3A_443 : vector<16xf32>
        %add3A_445 = arith.addf %add3A_417, %exp3A_444 : vector<16xf32>
        %get3A_446 = arith.constant 44 : i32
        %get3A_447 = arith.index_cast %get3A_446 : i32 to index
        %get3A_448 = arith.index_cast %select_n3A_128 : i32 to index
        %get3A_449 = arith.index_cast %mul3A_132 : i32 to index
        %get3A_450 = tpu.vector_load %arg6[%get3A_447, %get3A_448, %get3A_449] {strides = array<i32>} : memref<46x8x128xf32, #tpu.memory_space<vmem>>, vector<16xf32>,
        %exp3A_451 = math.exp %get3A_450 : vector<16xf32>
        %add3A_452 = arith.addf %add3A_424, %exp3A_451 : vector<16xf32>
        %get3A_453 = arith.constant 45 : i32
        %get3A_454 = arith.index_cast %get3A_453 : i32 to index
        %get3A_455 = arith.index_cast %select_n3A_128 : i32 to index
        %get3A_456 = arith.index_cast %mul3A_132 : i32 to index
        %get3A_457 = tpu.vector_load %arg6[%get3A_454, %get3A_455, %get3A_456] {strides = array<i32>} : memref<46x8x128xf32, #tpu.memory_space<vmem>>, vector<16xf32>,
        %exp3A_458 = math.exp %get3A_457 : vector<16xf32>
        %add3A_459 = arith.addf %add3A_452, %exp3A_458 : vector<16xf32>
        %add3A_460 = arith.addf %add3A_459, %add3A_431 : vector<16xf32>
        %add3A_461 = arith.addf %add3A_438, %add3A_445 : vector<16xf32>
        %add3A_462 = arith.addf %add3A_460, %add3A_461 : vector<16xf32>
        %swap3A = arith.index_cast %select_n3A_128 : i32 to index
        %swap3A_463 = arith.index_cast %mul3A_132 : i32 to index
        %swap3A_464 = tpu.vector_load %arg9[%swap3A, %swap3A_463] {strides = array<i32>} : memref<8x128xf32, #tpu.memory_space<vmem>>, vector<16xf32>,
        tpu.vector_store %arg9[%swap3A, %swap3A_463], %add3A_462 {strides = array<i32>} : memref<8x128xf32, #tpu.memory_space<vmem>>, vector<16xf32>,
        %get3A_465 = arith.index_cast %mul3A_132 : i32 to index
        %get3A_466 = tpu.vector_load %arg11[%get3A_465] {strides = array<i32>} : memref<128xi32, #tpu.memory_space<vmem>>, vector<16xi32>,
        %lt3A_467 = arith.constant 46 : i32
        %lt3A_468 = vector.broadcast %lt3A_467 : i32 to vector<16xi32>
        %lt3A_469 = arith.cmpi slt, %get3A_466, %lt3A_468 : vector<16xi32>
        %jit3A_470 = arith.constant 45 : i32
        %broadcast_in_dim3A_471 = vector.broadcast %jit3A_470 : i32 to vector<16xi32>
        %select_n3A_472 = arith.select %lt3A_469, %get3A_466, %broadcast_in_dim3A_471 : vector<16xi1>, vector<16xi32>
        %broadcast_in_dim3A_473 = vector.broadcast %select_n3A_128 : i32 to vector<16xi32>
        %add3A_474 = vector.broadcast %mul3A_132 : i32 to vector<16xi32>
        %add3A_475 = arith.addi %iota3A, %add3A_474 : vector<16xi32>
        %gather3A = tpu.vector_load_idx %arg6[%select_n3A_472, %broadcast_in_dim3A_473, %add3A_475] : memref<46x8x128xf32, #tpu.memory_space<vmem>>[vector<16xi32>, vector<16xi32>, vector<16xi32>], vector<16xf32>,
        %swap3A_476 = arith.index_cast %select_n3A_128 : i32 to index
        %swap3A_477 = arith.index_cast %mul3A_132 : i32 to index
        %swap3A_478 = tpu.vector_load %arg10[%swap3A_476, %swap3A_477] {strides = array<i32>} : memref<8x128xf32, #tpu.memory_space<vmem>>, vector<16xf32>,
        tpu.vector_store %arg10[%swap3A_476, %swap3A_477], %gather3A {strides = array<i32>} : memref<8x128xf32, #tpu.memory_space<vmem>>, vector<16xf32>,
      }
      %scan3A_78 = arith.constant 64 : i32
      %dma_wait3A_79 = arith.constant 46 : i32
      %dma_wait3A_80 = arith.constant 0 : i32
      %dma_wait3A_81 = arith.constant 0 : i32
      %dma_wait3A_82 = tpu.memref_slice %arg2[%dma_wait3A_79, %dma_wait3A_80, %dma_wait3A_81] : memref<91x900x1024xf32, #tpu.memory_space<hbm>> -> memref<45x8x128xf32, #tpu.memory_space<hbm>>
      %dma_wait3A_83 = arith.constant 46 : i32
      %dma_wait3A_84 = arith.constant 0 : i32
      %dma_wait3A_85 = arith.constant 0 : i32
      %dma_wait3A_86 = tpu.memref_slice %arg2[%dma_wait3A_83, %dma_wait3A_84, %dma_wait3A_85] : memref<91x900x1024xf32, #tpu.memory_space<hbm>> -> memref<45x8x128xf32, #tpu.memory_space<hbm>>
      tpu.wait_dma2 semaphore(%arg19 : memref<!tpu.dma_semaphore, #tpu.memory_space<semaphore_mem>>) src(%dma_wait3A_86 : memref<45x8x128xf32, #tpu.memory_space<hbm>>) dst(%arg7 : memref<45x8x128xf32, #tpu.memory_space<vmem>>)
      %dma_wait3A_87 = arith.constant 0 : i32
      %dma_wait3A_88 = arith.constant 0 : i32
      %dma_wait3A_89 = tpu.memref_slice %arg3[%dma_wait3A_87, %dma_wait3A_88] : memref<900x1024xf32, #tpu.memory_space<hbm>> -> memref<8x128xf32, #tpu.memory_space<hbm>>
      %dma_wait3A_90 = arith.constant 0 : i32
      %dma_wait3A_91 = arith.constant 0 : i32
      %dma_wait3A_92 = tpu.memref_slice %arg3[%dma_wait3A_90, %dma_wait3A_91] : memref<900x1024xf32, #tpu.memory_space<hbm>> -> memref<8x128xf32, #tpu.memory_space<hbm>>
      tpu.wait_dma2 semaphore(%arg20 : memref<!tpu.dma_semaphore, #tpu.memory_space<semaphore_mem>>) src(%dma_wait3A_92 : memref<8x128xf32, #tpu.memory_space<hbm>>) dst(%arg8 : memref<8x128xf32, #tpu.memory_space<vmem>>)
      %add3A_93 = arith.constant 1 : i32
      %add3A_94 = arith.addi %while3A_57, %add3A_93 : i32
      %lt3A = arith.cmpi slt, %add3A_94, %add3A_29 : i32
      %convert_element_type3A_95 = arith.extui %lt3A : i1 to i32
      %cond3A_96 = arith.constant 0 : i32
      %cond3A_97 = arith.cmpi ne, %convert_element_type3A_95, %cond3A_96 : i32
      scf.if %cond3A_97 {
        %add3A_104 = arith.constant 1 : i32
        %add3A_105 = arith.addi %while3A_57, %add3A_104 : i32
        %mul3A_106 = arith.constant 8 : i32
        %mul3A_107 = arith.muli %add3A_105, %mul3A_106 : i32
        %dma_start3A_108 = arith.constant 0 : i32
        %dma_start3A_109 = tpu.memref_slice %arg2[%dma_start3A_108, %mul3A_107, %mul3A_20] : memref<91x900x1024xf32, #tpu.memory_space<hbm>> -> memref<46x8x128xf32, #tpu.memory_space<hbm>>
        %dma_start3A_110 = arith.constant 0 : i32
        %dma_start3A_111 = tpu.memref_slice %arg2[%dma_start3A_110, %mul3A_107, %mul3A_20] : memref<91x900x1024xf32, #tpu.memory_space<hbm>> -> memref<46x8x128xf32, #tpu.memory_space<hbm>>
        tpu.enqueue_dma source(%dma_start3A_111 : memref<46x8x128xf32, #tpu.memory_space<hbm>>) target(%arg6 : memref<46x8x128xf32, #tpu.memory_space<vmem>>) target_semaphore(%arg18 : memref<!tpu.dma_semaphore, #tpu.memory_space<semaphore_mem>>)
      } else {
      }
      %scan3A_98 = arith.constant 0 : i32
      %scan3A_99 = arith.constant 0 : i32
      %scan3A_100 = arith.constant 64 : i32
      %scan3A_101 = arith.addi %scan3A_99, %scan3A_100 : i32
      %scan3A_102 = arith.constant 1 : i32
      scf.for %scan3A_104 = %scan3A_99 to %scan3A_101 step %scan3A_102  : i32 {
        %jit3A_105 = arith.constant 8 : i32
        %div3A_106 = arith.divsi %scan3A_104, %jit3A_105 : i32
        %sign3A_107 = arith.constant 0 : i32
        %sign3A_108 = arith.cmpi sgt, %scan3A_104, %sign3A_107 : i32
        %sign3A_109 = arith.extui %sign3A_108 : i1 to i32
        %sign3A_110 = arith.constant 0 : i32
        %sign3A_111 = arith.cmpi slt, %scan3A_104, %sign3A_110 : i32
        %sign3A_112 = arith.extui %sign3A_111 : i1 to i32
        %sign3A_113 = arith.subi %sign3A_109, %sign3A_112 : i32
        %sign3A_114 = arith.constant 0 : i32
        %sign3A_115 = arith.cmpi sgt, %jit3A_105, %sign3A_114 : i32
        %sign3A_116 = arith.extui %sign3A_115 : i1 to i32
        %sign3A_117 = arith.constant 0 : i32
        %sign3A_118 = arith.cmpi slt, %jit3A_105, %sign3A_117 : i32
        %sign3A_119 = arith.extui %sign3A_118 : i1 to i32
        %sign3A_120 = arith.subi %sign3A_116, %sign3A_119 : i32
        %ne3A_121 = arith.cmpi ne, %sign3A_113, %sign3A_120 : i32
        %rem3A_122 = arith.remsi %scan3A_104, %jit3A_105 : i32
        %ne3A_123 = arith.constant 0 : i32
        %ne3A_124 = arith.cmpi ne, %rem3A_122, %ne3A_123 : i32
        %and3A_125 = arith.andi %ne3A_121, %ne3A_124 : i1
        %sub3A_126 = arith.constant 1 : i32
        %sub3A_127 = arith.subi %div3A_106, %sub3A_126 : i32
        %select_n3A_128 = arith.select %and3A_125, %sub3A_127, %div3A_106 : i32
        %rem3A_129 = arith.constant 8 : i32
        %rem3A_130 = arith.remsi %scan3A_104, %rem3A_129 : i32
        %mul3A_131 = arith.constant 16 : i32
        %mul3A_132 = arith.muli %mul3A_131, %rem3A_130 : i32
        %get3A = arith.index_cast %mul3A_132 : i32 to index
        %get3A_133 = tpu.vector_load %arg12[%get3A] {strides = array<i32>} : memref<128xf32, #tpu.memory_space<vmem>>, vector<16xf32>,
        %get3A_134 = arith.index_cast %mul3A_132 : i32 to index
        %get3A_135 = tpu.vector_load %arg13[%get3A_134] {strides = array<i32>} : memref<128xi32, #tpu.memory_space<vmem>>, vector<16xi32>,
        %broadcast_in_dim3A = arith.constant 0.000000e+00 : f32
        %broadcast_in_dim3A_136 = vector.broadcast %broadcast_in_dim3A : f32 to vector<16xf32>
        %broadcast_in_dim3A_137 = arith.constant 0.000000e+00 : f32
        %broadcast_in_dim3A_138 = vector.broadcast %broadcast_in_dim3A_137 : f32 to vector<16xf32>
        %broadcast_in_dim3A_139 = arith.constant 0.000000e+00 : f32
        %broadcast_in_dim3A_140 = vector.broadcast %broadcast_in_dim3A_139 : f32 to vector<16xf32>
        %broadcast_in_dim3A_141 = arith.constant 0.000000e+00 : f32
        %broadcast_in_dim3A_142 = vector.broadcast %broadcast_in_dim3A_141 : f32 to vector<16xf32>
        %get3A_143 = arith.constant 0 : i32
        %get3A_144 = arith.index_cast %get3A_143 : i32 to index
        %get3A_145 = arith.index_cast %select_n3A_128 : i32 to index
        %get3A_146 = arith.index_cast %mul3A_132 : i32 to index
        %get3A_147 = tpu.vector_load %arg7[%get3A_144, %get3A_145, %get3A_146] {strides = array<i32>} : memref<45x8x128xf32, #tpu.memory_space<vmem>>, vector<16xf32>,
        %exp3A = math.exp %get3A_147 : vector<16xf32>
        %add3A_148 = arith.addf %broadcast_in_dim3A_136, %exp3A : vector<16xf32>
        %get3A_149 = arith.constant 1 : i32
        %get3A_150 = arith.index_cast %get3A_149 : i32 to index
        %get3A_151 = arith.index_cast %select_n3A_128 : i32 to index
        %get3A_152 = arith.index_cast %mul3A_132 : i32 to index
        %get3A_153 = tpu.vector_load %arg7[%get3A_150, %get3A_151, %get3A_152] {strides = array<i32>} : memref<45x8x128xf32, #tpu.memory_space<vmem>>, vector<16xf32>,
        %exp3A_154 = math.exp %get3A_153 : vector<16xf32>
        %add3A_155 = arith.addf %broadcast_in_dim3A_138, %exp3A_154 : vector<16xf32>
        %get3A_156 = arith.constant 2 : i32
        %get3A_157 = arith.index_cast %get3A_156 : i32 to index
        %get3A_158 = arith.index_cast %select_n3A_128 : i32 to index
        %get3A_159 = arith.index_cast %mul3A_132 : i32 to index
        %get3A_160 = tpu.vector_load %arg7[%get3A_157, %get3A_158, %get3A_159] {strides = array<i32>} : memref<45x8x128xf32, #tpu.memory_space<vmem>>, vector<16xf32>,
        %exp3A_161 = math.exp %get3A_160 : vector<16xf32>
        %add3A_162 = arith.addf %broadcast_in_dim3A_140, %exp3A_161 : vector<16xf32>
        %get3A_163 = arith.constant 3 : i32
        %get3A_164 = arith.index_cast %get3A_163 : i32 to index
        %get3A_165 = arith.index_cast %select_n3A_128 : i32 to index
        %get3A_166 = arith.index_cast %mul3A_132 : i32 to index
        %get3A_167 = tpu.vector_load %arg7[%get3A_164, %get3A_165, %get3A_166] {strides = array<i32>} : memref<45x8x128xf32, #tpu.memory_space<vmem>>, vector<16xf32>,
        %exp3A_168 = math.exp %get3A_167 : vector<16xf32>
        %add3A_169 = arith.addf %broadcast_in_dim3A_142, %exp3A_168 : vector<16xf32>
        %get3A_170 = arith.constant 4 : i32
        %get3A_171 = arith.index_cast %get3A_170 : i32 to index
        %get3A_172 = arith.index_cast %select_n3A_128 : i32 to index
        %get3A_173 = arith.index_cast %mul3A_132 : i32 to index
        %get3A_174 = tpu.vector_load %arg7[%get3A_171, %get3A_172, %get3A_173] {strides = array<i32>} : memref<45x8x128xf32, #tpu.memory_space<vmem>>, vector<16xf32>,
        %exp3A_175 = math.exp %get3A_174 : vector<16xf32>
        %add3A_176 = arith.addf %add3A_148, %exp3A_175 : vector<16xf32>
        %get3A_177 = arith.constant 5 : i32
        %get3A_178 = arith.index_cast %get3A_177 : i32 to index
        %get3A_179 = arith.index_cast %select_n3A_128 : i32 to index
        %get3A_180 = arith.index_cast %mul3A_132 : i32 to index
        %get3A_181 = tpu.vector_load %arg7[%get3A_178, %get3A_179, %get3A_180] {strides = array<i32>} : memref<45x8x128xf32, #tpu.memory_space<vmem>>, vector<16xf32>,
        %exp3A_182 = math.exp %get3A_181 : vector<16xf32>
        %add3A_183 = arith.addf %add3A_155, %exp3A_182 : vector<16xf32>
        %get3A_184 = arith.constant 6 : i32
        %get3A_185 = arith.index_cast %get3A_184 : i32 to index
        %get3A_186 = arith.index_cast %select_n3A_128 : i32 to index
        %get3A_187 = arith.index_cast %mul3A_132 : i32 to index
        %get3A_188 = tpu.vector_load %arg7[%get3A_185, %get3A_186, %get3A_187] {strides = array<i32>} : memref<45x8x128xf32, #tpu.memory_space<vmem>>, vector<16xf32>,
        %exp3A_189 = math.exp %get3A_188 : vector<16xf32>
        %add3A_190 = arith.addf %add3A_162, %exp3A_189 : vector<16xf32>
        %get3A_191 = arith.constant 7 : i32
        %get3A_192 = arith.index_cast %get3A_191 : i32 to index
        %get3A_193 = arith.index_cast %select_n3A_128 : i32 to index
        %get3A_194 = arith.index_cast %mul3A_132 : i32 to index
        %get3A_195 = tpu.vector_load %arg7[%get3A_192, %get3A_193, %get3A_194] {strides = array<i32>} : memref<45x8x128xf32, #tpu.memory_space<vmem>>, vector<16xf32>,
        %exp3A_196 = math.exp %get3A_195 : vector<16xf32>
        %add3A_197 = arith.addf %add3A_169, %exp3A_196 : vector<16xf32>
        %get3A_198 = arith.constant 8 : i32
        %get3A_199 = arith.index_cast %get3A_198 : i32 to index
        %get3A_200 = arith.index_cast %select_n3A_128 : i32 to index
        %get3A_201 = arith.index_cast %mul3A_132 : i32 to index
        %get3A_202 = tpu.vector_load %arg7[%get3A_199, %get3A_200, %get3A_201] {strides = array<i32>} : memref<45x8x128xf32, #tpu.memory_space<vmem>>, vector<16xf32>,
        %exp3A_203 = math.exp %get3A_202 : vector<16xf32>
        %add3A_204 = arith.addf %add3A_176, %exp3A_203 : vector<16xf32>
        %get3A_205 = arith.constant 9 : i32
        %get3A_206 = arith.index_cast %get3A_205 : i32 to index
        %get3A_207 = arith.index_cast %select_n3A_128 : i32 to index
        %get3A_208 = arith.index_cast %mul3A_132 : i32 to index
        %get3A_209 = tpu.vector_load %arg7[%get3A_206, %get3A_207, %get3A_208] {strides = array<i32>} : memref<45x8x128xf32, #tpu.memory_space<vmem>>, vector<16xf32>,
        %exp3A_210 = math.exp %get3A_209 : vector<16xf32>
        %add3A_211 = arith.addf %add3A_183, %exp3A_210 : vector<16xf32>
        %get3A_212 = arith.constant 10 : i32
        %get3A_213 = arith.index_cast %get3A_212 : i32 to index
        %get3A_214 = arith.index_cast %select_n3A_128 : i32 to index
        %get3A_215 = arith.index_cast %mul3A_132 : i32 to index
        %get3A_216 = tpu.vector_load %arg7[%get3A_213, %get3A_214, %get3A_215] {strides = array<i32>} : memref<45x8x128xf32, #tpu.memory_space<vmem>>, vector<16xf32>,
        %exp3A_217 = math.exp %get3A_216 : vector<16xf32>
        %add3A_218 = arith.addf %add3A_190, %exp3A_217 : vector<16xf32>
        %get3A_219 = arith.constant 11 : i32
        %get3A_220 = arith.index_cast %get3A_219 : i32 to index
        %get3A_221 = arith.index_cast %select_n3A_128 : i32 to index
        %get3A_222 = arith.index_cast %mul3A_132 : i32 to index
        %get3A_223 = tpu.vector_load %arg7[%get3A_220, %get3A_221, %get3A_222] {strides = array<i32>} : memref<45x8x128xf32, #tpu.memory_space<vmem>>, vector<16xf32>,
        %exp3A_224 = math.exp %get3A_223 : vector<16xf32>
        %add3A_225 = arith.addf %add3A_197, %exp3A_224 : vector<16xf32>
        %get3A_226 = arith.constant 12 : i32
        %get3A_227 = arith.index_cast %get3A_226 : i32 to index
        %get3A_228 = arith.index_cast %select_n3A_128 : i32 to index
        %get3A_229 = arith.index_cast %mul3A_132 : i32 to index
        %get3A_230 = tpu.vector_load %arg7[%get3A_227, %get3A_228, %get3A_229] {strides = array<i32>} : memref<45x8x128xf32, #tpu.memory_space<vmem>>, vector<16xf32>,
        %exp3A_231 = math.exp %get3A_230 : vector<16xf32>
        %add3A_232 = arith.addf %add3A_204, %exp3A_231 : vector<16xf32>
        %get3A_233 = arith.constant 13 : i32
        %get3A_234 = arith.index_cast %get3A_233 : i32 to index
        %get3A_235 = arith.index_cast %select_n3A_128 : i32 to index
        %get3A_236 = arith.index_cast %mul3A_132 : i32 to index
        %get3A_237 = tpu.vector_load %arg7[%get3A_234, %get3A_235, %get3A_236] {strides = array<i32>} : memref<45x8x128xf32, #tpu.memory_space<vmem>>, vector<16xf32>,
        %exp3A_238 = math.exp %get3A_237 : vector<16xf32>
        %add3A_239 = arith.addf %add3A_211, %exp3A_238 : vector<16xf32>
        %get3A_240 = arith.constant 14 : i32
        %get3A_241 = arith.index_cast %get3A_240 : i32 to index
        %get3A_242 = arith.index_cast %select_n3A_128 : i32 to index
        %get3A_243 = arith.index_cast %mul3A_132 : i32 to index
        %get3A_244 = tpu.vector_load %arg7[%get3A_241, %get3A_242, %get3A_243] {strides = array<i32>} : memref<45x8x128xf32, #tpu.memory_space<vmem>>, vector<16xf32>,
        %exp3A_245 = math.exp %get3A_244 : vector<16xf32>
        %add3A_246 = arith.addf %add3A_218, %exp3A_245 : vector<16xf32>
        %get3A_247 = arith.constant 15 : i32
        %get3A_248 = arith.index_cast %get3A_247 : i32 to index
        %get3A_249 = arith.index_cast %select_n3A_128 : i32 to index
        %get3A_250 = arith.index_cast %mul3A_132 : i32 to index
        %get3A_251 = tpu.vector_load %arg7[%get3A_248, %get3A_249, %get3A_250] {strides = array<i32>} : memref<45x8x128xf32, #tpu.memory_space<vmem>>, vector<16xf32>,
        %exp3A_252 = math.exp %get3A_251 : vector<16xf32>
        %add3A_253 = arith.addf %add3A_225, %exp3A_252 : vector<16xf32>
        %get3A_254 = arith.constant 16 : i32
        %get3A_255 = arith.index_cast %get3A_254 : i32 to index
        %get3A_256 = arith.index_cast %select_n3A_128 : i32 to index
        %get3A_257 = arith.index_cast %mul3A_132 : i32 to index
        %get3A_258 = tpu.vector_load %arg7[%get3A_255, %get3A_256, %get3A_257] {strides = array<i32>} : memref<45x8x128xf32, #tpu.memory_space<vmem>>, vector<16xf32>,
        %exp3A_259 = math.exp %get3A_258 : vector<16xf32>
        %add3A_260 = arith.addf %add3A_232, %exp3A_259 : vector<16xf32>
        %get3A_261 = arith.constant 17 : i32
        %get3A_262 = arith.index_cast %get3A_261 : i32 to index
        %get3A_263 = arith.index_cast %select_n3A_128 : i32 to index
        %get3A_264 = arith.index_cast %mul3A_132 : i32 to index
        %get3A_265 = tpu.vector_load %arg7[%get3A_262, %get3A_263, %get3A_264] {strides = array<i32>} : memref<45x8x128xf32, #tpu.memory_space<vmem>>, vector<16xf32>,
        %exp3A_266 = math.exp %get3A_265 : vector<16xf32>
        %add3A_267 = arith.addf %add3A_239, %exp3A_266 : vector<16xf32>
        %get3A_268 = arith.constant 18 : i32
        %get3A_269 = arith.index_cast %get3A_268 : i32 to index
        %get3A_270 = arith.index_cast %select_n3A_128 : i32 to index
        %get3A_271 = arith.index_cast %mul3A_132 : i32 to index
        %get3A_272 = tpu.vector_load %arg7[%get3A_269, %get3A_270, %get3A_271] {strides = array<i32>} : memref<45x8x128xf32, #tpu.memory_space<vmem>>, vector<16xf32>,
        %exp3A_273 = math.exp %get3A_272 : vector<16xf32>
        %add3A_274 = arith.addf %add3A_246, %exp3A_273 : vector<16xf32>
        %get3A_275 = arith.constant 19 : i32
        %get3A_276 = arith.index_cast %get3A_275 : i32 to index
        %get3A_277 = arith.index_cast %select_n3A_128 : i32 to index
        %get3A_278 = arith.index_cast %mul3A_132 : i32 to index
        %get3A_279 = tpu.vector_load %arg7[%get3A_276, %get3A_277, %get3A_278] {strides = array<i32>} : memref<45x8x128xf32, #tpu.memory_space<vmem>>, vector<16xf32>,
        %exp3A_280 = math.exp %get3A_279 : vector<16xf32>
        %add3A_281 = arith.addf %add3A_253, %exp3A_280 : vector<16xf32>
        %get3A_282 = arith.constant 20 : i32
        %get3A_283 = arith.index_cast %get3A_282 : i32 to index
        %get3A_284 = arith.index_cast %select_n3A_128 : i32 to index
        %get3A_285 = arith.index_cast %mul3A_132 : i32 to index
        %get3A_286 = tpu.vector_load %arg7[%get3A_283, %get3A_284, %get3A_285] {strides = array<i32>} : memref<45x8x128xf32, #tpu.memory_space<vmem>>, vector<16xf32>,
        %exp3A_287 = math.exp %get3A_286 : vector<16xf32>
        %add3A_288 = arith.addf %add3A_260, %exp3A_287 : vector<16xf32>
        %get3A_289 = arith.constant 21 : i32
        %get3A_290 = arith.index_cast %get3A_289 : i32 to index
        %get3A_291 = arith.index_cast %select_n3A_128 : i32 to index
        %get3A_292 = arith.index_cast %mul3A_132 : i32 to index
        %get3A_293 = tpu.vector_load %arg7[%get3A_290, %get3A_291, %get3A_292] {strides = array<i32>} : memref<45x8x128xf32, #tpu.memory_space<vmem>>, vector<16xf32>,
        %exp3A_294 = math.exp %get3A_293 : vector<16xf32>
        %add3A_295 = arith.addf %add3A_267, %exp3A_294 : vector<16xf32>
        %get3A_296 = arith.constant 22 : i32
        %get3A_297 = arith.index_cast %get3A_296 : i32 to index
        %get3A_298 = arith.index_cast %select_n3A_128 : i32 to index
        %get3A_299 = arith.index_cast %mul3A_132 : i32 to index
        %get3A_300 = tpu.vector_load %arg7[%get3A_297, %get3A_298, %get3A_299] {strides = array<i32>} : memref<45x8x128xf32, #tpu.memory_space<vmem>>, vector<16xf32>,
        %exp3A_301 = math.exp %get3A_300 : vector<16xf32>
        %add3A_302 = arith.addf %add3A_274, %exp3A_301 : vector<16xf32>
        %get3A_303 = arith.constant 23 : i32
        %get3A_304 = arith.index_cast %get3A_303 : i32 to index
        %get3A_305 = arith.index_cast %select_n3A_128 : i32 to index
        %get3A_306 = arith.index_cast %mul3A_132 : i32 to index
        %get3A_307 = tpu.vector_load %arg7[%get3A_304, %get3A_305, %get3A_306] {strides = array<i32>} : memref<45x8x128xf32, #tpu.memory_space<vmem>>, vector<16xf32>,
        %exp3A_308 = math.exp %get3A_307 : vector<16xf32>
        %add3A_309 = arith.addf %add3A_281, %exp3A_308 : vector<16xf32>
        %get3A_310 = arith.constant 24 : i32
        %get3A_311 = arith.index_cast %get3A_310 : i32 to index
        %get3A_312 = arith.index_cast %select_n3A_128 : i32 to index
        %get3A_313 = arith.index_cast %mul3A_132 : i32 to index
        %get3A_314 = tpu.vector_load %arg7[%get3A_311, %get3A_312, %get3A_313] {strides = array<i32>} : memref<45x8x128xf32, #tpu.memory_space<vmem>>, vector<16xf32>,
        %exp3A_315 = math.exp %get3A_314 : vector<16xf32>
        %add3A_316 = arith.addf %add3A_288, %exp3A_315 : vector<16xf32>
        %get3A_317 = arith.constant 25 : i32
        %get3A_318 = arith.index_cast %get3A_317 : i32 to index
        %get3A_319 = arith.index_cast %select_n3A_128 : i32 to index
        %get3A_320 = arith.index_cast %mul3A_132 : i32 to index
        %get3A_321 = tpu.vector_load %arg7[%get3A_318, %get3A_319, %get3A_320] {strides = array<i32>} : memref<45x8x128xf32, #tpu.memory_space<vmem>>, vector<16xf32>,
        %exp3A_322 = math.exp %get3A_321 : vector<16xf32>
        %add3A_323 = arith.addf %add3A_295, %exp3A_322 : vector<16xf32>
        %get3A_324 = arith.constant 26 : i32
        %get3A_325 = arith.index_cast %get3A_324 : i32 to index
        %get3A_326 = arith.index_cast %select_n3A_128 : i32 to index
        %get3A_327 = arith.index_cast %mul3A_132 : i32 to index
        %get3A_328 = tpu.vector_load %arg7[%get3A_325, %get3A_326, %get3A_327] {strides = array<i32>} : memref<45x8x128xf32, #tpu.memory_space<vmem>>, vector<16xf32>,
        %exp3A_329 = math.exp %get3A_328 : vector<16xf32>
        %add3A_330 = arith.addf %add3A_302, %exp3A_329 : vector<16xf32>
        %get3A_331 = arith.constant 27 : i32
        %get3A_332 = arith.index_cast %get3A_331 : i32 to index
        %get3A_333 = arith.index_cast %select_n3A_128 : i32 to index
        %get3A_334 = arith.index_cast %mul3A_132 : i32 to index
        %get3A_335 = tpu.vector_load %arg7[%get3A_332, %get3A_333, %get3A_334] {strides = array<i32>} : memref<45x8x128xf32, #tpu.memory_space<vmem>>, vector<16xf32>,
        %exp3A_336 = math.exp %get3A_335 : vector<16xf32>
        %add3A_337 = arith.addf %add3A_309, %exp3A_336 : vector<16xf32>
        %get3A_338 = arith.constant 28 : i32
        %get3A_339 = arith.index_cast %get3A_338 : i32 to index
        %get3A_340 = arith.index_cast %select_n3A_128 : i32 to index
        %get3A_341 = arith.index_cast %mul3A_132 : i32 to index
        %get3A_342 = tpu.vector_load %arg7[%get3A_339, %get3A_340, %get3A_341] {strides = array<i32>} : memref<45x8x128xf32, #tpu.memory_space<vmem>>, vector<16xf32>,
        %exp3A_343 = math.exp %get3A_342 : vector<16xf32>
        %add3A_344 = arith.addf %add3A_316, %exp3A_343 : vector<16xf32>
        %get3A_345 = arith.constant 29 : i32
        %get3A_346 = arith.index_cast %get3A_345 : i32 to index
        %get3A_347 = arith.index_cast %select_n3A_128 : i32 to index
        %get3A_348 = arith.index_cast %mul3A_132 : i32 to index
        %get3A_349 = tpu.vector_load %arg7[%get3A_346, %get3A_347, %get3A_348] {strides = array<i32>} : memref<45x8x128xf32, #tpu.memory_space<vmem>>, vector<16xf32>,
        %exp3A_350 = math.exp %get3A_349 : vector<16xf32>
        %add3A_351 = arith.addf %add3A_323, %exp3A_350 : vector<16xf32>
        %get3A_352 = arith.constant 30 : i32
        %get3A_353 = arith.index_cast %get3A_352 : i32 to index
        %get3A_354 = arith.index_cast %select_n3A_128 : i32 to index
        %get3A_355 = arith.index_cast %mul3A_132 : i32 to index
        %get3A_356 = tpu.vector_load %arg7[%get3A_353, %get3A_354, %get3A_355] {strides = array<i32>} : memref<45x8x128xf32, #tpu.memory_space<vmem>>, vector<16xf32>,
        %exp3A_357 = math.exp %get3A_356 : vector<16xf32>
        %add3A_358 = arith.addf %add3A_330, %exp3A_357 : vector<16xf32>
        %get3A_359 = arith.constant 31 : i32
        %get3A_360 = arith.index_cast %get3A_359 : i32 to index
        %get3A_361 = arith.index_cast %select_n3A_128 : i32 to index
        %get3A_362 = arith.index_cast %mul3A_132 : i32 to index
        %get3A_363 = tpu.vector_load %arg7[%get3A_360, %get3A_361, %get3A_362] {strides = array<i32>} : memref<45x8x128xf32, #tpu.memory_space<vmem>>, vector<16xf32>,
        %exp3A_364 = math.exp %get3A_363 : vector<16xf32>
        %add3A_365 = arith.addf %add3A_337, %exp3A_364 : vector<16xf32>
        %get3A_366 = arith.constant 32 : i32
        %get3A_367 = arith.index_cast %get3A_366 : i32 to index
        %get3A_368 = arith.index_cast %select_n3A_128 : i32 to index
        %get3A_369 = arith.index_cast %mul3A_132 : i32 to index
        %get3A_370 = tpu.vector_load %arg7[%get3A_367, %get3A_368, %get3A_369] {strides = array<i32>} : memref<45x8x128xf32, #tpu.memory_space<vmem>>, vector<16xf32>,
        %exp3A_371 = math.exp %get3A_370 : vector<16xf32>
        %add3A_372 = arith.addf %add3A_344, %exp3A_371 : vector<16xf32>
        %get3A_373 = arith.constant 33 : i32
        %get3A_374 = arith.index_cast %get3A_373 : i32 to index
        %get3A_375 = arith.index_cast %select_n3A_128 : i32 to index
        %get3A_376 = arith.index_cast %mul3A_132 : i32 to index
        %get3A_377 = tpu.vector_load %arg7[%get3A_374, %get3A_375, %get3A_376] {strides = array<i32>} : memref<45x8x128xf32, #tpu.memory_space<vmem>>, vector<16xf32>,
        %exp3A_378 = math.exp %get3A_377 : vector<16xf32>
        %add3A_379 = arith.addf %add3A_351, %exp3A_378 : vector<16xf32>
        %get3A_380 = arith.constant 34 : i32
        %get3A_381 = arith.index_cast %get3A_380 : i32 to index
        %get3A_382 = arith.index_cast %select_n3A_128 : i32 to index
        %get3A_383 = arith.index_cast %mul3A_132 : i32 to index
        %get3A_384 = tpu.vector_load %arg7[%get3A_381, %get3A_382, %get3A_383] {strides = array<i32>} : memref<45x8x128xf32, #tpu.memory_space<vmem>>, vector<16xf32>,
        %exp3A_385 = math.exp %get3A_384 : vector<16xf32>
        %add3A_386 = arith.addf %add3A_358, %exp3A_385 : vector<16xf32>
        %get3A_387 = arith.constant 35 : i32
        %get3A_388 = arith.index_cast %get3A_387 : i32 to index
        %get3A_389 = arith.index_cast %select_n3A_128 : i32 to index
        %get3A_390 = arith.index_cast %mul3A_132 : i32 to index
        %get3A_391 = tpu.vector_load %arg7[%get3A_388, %get3A_389, %get3A_390] {strides = array<i32>} : memref<45x8x128xf32, #tpu.memory_space<vmem>>, vector<16xf32>,
        %exp3A_392 = math.exp %get3A_391 : vector<16xf32>
        %add3A_393 = arith.addf %add3A_365, %exp3A_392 : vector<16xf32>
        %get3A_394 = arith.constant 36 : i32
        %get3A_395 = arith.index_cast %get3A_394 : i32 to index
        %get3A_396 = arith.index_cast %select_n3A_128 : i32 to index
        %get3A_397 = arith.index_cast %mul3A_132 : i32 to index
        %get3A_398 = tpu.vector_load %arg7[%get3A_395, %get3A_396, %get3A_397] {strides = array<i32>} : memref<45x8x128xf32, #tpu.memory_space<vmem>>, vector<16xf32>,
        %exp3A_399 = math.exp %get3A_398 : vector<16xf32>
        %add3A_400 = arith.addf %add3A_372, %exp3A_399 : vector<16xf32>
        %get3A_401 = arith.constant 37 : i32
        %get3A_402 = arith.index_cast %get3A_401 : i32 to index
        %get3A_403 = arith.index_cast %select_n3A_128 : i32 to index
        %get3A_404 = arith.index_cast %mul3A_132 : i32 to index
        %get3A_405 = tpu.vector_load %arg7[%get3A_402, %get3A_403, %get3A_404] {strides = array<i32>} : memref<45x8x128xf32, #tpu.memory_space<vmem>>, vector<16xf32>,
        %exp3A_406 = math.exp %get3A_405 : vector<16xf32>
        %add3A_407 = arith.addf %add3A_379, %exp3A_406 : vector<16xf32>
        %get3A_408 = arith.constant 38 : i32
        %get3A_409 = arith.index_cast %get3A_408 : i32 to index
        %get3A_410 = arith.index_cast %select_n3A_128 : i32 to index
        %get3A_411 = arith.index_cast %mul3A_132 : i32 to index
        %get3A_412 = tpu.vector_load %arg7[%get3A_409, %get3A_410, %get3A_411] {strides = array<i32>} : memref<45x8x128xf32, #tpu.memory_space<vmem>>, vector<16xf32>,
        %exp3A_413 = math.exp %get3A_412 : vector<16xf32>
        %add3A_414 = arith.addf %add3A_386, %exp3A_413 : vector<16xf32>
        %get3A_415 = arith.constant 39 : i32
        %get3A_416 = arith.index_cast %get3A_415 : i32 to index
        %get3A_417 = arith.index_cast %select_n3A_128 : i32 to index
        %get3A_418 = arith.index_cast %mul3A_132 : i32 to index
        %get3A_419 = tpu.vector_load %arg7[%get3A_416, %get3A_417, %get3A_418] {strides = array<i32>} : memref<45x8x128xf32, #tpu.memory_space<vmem>>, vector<16xf32>,
        %exp3A_420 = math.exp %get3A_419 : vector<16xf32>
        %add3A_421 = arith.addf %add3A_393, %exp3A_420 : vector<16xf32>
        %get3A_422 = arith.constant 40 : i32
        %get3A_423 = arith.index_cast %get3A_422 : i32 to index
        %get3A_424 = arith.index_cast %select_n3A_128 : i32 to index
        %get3A_425 = arith.index_cast %mul3A_132 : i32 to index
        %get3A_426 = tpu.vector_load %arg7[%get3A_423, %get3A_424, %get3A_425] {strides = array<i32>} : memref<45x8x128xf32, #tpu.memory_space<vmem>>, vector<16xf32>,
        %exp3A_427 = math.exp %get3A_426 : vector<16xf32>
        %add3A_428 = arith.addf %add3A_400, %exp3A_427 : vector<16xf32>
        %get3A_429 = arith.constant 41 : i32
        %get3A_430 = arith.index_cast %get3A_429 : i32 to index
        %get3A_431 = arith.index_cast %select_n3A_128 : i32 to index
        %get3A_432 = arith.index_cast %mul3A_132 : i32 to index
        %get3A_433 = tpu.vector_load %arg7[%get3A_430, %get3A_431, %get3A_432] {strides = array<i32>} : memref<45x8x128xf32, #tpu.memory_space<vmem>>, vector<16xf32>,
        %exp3A_434 = math.exp %get3A_433 : vector<16xf32>
        %add3A_435 = arith.addf %add3A_407, %exp3A_434 : vector<16xf32>
        %get3A_436 = arith.constant 42 : i32
        %get3A_437 = arith.index_cast %get3A_436 : i32 to index
        %get3A_438 = arith.index_cast %select_n3A_128 : i32 to index
        %get3A_439 = arith.index_cast %mul3A_132 : i32 to index
        %get3A_440 = tpu.vector_load %arg7[%get3A_437, %get3A_438, %get3A_439] {strides = array<i32>} : memref<45x8x128xf32, #tpu.memory_space<vmem>>, vector<16xf32>,
        %exp3A_441 = math.exp %get3A_440 : vector<16xf32>
        %add3A_442 = arith.addf %add3A_414, %exp3A_441 : vector<16xf32>
        %get3A_443 = arith.constant 43 : i32
        %get3A_444 = arith.index_cast %get3A_443 : i32 to index
        %get3A_445 = arith.index_cast %select_n3A_128 : i32 to index
        %get3A_446 = arith.index_cast %mul3A_132 : i32 to index
        %get3A_447 = tpu.vector_load %arg7[%get3A_444, %get3A_445, %get3A_446] {strides = array<i32>} : memref<45x8x128xf32, #tpu.memory_space<vmem>>, vector<16xf32>,
        %exp3A_448 = math.exp %get3A_447 : vector<16xf32>
        %add3A_449 = arith.addf %add3A_421, %exp3A_448 : vector<16xf32>
        %get3A_450 = arith.constant 44 : i32
        %get3A_451 = arith.index_cast %get3A_450 : i32 to index
        %get3A_452 = arith.index_cast %select_n3A_128 : i32 to index
        %get3A_453 = arith.index_cast %mul3A_132 : i32 to index
        %get3A_454 = tpu.vector_load %arg7[%get3A_451, %get3A_452, %get3A_453] {strides = array<i32>} : memref<45x8x128xf32, #tpu.memory_space<vmem>>, vector<16xf32>,
        %exp3A_455 = math.exp %get3A_454 : vector<16xf32>
        %add3A_456 = arith.addf %add3A_428, %exp3A_455 : vector<16xf32>
        %get3A_457 = arith.index_cast %select_n3A_128 : i32 to index
        %get3A_458 = arith.index_cast %mul3A_132 : i32 to index
        %get3A_459 = tpu.vector_load %arg9[%get3A_457, %get3A_458] {strides = array<i32>} : memref<8x128xf32, #tpu.memory_space<vmem>>, vector<16xf32>,
        %add3A_460 = arith.addf %add3A_456, %add3A_435 : vector<16xf32>
        %add3A_461 = arith.addf %get3A_459, %add3A_460 : vector<16xf32>
        %add3A_462 = arith.addf %add3A_442, %add3A_449 : vector<16xf32>
        %add3A_463 = arith.addf %add3A_461, %add3A_462 : vector<16xf32>
        %get3A_464 = arith.index_cast %mul3A_132 : i32 to index
        %get3A_465 = tpu.vector_load %arg11[%get3A_464] {strides = array<i32>} : memref<128xi32, #tpu.memory_space<vmem>>, vector<16xi32>,
        %lt3A_466 = arith.constant 46 : i32
        %lt3A_467 = vector.broadcast %lt3A_466 : i32 to vector<16xi32>
        %lt3A_468 = arith.cmpi slt, %get3A_465, %lt3A_467 : vector<16xi32>
        %sub3A_469 = arith.constant 46 : i32
        %sub3A_470 = vector.broadcast %sub3A_469 : i32 to vector<16xi32>
        %sub3A_471 = arith.subi %get3A_465, %sub3A_470 : vector<16xi32>
        %jit3A_472 = arith.constant 0 : i32
        %broadcast_in_dim3A_473 = vector.broadcast %jit3A_472 : i32 to vector<16xi32>
        %select_n3A_474 = arith.select %lt3A_468, %broadcast_in_dim3A_473, %sub3A_471 : vector<16xi1>, vector<16xi32>
        %broadcast_in_dim3A_475 = vector.broadcast %select_n3A_128 : i32 to vector<16xi32>
        %add3A_476 = vector.broadcast %mul3A_132 : i32 to vector<16xi32>
        %add3A_477 = arith.addi %iota3A, %add3A_476 : vector<16xi32>
        %gather3A = tpu.vector_load_idx %arg7[%select_n3A_474, %broadcast_in_dim3A_475, %add3A_477] : memref<45x8x128xf32, #tpu.memory_space<vmem>>[vector<16xi32>, vector<16xi32>, vector<16xi32>], vector<16xf32>,
        %lt3A_478 = arith.constant 46 : i32
        %lt3A_479 = vector.broadcast %lt3A_478 : i32 to vector<16xi32>
        %lt3A_480 = arith.cmpi slt, %get3A_465, %lt3A_479 : vector<16xi32>
        %get3A_481 = arith.index_cast %select_n3A_128 : i32 to index
        %get3A_482 = arith.index_cast %mul3A_132 : i32 to index
        %get3A_483 = tpu.vector_load %arg10[%get3A_481, %get3A_482] {strides = array<i32>} : memref<8x128xf32, #tpu.memory_space<vmem>>, vector<16xf32>,
        %select_n3A_484 = arith.select %lt3A_480, %get3A_483, %gather3A : vector<16xi1>, vector<16xf32>
        %get3A_485 = arith.index_cast %select_n3A_128 : i32 to index
        %get3A_486 = arith.index_cast %mul3A_132 : i32 to index
        %get3A_487 = tpu.vector_load %arg8[%get3A_485, %get3A_486] {strides = array<i32>} : memref<8x128xf32, #tpu.memory_space<vmem>>, vector<16xf32>,
        %exp3A_488 = math.exp %select_n3A_484 : vector<16xf32>
        %neg3A = arith.constant 0.000000e+00 : f32
        %neg3A_489 = vector.broadcast %neg3A : f32 to vector<16xf32>
        %neg3A_490 = arith.subf %neg3A_489, %get3A_487 : vector<16xf32>
        %exp3A_491 = math.exp %neg3A_490 : vector<16xf32>
        %add3A_492 = arith.constant 1.000000e+00 : f32
        %add3A_493 = vector.broadcast %add3A_492 : f32 to vector<16xf32>
        %add3A_494 = arith.addf %add3A_493, %exp3A_491 : vector<16xf32>
        %mul3A_495 = arith.mulf %add3A_494, %add3A_463 : vector<16xf32>
        %div3A_496 = arith.divf %exp3A_488, %mul3A_495 : vector<16xf32>
        %gt3A = arith.cmpf ogt, %div3A_496, %get3A_133 : vector<16xf32>
        %add3A_497 = arith.addi %mul3A_59, %select_n3A_128 : i32
        %broadcast_in_dim3A_498 = vector.broadcast %add3A_497 : i32 to vector<16xi32>
        %select_n3A_499 = arith.select %gt3A, %div3A_496, %get3A_133 : vector<16xi1>, vector<16xf32>
        %swap3A = arith.index_cast %mul3A_132 : i32 to index
        %swap3A_500 = tpu.vector_load %arg12[%swap3A] {strides = array<i32>} : memref<128xf32, #tpu.memory_space<vmem>>, vector<16xf32>,
        tpu.vector_store %arg12[%swap3A], %select_n3A_499 {strides = array<i32>} : memref<128xf32, #tpu.memory_space<vmem>>, vector<16xf32>,
        %select_n3A_501 = arith.select %gt3A, %broadcast_in_dim3A_498, %get3A_135 : vector<16xi1>, vector<16xi32>
        %swap3A_502 = arith.index_cast %mul3A_132 : i32 to index
        %swap3A_503 = tpu.vector_load %arg13[%swap3A_502] {strides = array<i32>} : memref<128xi32, #tpu.memory_space<vmem>>, vector<16xi32>,
        tpu.vector_store %arg13[%swap3A_502], %select_n3A_501 {strides = array<i32>} : memref<128xi32, #tpu.memory_space<vmem>>, vector<16xi32>,
      }
      %scan3A_103 = arith.constant 64 : i32
    }
    %while3A_42 = arith.constant 1 : i32
    scf.for %while3A_57 = %while3A_40 to %while3A_36 step %while3A_42  : i32 {
      %mul3A_58 = arith.constant 8 : i32
      %mul3A_59 = arith.muli %while3A_57, %mul3A_58 : i32
      %dma_wait3A = arith.constant 0 : i32
      %dma_wait3A_60 = arith.constant 0 : i32
      %dma_wait3A_61 = arith.constant 0 : i32
      %dma_wait3A_62 = tpu.memref_slice %arg2[%dma_wait3A, %dma_wait3A_60, %dma_wait3A_61] : memref<91x900x1024xf32, #tpu.memory_space<hbm>> -> memref<46x8x128xf32, #tpu.memory_space<hbm>>
      %dma_wait3A_63 = arith.constant 0 : i32
      %dma_wait3A_64 = arith.constant 0 : i32
      %dma_wait3A_65 = arith.constant 0 : i32
      %dma_wait3A_66 = tpu.memref_slice %arg2[%dma_wait3A_63, %dma_wait3A_64, %dma_wait3A_65] : memref<91x900x1024xf32, #tpu.memory_space<hbm>> -> memref<46x8x128xf32, #tpu.memory_space<hbm>>
      tpu.wait_dma2 semaphore(%arg18 : memref<!tpu.dma_semaphore, #tpu.memory_space<semaphore_mem>>) src(%dma_wait3A_66 : memref<46x8x128xf32, #tpu.memory_space<hbm>>) dst(%arg6 : memref<46x8x128xf32, #tpu.memory_space<vmem>>)
      %dma_start3A_67 = arith.constant 46 : i32
      %dma_start3A_68 = tpu.memref_slice %arg2[%dma_start3A_67, %mul3A_59, %mul3A_20] : memref<91x900x1024xf32, #tpu.memory_space<hbm>> -> memref<45x8x128xf32, #tpu.memory_space<hbm>>
      %dma_start3A_69 = arith.constant 46 : i32
      %dma_start3A_70 = tpu.memref_slice %arg2[%dma_start3A_69, %mul3A_59, %mul3A_20] : memref<91x900x1024xf32, #tpu.memory_space<hbm>> -> memref<45x8x128xf32, #tpu.memory_space<hbm>>
      tpu.enqueue_dma source(%dma_start3A_70 : memref<45x8x128xf32, #tpu.memory_space<hbm>>) target(%arg7 : memref<45x8x128xf32, #tpu.memory_space<vmem>>) target_semaphore(%arg19 : memref<!tpu.dma_semaphore, #tpu.memory_space<semaphore_mem>>)
      %dma_start3A_71 = tpu.memref_slice %arg3[%mul3A_59, %mul3A_20] : memref<900x1024xf32, #tpu.memory_space<hbm>> -> memref<8x128xf32, #tpu.memory_space<hbm>>
      %dma_start3A_72 = tpu.memref_slice %arg3[%mul3A_59, %mul3A_20] : memref<900x1024xf32, #tpu.memory_space<hbm>> -> memref<8x128xf32, #tpu.memory_space<hbm>>
      tpu.enqueue_dma source(%dma_start3A_72 : memref<8x128xf32, #tpu.memory_space<hbm>>) target(%arg8 : memref<8x128xf32, #tpu.memory_space<vmem>>) target_semaphore(%arg20 : memref<!tpu.dma_semaphore, #tpu.memory_space<semaphore_mem>>)
      %scan3A_73 = arith.constant 0 : i32
      %scan3A_74 = arith.constant 0 : i32
      %scan3A_75 = arith.constant 64 : i32
      %scan3A_76 = arith.addi %scan3A_74, %scan3A_75 : i32
      %scan3A_77 = arith.constant 1 : i32
      scf.for %scan3A_104 = %scan3A_74 to %scan3A_76 step %scan3A_77  : i32 {
        %jit3A_105 = arith.constant 8 : i32
        %div3A_106 = arith.divsi %scan3A_104, %jit3A_105 : i32
        %sign3A_107 = arith.constant 0 : i32
        %sign3A_108 = arith.cmpi sgt, %scan3A_104, %sign3A_107 : i32
        %sign3A_109 = arith.extui %sign3A_108 : i1 to i32
        %sign3A_110 = arith.constant 0 : i32
        %sign3A_111 = arith.cmpi slt, %scan3A_104, %sign3A_110 : i32
        %sign3A_112 = arith.extui %sign3A_111 : i1 to i32
        %sign3A_113 = arith.subi %sign3A_109, %sign3A_112 : i32
        %sign3A_114 = arith.constant 0 : i32
        %sign3A_115 = arith.cmpi sgt, %jit3A_105, %sign3A_114 : i32
        %sign3A_116 = arith.extui %sign3A_115 : i1 to i32
        %sign3A_117 = arith.constant 0 : i32
        %sign3A_118 = arith.cmpi slt, %jit3A_105, %sign3A_117 : i32
        %sign3A_119 = arith.extui %sign3A_118 : i1 to i32
        %sign3A_120 = arith.subi %sign3A_116, %sign3A_119 : i32
        %ne3A_121 = arith.cmpi ne, %sign3A_113, %sign3A_120 : i32
        %rem3A_122 = arith.remsi %scan3A_104, %jit3A_105 : i32
        %ne3A_123 = arith.constant 0 : i32
        %ne3A_124 = arith.cmpi ne, %rem3A_122, %ne3A_123 : i32
        %and3A_125 = arith.andi %ne3A_121, %ne3A_124 : i1
        %sub3A_126 = arith.constant 1 : i32
        %sub3A_127 = arith.subi %div3A_106, %sub3A_126 : i32
        %select_n3A_128 = arith.select %and3A_125, %sub3A_127, %div3A_106 : i32
        %rem3A_129 = arith.constant 8 : i32
        %rem3A_130 = arith.remsi %scan3A_104, %rem3A_129 : i32
        %mul3A_131 = arith.constant 16 : i32
        %mul3A_132 = arith.muli %mul3A_131, %rem3A_130 : i32
        %broadcast_in_dim3A = arith.constant 0.000000e+00 : f32
        %broadcast_in_dim3A_133 = vector.broadcast %broadcast_in_dim3A : f32 to vector<16xf32>
        %broadcast_in_dim3A_134 = arith.constant 0.000000e+00 : f32
        %broadcast_in_dim3A_135 = vector.broadcast %broadcast_in_dim3A_134 : f32 to vector<16xf32>
        %broadcast_in_dim3A_136 = arith.constant 0.000000e+00 : f32
        %broadcast_in_dim3A_137 = vector.broadcast %broadcast_in_dim3A_136 : f32 to vector<16xf32>
        %broadcast_in_dim3A_138 = arith.constant 0.000000e+00 : f32
        %broadcast_in_dim3A_139 = vector.broadcast %broadcast_in_dim3A_138 : f32 to vector<16xf32>
        %get3A = arith.constant 0 : i32
        %get3A_140 = arith.index_cast %get3A : i32 to index
        %get3A_141 = arith.index_cast %select_n3A_128 : i32 to index
        %get3A_142 = arith.index_cast %mul3A_132 : i32 to index
        %get3A_143 = tpu.vector_load %arg6[%get3A_140, %get3A_141, %get3A_142] {strides = array<i32>} : memref<46x8x128xf32, #tpu.memory_space<vmem>>, vector<16xf32>,
        %exp3A = math.exp %get3A_143 : vector<16xf32>
        %add3A_144 = arith.addf %broadcast_in_dim3A_133, %exp3A : vector<16xf32>
        %get3A_145 = arith.constant 1 : i32
        %get3A_146 = arith.index_cast %get3A_145 : i32 to index
        %get3A_147 = arith.index_cast %select_n3A_128 : i32 to index
        %get3A_148 = arith.index_cast %mul3A_132 : i32 to index
        %get3A_149 = tpu.vector_load %arg6[%get3A_146, %get3A_147, %get3A_148] {strides = array<i32>} : memref<46x8x128xf32, #tpu.memory_space<vmem>>, vector<16xf32>,
        %exp3A_150 = math.exp %get3A_149 : vector<16xf32>
        %add3A_151 = arith.addf %broadcast_in_dim3A_135, %exp3A_150 : vector<16xf32>
        %get3A_152 = arith.constant 2 : i32
        %get3A_153 = arith.index_cast %get3A_152 : i32 to index
        %get3A_154 = arith.index_cast %select_n3A_128 : i32 to index
        %get3A_155 = arith.index_cast %mul3A_132 : i32 to index
        %get3A_156 = tpu.vector_load %arg6[%get3A_153, %get3A_154, %get3A_155] {strides = array<i32>} : memref<46x8x128xf32, #tpu.memory_space<vmem>>, vector<16xf32>,
        %exp3A_157 = math.exp %get3A_156 : vector<16xf32>
        %add3A_158 = arith.addf %broadcast_in_dim3A_137, %exp3A_157 : vector<16xf32>
        %get3A_159 = arith.constant 3 : i32
        %get3A_160 = arith.index_cast %get3A_159 : i32 to index
        %get3A_161 = arith.index_cast %select_n3A_128 : i32 to index
        %get3A_162 = arith.index_cast %mul3A_132 : i32 to index
        %get3A_163 = tpu.vector_load %arg6[%get3A_160, %get3A_161, %get3A_162] {strides = array<i32>} : memref<46x8x128xf32, #tpu.memory_space<vmem>>, vector<16xf32>,
        %exp3A_164 = math.exp %get3A_163 : vector<16xf32>
        %add3A_165 = arith.addf %broadcast_in_dim3A_139, %exp3A_164 : vector<16xf32>
        %get3A_166 = arith.constant 4 : i32
        %get3A_167 = arith.index_cast %get3A_166 : i32 to index
        %get3A_168 = arith.index_cast %select_n3A_128 : i32 to index
        %get3A_169 = arith.index_cast %mul3A_132 : i32 to index
        %get3A_170 = tpu.vector_load %arg6[%get3A_167, %get3A_168, %get3A_169] {strides = array<i32>} : memref<46x8x128xf32, #tpu.memory_space<vmem>>, vector<16xf32>,
        %exp3A_171 = math.exp %get3A_170 : vector<16xf32>
        %add3A_172 = arith.addf %add3A_144, %exp3A_171 : vector<16xf32>
        %get3A_173 = arith.constant 5 : i32
        %get3A_174 = arith.index_cast %get3A_173 : i32 to index
        %get3A_175 = arith.index_cast %select_n3A_128 : i32 to index
        %get3A_176 = arith.index_cast %mul3A_132 : i32 to index
        %get3A_177 = tpu.vector_load %arg6[%get3A_174, %get3A_175, %get3A_176] {strides = array<i32>} : memref<46x8x128xf32, #tpu.memory_space<vmem>>, vector<16xf32>,
        %exp3A_178 = math.exp %get3A_177 : vector<16xf32>
        %add3A_179 = arith.addf %add3A_151, %exp3A_178 : vector<16xf32>
        %get3A_180 = arith.constant 6 : i32
        %get3A_181 = arith.index_cast %get3A_180 : i32 to index
        %get3A_182 = arith.index_cast %select_n3A_128 : i32 to index
        %get3A_183 = arith.index_cast %mul3A_132 : i32 to index
        %get3A_184 = tpu.vector_load %arg6[%get3A_181, %get3A_182, %get3A_183] {strides = array<i32>} : memref<46x8x128xf32, #tpu.memory_space<vmem>>, vector<16xf32>,
        %exp3A_185 = math.exp %get3A_184 : vector<16xf32>
        %add3A_186 = arith.addf %add3A_158, %exp3A_185 : vector<16xf32>
        %get3A_187 = arith.constant 7 : i32
        %get3A_188 = arith.index_cast %get3A_187 : i32 to index
        %get3A_189 = arith.index_cast %select_n3A_128 : i32 to index
        %get3A_190 = arith.index_cast %mul3A_132 : i32 to index
        %get3A_191 = tpu.vector_load %arg6[%get3A_188, %get3A_189, %get3A_190] {strides = array<i32>} : memref<46x8x128xf32, #tpu.memory_space<vmem>>, vector<16xf32>,
        %exp3A_192 = math.exp %get3A_191 : vector<16xf32>
        %add3A_193 = arith.addf %add3A_165, %exp3A_192 : vector<16xf32>
        %get3A_194 = arith.constant 8 : i32
        %get3A_195 = arith.index_cast %get3A_194 : i32 to index
        %get3A_196 = arith.index_cast %select_n3A_128 : i32 to index
        %get3A_197 = arith.index_cast %mul3A_132 : i32 to index
        %get3A_198 = tpu.vector_load %arg6[%get3A_195, %get3A_196, %get3A_197] {strides = array<i32>} : memref<46x8x128xf32, #tpu.memory_space<vmem>>, vector<16xf32>,
        %exp3A_199 = math.exp %get3A_198 : vector<16xf32>
        %add3A_200 = arith.addf %add3A_172, %exp3A_199 : vector<16xf32>
        %get3A_201 = arith.constant 9 : i32
        %get3A_202 = arith.index_cast %get3A_201 : i32 to index
        %get3A_203 = arith.index_cast %select_n3A_128 : i32 to index
        %get3A_204 = arith.index_cast %mul3A_132 : i32 to index
        %get3A_205 = tpu.vector_load %arg6[%get3A_202, %get3A_203, %get3A_204] {strides = array<i32>} : memref<46x8x128xf32, #tpu.memory_space<vmem>>, vector<16xf32>,
        %exp3A_206 = math.exp %get3A_205 : vector<16xf32>
        %add3A_207 = arith.addf %add3A_179, %exp3A_206 : vector<16xf32>
        %get3A_208 = arith.constant 10 : i32
        %get3A_209 = arith.index_cast %get3A_208 : i32 to index
        %get3A_210 = arith.index_cast %select_n3A_128 : i32 to index
        %get3A_211 = arith.index_cast %mul3A_132 : i32 to index
        %get3A_212 = tpu.vector_load %arg6[%get3A_209, %get3A_210, %get3A_211] {strides = array<i32>} : memref<46x8x128xf32, #tpu.memory_space<vmem>>, vector<16xf32>,
        %exp3A_213 = math.exp %get3A_212 : vector<16xf32>
        %add3A_214 = arith.addf %add3A_186, %exp3A_213 : vector<16xf32>
        %get3A_215 = arith.constant 11 : i32
        %get3A_216 = arith.index_cast %get3A_215 : i32 to index
        %get3A_217 = arith.index_cast %select_n3A_128 : i32 to index
        %get3A_218 = arith.index_cast %mul3A_132 : i32 to index
        %get3A_219 = tpu.vector_load %arg6[%get3A_216, %get3A_217, %get3A_218] {strides = array<i32>} : memref<46x8x128xf32, #tpu.memory_space<vmem>>, vector<16xf32>,
        %exp3A_220 = math.exp %get3A_219 : vector<16xf32>
        %add3A_221 = arith.addf %add3A_193, %exp3A_220 : vector<16xf32>
        %get3A_222 = arith.constant 12 : i32
        %get3A_223 = arith.index_cast %get3A_222 : i32 to index
        %get3A_224 = arith.index_cast %select_n3A_128 : i32 to index
        %get3A_225 = arith.index_cast %mul3A_132 : i32 to index
        %get3A_226 = tpu.vector_load %arg6[%get3A_223, %get3A_224, %get3A_225] {strides = array<i32>} : memref<46x8x128xf32, #tpu.memory_space<vmem>>, vector<16xf32>,
        %exp3A_227 = math.exp %get3A_226 : vector<16xf32>
        %add3A_228 = arith.addf %add3A_200, %exp3A_227 : vector<16xf32>
        %get3A_229 = arith.constant 13 : i32
        %get3A_230 = arith.index_cast %get3A_229 : i32 to index
        %get3A_231 = arith.index_cast %select_n3A_128 : i32 to index
        %get3A_232 = arith.index_cast %mul3A_132 : i32 to index
        %get3A_233 = tpu.vector_load %arg6[%get3A_230, %get3A_231, %get3A_232] {strides = array<i32>} : memref<46x8x128xf32, #tpu.memory_space<vmem>>, vector<16xf32>,
        %exp3A_234 = math.exp %get3A_233 : vector<16xf32>
        %add3A_235 = arith.addf %add3A_207, %exp3A_234 : vector<16xf32>
        %get3A_236 = arith.constant 14 : i32
        %get3A_237 = arith.index_cast %get3A_236 : i32 to index
        %get3A_238 = arith.index_cast %select_n3A_128 : i32 to index
        %get3A_239 = arith.index_cast %mul3A_132 : i32 to index
        %get3A_240 = tpu.vector_load %arg6[%get3A_237, %get3A_238, %get3A_239] {strides = array<i32>} : memref<46x8x128xf32, #tpu.memory_space<vmem>>, vector<16xf32>,
        %exp3A_241 = math.exp %get3A_240 : vector<16xf32>
        %add3A_242 = arith.addf %add3A_214, %exp3A_241 : vector<16xf32>
        %get3A_243 = arith.constant 15 : i32
        %get3A_244 = arith.index_cast %get3A_243 : i32 to index
        %get3A_245 = arith.index_cast %select_n3A_128 : i32 to index
        %get3A_246 = arith.index_cast %mul3A_132 : i32 to index
        %get3A_247 = tpu.vector_load %arg6[%get3A_244, %get3A_245, %get3A_246] {strides = array<i32>} : memref<46x8x128xf32, #tpu.memory_space<vmem>>, vector<16xf32>,
        %exp3A_248 = math.exp %get3A_247 : vector<16xf32>
        %add3A_249 = arith.addf %add3A_221, %exp3A_248 : vector<16xf32>
        %get3A_250 = arith.constant 16 : i32
        %get3A_251 = arith.index_cast %get3A_250 : i32 to index
        %get3A_252 = arith.index_cast %select_n3A_128 : i32 to index
        %get3A_253 = arith.index_cast %mul3A_132 : i32 to index
        %get3A_254 = tpu.vector_load %arg6[%get3A_251, %get3A_252, %get3A_253] {strides = array<i32>} : memref<46x8x128xf32, #tpu.memory_space<vmem>>, vector<16xf32>,
        %exp3A_255 = math.exp %get3A_254 : vector<16xf32>
        %add3A_256 = arith.addf %add3A_228, %exp3A_255 : vector<16xf32>
        %get3A_257 = arith.constant 17 : i32
        %get3A_258 = arith.index_cast %get3A_257 : i32 to index
        %get3A_259 = arith.index_cast %select_n3A_128 : i32 to index
        %get3A_260 = arith.index_cast %mul3A_132 : i32 to index
        %get3A_261 = tpu.vector_load %arg6[%get3A_258, %get3A_259, %get3A_260] {strides = array<i32>} : memref<46x8x128xf32, #tpu.memory_space<vmem>>, vector<16xf32>,
        %exp3A_262 = math.exp %get3A_261 : vector<16xf32>
        %add3A_263 = arith.addf %add3A_235, %exp3A_262 : vector<16xf32>
        %get3A_264 = arith.constant 18 : i32
        %get3A_265 = arith.index_cast %get3A_264 : i32 to index
        %get3A_266 = arith.index_cast %select_n3A_128 : i32 to index
        %get3A_267 = arith.index_cast %mul3A_132 : i32 to index
        %get3A_268 = tpu.vector_load %arg6[%get3A_265, %get3A_266, %get3A_267] {strides = array<i32>} : memref<46x8x128xf32, #tpu.memory_space<vmem>>, vector<16xf32>,
        %exp3A_269 = math.exp %get3A_268 : vector<16xf32>
        %add3A_270 = arith.addf %add3A_242, %exp3A_269 : vector<16xf32>
        %get3A_271 = arith.constant 19 : i32
        %get3A_272 = arith.index_cast %get3A_271 : i32 to index
        %get3A_273 = arith.index_cast %select_n3A_128 : i32 to index
        %get3A_274 = arith.index_cast %mul3A_132 : i32 to index
        %get3A_275 = tpu.vector_load %arg6[%get3A_272, %get3A_273, %get3A_274] {strides = array<i32>} : memref<46x8x128xf32, #tpu.memory_space<vmem>>, vector<16xf32>,
        %exp3A_276 = math.exp %get3A_275 : vector<16xf32>
        %add3A_277 = arith.addf %add3A_249, %exp3A_276 : vector<16xf32>
        %get3A_278 = arith.constant 20 : i32
        %get3A_279 = arith.index_cast %get3A_278 : i32 to index
        %get3A_280 = arith.index_cast %select_n3A_128 : i32 to index
        %get3A_281 = arith.index_cast %mul3A_132 : i32 to index
        %get3A_282 = tpu.vector_load %arg6[%get3A_279, %get3A_280, %get3A_281] {strides = array<i32>} : memref<46x8x128xf32, #tpu.memory_space<vmem>>, vector<16xf32>,
        %exp3A_283 = math.exp %get3A_282 : vector<16xf32>
        %add3A_284 = arith.addf %add3A_256, %exp3A_283 : vector<16xf32>
        %get3A_285 = arith.constant 21 : i32
        %get3A_286 = arith.index_cast %get3A_285 : i32 to index
        %get3A_287 = arith.index_cast %select_n3A_128 : i32 to index
        %get3A_288 = arith.index_cast %mul3A_132 : i32 to index
        %get3A_289 = tpu.vector_load %arg6[%get3A_286, %get3A_287, %get3A_288] {strides = array<i32>} : memref<46x8x128xf32, #tpu.memory_space<vmem>>, vector<16xf32>,
        %exp3A_290 = math.exp %get3A_289 : vector<16xf32>
        %add3A_291 = arith.addf %add3A_263, %exp3A_290 : vector<16xf32>
        %get3A_292 = arith.constant 22 : i32
        %get3A_293 = arith.index_cast %get3A_292 : i32 to index
        %get3A_294 = arith.index_cast %select_n3A_128 : i32 to index
        %get3A_295 = arith.index_cast %mul3A_132 : i32 to index
        %get3A_296 = tpu.vector_load %arg6[%get3A_293, %get3A_294, %get3A_295] {strides = array<i32>} : memref<46x8x128xf32, #tpu.memory_space<vmem>>, vector<16xf32>,
        %exp3A_297 = math.exp %get3A_296 : vector<16xf32>
        %add3A_298 = arith.addf %add3A_270, %exp3A_297 : vector<16xf32>
        %get3A_299 = arith.constant 23 : i32
        %get3A_300 = arith.index_cast %get3A_299 : i32 to index
        %get3A_301 = arith.index_cast %select_n3A_128 : i32 to index
        %get3A_302 = arith.index_cast %mul3A_132 : i32 to index
        %get3A_303 = tpu.vector_load %arg6[%get3A_300, %get3A_301, %get3A_302] {strides = array<i32>} : memref<46x8x128xf32, #tpu.memory_space<vmem>>, vector<16xf32>,
        %exp3A_304 = math.exp %get3A_303 : vector<16xf32>
        %add3A_305 = arith.addf %add3A_277, %exp3A_304 : vector<16xf32>
        %get3A_306 = arith.constant 24 : i32
        %get3A_307 = arith.index_cast %get3A_306 : i32 to index
        %get3A_308 = arith.index_cast %select_n3A_128 : i32 to index
        %get3A_309 = arith.index_cast %mul3A_132 : i32 to index
        %get3A_310 = tpu.vector_load %arg6[%get3A_307, %get3A_308, %get3A_309] {strides = array<i32>} : memref<46x8x128xf32, #tpu.memory_space<vmem>>, vector<16xf32>,
        %exp3A_311 = math.exp %get3A_310 : vector<16xf32>
        %add3A_312 = arith.addf %add3A_284, %exp3A_311 : vector<16xf32>
        %get3A_313 = arith.constant 25 : i32
        %get3A_314 = arith.index_cast %get3A_313 : i32 to index
        %get3A_315 = arith.index_cast %select_n3A_128 : i32 to index
        %get3A_316 = arith.index_cast %mul3A_132 : i32 to index
        %get3A_317 = tpu.vector_load %arg6[%get3A_314, %get3A_315, %get3A_316] {strides = array<i32>} : memref<46x8x128xf32, #tpu.memory_space<vmem>>, vector<16xf32>,
        %exp3A_318 = math.exp %get3A_317 : vector<16xf32>
        %add3A_319 = arith.addf %add3A_291, %exp3A_318 : vector<16xf32>
        %get3A_320 = arith.constant 26 : i32
        %get3A_321 = arith.index_cast %get3A_320 : i32 to index
        %get3A_322 = arith.index_cast %select_n3A_128 : i32 to index
        %get3A_323 = arith.index_cast %mul3A_132 : i32 to index
        %get3A_324 = tpu.vector_load %arg6[%get3A_321, %get3A_322, %get3A_323] {strides = array<i32>} : memref<46x8x128xf32, #tpu.memory_space<vmem>>, vector<16xf32>,
        %exp3A_325 = math.exp %get3A_324 : vector<16xf32>
        %add3A_326 = arith.addf %add3A_298, %exp3A_325 : vector<16xf32>
        %get3A_327 = arith.constant 27 : i32
        %get3A_328 = arith.index_cast %get3A_327 : i32 to index
        %get3A_329 = arith.index_cast %select_n3A_128 : i32 to index
        %get3A_330 = arith.index_cast %mul3A_132 : i32 to index
        %get3A_331 = tpu.vector_load %arg6[%get3A_328, %get3A_329, %get3A_330] {strides = array<i32>} : memref<46x8x128xf32, #tpu.memory_space<vmem>>, vector<16xf32>,
        %exp3A_332 = math.exp %get3A_331 : vector<16xf32>
        %add3A_333 = arith.addf %add3A_305, %exp3A_332 : vector<16xf32>
        %get3A_334 = arith.constant 28 : i32
        %get3A_335 = arith.index_cast %get3A_334 : i32 to index
        %get3A_336 = arith.index_cast %select_n3A_128 : i32 to index
        %get3A_337 = arith.index_cast %mul3A_132 : i32 to index
        %get3A_338 = tpu.vector_load %arg6[%get3A_335, %get3A_336, %get3A_337] {strides = array<i32>} : memref<46x8x128xf32, #tpu.memory_space<vmem>>, vector<16xf32>,
        %exp3A_339 = math.exp %get3A_338 : vector<16xf32>
        %add3A_340 = arith.addf %add3A_312, %exp3A_339 : vector<16xf32>
        %get3A_341 = arith.constant 29 : i32
        %get3A_342 = arith.index_cast %get3A_341 : i32 to index
        %get3A_343 = arith.index_cast %select_n3A_128 : i32 to index
        %get3A_344 = arith.index_cast %mul3A_132 : i32 to index
        %get3A_345 = tpu.vector_load %arg6[%get3A_342, %get3A_343, %get3A_344] {strides = array<i32>} : memref<46x8x128xf32, #tpu.memory_space<vmem>>, vector<16xf32>,
        %exp3A_346 = math.exp %get3A_345 : vector<16xf32>
        %add3A_347 = arith.addf %add3A_319, %exp3A_346 : vector<16xf32>
        %get3A_348 = arith.constant 30 : i32
        %get3A_349 = arith.index_cast %get3A_348 : i32 to index
        %get3A_350 = arith.index_cast %select_n3A_128 : i32 to index
        %get3A_351 = arith.index_cast %mul3A_132 : i32 to index
        %get3A_352 = tpu.vector_load %arg6[%get3A_349, %get3A_350, %get3A_351] {strides = array<i32>} : memref<46x8x128xf32, #tpu.memory_space<vmem>>, vector<16xf32>,
        %exp3A_353 = math.exp %get3A_352 : vector<16xf32>
        %add3A_354 = arith.addf %add3A_326, %exp3A_353 : vector<16xf32>
        %get3A_355 = arith.constant 31 : i32
        %get3A_356 = arith.index_cast %get3A_355 : i32 to index
        %get3A_357 = arith.index_cast %select_n3A_128 : i32 to index
        %get3A_358 = arith.index_cast %mul3A_132 : i32 to index
        %get3A_359 = tpu.vector_load %arg6[%get3A_356, %get3A_357, %get3A_358] {strides = array<i32>} : memref<46x8x128xf32, #tpu.memory_space<vmem>>, vector<16xf32>,
        %exp3A_360 = math.exp %get3A_359 : vector<16xf32>
        %add3A_361 = arith.addf %add3A_333, %exp3A_360 : vector<16xf32>
        %get3A_362 = arith.constant 32 : i32
        %get3A_363 = arith.index_cast %get3A_362 : i32 to index
        %get3A_364 = arith.index_cast %select_n3A_128 : i32 to index
        %get3A_365 = arith.index_cast %mul3A_132 : i32 to index
        %get3A_366 = tpu.vector_load %arg6[%get3A_363, %get3A_364, %get3A_365] {strides = array<i32>} : memref<46x8x128xf32, #tpu.memory_space<vmem>>, vector<16xf32>,
        %exp3A_367 = math.exp %get3A_366 : vector<16xf32>
        %add3A_368 = arith.addf %add3A_340, %exp3A_367 : vector<16xf32>
        %get3A_369 = arith.constant 33 : i32
        %get3A_370 = arith.index_cast %get3A_369 : i32 to index
        %get3A_371 = arith.index_cast %select_n3A_128 : i32 to index
        %get3A_372 = arith.index_cast %mul3A_132 : i32 to index
        %get3A_373 = tpu.vector_load %arg6[%get3A_370, %get3A_371, %get3A_372] {strides = array<i32>} : memref<46x8x128xf32, #tpu.memory_space<vmem>>, vector<16xf32>,
        %exp3A_374 = math.exp %get3A_373 : vector<16xf32>
        %add3A_375 = arith.addf %add3A_347, %exp3A_374 : vector<16xf32>
        %get3A_376 = arith.constant 34 : i32
        %get3A_377 = arith.index_cast %get3A_376 : i32 to index
        %get3A_378 = arith.index_cast %select_n3A_128 : i32 to index
        %get3A_379 = arith.index_cast %mul3A_132 : i32 to index
        %get3A_380 = tpu.vector_load %arg6[%get3A_377, %get3A_378, %get3A_379] {strides = array<i32>} : memref<46x8x128xf32, #tpu.memory_space<vmem>>, vector<16xf32>,
        %exp3A_381 = math.exp %get3A_380 : vector<16xf32>
        %add3A_382 = arith.addf %add3A_354, %exp3A_381 : vector<16xf32>
        %get3A_383 = arith.constant 35 : i32
        %get3A_384 = arith.index_cast %get3A_383 : i32 to index
        %get3A_385 = arith.index_cast %select_n3A_128 : i32 to index
        %get3A_386 = arith.index_cast %mul3A_132 : i32 to index
        %get3A_387 = tpu.vector_load %arg6[%get3A_384, %get3A_385, %get3A_386] {strides = array<i32>} : memref<46x8x128xf32, #tpu.memory_space<vmem>>, vector<16xf32>,
        %exp3A_388 = math.exp %get3A_387 : vector<16xf32>
        %add3A_389 = arith.addf %add3A_361, %exp3A_388 : vector<16xf32>
        %get3A_390 = arith.constant 36 : i32
        %get3A_391 = arith.index_cast %get3A_390 : i32 to index
        %get3A_392 = arith.index_cast %select_n3A_128 : i32 to index
        %get3A_393 = arith.index_cast %mul3A_132 : i32 to index
        %get3A_394 = tpu.vector_load %arg6[%get3A_391, %get3A_392, %get3A_393] {strides = array<i32>} : memref<46x8x128xf32, #tpu.memory_space<vmem>>, vector<16xf32>,
        %exp3A_395 = math.exp %get3A_394 : vector<16xf32>
        %add3A_396 = arith.addf %add3A_368, %exp3A_395 : vector<16xf32>
        %get3A_397 = arith.constant 37 : i32
        %get3A_398 = arith.index_cast %get3A_397 : i32 to index
        %get3A_399 = arith.index_cast %select_n3A_128 : i32 to index
        %get3A_400 = arith.index_cast %mul3A_132 : i32 to index
        %get3A_401 = tpu.vector_load %arg6[%get3A_398, %get3A_399, %get3A_400] {strides = array<i32>} : memref<46x8x128xf32, #tpu.memory_space<vmem>>, vector<16xf32>,
        %exp3A_402 = math.exp %get3A_401 : vector<16xf32>
        %add3A_403 = arith.addf %add3A_375, %exp3A_402 : vector<16xf32>
        %get3A_404 = arith.constant 38 : i32
        %get3A_405 = arith.index_cast %get3A_404 : i32 to index
        %get3A_406 = arith.index_cast %select_n3A_128 : i32 to index
        %get3A_407 = arith.index_cast %mul3A_132 : i32 to index
        %get3A_408 = tpu.vector_load %arg6[%get3A_405, %get3A_406, %get3A_407] {strides = array<i32>} : memref<46x8x128xf32, #tpu.memory_space<vmem>>, vector<16xf32>,
        %exp3A_409 = math.exp %get3A_408 : vector<16xf32>
        %add3A_410 = arith.addf %add3A_382, %exp3A_409 : vector<16xf32>
        %get3A_411 = arith.constant 39 : i32
        %get3A_412 = arith.index_cast %get3A_411 : i32 to index
        %get3A_413 = arith.index_cast %select_n3A_128 : i32 to index
        %get3A_414 = arith.index_cast %mul3A_132 : i32 to index
        %get3A_415 = tpu.vector_load %arg6[%get3A_412, %get3A_413, %get3A_414] {strides = array<i32>} : memref<46x8x128xf32, #tpu.memory_space<vmem>>, vector<16xf32>,
        %exp3A_416 = math.exp %get3A_415 : vector<16xf32>
        %add3A_417 = arith.addf %add3A_389, %exp3A_416 : vector<16xf32>
        %get3A_418 = arith.constant 40 : i32
        %get3A_419 = arith.index_cast %get3A_418 : i32 to index
        %get3A_420 = arith.index_cast %select_n3A_128 : i32 to index
        %get3A_421 = arith.index_cast %mul3A_132 : i32 to index
        %get3A_422 = tpu.vector_load %arg6[%get3A_419, %get3A_420, %get3A_421] {strides = array<i32>} : memref<46x8x128xf32, #tpu.memory_space<vmem>>, vector<16xf32>,
        %exp3A_423 = math.exp %get3A_422 : vector<16xf32>
        %add3A_424 = arith.addf %add3A_396, %exp3A_423 : vector<16xf32>
        %get3A_425 = arith.constant 41 : i32
        %get3A_426 = arith.index_cast %get3A_425 : i32 to index
        %get3A_427 = arith.index_cast %select_n3A_128 : i32 to index
        %get3A_428 = arith.index_cast %mul3A_132 : i32 to index
        %get3A_429 = tpu.vector_load %arg6[%get3A_426, %get3A_427, %get3A_428] {strides = array<i32>} : memref<46x8x128xf32, #tpu.memory_space<vmem>>, vector<16xf32>,
        %exp3A_430 = math.exp %get3A_429 : vector<16xf32>
        %add3A_431 = arith.addf %add3A_403, %exp3A_430 : vector<16xf32>
        %get3A_432 = arith.constant 42 : i32
        %get3A_433 = arith.index_cast %get3A_432 : i32 to index
        %get3A_434 = arith.index_cast %select_n3A_128 : i32 to index
        %get3A_435 = arith.index_cast %mul3A_132 : i32 to index
        %get3A_436 = tpu.vector_load %arg6[%get3A_433, %get3A_434, %get3A_435] {strides = array<i32>} : memref<46x8x128xf32, #tpu.memory_space<vmem>>, vector<16xf32>,
        %exp3A_437 = math.exp %get3A_436 : vector<16xf32>
        %add3A_438 = arith.addf %add3A_410, %exp3A_437 : vector<16xf32>
        %get3A_439 = arith.constant 43 : i32
        %get3A_440 = arith.index_cast %get3A_439 : i32 to index
        %get3A_441 = arith.index_cast %select_n3A_128 : i32 to index
        %get3A_442 = arith.index_cast %mul3A_132 : i32 to index
        %get3A_443 = tpu.vector_load %arg6[%get3A_440, %get3A_441, %get3A_442] {strides = array<i32>} : memref<46x8x128xf32, #tpu.memory_space<vmem>>, vector<16xf32>,
        %exp3A_444 = math.exp %get3A_443 : vector<16xf32>
        %add3A_445 = arith.addf %add3A_417, %exp3A_444 : vector<16xf32>
        %get3A_446 = arith.constant 44 : i32
        %get3A_447 = arith.index_cast %get3A_446 : i32 to index
        %get3A_448 = arith.index_cast %select_n3A_128 : i32 to index
        %get3A_449 = arith.index_cast %mul3A_132 : i32 to index
        %get3A_450 = tpu.vector_load %arg6[%get3A_447, %get3A_448, %get3A_449] {strides = array<i32>} : memref<46x8x128xf32, #tpu.memory_space<vmem>>, vector<16xf32>,
        %exp3A_451 = math.exp %get3A_450 : vector<16xf32>
        %add3A_452 = arith.addf %add3A_424, %exp3A_451 : vector<16xf32>
        %get3A_453 = arith.constant 45 : i32
        %get3A_454 = arith.index_cast %get3A_453 : i32 to index
        %get3A_455 = arith.index_cast %select_n3A_128 : i32 to index
        %get3A_456 = arith.index_cast %mul3A_132 : i32 to index
        %get3A_457 = tpu.vector_load %arg6[%get3A_454, %get3A_455, %get3A_456] {strides = array<i32>} : memref<46x8x128xf32, #tpu.memory_space<vmem>>, vector<16xf32>,
        %exp3A_458 = math.exp %get3A_457 : vector<16xf32>
        %add3A_459 = arith.addf %add3A_452, %exp3A_458 : vector<16xf32>
        %add3A_460 = arith.addf %add3A_459, %add3A_431 : vector<16xf32>
        %add3A_461 = arith.addf %add3A_438, %add3A_445 : vector<16xf32>
        %add3A_462 = arith.addf %add3A_460, %add3A_461 : vector<16xf32>
        %swap3A = arith.index_cast %select_n3A_128 : i32 to index
        %swap3A_463 = arith.index_cast %mul3A_132 : i32 to index
        %swap3A_464 = tpu.vector_load %arg9[%swap3A, %swap3A_463] {strides = array<i32>} : memref<8x128xf32, #tpu.memory_space<vmem>>, vector<16xf32>,
        tpu.vector_store %arg9[%swap3A, %swap3A_463], %add3A_462 {strides = array<i32>} : memref<8x128xf32, #tpu.memory_space<vmem>>, vector<16xf32>,
        %get3A_465 = arith.index_cast %mul3A_132 : i32 to index
        %get3A_466 = tpu.vector_load %arg11[%get3A_465] {strides = array<i32>} : memref<128xi32, #tpu.memory_space<vmem>>, vector<16xi32>,
        %lt3A_467 = arith.constant 46 : i32
        %lt3A_468 = vector.broadcast %lt3A_467 : i32 to vector<16xi32>
        %lt3A_469 = arith.cmpi slt, %get3A_466, %lt3A_468 : vector<16xi32>
        %jit3A_470 = arith.constant 45 : i32
        %broadcast_in_dim3A_471 = vector.broadcast %jit3A_470 : i32 to vector<16xi32>
        %select_n3A_472 = arith.select %lt3A_469, %get3A_466, %broadcast_in_dim3A_471 : vector<16xi1>, vector<16xi32>
        %broadcast_in_dim3A_473 = vector.broadcast %select_n3A_128 : i32 to vector<16xi32>
        %add3A_474 = vector.broadcast %mul3A_132 : i32 to vector<16xi32>
        %add3A_475 = arith.addi %iota3A, %add3A_474 : vector<16xi32>
        %gather3A = tpu.vector_load_idx %arg6[%select_n3A_472, %broadcast_in_dim3A_473, %add3A_475] : memref<46x8x128xf32, #tpu.memory_space<vmem>>[vector<16xi32>, vector<16xi32>, vector<16xi32>], vector<16xf32>,
        %swap3A_476 = arith.index_cast %select_n3A_128 : i32 to index
        %swap3A_477 = arith.index_cast %mul3A_132 : i32 to index
        %swap3A_478 = tpu.vector_load %arg10[%swap3A_476, %swap3A_477] {strides = array<i32>} : memref<8x128xf32, #tpu.memory_space<vmem>>, vector<16xf32>,
        tpu.vector_store %arg10[%swap3A_476, %swap3A_477], %gather3A {strides = array<i32>} : memref<8x128xf32, #tpu.memory_space<vmem>>, vector<16xf32>,
      }
      %scan3A_78 = arith.constant 64 : i32
      %dma_wait3A_79 = arith.constant 46 : i32
      %dma_wait3A_80 = arith.constant 0 : i32
      %dma_wait3A_81 = arith.constant 0 : i32
      %dma_wait3A_82 = tpu.memref_slice %arg2[%dma_wait3A_79, %dma_wait3A_80, %dma_wait3A_81] : memref<91x900x1024xf32, #tpu.memory_space<hbm>> -> memref<45x8x128xf32, #tpu.memory_space<hbm>>
      %dma_wait3A_83 = arith.constant 46 : i32
      %dma_wait3A_84 = arith.constant 0 : i32
      %dma_wait3A_85 = arith.constant 0 : i32
      %dma_wait3A_86 = tpu.memref_slice %arg2[%dma_wait3A_83, %dma_wait3A_84, %dma_wait3A_85] : memref<91x900x1024xf32, #tpu.memory_space<hbm>> -> memref<45x8x128xf32, #tpu.memory_space<hbm>>
      tpu.wait_dma2 semaphore(%arg19 : memref<!tpu.dma_semaphore, #tpu.memory_space<semaphore_mem>>) src(%dma_wait3A_86 : memref<45x8x128xf32, #tpu.memory_space<hbm>>) dst(%arg7 : memref<45x8x128xf32, #tpu.memory_space<vmem>>)
      %dma_wait3A_87 = arith.constant 0 : i32
      %dma_wait3A_88 = arith.constant 0 : i32
      %dma_wait3A_89 = tpu.memref_slice %arg3[%dma_wait3A_87, %dma_wait3A_88] : memref<900x1024xf32, #tpu.memory_space<hbm>> -> memref<8x128xf32, #tpu.memory_space<hbm>>
      %dma_wait3A_90 = arith.constant 0 : i32
      %dma_wait3A_91 = arith.constant 0 : i32
      %dma_wait3A_92 = tpu.memref_slice %arg3[%dma_wait3A_90, %dma_wait3A_91] : memref<900x1024xf32, #tpu.memory_space<hbm>> -> memref<8x128xf32, #tpu.memory_space<hbm>>
      tpu.wait_dma2 semaphore(%arg20 : memref<!tpu.dma_semaphore, #tpu.memory_space<semaphore_mem>>) src(%dma_wait3A_92 : memref<8x128xf32, #tpu.memory_space<hbm>>) dst(%arg8 : memref<8x128xf32, #tpu.memory_space<vmem>>)
      %add3A_93 = arith.constant 1 : i32
      %add3A_94 = arith.addi %while3A_57, %add3A_93 : i32
      %lt3A = arith.cmpi slt, %add3A_94, %add3A_29 : i32
      %convert_element_type3A_95 = arith.extui %lt3A : i1 to i32
      %cond3A_96 = arith.constant 0 : i32
      %cond3A_97 = arith.cmpi ne, %convert_element_type3A_95, %cond3A_96 : i32
      scf.if %cond3A_97 {
        %add3A_104 = arith.constant 1 : i32
        %add3A_105 = arith.addi %while3A_57, %add3A_104 : i32
        %mul3A_106 = arith.constant 8 : i32
        %mul3A_107 = arith.muli %add3A_105, %mul3A_106 : i32
        %dma_start3A_108 = arith.constant 0 : i32
        %dma_start3A_109 = tpu.memref_slice %arg2[%dma_start3A_108, %mul3A_107, %mul3A_20] : memref<91x900x1024xf32, #tpu.memory_space<hbm>> -> memref<46x8x128xf32, #tpu.memory_space<hbm>>
        %dma_start3A_110 = arith.constant 0 : i32
        %dma_start3A_111 = tpu.memref_slice %arg2[%dma_start3A_110, %mul3A_107, %mul3A_20] : memref<91x900x1024xf32, #tpu.memory_space<hbm>> -> memref<46x8x128xf32, #tpu.memory_space<hbm>>
        tpu.enqueue_dma source(%dma_start3A_111 : memref<46x8x128xf32, #tpu.memory_space<hbm>>) target(%arg6 : memref<46x8x128xf32, #tpu.memory_space<vmem>>) target_semaphore(%arg18 : memref<!tpu.dma_semaphore, #tpu.memory_space<semaphore_mem>>)
      } else {
      }
      %scan3A_98 = arith.constant 0 : i32
      %scan3A_99 = arith.constant 0 : i32
      %scan3A_100 = arith.constant 64 : i32
      %scan3A_101 = arith.addi %scan3A_99, %scan3A_100 : i32
      %scan3A_102 = arith.constant 1 : i32
      scf.for %scan3A_104 = %scan3A_99 to %scan3A_101 step %scan3A_102  : i32 {
        %jit3A_105 = arith.constant 8 : i32
        %div3A_106 = arith.divsi %scan3A_104, %jit3A_105 : i32
        %sign3A_107 = arith.constant 0 : i32
        %sign3A_108 = arith.cmpi sgt, %scan3A_104, %sign3A_107 : i32
        %sign3A_109 = arith.extui %sign3A_108 : i1 to i32
        %sign3A_110 = arith.constant 0 : i32
        %sign3A_111 = arith.cmpi slt, %scan3A_104, %sign3A_110 : i32
        %sign3A_112 = arith.extui %sign3A_111 : i1 to i32
        %sign3A_113 = arith.subi %sign3A_109, %sign3A_112 : i32
        %sign3A_114 = arith.constant 0 : i32
        %sign3A_115 = arith.cmpi sgt, %jit3A_105, %sign3A_114 : i32
        %sign3A_116 = arith.extui %sign3A_115 : i1 to i32
        %sign3A_117 = arith.constant 0 : i32
        %sign3A_118 = arith.cmpi slt, %jit3A_105, %sign3A_117 : i32
        %sign3A_119 = arith.extui %sign3A_118 : i1 to i32
        %sign3A_120 = arith.subi %sign3A_116, %sign3A_119 : i32
        %ne3A_121 = arith.cmpi ne, %sign3A_113, %sign3A_120 : i32
        %rem3A_122 = arith.remsi %scan3A_104, %jit3A_105 : i32
        %ne3A_123 = arith.constant 0 : i32
        %ne3A_124 = arith.cmpi ne, %rem3A_122, %ne3A_123 : i32
        %and3A_125 = arith.andi %ne3A_121, %ne3A_124 : i1
        %sub3A_126 = arith.constant 1 : i32
        %sub3A_127 = arith.subi %div3A_106, %sub3A_126 : i32
        %select_n3A_128 = arith.select %and3A_125, %sub3A_127, %div3A_106 : i32
        %rem3A_129 = arith.constant 8 : i32
        %rem3A_130 = arith.remsi %scan3A_104, %rem3A_129 : i32
        %mul3A_131 = arith.constant 16 : i32
        %mul3A_132 = arith.muli %mul3A_131, %rem3A_130 : i32
        %get3A = arith.index_cast %mul3A_132 : i32 to index
        %get3A_133 = tpu.vector_load %arg12[%get3A] {strides = array<i32>} : memref<128xf32, #tpu.memory_space<vmem>>, vector<16xf32>,
        %get3A_134 = arith.index_cast %mul3A_132 : i32 to index
        %get3A_135 = tpu.vector_load %arg13[%get3A_134] {strides = array<i32>} : memref<128xi32, #tpu.memory_space<vmem>>, vector<16xi32>,
        %broadcast_in_dim3A = arith.constant 0.000000e+00 : f32
        %broadcast_in_dim3A_136 = vector.broadcast %broadcast_in_dim3A : f32 to vector<16xf32>
        %broadcast_in_dim3A_137 = arith.constant 0.000000e+00 : f32
        %broadcast_in_dim3A_138 = vector.broadcast %broadcast_in_dim3A_137 : f32 to vector<16xf32>
        %broadcast_in_dim3A_139 = arith.constant 0.000000e+00 : f32
        %broadcast_in_dim3A_140 = vector.broadcast %broadcast_in_dim3A_139 : f32 to vector<16xf32>
        %broadcast_in_dim3A_141 = arith.constant 0.000000e+00 : f32
        %broadcast_in_dim3A_142 = vector.broadcast %broadcast_in_dim3A_141 : f32 to vector<16xf32>
        %get3A_143 = arith.constant 0 : i32
        %get3A_144 = arith.index_cast %get3A_143 : i32 to index
        %get3A_145 = arith.index_cast %select_n3A_128 : i32 to index
        %get3A_146 = arith.index_cast %mul3A_132 : i32 to index
        %get3A_147 = tpu.vector_load %arg7[%get3A_144, %get3A_145, %get3A_146] {strides = array<i32>} : memref<45x8x128xf32, #tpu.memory_space<vmem>>, vector<16xf32>,
        %exp3A = math.exp %get3A_147 : vector<16xf32>
        %add3A_148 = arith.addf %broadcast_in_dim3A_136, %exp3A : vector<16xf32>
        %get3A_149 = arith.constant 1 : i32
        %get3A_150 = arith.index_cast %get3A_149 : i32 to index
        %get3A_151 = arith.index_cast %select_n3A_128 : i32 to index
        %get3A_152 = arith.index_cast %mul3A_132 : i32 to index
        %get3A_153 = tpu.vector_load %arg7[%get3A_150, %get3A_151, %get3A_152] {strides = array<i32>} : memref<45x8x128xf32, #tpu.memory_space<vmem>>, vector<16xf32>,
        %exp3A_154 = math.exp %get3A_153 : vector<16xf32>
        %add3A_155 = arith.addf %broadcast_in_dim3A_138, %exp3A_154 : vector<16xf32>
        %get3A_156 = arith.constant 2 : i32
        %get3A_157 = arith.index_cast %get3A_156 : i32 to index
        %get3A_158 = arith.index_cast %select_n3A_128 : i32 to index
        %get3A_159 = arith.index_cast %mul3A_132 : i32 to index
        %get3A_160 = tpu.vector_load %arg7[%get3A_157, %get3A_158, %get3A_159] {strides = array<i32>} : memref<45x8x128xf32, #tpu.memory_space<vmem>>, vector<16xf32>,
        %exp3A_161 = math.exp %get3A_160 : vector<16xf32>
        %add3A_162 = arith.addf %broadcast_in_dim3A_140, %exp3A_161 : vector<16xf32>
        %get3A_163 = arith.constant 3 : i32
        %get3A_164 = arith.index_cast %get3A_163 : i32 to index
        %get3A_165 = arith.index_cast %select_n3A_128 : i32 to index
        %get3A_166 = arith.index_cast %mul3A_132 : i32 to index
        %get3A_167 = tpu.vector_load %arg7[%get3A_164, %get3A_165, %get3A_166] {strides = array<i32>} : memref<45x8x128xf32, #tpu.memory_space<vmem>>, vector<16xf32>,
        %exp3A_168 = math.exp %get3A_167 : vector<16xf32>
        %add3A_169 = arith.addf %broadcast_in_dim3A_142, %exp3A_168 : vector<16xf32>
        %get3A_170 = arith.constant 4 : i32
        %get3A_171 = arith.index_cast %get3A_170 : i32 to index
        %get3A_172 = arith.index_cast %select_n3A_128 : i32 to index
        %get3A_173 = arith.index_cast %mul3A_132 : i32 to index
        %get3A_174 = tpu.vector_load %arg7[%get3A_171, %get3A_172, %get3A_173] {strides = array<i32>} : memref<45x8x128xf32, #tpu.memory_space<vmem>>, vector<16xf32>,
        %exp3A_175 = math.exp %get3A_174 : vector<16xf32>
        %add3A_176 = arith.addf %add3A_148, %exp3A_175 : vector<16xf32>
        %get3A_177 = arith.constant 5 : i32
        %get3A_178 = arith.index_cast %get3A_177 : i32 to index
        %get3A_179 = arith.index_cast %select_n3A_128 : i32 to index
        %get3A_180 = arith.index_cast %mul3A_132 : i32 to index
        %get3A_181 = tpu.vector_load %arg7[%get3A_178, %get3A_179, %get3A_180] {strides = array<i32>} : memref<45x8x128xf32, #tpu.memory_space<vmem>>, vector<16xf32>,
        %exp3A_182 = math.exp %get3A_181 : vector<16xf32>
        %add3A_183 = arith.addf %add3A_155, %exp3A_182 : vector<16xf32>
        %get3A_184 = arith.constant 6 : i32
        %get3A_185 = arith.index_cast %get3A_184 : i32 to index
        %get3A_186 = arith.index_cast %select_n3A_128 : i32 to index
        %get3A_187 = arith.index_cast %mul3A_132 : i32 to index
        %get3A_188 = tpu.vector_load %arg7[%get3A_185, %get3A_186, %get3A_187] {strides = array<i32>} : memref<45x8x128xf32, #tpu.memory_space<vmem>>, vector<16xf32>,
        %exp3A_189 = math.exp %get3A_188 : vector<16xf32>
        %add3A_190 = arith.addf %add3A_162, %exp3A_189 : vector<16xf32>
        %get3A_191 = arith.constant 7 : i32
        %get3A_192 = arith.index_cast %get3A_191 : i32 to index
        %get3A_193 = arith.index_cast %select_n3A_128 : i32 to index
        %get3A_194 = arith.index_cast %mul3A_132 : i32 to index
        %get3A_195 = tpu.vector_load %arg7[%get3A_192, %get3A_193, %get3A_194] {strides = array<i32>} : memref<45x8x128xf32, #tpu.memory_space<vmem>>, vector<16xf32>,
        %exp3A_196 = math.exp %get3A_195 : vector<16xf32>
        %add3A_197 = arith.addf %add3A_169, %exp3A_196 : vector<16xf32>
        %get3A_198 = arith.constant 8 : i32
        %get3A_199 = arith.index_cast %get3A_198 : i32 to index
        %get3A_200 = arith.index_cast %select_n3A_128 : i32 to index
        %get3A_201 = arith.index_cast %mul3A_132 : i32 to index
        %get3A_202 = tpu.vector_load %arg7[%get3A_199, %get3A_200, %get3A_201] {strides = array<i32>} : memref<45x8x128xf32, #tpu.memory_space<vmem>>, vector<16xf32>,
        %exp3A_203 = math.exp %get3A_202 : vector<16xf32>
        %add3A_204 = arith.addf %add3A_176, %exp3A_203 : vector<16xf32>
        %get3A_205 = arith.constant 9 : i32
        %get3A_206 = arith.index_cast %get3A_205 : i32 to index
        %get3A_207 = arith.index_cast %select_n3A_128 : i32 to index
        %get3A_208 = arith.index_cast %mul3A_132 : i32 to index
        %get3A_209 = tpu.vector_load %arg7[%get3A_206, %get3A_207, %get3A_208] {strides = array<i32>} : memref<45x8x128xf32, #tpu.memory_space<vmem>>, vector<16xf32>,
        %exp3A_210 = math.exp %get3A_209 : vector<16xf32>
        %add3A_211 = arith.addf %add3A_183, %exp3A_210 : vector<16xf32>
        %get3A_212 = arith.constant 10 : i32
        %get3A_213 = arith.index_cast %get3A_212 : i32 to index
        %get3A_214 = arith.index_cast %select_n3A_128 : i32 to index
        %get3A_215 = arith.index_cast %mul3A_132 : i32 to index
        %get3A_216 = tpu.vector_load %arg7[%get3A_213, %get3A_214, %get3A_215] {strides = array<i32>} : memref<45x8x128xf32, #tpu.memory_space<vmem>>, vector<16xf32>,
        %exp3A_217 = math.exp %get3A_216 : vector<16xf32>
        %add3A_218 = arith.addf %add3A_190, %exp3A_217 : vector<16xf32>
        %get3A_219 = arith.constant 11 : i32
        %get3A_220 = arith.index_cast %get3A_219 : i32 to index
        %get3A_221 = arith.index_cast %select_n3A_128 : i32 to index
        %get3A_222 = arith.index_cast %mul3A_132 : i32 to index
        %get3A_223 = tpu.vector_load %arg7[%get3A_220, %get3A_221, %get3A_222] {strides = array<i32>} : memref<45x8x128xf32, #tpu.memory_space<vmem>>, vector<16xf32>,
        %exp3A_224 = math.exp %get3A_223 : vector<16xf32>
        %add3A_225 = arith.addf %add3A_197, %exp3A_224 : vector<16xf32>
        %get3A_226 = arith.constant 12 : i32
        %get3A_227 = arith.index_cast %get3A_226 : i32 to index
        %get3A_228 = arith.index_cast %select_n3A_128 : i32 to index
        %get3A_229 = arith.index_cast %mul3A_132 : i32 to index
        %get3A_230 = tpu.vector_load %arg7[%get3A_227, %get3A_228, %get3A_229] {strides = array<i32>} : memref<45x8x128xf32, #tpu.memory_space<vmem>>, vector<16xf32>,
        %exp3A_231 = math.exp %get3A_230 : vector<16xf32>
        %add3A_232 = arith.addf %add3A_204, %exp3A_231 : vector<16xf32>
        %get3A_233 = arith.constant 13 : i32
        %get3A_234 = arith.index_cast %get3A_233 : i32 to index
        %get3A_235 = arith.index_cast %select_n3A_128 : i32 to index
        %get3A_236 = arith.index_cast %mul3A_132 : i32 to index
        %get3A_237 = tpu.vector_load %arg7[%get3A_234, %get3A_235, %get3A_236] {strides = array<i32>} : memref<45x8x128xf32, #tpu.memory_space<vmem>>, vector<16xf32>,
        %exp3A_238 = math.exp %get3A_237 : vector<16xf32>
        %add3A_239 = arith.addf %add3A_211, %exp3A_238 : vector<16xf32>
        %get3A_240 = arith.constant 14 : i32
        %get3A_241 = arith.index_cast %get3A_240 : i32 to index
        %get3A_242 = arith.index_cast %select_n3A_128 : i32 to index
        %get3A_243 = arith.index_cast %mul3A_132 : i32 to index
        %get3A_244 = tpu.vector_load %arg7[%get3A_241, %get3A_242, %get3A_243] {strides = array<i32>} : memref<45x8x128xf32, #tpu.memory_space<vmem>>, vector<16xf32>,
        %exp3A_245 = math.exp %get3A_244 : vector<16xf32>
        %add3A_246 = arith.addf %add3A_218, %exp3A_245 : vector<16xf32>
        %get3A_247 = arith.constant 15 : i32
        %get3A_248 = arith.index_cast %get3A_247 : i32 to index
        %get3A_249 = arith.index_cast %select_n3A_128 : i32 to index
        %get3A_250 = arith.index_cast %mul3A_132 : i32 to index
        %get3A_251 = tpu.vector_load %arg7[%get3A_248, %get3A_249, %get3A_250] {strides = array<i32>} : memref<45x8x128xf32, #tpu.memory_space<vmem>>, vector<16xf32>,
        %exp3A_252 = math.exp %get3A_251 : vector<16xf32>
        %add3A_253 = arith.addf %add3A_225, %exp3A_252 : vector<16xf32>
        %get3A_254 = arith.constant 16 : i32
        %get3A_255 = arith.index_cast %get3A_254 : i32 to index
        %get3A_256 = arith.index_cast %select_n3A_128 : i32 to index
        %get3A_257 = arith.index_cast %mul3A_132 : i32 to index
        %get3A_258 = tpu.vector_load %arg7[%get3A_255, %get3A_256, %get3A_257] {strides = array<i32>} : memref<45x8x128xf32, #tpu.memory_space<vmem>>, vector<16xf32>,
        %exp3A_259 = math.exp %get3A_258 : vector<16xf32>
        %add3A_260 = arith.addf %add3A_232, %exp3A_259 : vector<16xf32>
        %get3A_261 = arith.constant 17 : i32
        %get3A_262 = arith.index_cast %get3A_261 : i32 to index
        %get3A_263 = arith.index_cast %select_n3A_128 : i32 to index
        %get3A_264 = arith.index_cast %mul3A_132 : i32 to index
        %get3A_265 = tpu.vector_load %arg7[%get3A_262, %get3A_263, %get3A_264] {strides = array<i32>} : memref<45x8x128xf32, #tpu.memory_space<vmem>>, vector<16xf32>,
        %exp3A_266 = math.exp %get3A_265 : vector<16xf32>
        %add3A_267 = arith.addf %add3A_239, %exp3A_266 : vector<16xf32>
        %get3A_268 = arith.constant 18 : i32
        %get3A_269 = arith.index_cast %get3A_268 : i32 to index
        %get3A_270 = arith.index_cast %select_n3A_128 : i32 to index
        %get3A_271 = arith.index_cast %mul3A_132 : i32 to index
        %get3A_272 = tpu.vector_load %arg7[%get3A_269, %get3A_270, %get3A_271] {strides = array<i32>} : memref<45x8x128xf32, #tpu.memory_space<vmem>>, vector<16xf32>,
        %exp3A_273 = math.exp %get3A_272 : vector<16xf32>
        %add3A_274 = arith.addf %add3A_246, %exp3A_273 : vector<16xf32>
        %get3A_275 = arith.constant 19 : i32
        %get3A_276 = arith.index_cast %get3A_275 : i32 to index
        %get3A_277 = arith.index_cast %select_n3A_128 : i32 to index
        %get3A_278 = arith.index_cast %mul3A_132 : i32 to index
        %get3A_279 = tpu.vector_load %arg7[%get3A_276, %get3A_277, %get3A_278] {strides = array<i32>} : memref<45x8x128xf32, #tpu.memory_space<vmem>>, vector<16xf32>,
        %exp3A_280 = math.exp %get3A_279 : vector<16xf32>
        %add3A_281 = arith.addf %add3A_253, %exp3A_280 : vector<16xf32>
        %get3A_282 = arith.constant 20 : i32
        %get3A_283 = arith.index_cast %get3A_282 : i32 to index
        %get3A_284 = arith.index_cast %select_n3A_128 : i32 to index
        %get3A_285 = arith.index_cast %mul3A_132 : i32 to index
        %get3A_286 = tpu.vector_load %arg7[%get3A_283, %get3A_284, %get3A_285] {strides = array<i32>} : memref<45x8x128xf32, #tpu.memory_space<vmem>>, vector<16xf32>,
        %exp3A_287 = math.exp %get3A_286 : vector<16xf32>
        %add3A_288 = arith.addf %add3A_260, %exp3A_287 : vector<16xf32>
        %get3A_289 = arith.constant 21 : i32
        %get3A_290 = arith.index_cast %get3A_289 : i32 to index
        %get3A_291 = arith.index_cast %select_n3A_128 : i32 to index
        %get3A_292 = arith.index_cast %mul3A_132 : i32 to index
        %get3A_293 = tpu.vector_load %arg7[%get3A_290, %get3A_291, %get3A_292] {strides = array<i32>} : memref<45x8x128xf32, #tpu.memory_space<vmem>>, vector<16xf32>,
        %exp3A_294 = math.exp %get3A_293 : vector<16xf32>
        %add3A_295 = arith.addf %add3A_267, %exp3A_294 : vector<16xf32>
        %get3A_296 = arith.constant 22 : i32
        %get3A_297 = arith.index_cast %get3A_296 : i32 to index
        %get3A_298 = arith.index_cast %select_n3A_128 : i32 to index
        %get3A_299 = arith.index_cast %mul3A_132 : i32 to index
        %get3A_300 = tpu.vector_load %arg7[%get3A_297, %get3A_298, %get3A_299] {strides = array<i32>} : memref<45x8x128xf32, #tpu.memory_space<vmem>>, vector<16xf32>,
        %exp3A_301 = math.exp %get3A_300 : vector<16xf32>
        %add3A_302 = arith.addf %add3A_274, %exp3A_301 : vector<16xf32>
        %get3A_303 = arith.constant 23 : i32
        %get3A_304 = arith.index_cast %get3A_303 : i32 to index
        %get3A_305 = arith.index_cast %select_n3A_128 : i32 to index
        %get3A_306 = arith.index_cast %mul3A_132 : i32 to index
        %get3A_307 = tpu.vector_load %arg7[%get3A_304, %get3A_305, %get3A_306] {strides = array<i32>} : memref<45x8x128xf32, #tpu.memory_space<vmem>>, vector<16xf32>,
        %exp3A_308 = math.exp %get3A_307 : vector<16xf32>
        %add3A_309 = arith.addf %add3A_281, %exp3A_308 : vector<16xf32>
        %get3A_310 = arith.constant 24 : i32
        %get3A_311 = arith.index_cast %get3A_310 : i32 to index
        %get3A_312 = arith.index_cast %select_n3A_128 : i32 to index
        %get3A_313 = arith.index_cast %mul3A_132 : i32 to index
        %get3A_314 = tpu.vector_load %arg7[%get3A_311, %get3A_312, %get3A_313] {strides = array<i32>} : memref<45x8x128xf32, #tpu.memory_space<vmem>>, vector<16xf32>,
        %exp3A_315 = math.exp %get3A_314 : vector<16xf32>
        %add3A_316 = arith.addf %add3A_288, %exp3A_315 : vector<16xf32>
        %get3A_317 = arith.constant 25 : i32
        %get3A_318 = arith.index_cast %get3A_317 : i32 to index
        %get3A_319 = arith.index_cast %select_n3A_128 : i32 to index
        %get3A_320 = arith.index_cast %mul3A_132 : i32 to index
        %get3A_321 = tpu.vector_load %arg7[%get3A_318, %get3A_319, %get3A_320] {strides = array<i32>} : memref<45x8x128xf32, #tpu.memory_space<vmem>>, vector<16xf32>,
        %exp3A_322 = math.exp %get3A_321 : vector<16xf32>
        %add3A_323 = arith.addf %add3A_295, %exp3A_322 : vector<16xf32>
        %get3A_324 = arith.constant 26 : i32
        %get3A_325 = arith.index_cast %get3A_324 : i32 to index
        %get3A_326 = arith.index_cast %select_n3A_128 : i32 to index
        %get3A_327 = arith.index_cast %mul3A_132 : i32 to index
        %get3A_328 = tpu.vector_load %arg7[%get3A_325, %get3A_326, %get3A_327] {strides = array<i32>} : memref<45x8x128xf32, #tpu.memory_space<vmem>>, vector<16xf32>,
        %exp3A_329 = math.exp %get3A_328 : vector<16xf32>
        %add3A_330 = arith.addf %add3A_302, %exp3A_329 : vector<16xf32>
        %get3A_331 = arith.constant 27 : i32
        %get3A_332 = arith.index_cast %get3A_331 : i32 to index
        %get3A_333 = arith.index_cast %select_n3A_128 : i32 to index
        %get3A_334 = arith.index_cast %mul3A_132 : i32 to index
        %get3A_335 = tpu.vector_load %arg7[%get3A_332, %get3A_333, %get3A_334] {strides = array<i32>} : memref<45x8x128xf32, #tpu.memory_space<vmem>>, vector<16xf32>,
        %exp3A_336 = math.exp %get3A_335 : vector<16xf32>
        %add3A_337 = arith.addf %add3A_309, %exp3A_336 : vector<16xf32>
        %get3A_338 = arith.constant 28 : i32
        %get3A_339 = arith.index_cast %get3A_338 : i32 to index
        %get3A_340 = arith.index_cast %select_n3A_128 : i32 to index
        %get3A_341 = arith.index_cast %mul3A_132 : i32 to index
        %get3A_342 = tpu.vector_load %arg7[%get3A_339, %get3A_340, %get3A_341] {strides = array<i32>} : memref<45x8x128xf32, #tpu.memory_space<vmem>>, vector<16xf32>,
        %exp3A_343 = math.exp %get3A_342 : vector<16xf32>
        %add3A_344 = arith.addf %add3A_316, %exp3A_343 : vector<16xf32>
        %get3A_345 = arith.constant 29 : i32
        %get3A_346 = arith.index_cast %get3A_345 : i32 to index
        %get3A_347 = arith.index_cast %select_n3A_128 : i32 to index
        %get3A_348 = arith.index_cast %mul3A_132 : i32 to index
        %get3A_349 = tpu.vector_load %arg7[%get3A_346, %get3A_347, %get3A_348] {strides = array<i32>} : memref<45x8x128xf32, #tpu.memory_space<vmem>>, vector<16xf32>,
        %exp3A_350 = math.exp %get3A_349 : vector<16xf32>
        %add3A_351 = arith.addf %add3A_323, %exp3A_350 : vector<16xf32>
        %get3A_352 = arith.constant 30 : i32
        %get3A_353 = arith.index_cast %get3A_352 : i32 to index
        %get3A_354 = arith.index_cast %select_n3A_128 : i32 to index
        %get3A_355 = arith.index_cast %mul3A_132 : i32 to index
        %get3A_356 = tpu.vector_load %arg7[%get3A_353, %get3A_354, %get3A_355] {strides = array<i32>} : memref<45x8x128xf32, #tpu.memory_space<vmem>>, vector<16xf32>,
        %exp3A_357 = math.exp %get3A_356 : vector<16xf32>
        %add3A_358 = arith.addf %add3A_330, %exp3A_357 : vector<16xf32>
        %get3A_359 = arith.constant 31 : i32
        %get3A_360 = arith.index_cast %get3A_359 : i32 to index
        %get3A_361 = arith.index_cast %select_n3A_128 : i32 to index
        %get3A_362 = arith.index_cast %mul3A_132 : i32 to index
        %get3A_363 = tpu.vector_load %arg7[%get3A_360, %get3A_361, %get3A_362] {strides = array<i32>} : memref<45x8x128xf32, #tpu.memory_space<vmem>>, vector<16xf32>,
        %exp3A_364 = math.exp %get3A_363 : vector<16xf32>
        %add3A_365 = arith.addf %add3A_337, %exp3A_364 : vector<16xf32>
        %get3A_366 = arith.constant 32 : i32
        %get3A_367 = arith.index_cast %get3A_366 : i32 to index
        %get3A_368 = arith.index_cast %select_n3A_128 : i32 to index
        %get3A_369 = arith.index_cast %mul3A_132 : i32 to index
        %get3A_370 = tpu.vector_load %arg7[%get3A_367, %get3A_368, %get3A_369] {strides = array<i32>} : memref<45x8x128xf32, #tpu.memory_space<vmem>>, vector<16xf32>,
        %exp3A_371 = math.exp %get3A_370 : vector<16xf32>
        %add3A_372 = arith.addf %add3A_344, %exp3A_371 : vector<16xf32>
        %get3A_373 = arith.constant 33 : i32
        %get3A_374 = arith.index_cast %get3A_373 : i32 to index
        %get3A_375 = arith.index_cast %select_n3A_128 : i32 to index
        %get3A_376 = arith.index_cast %mul3A_132 : i32 to index
        %get3A_377 = tpu.vector_load %arg7[%get3A_374, %get3A_375, %get3A_376] {strides = array<i32>} : memref<45x8x128xf32, #tpu.memory_space<vmem>>, vector<16xf32>,
        %exp3A_378 = math.exp %get3A_377 : vector<16xf32>
        %add3A_379 = arith.addf %add3A_351, %exp3A_378 : vector<16xf32>
        %get3A_380 = arith.constant 34 : i32
        %get3A_381 = arith.index_cast %get3A_380 : i32 to index
        %get3A_382 = arith.index_cast %select_n3A_128 : i32 to index
        %get3A_383 = arith.index_cast %mul3A_132 : i32 to index
        %get3A_384 = tpu.vector_load %arg7[%get3A_381, %get3A_382, %get3A_383] {strides = array<i32>} : memref<45x8x128xf32, #tpu.memory_space<vmem>>, vector<16xf32>,
        %exp3A_385 = math.exp %get3A_384 : vector<16xf32>
        %add3A_386 = arith.addf %add3A_358, %exp3A_385 : vector<16xf32>
        %get3A_387 = arith.constant 35 : i32
        %get3A_388 = arith.index_cast %get3A_387 : i32 to index
        %get3A_389 = arith.index_cast %select_n3A_128 : i32 to index
        %get3A_390 = arith.index_cast %mul3A_132 : i32 to index
        %get3A_391 = tpu.vector_load %arg7[%get3A_388, %get3A_389, %get3A_390] {strides = array<i32>} : memref<45x8x128xf32, #tpu.memory_space<vmem>>, vector<16xf32>,
        %exp3A_392 = math.exp %get3A_391 : vector<16xf32>
        %add3A_393 = arith.addf %add3A_365, %exp3A_392 : vector<16xf32>
        %get3A_394 = arith.constant 36 : i32
        %get3A_395 = arith.index_cast %get3A_394 : i32 to index
        %get3A_396 = arith.index_cast %select_n3A_128 : i32 to index
        %get3A_397 = arith.index_cast %mul3A_132 : i32 to index
        %get3A_398 = tpu.vector_load %arg7[%get3A_395, %get3A_396, %get3A_397] {strides = array<i32>} : memref<45x8x128xf32, #tpu.memory_space<vmem>>, vector<16xf32>,
        %exp3A_399 = math.exp %get3A_398 : vector<16xf32>
        %add3A_400 = arith.addf %add3A_372, %exp3A_399 : vector<16xf32>
        %get3A_401 = arith.constant 37 : i32
        %get3A_402 = arith.index_cast %get3A_401 : i32 to index
        %get3A_403 = arith.index_cast %select_n3A_128 : i32 to index
        %get3A_404 = arith.index_cast %mul3A_132 : i32 to index
        %get3A_405 = tpu.vector_load %arg7[%get3A_402, %get3A_403, %get3A_404] {strides = array<i32>} : memref<45x8x128xf32, #tpu.memory_space<vmem>>, vector<16xf32>,
        %exp3A_406 = math.exp %get3A_405 : vector<16xf32>
        %add3A_407 = arith.addf %add3A_379, %exp3A_406 : vector<16xf32>
        %get3A_408 = arith.constant 38 : i32
        %get3A_409 = arith.index_cast %get3A_408 : i32 to index
        %get3A_410 = arith.index_cast %select_n3A_128 : i32 to index
        %get3A_411 = arith.index_cast %mul3A_132 : i32 to index
        %get3A_412 = tpu.vector_load %arg7[%get3A_409, %get3A_410, %get3A_411] {strides = array<i32>} : memref<45x8x128xf32, #tpu.memory_space<vmem>>, vector<16xf32>,
        %exp3A_413 = math.exp %get3A_412 : vector<16xf32>
        %add3A_414 = arith.addf %add3A_386, %exp3A_413 : vector<16xf32>
        %get3A_415 = arith.constant 39 : i32
        %get3A_416 = arith.index_cast %get3A_415 : i32 to index
        %get3A_417 = arith.index_cast %select_n3A_128 : i32 to index
        %get3A_418 = arith.index_cast %mul3A_132 : i32 to index
        %get3A_419 = tpu.vector_load %arg7[%get3A_416, %get3A_417, %get3A_418] {strides = array<i32>} : memref<45x8x128xf32, #tpu.memory_space<vmem>>, vector<16xf32>,
        %exp3A_420 = math.exp %get3A_419 : vector<16xf32>
        %add3A_421 = arith.addf %add3A_393, %exp3A_420 : vector<16xf32>
        %get3A_422 = arith.constant 40 : i32
        %get3A_423 = arith.index_cast %get3A_422 : i32 to index
        %get3A_424 = arith.index_cast %select_n3A_128 : i32 to index
        %get3A_425 = arith.index_cast %mul3A_132 : i32 to index
        %get3A_426 = tpu.vector_load %arg7[%get3A_423, %get3A_424, %get3A_425] {strides = array<i32>} : memref<45x8x128xf32, #tpu.memory_space<vmem>>, vector<16xf32>,
        %exp3A_427 = math.exp %get3A_426 : vector<16xf32>
        %add3A_428 = arith.addf %add3A_400, %exp3A_427 : vector<16xf32>
        %get3A_429 = arith.constant 41 : i32
        %get3A_430 = arith.index_cast %get3A_429 : i32 to index
        %get3A_431 = arith.index_cast %select_n3A_128 : i32 to index
        %get3A_432 = arith.index_cast %mul3A_132 : i32 to index
        %get3A_433 = tpu.vector_load %arg7[%get3A_430, %get3A_431, %get3A_432] {strides = array<i32>} : memref<45x8x128xf32, #tpu.memory_space<vmem>>, vector<16xf32>,
        %exp3A_434 = math.exp %get3A_433 : vector<16xf32>
        %add3A_435 = arith.addf %add3A_407, %exp3A_434 : vector<16xf32>
        %get3A_436 = arith.constant 42 : i32
        %get3A_437 = arith.index_cast %get3A_436 : i32 to index
        %get3A_438 = arith.index_cast %select_n3A_128 : i32 to index
        %get3A_439 = arith.index_cast %mul3A_132 : i32 to index
        %get3A_440 = tpu.vector_load %arg7[%get3A_437, %get3A_438, %get3A_439] {strides = array<i32>} : memref<45x8x128xf32, #tpu.memory_space<vmem>>, vector<16xf32>,
        %exp3A_441 = math.exp %get3A_440 : vector<16xf32>
        %add3A_442 = arith.addf %add3A_414, %exp3A_441 : vector<16xf32>
        %get3A_443 = arith.constant 43 : i32
        %get3A_444 = arith.index_cast %get3A_443 : i32 to index
        %get3A_445 = arith.index_cast %select_n3A_128 : i32 to index
        %get3A_446 = arith.index_cast %mul3A_132 : i32 to index
        %get3A_447 = tpu.vector_load %arg7[%get3A_444, %get3A_445, %get3A_446] {strides = array<i32>} : memref<45x8x128xf32, #tpu.memory_space<vmem>>, vector<16xf32>,
        %exp3A_448 = math.exp %get3A_447 : vector<16xf32>
        %add3A_449 = arith.addf %add3A_421, %exp3A_448 : vector<16xf32>
        %get3A_450 = arith.constant 44 : i32
        %get3A_451 = arith.index_cast %get3A_450 : i32 to index
        %get3A_452 = arith.index_cast %select_n3A_128 : i32 to index
        %get3A_453 = arith.index_cast %mul3A_132 : i32 to index
        %get3A_454 = tpu.vector_load %arg7[%get3A_451, %get3A_452, %get3A_453] {strides = array<i32>} : memref<45x8x128xf32, #tpu.memory_space<vmem>>, vector<16xf32>,
        %exp3A_455 = math.exp %get3A_454 : vector<16xf32>
        %add3A_456 = arith.addf %add3A_428, %exp3A_455 : vector<16xf32>
        %get3A_457 = arith.index_cast %select_n3A_128 : i32 to index
        %get3A_458 = arith.index_cast %mul3A_132 : i32 to index
        %get3A_459 = tpu.vector_load %arg9[%get3A_457, %get3A_458] {strides = array<i32>} : memref<8x128xf32, #tpu.memory_space<vmem>>, vector<16xf32>,
        %add3A_460 = arith.addf %add3A_456, %add3A_435 : vector<16xf32>
        %add3A_461 = arith.addf %get3A_459, %add3A_460 : vector<16xf32>
        %add3A_462 = arith.addf %add3A_442, %add3A_449 : vector<16xf32>
        %add3A_463 = arith.addf %add3A_461, %add3A_462 : vector<16xf32>
        %get3A_464 = arith.index_cast %mul3A_132 : i32 to index
        %get3A_465 = tpu.vector_load %arg11[%get3A_464] {strides = array<i32>} : memref<128xi32, #tpu.memory_space<vmem>>, vector<16xi32>,
        %lt3A_466 = arith.constant 46 : i32
        %lt3A_467 = vector.broadcast %lt3A_466 : i32 to vector<16xi32>
        %lt3A_468 = arith.cmpi slt, %get3A_465, %lt3A_467 : vector<16xi32>
        %sub3A_469 = arith.constant 46 : i32
        %sub3A_470 = vector.broadcast %sub3A_469 : i32 to vector<16xi32>
        %sub3A_471 = arith.subi %get3A_465, %sub3A_470 : vector<16xi32>
        %jit3A_472 = arith.constant 0 : i32
        %broadcast_in_dim3A_473 = vector.broadcast %jit3A_472 : i32 to vector<16xi32>
        %select_n3A_474 = arith.select %lt3A_468, %broadcast_in_dim3A_473, %sub3A_471 : vector<16xi1>, vector<16xi32>
        %broadcast_in_dim3A_475 = vector.broadcast %select_n3A_128 : i32 to vector<16xi32>
        %add3A_476 = vector.broadcast %mul3A_132 : i32 to vector<16xi32>
        %add3A_477 = arith.addi %iota3A, %add3A_476 : vector<16xi32>
        %gather3A = tpu.vector_load_idx %arg7[%select_n3A_474, %broadcast_in_dim3A_475, %add3A_477] : memref<45x8x128xf32, #tpu.memory_space<vmem>>[vector<16xi32>, vector<16xi32>, vector<16xi32>], vector<16xf32>,
        %lt3A_478 = arith.constant 46 : i32
        %lt3A_479 = vector.broadcast %lt3A_478 : i32 to vector<16xi32>
        %lt3A_480 = arith.cmpi slt, %get3A_465, %lt3A_479 : vector<16xi32>
        %get3A_481 = arith.index_cast %select_n3A_128 : i32 to index
        %get3A_482 = arith.index_cast %mul3A_132 : i32 to index
        %get3A_483 = tpu.vector_load %arg10[%get3A_481, %get3A_482] {strides = array<i32>} : memref<8x128xf32, #tpu.memory_space<vmem>>, vector<16xf32>,
        %select_n3A_484 = arith.select %lt3A_480, %get3A_483, %gather3A : vector<16xi1>, vector<16xf32>
        %get3A_485 = arith.index_cast %select_n3A_128 : i32 to index
        %get3A_486 = arith.index_cast %mul3A_132 : i32 to index
        %get3A_487 = tpu.vector_load %arg8[%get3A_485, %get3A_486] {strides = array<i32>} : memref<8x128xf32, #tpu.memory_space<vmem>>, vector<16xf32>,
        %exp3A_488 = math.exp %select_n3A_484 : vector<16xf32>
        %neg3A = arith.constant 0.000000e+00 : f32
        %neg3A_489 = vector.broadcast %neg3A : f32 to vector<16xf32>
        %neg3A_490 = arith.subf %neg3A_489, %get3A_487 : vector<16xf32>
        %exp3A_491 = math.exp %neg3A_490 : vector<16xf32>
        %add3A_492 = arith.constant 1.000000e+00 : f32
        %add3A_493 = vector.broadcast %add3A_492 : f32 to vector<16xf32>
        %add3A_494 = arith.addf %add3A_493, %exp3A_491 : vector<16xf32>
        %mul3A_495 = arith.mulf %add3A_494, %add3A_463 : vector<16xf32>
        %div3A_496 = arith.divf %exp3A_488, %mul3A_495 : vector<16xf32>
        %gt3A = arith.cmpf ogt, %div3A_496, %get3A_133 : vector<16xf32>
        %add3A_497 = arith.addi %mul3A_59, %select_n3A_128 : i32
        %broadcast_in_dim3A_498 = vector.broadcast %add3A_497 : i32 to vector<16xi32>
        %select_n3A_499 = arith.select %gt3A, %div3A_496, %get3A_133 : vector<16xi1>, vector<16xf32>
        %swap3A = arith.index_cast %mul3A_132 : i32 to index
        %swap3A_500 = tpu.vector_load %arg12[%swap3A] {strides = array<i32>} : memref<128xf32, #tpu.memory_space<vmem>>, vector<16xf32>,
        tpu.vector_store %arg12[%swap3A], %select_n3A_499 {strides = array<i32>} : memref<128xf32, #tpu.memory_space<vmem>>, vector<16xf32>,
        %select_n3A_501 = arith.select %gt3A, %broadcast_in_dim3A_498, %get3A_135 : vector<16xi1>, vector<16xi32>
        %swap3A_502 = arith.index_cast %mul3A_132 : i32 to index
        %swap3A_503 = tpu.vector_load %arg13[%swap3A_502] {strides = array<i32>} : memref<128xi32, #tpu.memory_space<vmem>>, vector<16xi32>,
        tpu.vector_store %arg13[%swap3A_502], %select_n3A_501 {strides = array<i32>} : memref<128xi32, #tpu.memory_space<vmem>>, vector<16xi32>,
      }
      %scan3A_103 = arith.constant 64 : i32
    }
    "tpu.region"() ({
      %run_scoped3A = tpu.sem_alloc : memref<!tpu.dma_semaphore, #tpu.memory_space<semaphore_mem>>
      %dma_start3A_57 = arith.constant 0 : i32
      %dma_start3A_58 = arith.constant 0 : i32
      %dma_start3A_59 = arith.constant 0 : i32
      %dma_start3A_60 = tpu.memref_slice %arg6[%dma_start3A_57, %dma_start3A_58, %dma_start3A_59] : memref<46x8x128xf32, #tpu.memory_space<vmem>> -> memref<46x4x128xf32, #tpu.memory_space<vmem>>
      %dma_start3A_61 = arith.constant 0 : i32
      %dma_start3A_62 = arith.constant 896 : i32
      %dma_start3A_63 = tpu.memref_slice %arg2[%dma_start3A_61, %dma_start3A_62, %mul3A_20] : memref<91x900x1024xf32, #tpu.memory_space<hbm>> -> memref<46x4x128xf32, #tpu.memory_space<hbm>>
      %dma_start3A_64 = arith.constant 0 : i32
      %dma_start3A_65 = arith.constant 0 : i32
      %dma_start3A_66 = arith.constant 0 : i32
      %dma_start3A_67 = tpu.memref_slice %arg6[%dma_start3A_64, %dma_start3A_65, %dma_start3A_66] : memref<46x8x128xf32, #tpu.memory_space<vmem>> -> memref<46x4x128xf32, #tpu.memory_space<vmem>>
      %dma_start3A_68 = arith.constant 0 : i32
      %dma_start3A_69 = arith.constant 896 : i32
      %dma_start3A_70 = tpu.memref_slice %arg2[%dma_start3A_68, %dma_start3A_69, %mul3A_20] : memref<91x900x1024xf32, #tpu.memory_space<hbm>> -> memref<46x4x128xf32, #tpu.memory_space<hbm>>
      tpu.enqueue_dma source(%dma_start3A_70 : memref<46x4x128xf32, #tpu.memory_space<hbm>>) target(%dma_start3A_67 : memref<46x4x128xf32, #tpu.memory_space<vmem>>) target_semaphore(%run_scoped3A : memref<!tpu.dma_semaphore, #tpu.memory_space<semaphore_mem>>)
      %dma_wait3A = arith.constant 0 : i32
      %dma_wait3A_71 = arith.constant 0 : i32
      %dma_wait3A_72 = arith.constant 0 : i32
      %dma_wait3A_73 = tpu.memref_slice %arg6[%dma_wait3A, %dma_wait3A_71, %dma_wait3A_72] : memref<46x8x128xf32, #tpu.memory_space<vmem>> -> memref<46x4x128xf32, #tpu.memory_space<vmem>>
      %dma_wait3A_74 = arith.constant 0 : i32
      %dma_wait3A_75 = arith.constant 896 : i32
      %dma_wait3A_76 = tpu.memref_slice %arg2[%dma_wait3A_74, %dma_wait3A_75, %mul3A_20] : memref<91x900x1024xf32, #tpu.memory_space<hbm>> -> memref<46x4x128xf32, #tpu.memory_space<hbm>>
      %dma_wait3A_77 = arith.constant 0 : i32
      %dma_wait3A_78 = arith.constant 0 : i32
      %dma_wait3A_79 = arith.constant 0 : i32
      %dma_wait3A_80 = tpu.memref_slice %arg6[%dma_wait3A_77, %dma_wait3A_78, %dma_wait3A_79] : memref<46x8x128xf32, #tpu.memory_space<vmem>> -> memref<46x4x128xf32, #tpu.memory_space<vmem>>
      %dma_wait3A_81 = arith.constant 0 : i32
      %dma_wait3A_82 = arith.constant 896 : i32
      %dma_wait3A_83 = tpu.memref_slice %arg2[%dma_wait3A_81, %dma_wait3A_82, %mul3A_20] : memref<91x900x1024xf32, #tpu.memory_space<hbm>> -> memref<46x4x128xf32, #tpu.memory_space<hbm>>
      tpu.wait_dma2 semaphore(%run_scoped3A : memref<!tpu.dma_semaphore, #tpu.memory_space<semaphore_mem>>) src(%dma_wait3A_83 : memref<46x4x128xf32, #tpu.memory_space<hbm>>) dst(%dma_wait3A_80 : memref<46x4x128xf32, #tpu.memory_space<vmem>>)
      tpu.yield
    }) : () -> ()
    "tpu.region"() ({
      %run_scoped3A = tpu.sem_alloc : memref<!tpu.dma_semaphore, #tpu.memory_space<semaphore_mem>>
      %dma_start3A_57 = arith.constant 0 : i32
      %dma_start3A_58 = arith.constant 0 : i32
      %dma_start3A_59 = arith.constant 0 : i32
      %dma_start3A_60 = tpu.memref_slice %arg7[%dma_start3A_57, %dma_start3A_58, %dma_start3A_59] : memref<45x8x128xf32, #tpu.memory_space<vmem>> -> memref<45x4x128xf32, #tpu.memory_space<vmem>>
      %dma_start3A_61 = arith.constant 46 : i32
      %dma_start3A_62 = arith.constant 896 : i32
      %dma_start3A_63 = tpu.memref_slice %arg2[%dma_start3A_61, %dma_start3A_62, %mul3A_20] : memref<91x900x1024xf32, #tpu.memory_space<hbm>> -> memref<45x4x128xf32, #tpu.memory_space<hbm>>
      %dma_start3A_64 = arith.constant 0 : i32
      %dma_start3A_65 = arith.constant 0 : i32
      %dma_start3A_66 = arith.constant 0 : i32
      %dma_start3A_67 = tpu.memref_slice %arg7[%dma_start3A_64, %dma_start3A_65, %dma_start3A_66] : memref<45x8x128xf32, #tpu.memory_space<vmem>> -> memref<45x4x128xf32, #tpu.memory_space<vmem>>
      %dma_start3A_68 = arith.constant 46 : i32
      %dma_start3A_69 = arith.constant 896 : i32
      %dma_start3A_70 = tpu.memref_slice %arg2[%dma_start3A_68, %dma_start3A_69, %mul3A_20] : memref<91x900x1024xf32, #tpu.memory_space<hbm>> -> memref<45x4x128xf32, #tpu.memory_space<hbm>>
      tpu.enqueue_dma source(%dma_start3A_70 : memref<45x4x128xf32, #tpu.memory_space<hbm>>) target(%dma_start3A_67 : memref<45x4x128xf32, #tpu.memory_space<vmem>>) target_semaphore(%run_scoped3A : memref<!tpu.dma_semaphore, #tpu.memory_space<semaphore_mem>>)
      %dma_wait3A = arith.constant 0 : i32
      %dma_wait3A_71 = arith.constant 0 : i32
      %dma_wait3A_72 = arith.constant 0 : i32
      %dma_wait3A_73 = tpu.memref_slice %arg7[%dma_wait3A, %dma_wait3A_71, %dma_wait3A_72] : memref<45x8x128xf32, #tpu.memory_space<vmem>> -> memref<45x4x128xf32, #tpu.memory_space<vmem>>
      %dma_wait3A_74 = arith.constant 46 : i32
      %dma_wait3A_75 = arith.constant 896 : i32
      %dma_wait3A_76 = tpu.memref_slice %arg2[%dma_wait3A_74, %dma_wait3A_75, %mul3A_20] : memref<91x900x1024xf32, #tpu.memory_space<hbm>> -> memref<45x4x128xf32, #tpu.memory_space<hbm>>
      %dma_wait3A_77 = arith.constant 0 : i32
      %dma_wait3A_78 = arith.constant 0 : i32
      %dma_wait3A_79 = arith.constant 0 : i32
      %dma_wait3A_80 = tpu.memref_slice %arg7[%dma_wait3A_77, %dma_wait3A_78, %dma_wait3A_79] : memref<45x8x128xf32, #tpu.memory_space<vmem>> -> memref<45x4x128xf32, #tpu.memory_space<vmem>>
      %dma_wait3A_81 = arith.constant 46 : i32
      %dma_wait3A_82 = arith.constant 896 : i32
      %dma_wait3A_83 = tpu.memref_slice %arg2[%dma_wait3A_81, %dma_wait3A_82, %mul3A_20] : memref<91x900x1024xf32, #tpu.memory_space<hbm>> -> memref<45x4x128xf32, #tpu.memory_space<hbm>>
      tpu.wait_dma2 semaphore(%run_scoped3A : memref<!tpu.dma_semaphore, #tpu.memory_space<semaphore_mem>>) src(%dma_wait3A_83 : memref<45x4x128xf32, #tpu.memory_space<hbm>>) dst(%dma_wait3A_80 : memref<45x4x128xf32, #tpu.memory_space<vmem>>)
      tpu.yield
    }) : () -> ()
    "tpu.region"() ({
      %run_scoped3A = tpu.sem_alloc : memref<!tpu.dma_semaphore, #tpu.memory_space<semaphore_mem>>
      %dma_start3A_57 = arith.constant 0 : i32
      %dma_start3A_58 = arith.constant 0 : i32
      %dma_start3A_59 = tpu.memref_slice %arg8[%dma_start3A_57, %dma_start3A_58] : memref<8x128xf32, #tpu.memory_space<vmem>> -> memref<4x128xf32, #tpu.memory_space<vmem>>
      %dma_start3A_60 = arith.constant 896 : i32
      %dma_start3A_61 = tpu.memref_slice %arg3[%dma_start3A_60, %mul3A_20] : memref<900x1024xf32, #tpu.memory_space<hbm>> -> memref<4x128xf32, #tpu.memory_space<hbm>>
      %dma_start3A_62 = arith.constant 0 : i32
      %dma_start3A_63 = arith.constant 0 : i32
      %dma_start3A_64 = tpu.memref_slice %arg8[%dma_start3A_62, %dma_start3A_63] : memref<8x128xf32, #tpu.memory_space<vmem>> -> memref<4x128xf32, #tpu.memory_space<vmem>>
      %dma_start3A_65 = arith.constant 896 : i32
      %dma_start3A_66 = tpu.memref_slice %arg3[%dma_start3A_65, %mul3A_20] : memref<900x1024xf32, #tpu.memory_space<hbm>> -> memref<4x128xf32, #tpu.memory_space<hbm>>
      tpu.enqueue_dma source(%dma_start3A_66 : memref<4x128xf32, #tpu.memory_space<hbm>>) target(%dma_start3A_64 : memref<4x128xf32, #tpu.memory_space<vmem>>) target_semaphore(%run_scoped3A : memref<!tpu.dma_semaphore, #tpu.memory_space<semaphore_mem>>)
      %dma_wait3A = arith.constant 0 : i32
      %dma_wait3A_67 = arith.constant 0 : i32
      %dma_wait3A_68 = tpu.memref_slice %arg8[%dma_wait3A, %dma_wait3A_67] : memref<8x128xf32, #tpu.memory_space<vmem>> -> memref<4x128xf32, #tpu.memory_space<vmem>>
      %dma_wait3A_69 = arith.constant 896 : i32
      %dma_wait3A_70 = tpu.memref_slice %arg3[%dma_wait3A_69, %mul3A_20] : memref<900x1024xf32, #tpu.memory_space<hbm>> -> memref<4x128xf32, #tpu.memory_space<hbm>>
      %dma_wait3A_71 = arith.constant 0 : i32
      %dma_wait3A_72 = arith.constant 0 : i32
      %dma_wait3A_73 = tpu.memref_slice %arg8[%dma_wait3A_71, %dma_wait3A_72] : memref<8x128xf32, #tpu.memory_space<vmem>> -> memref<4x128xf32, #tpu.memory_space<vmem>>
      %dma_wait3A_74 = arith.constant 896 : i32
      %dma_wait3A_75 = tpu.memref_slice %arg3[%dma_wait3A_74, %mul3A_20] : memref<900x1024xf32, #tpu.memory_space<hbm>> -> memref<4x128xf32, #tpu.memory_space<hbm>>
      tpu.wait_dma2 semaphore(%run_scoped3A : memref<!tpu.dma_semaphore, #tpu.memory_space<semaphore_mem>>) src(%dma_wait3A_75 : memref<4x128xf32, #tpu.memory_space<hbm>>) dst(%dma_wait3A_73 : memref<4x128xf32, #tpu.memory_space<vmem>>)
      tpu.yield
    }) : () -> ()
    %scan3A_43 = arith.constant 0 : i32
    %scan3A_44 = arith.constant 0 : i32
    %scan3A_45 = arith.constant 32 : i32
    %scan3A_46 = arith.addi %scan3A_44, %scan3A_45 : i32
    %scan3A_47 = arith.constant 1 : i32
    scf.for %scan3A_57 = %scan3A_44 to %scan3A_46 step %scan3A_47  : i32 {
      %jit3A_58 = arith.constant 8 : i32
      %div3A_59 = arith.divsi %scan3A_57, %jit3A_58 : i32
      %sign3A_60 = arith.constant 0 : i32
      %sign3A_61 = arith.cmpi sgt, %scan3A_57, %sign3A_60 : i32
      %sign3A_62 = arith.extui %sign3A_61 : i1 to i32
      %sign3A_63 = arith.constant 0 : i32
      %sign3A_64 = arith.cmpi slt, %scan3A_57, %sign3A_63 : i32
      %sign3A_65 = arith.extui %sign3A_64 : i1 to i32
      %sign3A_66 = arith.subi %sign3A_62, %sign3A_65 : i32
      %sign3A_67 = arith.constant 0 : i32
      %sign3A_68 = arith.cmpi sgt, %jit3A_58, %sign3A_67 : i32
      %sign3A_69 = arith.extui %sign3A_68 : i1 to i32
      %sign3A_70 = arith.constant 0 : i32
      %sign3A_71 = arith.cmpi slt, %jit3A_58, %sign3A_70 : i32
      %sign3A_72 = arith.extui %sign3A_71 : i1 to i32
      %sign3A_73 = arith.subi %sign3A_69, %sign3A_72 : i32
      %ne3A_74 = arith.cmpi ne, %sign3A_66, %sign3A_73 : i32
      %rem3A_75 = arith.remsi %scan3A_57, %jit3A_58 : i32
      %ne3A_76 = arith.constant 0 : i32
      %ne3A_77 = arith.cmpi ne, %rem3A_75, %ne3A_76 : i32
      %and3A_78 = arith.andi %ne3A_74, %ne3A_77 : i1
      %sub3A_79 = arith.constant 1 : i32
      %sub3A_80 = arith.subi %div3A_59, %sub3A_79 : i32
      %select_n3A_81 = arith.select %and3A_78, %sub3A_80, %div3A_59 : i32
      %rem3A_82 = arith.constant 8 : i32
      %rem3A_83 = arith.remsi %scan3A_57, %rem3A_82 : i32
      %mul3A_84 = arith.constant 16 : i32
      %mul3A_85 = arith.muli %mul3A_84, %rem3A_83 : i32
      %broadcast_in_dim3A = arith.constant 0.000000e+00 : f32
      %broadcast_in_dim3A_86 = vector.broadcast %broadcast_in_dim3A : f32 to vector<16xf32>
      %broadcast_in_dim3A_87 = arith.constant 0.000000e+00 : f32
      %broadcast_in_dim3A_88 = vector.broadcast %broadcast_in_dim3A_87 : f32 to vector<16xf32>
      %broadcast_in_dim3A_89 = arith.constant 0.000000e+00 : f32
      %broadcast_in_dim3A_90 = vector.broadcast %broadcast_in_dim3A_89 : f32 to vector<16xf32>
      %broadcast_in_dim3A_91 = arith.constant 0.000000e+00 : f32
      %broadcast_in_dim3A_92 = vector.broadcast %broadcast_in_dim3A_91 : f32 to vector<16xf32>
      %get3A = arith.constant 0 : i32
      %get3A_93 = arith.index_cast %get3A : i32 to index
      %get3A_94 = arith.index_cast %select_n3A_81 : i32 to index
      %get3A_95 = arith.index_cast %mul3A_85 : i32 to index
      %get3A_96 = tpu.vector_load %arg6[%get3A_93, %get3A_94, %get3A_95] {strides = array<i32>} : memref<46x8x128xf32, #tpu.memory_space<vmem>>, vector<16xf32>,
      %exp3A = math.exp %get3A_96 : vector<16xf32>
      %add3A_97 = arith.addf %broadcast_in_dim3A_86, %exp3A : vector<16xf32>
      %get3A_98 = arith.constant 1 : i32
      %get3A_99 = arith.index_cast %get3A_98 : i32 to index
      %get3A_100 = arith.index_cast %select_n3A_81 : i32 to index
      %get3A_101 = arith.index_cast %mul3A_85 : i32 to index
      %get3A_102 = tpu.vector_load %arg6[%get3A_99, %get3A_100, %get3A_101] {strides = array<i32>} : memref<46x8x128xf32, #tpu.memory_space<vmem>>, vector<16xf32>,
      %exp3A_103 = math.exp %get3A_102 : vector<16xf32>
      %add3A_104 = arith.addf %broadcast_in_dim3A_88, %exp3A_103 : vector<16xf32>
      %get3A_105 = arith.constant 2 : i32
      %get3A_106 = arith.index_cast %get3A_105 : i32 to index
      %get3A_107 = arith.index_cast %select_n3A_81 : i32 to index
      %get3A_108 = arith.index_cast %mul3A_85 : i32 to index
      %get3A_109 = tpu.vector_load %arg6[%get3A_106, %get3A_107, %get3A_108] {strides = array<i32>} : memref<46x8x128xf32, #tpu.memory_space<vmem>>, vector<16xf32>,
      %exp3A_110 = math.exp %get3A_109 : vector<16xf32>
      %add3A_111 = arith.addf %broadcast_in_dim3A_90, %exp3A_110 : vector<16xf32>
      %get3A_112 = arith.constant 3 : i32
      %get3A_113 = arith.index_cast %get3A_112 : i32 to index
      %get3A_114 = arith.index_cast %select_n3A_81 : i32 to index
      %get3A_115 = arith.index_cast %mul3A_85 : i32 to index
      %get3A_116 = tpu.vector_load %arg6[%get3A_113, %get3A_114, %get3A_115] {strides = array<i32>} : memref<46x8x128xf32, #tpu.memory_space<vmem>>, vector<16xf32>,
      %exp3A_117 = math.exp %get3A_116 : vector<16xf32>
      %add3A_118 = arith.addf %broadcast_in_dim3A_92, %exp3A_117 : vector<16xf32>
      %get3A_119 = arith.constant 4 : i32
      %get3A_120 = arith.index_cast %get3A_119 : i32 to index
      %get3A_121 = arith.index_cast %select_n3A_81 : i32 to index
      %get3A_122 = arith.index_cast %mul3A_85 : i32 to index
      %get3A_123 = tpu.vector_load %arg6[%get3A_120, %get3A_121, %get3A_122] {strides = array<i32>} : memref<46x8x128xf32, #tpu.memory_space<vmem>>, vector<16xf32>,
      %exp3A_124 = math.exp %get3A_123 : vector<16xf32>
      %add3A_125 = arith.addf %add3A_97, %exp3A_124 : vector<16xf32>
      %get3A_126 = arith.constant 5 : i32
      %get3A_127 = arith.index_cast %get3A_126 : i32 to index
      %get3A_128 = arith.index_cast %select_n3A_81 : i32 to index
      %get3A_129 = arith.index_cast %mul3A_85 : i32 to index
      %get3A_130 = tpu.vector_load %arg6[%get3A_127, %get3A_128, %get3A_129] {strides = array<i32>} : memref<46x8x128xf32, #tpu.memory_space<vmem>>, vector<16xf32>,
      %exp3A_131 = math.exp %get3A_130 : vector<16xf32>
      %add3A_132 = arith.addf %add3A_104, %exp3A_131 : vector<16xf32>
      %get3A_133 = arith.constant 6 : i32
      %get3A_134 = arith.index_cast %get3A_133 : i32 to index
      %get3A_135 = arith.index_cast %select_n3A_81 : i32 to index
      %get3A_136 = arith.index_cast %mul3A_85 : i32 to index
      %get3A_137 = tpu.vector_load %arg6[%get3A_134, %get3A_135, %get3A_136] {strides = array<i32>} : memref<46x8x128xf32, #tpu.memory_space<vmem>>, vector<16xf32>,
      %exp3A_138 = math.exp %get3A_137 : vector<16xf32>
      %add3A_139 = arith.addf %add3A_111, %exp3A_138 : vector<16xf32>
      %get3A_140 = arith.constant 7 : i32
      %get3A_141 = arith.index_cast %get3A_140 : i32 to index
      %get3A_142 = arith.index_cast %select_n3A_81 : i32 to index
      %get3A_143 = arith.index_cast %mul3A_85 : i32 to index
      %get3A_144 = tpu.vector_load %arg6[%get3A_141, %get3A_142, %get3A_143] {strides = array<i32>} : memref<46x8x128xf32, #tpu.memory_space<vmem>>, vector<16xf32>,
      %exp3A_145 = math.exp %get3A_144 : vector<16xf32>
      %add3A_146 = arith.addf %add3A_118, %exp3A_145 : vector<16xf32>
      %get3A_147 = arith.constant 8 : i32
      %get3A_148 = arith.index_cast %get3A_147 : i32 to index
      %get3A_149 = arith.index_cast %select_n3A_81 : i32 to index
      %get3A_150 = arith.index_cast %mul3A_85 : i32 to index
      %get3A_151 = tpu.vector_load %arg6[%get3A_148, %get3A_149, %get3A_150] {strides = array<i32>} : memref<46x8x128xf32, #tpu.memory_space<vmem>>, vector<16xf32>,
      %exp3A_152 = math.exp %get3A_151 : vector<16xf32>
      %add3A_153 = arith.addf %add3A_125, %exp3A_152 : vector<16xf32>
      %get3A_154 = arith.constant 9 : i32
      %get3A_155 = arith.index_cast %get3A_154 : i32 to index
      %get3A_156 = arith.index_cast %select_n3A_81 : i32 to index
      %get3A_157 = arith.index_cast %mul3A_85 : i32 to index
      %get3A_158 = tpu.vector_load %arg6[%get3A_155, %get3A_156, %get3A_157] {strides = array<i32>} : memref<46x8x128xf32, #tpu.memory_space<vmem>>, vector<16xf32>,
      %exp3A_159 = math.exp %get3A_158 : vector<16xf32>
      %add3A_160 = arith.addf %add3A_132, %exp3A_159 : vector<16xf32>
      %get3A_161 = arith.constant 10 : i32
      %get3A_162 = arith.index_cast %get3A_161 : i32 to index
      %get3A_163 = arith.index_cast %select_n3A_81 : i32 to index
      %get3A_164 = arith.index_cast %mul3A_85 : i32 to index
      %get3A_165 = tpu.vector_load %arg6[%get3A_162, %get3A_163, %get3A_164] {strides = array<i32>} : memref<46x8x128xf32, #tpu.memory_space<vmem>>, vector<16xf32>,
      %exp3A_166 = math.exp %get3A_165 : vector<16xf32>
      %add3A_167 = arith.addf %add3A_139, %exp3A_166 : vector<16xf32>
      %get3A_168 = arith.constant 11 : i32
      %get3A_169 = arith.index_cast %get3A_168 : i32 to index
      %get3A_170 = arith.index_cast %select_n3A_81 : i32 to index
      %get3A_171 = arith.index_cast %mul3A_85 : i32 to index
      %get3A_172 = tpu.vector_load %arg6[%get3A_169, %get3A_170, %get3A_171] {strides = array<i32>} : memref<46x8x128xf32, #tpu.memory_space<vmem>>, vector<16xf32>,
      %exp3A_173 = math.exp %get3A_172 : vector<16xf32>
      %add3A_174 = arith.addf %add3A_146, %exp3A_173 : vector<16xf32>
      %get3A_175 = arith.constant 12 : i32
      %get3A_176 = arith.index_cast %get3A_175 : i32 to index
      %get3A_177 = arith.index_cast %select_n3A_81 : i32 to index
      %get3A_178 = arith.index_cast %mul3A_85 : i32 to index
      %get3A_179 = tpu.vector_load %arg6[%get3A_176, %get3A_177, %get3A_178] {strides = array<i32>} : memref<46x8x128xf32, #tpu.memory_space<vmem>>, vector<16xf32>,
      %exp3A_180 = math.exp %get3A_179 : vector<16xf32>
      %add3A_181 = arith.addf %add3A_153, %exp3A_180 : vector<16xf32>
      %get3A_182 = arith.constant 13 : i32
      %get3A_183 = arith.index_cast %get3A_182 : i32 to index
      %get3A_184 = arith.index_cast %select_n3A_81 : i32 to index
      %get3A_185 = arith.index_cast %mul3A_85 : i32 to index
      %get3A_186 = tpu.vector_load %arg6[%get3A_183, %get3A_184, %get3A_185] {strides = array<i32>} : memref<46x8x128xf32, #tpu.memory_space<vmem>>, vector<16xf32>,
      %exp3A_187 = math.exp %get3A_186 : vector<16xf32>
      %add3A_188 = arith.addf %add3A_160, %exp3A_187 : vector<16xf32>
      %get3A_189 = arith.constant 14 : i32
      %get3A_190 = arith.index_cast %get3A_189 : i32 to index
      %get3A_191 = arith.index_cast %select_n3A_81 : i32 to index
      %get3A_192 = arith.index_cast %mul3A_85 : i32 to index
      %get3A_193 = tpu.vector_load %arg6[%get3A_190, %get3A_191, %get3A_192] {strides = array<i32>} : memref<46x8x128xf32, #tpu.memory_space<vmem>>, vector<16xf32>,
      %exp3A_194 = math.exp %get3A_193 : vector<16xf32>
      %add3A_195 = arith.addf %add3A_167, %exp3A_194 : vector<16xf32>
      %get3A_196 = arith.constant 15 : i32
      %get3A_197 = arith.index_cast %get3A_196 : i32 to index
      %get3A_198 = arith.index_cast %select_n3A_81 : i32 to index
      %get3A_199 = arith.index_cast %mul3A_85 : i32 to index
      %get3A_200 = tpu.vector_load %arg6[%get3A_197, %get3A_198, %get3A_199] {strides = array<i32>} : memref<46x8x128xf32, #tpu.memory_space<vmem>>, vector<16xf32>,
      %exp3A_201 = math.exp %get3A_200 : vector<16xf32>
      %add3A_202 = arith.addf %add3A_174, %exp3A_201 : vector<16xf32>
      %get3A_203 = arith.constant 16 : i32
      %get3A_204 = arith.index_cast %get3A_203 : i32 to index
      %get3A_205 = arith.index_cast %select_n3A_81 : i32 to index
      %get3A_206 = arith.index_cast %mul3A_85 : i32 to index
      %get3A_207 = tpu.vector_load %arg6[%get3A_204, %get3A_205, %get3A_206] {strides = array<i32>} : memref<46x8x128xf32, #tpu.memory_space<vmem>>, vector<16xf32>,
      %exp3A_208 = math.exp %get3A_207 : vector<16xf32>
      %add3A_209 = arith.addf %add3A_181, %exp3A_208 : vector<16xf32>
      %get3A_210 = arith.constant 17 : i32
      %get3A_211 = arith.index_cast %get3A_210 : i32 to index
      %get3A_212 = arith.index_cast %select_n3A_81 : i32 to index
      %get3A_213 = arith.index_cast %mul3A_85 : i32 to index
      %get3A_214 = tpu.vector_load %arg6[%get3A_211, %get3A_212, %get3A_213] {strides = array<i32>} : memref<46x8x128xf32, #tpu.memory_space<vmem>>, vector<16xf32>,
      %exp3A_215 = math.exp %get3A_214 : vector<16xf32>
      %add3A_216 = arith.addf %add3A_188, %exp3A_215 : vector<16xf32>
      %get3A_217 = arith.constant 18 : i32
      %get3A_218 = arith.index_cast %get3A_217 : i32 to index
      %get3A_219 = arith.index_cast %select_n3A_81 : i32 to index
      %get3A_220 = arith.index_cast %mul3A_85 : i32 to index
      %get3A_221 = tpu.vector_load %arg6[%get3A_218, %get3A_219, %get3A_220] {strides = array<i32>} : memref<46x8x128xf32, #tpu.memory_space<vmem>>, vector<16xf32>,
      %exp3A_222 = math.exp %get3A_221 : vector<16xf32>
      %add3A_223 = arith.addf %add3A_195, %exp3A_222 : vector<16xf32>
      %get3A_224 = arith.constant 19 : i32
      %get3A_225 = arith.index_cast %get3A_224 : i32 to index
      %get3A_226 = arith.index_cast %select_n3A_81 : i32 to index
      %get3A_227 = arith.index_cast %mul3A_85 : i32 to index
      %get3A_228 = tpu.vector_load %arg6[%get3A_225, %get3A_226, %get3A_227] {strides = array<i32>} : memref<46x8x128xf32, #tpu.memory_space<vmem>>, vector<16xf32>,
      %exp3A_229 = math.exp %get3A_228 : vector<16xf32>
      %add3A_230 = arith.addf %add3A_202, %exp3A_229 : vector<16xf32>
      %get3A_231 = arith.constant 20 : i32
      %get3A_232 = arith.index_cast %get3A_231 : i32 to index
      %get3A_233 = arith.index_cast %select_n3A_81 : i32 to index
      %get3A_234 = arith.index_cast %mul3A_85 : i32 to index
      %get3A_235 = tpu.vector_load %arg6[%get3A_232, %get3A_233, %get3A_234] {strides = array<i32>} : memref<46x8x128xf32, #tpu.memory_space<vmem>>, vector<16xf32>,
      %exp3A_236 = math.exp %get3A_235 : vector<16xf32>
      %add3A_237 = arith.addf %add3A_209, %exp3A_236 : vector<16xf32>
      %get3A_238 = arith.constant 21 : i32
      %get3A_239 = arith.index_cast %get3A_238 : i32 to index
      %get3A_240 = arith.index_cast %select_n3A_81 : i32 to index
      %get3A_241 = arith.index_cast %mul3A_85 : i32 to index
      %get3A_242 = tpu.vector_load %arg6[%get3A_239, %get3A_240, %get3A_241] {strides = array<i32>} : memref<46x8x128xf32, #tpu.memory_space<vmem>>, vector<16xf32>,
      %exp3A_243 = math.exp %get3A_242 : vector<16xf32>
      %add3A_244 = arith.addf %add3A_216, %exp3A_243 : vector<16xf32>
      %get3A_245 = arith.constant 22 : i32
      %get3A_246 = arith.index_cast %get3A_245 : i32 to index
      %get3A_247 = arith.index_cast %select_n3A_81 : i32 to index
      %get3A_248 = arith.index_cast %mul3A_85 : i32 to index
      %get3A_249 = tpu.vector_load %arg6[%get3A_246, %get3A_247, %get3A_248] {strides = array<i32>} : memref<46x8x128xf32, #tpu.memory_space<vmem>>, vector<16xf32>,
      %exp3A_250 = math.exp %get3A_249 : vector<16xf32>
      %add3A_251 = arith.addf %add3A_223, %exp3A_250 : vector<16xf32>
      %get3A_252 = arith.constant 23 : i32
      %get3A_253 = arith.index_cast %get3A_252 : i32 to index
      %get3A_254 = arith.index_cast %select_n3A_81 : i32 to index
      %get3A_255 = arith.index_cast %mul3A_85 : i32 to index
      %get3A_256 = tpu.vector_load %arg6[%get3A_253, %get3A_254, %get3A_255] {strides = array<i32>} : memref<46x8x128xf32, #tpu.memory_space<vmem>>, vector<16xf32>,
      %exp3A_257 = math.exp %get3A_256 : vector<16xf32>
      %add3A_258 = arith.addf %add3A_230, %exp3A_257 : vector<16xf32>
      %get3A_259 = arith.constant 24 : i32
      %get3A_260 = arith.index_cast %get3A_259 : i32 to index
      %get3A_261 = arith.index_cast %select_n3A_81 : i32 to index
      %get3A_262 = arith.index_cast %mul3A_85 : i32 to index
      %get3A_263 = tpu.vector_load %arg6[%get3A_260, %get3A_261, %get3A_262] {strides = array<i32>} : memref<46x8x128xf32, #tpu.memory_space<vmem>>, vector<16xf32>,
      %exp3A_264 = math.exp %get3A_263 : vector<16xf32>
      %add3A_265 = arith.addf %add3A_237, %exp3A_264 : vector<16xf32>
      %get3A_266 = arith.constant 25 : i32
      %get3A_267 = arith.index_cast %get3A_266 : i32 to index
      %get3A_268 = arith.index_cast %select_n3A_81 : i32 to index
      %get3A_269 = arith.index_cast %mul3A_85 : i32 to index
      %get3A_270 = tpu.vector_load %arg6[%get3A_267, %get3A_268, %get3A_269] {strides = array<i32>} : memref<46x8x128xf32, #tpu.memory_space<vmem>>, vector<16xf32>,
      %exp3A_271 = math.exp %get3A_270 : vector<16xf32>
      %add3A_272 = arith.addf %add3A_244, %exp3A_271 : vector<16xf32>
      %get3A_273 = arith.constant 26 : i32
      %get3A_274 = arith.index_cast %get3A_273 : i32 to index
      %get3A_275 = arith.index_cast %select_n3A_81 : i32 to index
      %get3A_276 = arith.index_cast %mul3A_85 : i32 to index
      %get3A_277 = tpu.vector_load %arg6[%get3A_274, %get3A_275, %get3A_276] {strides = array<i32>} : memref<46x8x128xf32, #tpu.memory_space<vmem>>, vector<16xf32>,
      %exp3A_278 = math.exp %get3A_277 : vector<16xf32>
      %add3A_279 = arith.addf %add3A_251, %exp3A_278 : vector<16xf32>
      %get3A_280 = arith.constant 27 : i32
      %get3A_281 = arith.index_cast %get3A_280 : i32 to index
      %get3A_282 = arith.index_cast %select_n3A_81 : i32 to index
      %get3A_283 = arith.index_cast %mul3A_85 : i32 to index
      %get3A_284 = tpu.vector_load %arg6[%get3A_281, %get3A_282, %get3A_283] {strides = array<i32>} : memref<46x8x128xf32, #tpu.memory_space<vmem>>, vector<16xf32>,
      %exp3A_285 = math.exp %get3A_284 : vector<16xf32>
      %add3A_286 = arith.addf %add3A_258, %exp3A_285 : vector<16xf32>
      %get3A_287 = arith.constant 28 : i32
      %get3A_288 = arith.index_cast %get3A_287 : i32 to index
      %get3A_289 = arith.index_cast %select_n3A_81 : i32 to index
      %get3A_290 = arith.index_cast %mul3A_85 : i32 to index
      %get3A_291 = tpu.vector_load %arg6[%get3A_288, %get3A_289, %get3A_290] {strides = array<i32>} : memref<46x8x128xf32, #tpu.memory_space<vmem>>, vector<16xf32>,
      %exp3A_292 = math.exp %get3A_291 : vector<16xf32>
      %add3A_293 = arith.addf %add3A_265, %exp3A_292 : vector<16xf32>
      %get3A_294 = arith.constant 29 : i32
      %get3A_295 = arith.index_cast %get3A_294 : i32 to index
      %get3A_296 = arith.index_cast %select_n3A_81 : i32 to index
      %get3A_297 = arith.index_cast %mul3A_85 : i32 to index
      %get3A_298 = tpu.vector_load %arg6[%get3A_295, %get3A_296, %get3A_297] {strides = array<i32>} : memref<46x8x128xf32, #tpu.memory_space<vmem>>, vector<16xf32>,
      %exp3A_299 = math.exp %get3A_298 : vector<16xf32>
      %add3A_300 = arith.addf %add3A_272, %exp3A_299 : vector<16xf32>
      %get3A_301 = arith.constant 30 : i32
      %get3A_302 = arith.index_cast %get3A_301 : i32 to index
      %get3A_303 = arith.index_cast %select_n3A_81 : i32 to index
      %get3A_304 = arith.index_cast %mul3A_85 : i32 to index
      %get3A_305 = tpu.vector_load %arg6[%get3A_302, %get3A_303, %get3A_304] {strides = array<i32>} : memref<46x8x128xf32, #tpu.memory_space<vmem>>, vector<16xf32>,
      %exp3A_306 = math.exp %get3A_305 : vector<16xf32>
      %add3A_307 = arith.addf %add3A_279, %exp3A_306 : vector<16xf32>
      %get3A_308 = arith.constant 31 : i32
      %get3A_309 = arith.index_cast %get3A_308 : i32 to index
      %get3A_310 = arith.index_cast %select_n3A_81 : i32 to index
      %get3A_311 = arith.index_cast %mul3A_85 : i32 to index
      %get3A_312 = tpu.vector_load %arg6[%get3A_309, %get3A_310, %get3A_311] {strides = array<i32>} : memref<46x8x128xf32, #tpu.memory_space<vmem>>, vector<16xf32>,
      %exp3A_313 = math.exp %get3A_312 : vector<16xf32>
      %add3A_314 = arith.addf %add3A_286, %exp3A_313 : vector<16xf32>
      %get3A_315 = arith.constant 32 : i32
      %get3A_316 = arith.index_cast %get3A_315 : i32 to index
      %get3A_317 = arith.index_cast %select_n3A_81 : i32 to index
      %get3A_318 = arith.index_cast %mul3A_85 : i32 to index
      %get3A_319 = tpu.vector_load %arg6[%get3A_316, %get3A_317, %get3A_318] {strides = array<i32>} : memref<46x8x128xf32, #tpu.memory_space<vmem>>, vector<16xf32>,
      %exp3A_320 = math.exp %get3A_319 : vector<16xf32>
      %add3A_321 = arith.addf %add3A_293, %exp3A_320 : vector<16xf32>
      %get3A_322 = arith.constant 33 : i32
      %get3A_323 = arith.index_cast %get3A_322 : i32 to index
      %get3A_324 = arith.index_cast %select_n3A_81 : i32 to index
      %get3A_325 = arith.index_cast %mul3A_85 : i32 to index
      %get3A_326 = tpu.vector_load %arg6[%get3A_323, %get3A_324, %get3A_325] {strides = array<i32>} : memref<46x8x128xf32, #tpu.memory_space<vmem>>, vector<16xf32>,
      %exp3A_327 = math.exp %get3A_326 : vector<16xf32>
      %add3A_328 = arith.addf %add3A_300, %exp3A_327 : vector<16xf32>
      %get3A_329 = arith.constant 34 : i32
      %get3A_330 = arith.index_cast %get3A_329 : i32 to index
      %get3A_331 = arith.index_cast %select_n3A_81 : i32 to index
      %get3A_332 = arith.index_cast %mul3A_85 : i32 to index
      %get3A_333 = tpu.vector_load %arg6[%get3A_330, %get3A_331, %get3A_332] {strides = array<i32>} : memref<46x8x128xf32, #tpu.memory_space<vmem>>, vector<16xf32>,
      %exp3A_334 = math.exp %get3A_333 : vector<16xf32>
      %add3A_335 = arith.addf %add3A_307, %exp3A_334 : vector<16xf32>
      %get3A_336 = arith.constant 35 : i32
      %get3A_337 = arith.index_cast %get3A_336 : i32 to index
      %get3A_338 = arith.index_cast %select_n3A_81 : i32 to index
      %get3A_339 = arith.index_cast %mul3A_85 : i32 to index
      %get3A_340 = tpu.vector_load %arg6[%get3A_337, %get3A_338, %get3A_339] {strides = array<i32>} : memref<46x8x128xf32, #tpu.memory_space<vmem>>, vector<16xf32>,
      %exp3A_341 = math.exp %get3A_340 : vector<16xf32>
      %add3A_342 = arith.addf %add3A_314, %exp3A_341 : vector<16xf32>
      %get3A_343 = arith.constant 36 : i32
      %get3A_344 = arith.index_cast %get3A_343 : i32 to index
      %get3A_345 = arith.index_cast %select_n3A_81 : i32 to index
      %get3A_346 = arith.index_cast %mul3A_85 : i32 to index
      %get3A_347 = tpu.vector_load %arg6[%get3A_344, %get3A_345, %get3A_346] {strides = array<i32>} : memref<46x8x128xf32, #tpu.memory_space<vmem>>, vector<16xf32>,
      %exp3A_348 = math.exp %get3A_347 : vector<16xf32>
      %add3A_349 = arith.addf %add3A_321, %exp3A_348 : vector<16xf32>
      %get3A_350 = arith.constant 37 : i32
      %get3A_351 = arith.index_cast %get3A_350 : i32 to index
      %get3A_352 = arith.index_cast %select_n3A_81 : i32 to index
      %get3A_353 = arith.index_cast %mul3A_85 : i32 to index
      %get3A_354 = tpu.vector_load %arg6[%get3A_351, %get3A_352, %get3A_353] {strides = array<i32>} : memref<46x8x128xf32, #tpu.memory_space<vmem>>, vector<16xf32>,
      %exp3A_355 = math.exp %get3A_354 : vector<16xf32>
      %add3A_356 = arith.addf %add3A_328, %exp3A_355 : vector<16xf32>
      %get3A_357 = arith.constant 38 : i32
      %get3A_358 = arith.index_cast %get3A_357 : i32 to index
      %get3A_359 = arith.index_cast %select_n3A_81 : i32 to index
      %get3A_360 = arith.index_cast %mul3A_85 : i32 to index
      %get3A_361 = tpu.vector_load %arg6[%get3A_358, %get3A_359, %get3A_360] {strides = array<i32>} : memref<46x8x128xf32, #tpu.memory_space<vmem>>, vector<16xf32>,
      %exp3A_362 = math.exp %get3A_361 : vector<16xf32>
      %add3A_363 = arith.addf %add3A_335, %exp3A_362 : vector<16xf32>
      %get3A_364 = arith.constant 39 : i32
      %get3A_365 = arith.index_cast %get3A_364 : i32 to index
      %get3A_366 = arith.index_cast %select_n3A_81 : i32 to index
      %get3A_367 = arith.index_cast %mul3A_85 : i32 to index
      %get3A_368 = tpu.vector_load %arg6[%get3A_365, %get3A_366, %get3A_367] {strides = array<i32>} : memref<46x8x128xf32, #tpu.memory_space<vmem>>, vector<16xf32>,
      %exp3A_369 = math.exp %get3A_368 : vector<16xf32>
      %add3A_370 = arith.addf %add3A_342, %exp3A_369 : vector<16xf32>
      %get3A_371 = arith.constant 40 : i32
      %get3A_372 = arith.index_cast %get3A_371 : i32 to index
      %get3A_373 = arith.index_cast %select_n3A_81 : i32 to index
      %get3A_374 = arith.index_cast %mul3A_85 : i32 to index
      %get3A_375 = tpu.vector_load %arg6[%get3A_372, %get3A_373, %get3A_374] {strides = array<i32>} : memref<46x8x128xf32, #tpu.memory_space<vmem>>, vector<16xf32>,
      %exp3A_376 = math.exp %get3A_375 : vector<16xf32>
      %add3A_377 = arith.addf %add3A_349, %exp3A_376 : vector<16xf32>
      %get3A_378 = arith.constant 41 : i32
      %get3A_379 = arith.index_cast %get3A_378 : i32 to index
      %get3A_380 = arith.index_cast %select_n3A_81 : i32 to index
      %get3A_381 = arith.index_cast %mul3A_85 : i32 to index
      %get3A_382 = tpu.vector_load %arg6[%get3A_379, %get3A_380, %get3A_381] {strides = array<i32>} : memref<46x8x128xf32, #tpu.memory_space<vmem>>, vector<16xf32>,
      %exp3A_383 = math.exp %get3A_382 : vector<16xf32>
      %add3A_384 = arith.addf %add3A_356, %exp3A_383 : vector<16xf32>
      %get3A_385 = arith.constant 42 : i32
      %get3A_386 = arith.index_cast %get3A_385 : i32 to index
      %get3A_387 = arith.index_cast %select_n3A_81 : i32 to index
      %get3A_388 = arith.index_cast %mul3A_85 : i32 to index
      %get3A_389 = tpu.vector_load %arg6[%get3A_386, %get3A_387, %get3A_388] {strides = array<i32>} : memref<46x8x128xf32, #tpu.memory_space<vmem>>, vector<16xf32>,
      %exp3A_390 = math.exp %get3A_389 : vector<16xf32>
      %add3A_391 = arith.addf %add3A_363, %exp3A_390 : vector<16xf32>
      %get3A_392 = arith.constant 43 : i32
      %get3A_393 = arith.index_cast %get3A_392 : i32 to index
      %get3A_394 = arith.index_cast %select_n3A_81 : i32 to index
      %get3A_395 = arith.index_cast %mul3A_85 : i32 to index
      %get3A_396 = tpu.vector_load %arg6[%get3A_393, %get3A_394, %get3A_395] {strides = array<i32>} : memref<46x8x128xf32, #tpu.memory_space<vmem>>, vector<16xf32>,
      %exp3A_397 = math.exp %get3A_396 : vector<16xf32>
      %add3A_398 = arith.addf %add3A_370, %exp3A_397 : vector<16xf32>
      %get3A_399 = arith.constant 44 : i32
      %get3A_400 = arith.index_cast %get3A_399 : i32 to index
      %get3A_401 = arith.index_cast %select_n3A_81 : i32 to index
      %get3A_402 = arith.index_cast %mul3A_85 : i32 to index
      %get3A_403 = tpu.vector_load %arg6[%get3A_400, %get3A_401, %get3A_402] {strides = array<i32>} : memref<46x8x128xf32, #tpu.memory_space<vmem>>, vector<16xf32>,
      %exp3A_404 = math.exp %get3A_403 : vector<16xf32>
      %add3A_405 = arith.addf %add3A_377, %exp3A_404 : vector<16xf32>
      %get3A_406 = arith.constant 45 : i32
      %get3A_407 = arith.index_cast %get3A_406 : i32 to index
      %get3A_408 = arith.index_cast %select_n3A_81 : i32 to index
      %get3A_409 = arith.index_cast %mul3A_85 : i32 to index
      %get3A_410 = tpu.vector_load %arg6[%get3A_407, %get3A_408, %get3A_409] {strides = array<i32>} : memref<46x8x128xf32, #tpu.memory_space<vmem>>, vector<16xf32>,
      %exp3A_411 = math.exp %get3A_410 : vector<16xf32>
      %add3A_412 = arith.addf %add3A_405, %exp3A_411 : vector<16xf32>
      %add3A_413 = arith.addf %add3A_412, %add3A_384 : vector<16xf32>
      %add3A_414 = arith.addf %add3A_391, %add3A_398 : vector<16xf32>
      %add3A_415 = arith.addf %add3A_413, %add3A_414 : vector<16xf32>
      %swap3A = arith.index_cast %select_n3A_81 : i32 to index
      %swap3A_416 = arith.index_cast %mul3A_85 : i32 to index
      %swap3A_417 = tpu.vector_load %arg9[%swap3A, %swap3A_416] {strides = array<i32>} : memref<8x128xf32, #tpu.memory_space<vmem>>, vector<16xf32>,
      tpu.vector_store %arg9[%swap3A, %swap3A_416], %add3A_415 {strides = array<i32>} : memref<8x128xf32, #tpu.memory_space<vmem>>, vector<16xf32>,
      %get3A_418 = arith.index_cast %mul3A_85 : i32 to index
      %get3A_419 = tpu.vector_load %arg11[%get3A_418] {strides = array<i32>} : memref<128xi32, #tpu.memory_space<vmem>>, vector<16xi32>,
      %lt3A = arith.constant 46 : i32
      %lt3A_420 = vector.broadcast %lt3A : i32 to vector<16xi32>
      %lt3A_421 = arith.cmpi slt, %get3A_419, %lt3A_420 : vector<16xi32>
      %jit3A_422 = arith.constant 45 : i32
      %broadcast_in_dim3A_423 = vector.broadcast %jit3A_422 : i32 to vector<16xi32>
      %select_n3A_424 = arith.select %lt3A_421, %get3A_419, %broadcast_in_dim3A_423 : vector<16xi1>, vector<16xi32>
      %broadcast_in_dim3A_425 = vector.broadcast %select_n3A_81 : i32 to vector<16xi32>
      %add3A_426 = vector.broadcast %mul3A_85 : i32 to vector<16xi32>
      %add3A_427 = arith.addi %iota3A, %add3A_426 : vector<16xi32>
      %gather3A = tpu.vector_load_idx %arg6[%select_n3A_424, %broadcast_in_dim3A_425, %add3A_427] : memref<46x8x128xf32, #tpu.memory_space<vmem>>[vector<16xi32>, vector<16xi32>, vector<16xi32>], vector<16xf32>,
      %swap3A_428 = arith.index_cast %select_n3A_81 : i32 to index
      %swap3A_429 = arith.index_cast %mul3A_85 : i32 to index
      %swap3A_430 = tpu.vector_load %arg10[%swap3A_428, %swap3A_429] {strides = array<i32>} : memref<8x128xf32, #tpu.memory_space<vmem>>, vector<16xf32>,
      tpu.vector_store %arg10[%swap3A_428, %swap3A_429], %gather3A {strides = array<i32>} : memref<8x128xf32, #tpu.memory_space<vmem>>, vector<16xf32>,
    }
    %scan3A_48 = arith.constant 32 : i32
    %scan3A_49 = arith.constant 0 : i32
    %scan3A_50 = arith.constant 0 : i32
    %scan3A_51 = arith.constant 32 : i32
    %scan3A_52 = arith.addi %scan3A_50, %scan3A_51 : i32
    %scan3A_53 = arith.constant 1 : i32
    scf.for %scan3A_57 = %scan3A_50 to %scan3A_52 step %scan3A_53  : i32 {
      %jit3A_58 = arith.constant 8 : i32
      %div3A_59 = arith.divsi %scan3A_57, %jit3A_58 : i32
      %sign3A_60 = arith.constant 0 : i32
      %sign3A_61 = arith.cmpi sgt, %scan3A_57, %sign3A_60 : i32
      %sign3A_62 = arith.extui %sign3A_61 : i1 to i32
      %sign3A_63 = arith.constant 0 : i32
      %sign3A_64 = arith.cmpi slt, %scan3A_57, %sign3A_63 : i32
      %sign3A_65 = arith.extui %sign3A_64 : i1 to i32
      %sign3A_66 = arith.subi %sign3A_62, %sign3A_65 : i32
      %sign3A_67 = arith.constant 0 : i32
      %sign3A_68 = arith.cmpi sgt, %jit3A_58, %sign3A_67 : i32
      %sign3A_69 = arith.extui %sign3A_68 : i1 to i32
      %sign3A_70 = arith.constant 0 : i32
      %sign3A_71 = arith.cmpi slt, %jit3A_58, %sign3A_70 : i32
      %sign3A_72 = arith.extui %sign3A_71 : i1 to i32
      %sign3A_73 = arith.subi %sign3A_69, %sign3A_72 : i32
      %ne3A_74 = arith.cmpi ne, %sign3A_66, %sign3A_73 : i32
      %rem3A_75 = arith.remsi %scan3A_57, %jit3A_58 : i32
      %ne3A_76 = arith.constant 0 : i32
      %ne3A_77 = arith.cmpi ne, %rem3A_75, %ne3A_76 : i32
      %and3A_78 = arith.andi %ne3A_74, %ne3A_77 : i1
      %sub3A_79 = arith.constant 1 : i32
      %sub3A_80 = arith.subi %div3A_59, %sub3A_79 : i32
      %select_n3A_81 = arith.select %and3A_78, %sub3A_80, %div3A_59 : i32
      %rem3A_82 = arith.constant 8 : i32
      %rem3A_83 = arith.remsi %scan3A_57, %rem3A_82 : i32
      %mul3A_84 = arith.constant 16 : i32
      %mul3A_85 = arith.muli %mul3A_84, %rem3A_83 : i32
      %get3A = arith.index_cast %mul3A_85 : i32 to index
      %get3A_86 = tpu.vector_load %arg12[%get3A] {strides = array<i32>} : memref<128xf32, #tpu.memory_space<vmem>>, vector<16xf32>,
      %get3A_87 = arith.index_cast %mul3A_85 : i32 to index
      %get3A_88 = tpu.vector_load %arg13[%get3A_87] {strides = array<i32>} : memref<128xi32, #tpu.memory_space<vmem>>, vector<16xi32>,
      %broadcast_in_dim3A = arith.constant 0.000000e+00 : f32
      %broadcast_in_dim3A_89 = vector.broadcast %broadcast_in_dim3A : f32 to vector<16xf32>
      %broadcast_in_dim3A_90 = arith.constant 0.000000e+00 : f32
      %broadcast_in_dim3A_91 = vector.broadcast %broadcast_in_dim3A_90 : f32 to vector<16xf32>
      %broadcast_in_dim3A_92 = arith.constant 0.000000e+00 : f32
      %broadcast_in_dim3A_93 = vector.broadcast %broadcast_in_dim3A_92 : f32 to vector<16xf32>
      %broadcast_in_dim3A_94 = arith.constant 0.000000e+00 : f32
      %broadcast_in_dim3A_95 = vector.broadcast %broadcast_in_dim3A_94 : f32 to vector<16xf32>
      %get3A_96 = arith.constant 0 : i32
      %get3A_97 = arith.index_cast %get3A_96 : i32 to index
      %get3A_98 = arith.index_cast %select_n3A_81 : i32 to index
      %get3A_99 = arith.index_cast %mul3A_85 : i32 to index
      %get3A_100 = tpu.vector_load %arg7[%get3A_97, %get3A_98, %get3A_99] {strides = array<i32>} : memref<45x8x128xf32, #tpu.memory_space<vmem>>, vector<16xf32>,
      %exp3A = math.exp %get3A_100 : vector<16xf32>
      %add3A_101 = arith.addf %broadcast_in_dim3A_89, %exp3A : vector<16xf32>
      %get3A_102 = arith.constant 1 : i32
      %get3A_103 = arith.index_cast %get3A_102 : i32 to index
      %get3A_104 = arith.index_cast %select_n3A_81 : i32 to index
      %get3A_105 = arith.index_cast %mul3A_85 : i32 to index
      %get3A_106 = tpu.vector_load %arg7[%get3A_103, %get3A_104, %get3A_105] {strides = array<i32>} : memref<45x8x128xf32, #tpu.memory_space<vmem>>, vector<16xf32>,
      %exp3A_107 = math.exp %get3A_106 : vector<16xf32>
      %add3A_108 = arith.addf %broadcast_in_dim3A_91, %exp3A_107 : vector<16xf32>
      %get3A_109 = arith.constant 2 : i32
      %get3A_110 = arith.index_cast %get3A_109 : i32 to index
      %get3A_111 = arith.index_cast %select_n3A_81 : i32 to index
      %get3A_112 = arith.index_cast %mul3A_85 : i32 to index
      %get3A_113 = tpu.vector_load %arg7[%get3A_110, %get3A_111, %get3A_112] {strides = array<i32>} : memref<45x8x128xf32, #tpu.memory_space<vmem>>, vector<16xf32>,
      %exp3A_114 = math.exp %get3A_113 : vector<16xf32>
      %add3A_115 = arith.addf %broadcast_in_dim3A_93, %exp3A_114 : vector<16xf32>
      %get3A_116 = arith.constant 3 : i32
      %get3A_117 = arith.index_cast %get3A_116 : i32 to index
      %get3A_118 = arith.index_cast %select_n3A_81 : i32 to index
      %get3A_119 = arith.index_cast %mul3A_85 : i32 to index
      %get3A_120 = tpu.vector_load %arg7[%get3A_117, %get3A_118, %get3A_119] {strides = array<i32>} : memref<45x8x128xf32, #tpu.memory_space<vmem>>, vector<16xf32>,
      %exp3A_121 = math.exp %get3A_120 : vector<16xf32>
      %add3A_122 = arith.addf %broadcast_in_dim3A_95, %exp3A_121 : vector<16xf32>
      %get3A_123 = arith.constant 4 : i32
      %get3A_124 = arith.index_cast %get3A_123 : i32 to index
      %get3A_125 = arith.index_cast %select_n3A_81 : i32 to index
      %get3A_126 = arith.index_cast %mul3A_85 : i32 to index
      %get3A_127 = tpu.vector_load %arg7[%get3A_124, %get3A_125, %get3A_126] {strides = array<i32>} : memref<45x8x128xf32, #tpu.memory_space<vmem>>, vector<16xf32>,
      %exp3A_128 = math.exp %get3A_127 : vector<16xf32>
      %add3A_129 = arith.addf %add3A_101, %exp3A_128 : vector<16xf32>
      %get3A_130 = arith.constant 5 : i32
      %get3A_131 = arith.index_cast %get3A_130 : i32 to index
      %get3A_132 = arith.index_cast %select_n3A_81 : i32 to index
      %get3A_133 = arith.index_cast %mul3A_85 : i32 to index
      %get3A_134 = tpu.vector_load %arg7[%get3A_131, %get3A_132, %get3A_133] {strides = array<i32>} : memref<45x8x128xf32, #tpu.memory_space<vmem>>, vector<16xf32>,
      %exp3A_135 = math.exp %get3A_134 : vector<16xf32>
      %add3A_136 = arith.addf %add3A_108, %exp3A_135 : vector<16xf32>
      %get3A_137 = arith.constant 6 : i32
      %get3A_138 = arith.index_cast %get3A_137 : i32 to index
      %get3A_139 = arith.index_cast %select_n3A_81 : i32 to index
      %get3A_140 = arith.index_cast %mul3A_85 : i32 to index
      %get3A_141 = tpu.vector_load %arg7[%get3A_138, %get3A_139, %get3A_140] {strides = array<i32>} : memref<45x8x128xf32, #tpu.memory_space<vmem>>, vector<16xf32>,
      %exp3A_142 = math.exp %get3A_141 : vector<16xf32>
      %add3A_143 = arith.addf %add3A_115, %exp3A_142 : vector<16xf32>
      %get3A_144 = arith.constant 7 : i32
      %get3A_145 = arith.index_cast %get3A_144 : i32 to index
      %get3A_146 = arith.index_cast %select_n3A_81 : i32 to index
      %get3A_147 = arith.index_cast %mul3A_85 : i32 to index
      %get3A_148 = tpu.vector_load %arg7[%get3A_145, %get3A_146, %get3A_147] {strides = array<i32>} : memref<45x8x128xf32, #tpu.memory_space<vmem>>, vector<16xf32>,
      %exp3A_149 = math.exp %get3A_148 : vector<16xf32>
      %add3A_150 = arith.addf %add3A_122, %exp3A_149 : vector<16xf32>
      %get3A_151 = arith.constant 8 : i32
      %get3A_152 = arith.index_cast %get3A_151 : i32 to index
      %get3A_153 = arith.index_cast %select_n3A_81 : i32 to index
      %get3A_154 = arith.index_cast %mul3A_85 : i32 to index
      %get3A_155 = tpu.vector_load %arg7[%get3A_152, %get3A_153, %get3A_154] {strides = array<i32>} : memref<45x8x128xf32, #tpu.memory_space<vmem>>, vector<16xf32>,
      %exp3A_156 = math.exp %get3A_155 : vector<16xf32>
      %add3A_157 = arith.addf %add3A_129, %exp3A_156 : vector<16xf32>
      %get3A_158 = arith.constant 9 : i32
      %get3A_159 = arith.index_cast %get3A_158 : i32 to index
      %get3A_160 = arith.index_cast %select_n3A_81 : i32 to index
      %get3A_161 = arith.index_cast %mul3A_85 : i32 to index
      %get3A_162 = tpu.vector_load %arg7[%get3A_159, %get3A_160, %get3A_161] {strides = array<i32>} : memref<45x8x128xf32, #tpu.memory_space<vmem>>, vector<16xf32>,
      %exp3A_163 = math.exp %get3A_162 : vector<16xf32>
      %add3A_164 = arith.addf %add3A_136, %exp3A_163 : vector<16xf32>
      %get3A_165 = arith.constant 10 : i32
      %get3A_166 = arith.index_cast %get3A_165 : i32 to index
      %get3A_167 = arith.index_cast %select_n3A_81 : i32 to index
      %get3A_168 = arith.index_cast %mul3A_85 : i32 to index
      %get3A_169 = tpu.vector_load %arg7[%get3A_166, %get3A_167, %get3A_168] {strides = array<i32>} : memref<45x8x128xf32, #tpu.memory_space<vmem>>, vector<16xf32>,
      %exp3A_170 = math.exp %get3A_169 : vector<16xf32>
      %add3A_171 = arith.addf %add3A_143, %exp3A_170 : vector<16xf32>
      %get3A_172 = arith.constant 11 : i32
      %get3A_173 = arith.index_cast %get3A_172 : i32 to index
      %get3A_174 = arith.index_cast %select_n3A_81 : i32 to index
      %get3A_175 = arith.index_cast %mul3A_85 : i32 to index
      %get3A_176 = tpu.vector_load %arg7[%get3A_173, %get3A_174, %get3A_175] {strides = array<i32>} : memref<45x8x128xf32, #tpu.memory_space<vmem>>, vector<16xf32>,
      %exp3A_177 = math.exp %get3A_176 : vector<16xf32>
      %add3A_178 = arith.addf %add3A_150, %exp3A_177 : vector<16xf32>
      %get3A_179 = arith.constant 12 : i32
      %get3A_180 = arith.index_cast %get3A_179 : i32 to index
      %get3A_181 = arith.index_cast %select_n3A_81 : i32 to index
      %get3A_182 = arith.index_cast %mul3A_85 : i32 to index
      %get3A_183 = tpu.vector_load %arg7[%get3A_180, %get3A_181, %get3A_182] {strides = array<i32>} : memref<45x8x128xf32, #tpu.memory_space<vmem>>, vector<16xf32>,
      %exp3A_184 = math.exp %get3A_183 : vector<16xf32>
      %add3A_185 = arith.addf %add3A_157, %exp3A_184 : vector<16xf32>
      %get3A_186 = arith.constant 13 : i32
      %get3A_187 = arith.index_cast %get3A_186 : i32 to index
      %get3A_188 = arith.index_cast %select_n3A_81 : i32 to index
      %get3A_189 = arith.index_cast %mul3A_85 : i32 to index
      %get3A_190 = tpu.vector_load %arg7[%get3A_187, %get3A_188, %get3A_189] {strides = array<i32>} : memref<45x8x128xf32, #tpu.memory_space<vmem>>, vector<16xf32>,
      %exp3A_191 = math.exp %get3A_190 : vector<16xf32>
      %add3A_192 = arith.addf %add3A_164, %exp3A_191 : vector<16xf32>
      %get3A_193 = arith.constant 14 : i32
      %get3A_194 = arith.index_cast %get3A_193 : i32 to index
      %get3A_195 = arith.index_cast %select_n3A_81 : i32 to index
      %get3A_196 = arith.index_cast %mul3A_85 : i32 to index
      %get3A_197 = tpu.vector_load %arg7[%get3A_194, %get3A_195, %get3A_196] {strides = array<i32>} : memref<45x8x128xf32, #tpu.memory_space<vmem>>, vector<16xf32>,
      %exp3A_198 = math.exp %get3A_197 : vector<16xf32>
      %add3A_199 = arith.addf %add3A_171, %exp3A_198 : vector<16xf32>
      %get3A_200 = arith.constant 15 : i32
      %get3A_201 = arith.index_cast %get3A_200 : i32 to index
      %get3A_202 = arith.index_cast %select_n3A_81 : i32 to index
      %get3A_203 = arith.index_cast %mul3A_85 : i32 to index
      %get3A_204 = tpu.vector_load %arg7[%get3A_201, %get3A_202, %get3A_203] {strides = array<i32>} : memref<45x8x128xf32, #tpu.memory_space<vmem>>, vector<16xf32>,
      %exp3A_205 = math.exp %get3A_204 : vector<16xf32>
      %add3A_206 = arith.addf %add3A_178, %exp3A_205 : vector<16xf32>
      %get3A_207 = arith.constant 16 : i32
      %get3A_208 = arith.index_cast %get3A_207 : i32 to index
      %get3A_209 = arith.index_cast %select_n3A_81 : i32 to index
      %get3A_210 = arith.index_cast %mul3A_85 : i32 to index
      %get3A_211 = tpu.vector_load %arg7[%get3A_208, %get3A_209, %get3A_210] {strides = array<i32>} : memref<45x8x128xf32, #tpu.memory_space<vmem>>, vector<16xf32>,
      %exp3A_212 = math.exp %get3A_211 : vector<16xf32>
      %add3A_213 = arith.addf %add3A_185, %exp3A_212 : vector<16xf32>
      %get3A_214 = arith.constant 17 : i32
      %get3A_215 = arith.index_cast %get3A_214 : i32 to index
      %get3A_216 = arith.index_cast %select_n3A_81 : i32 to index
      %get3A_217 = arith.index_cast %mul3A_85 : i32 to index
      %get3A_218 = tpu.vector_load %arg7[%get3A_215, %get3A_216, %get3A_217] {strides = array<i32>} : memref<45x8x128xf32, #tpu.memory_space<vmem>>, vector<16xf32>,
      %exp3A_219 = math.exp %get3A_218 : vector<16xf32>
      %add3A_220 = arith.addf %add3A_192, %exp3A_219 : vector<16xf32>
      %get3A_221 = arith.constant 18 : i32
      %get3A_222 = arith.index_cast %get3A_221 : i32 to index
      %get3A_223 = arith.index_cast %select_n3A_81 : i32 to index
      %get3A_224 = arith.index_cast %mul3A_85 : i32 to index
      %get3A_225 = tpu.vector_load %arg7[%get3A_222, %get3A_223, %get3A_224] {strides = array<i32>} : memref<45x8x128xf32, #tpu.memory_space<vmem>>, vector<16xf32>,
      %exp3A_226 = math.exp %get3A_225 : vector<16xf32>
      %add3A_227 = arith.addf %add3A_199, %exp3A_226 : vector<16xf32>
      %get3A_228 = arith.constant 19 : i32
      %get3A_229 = arith.index_cast %get3A_228 : i32 to index
      %get3A_230 = arith.index_cast %select_n3A_81 : i32 to index
      %get3A_231 = arith.index_cast %mul3A_85 : i32 to index
      %get3A_232 = tpu.vector_load %arg7[%get3A_229, %get3A_230, %get3A_231] {strides = array<i32>} : memref<45x8x128xf32, #tpu.memory_space<vmem>>, vector<16xf32>,
      %exp3A_233 = math.exp %get3A_232 : vector<16xf32>
      %add3A_234 = arith.addf %add3A_206, %exp3A_233 : vector<16xf32>
      %get3A_235 = arith.constant 20 : i32
      %get3A_236 = arith.index_cast %get3A_235 : i32 to index
      %get3A_237 = arith.index_cast %select_n3A_81 : i32 to index
      %get3A_238 = arith.index_cast %mul3A_85 : i32 to index
      %get3A_239 = tpu.vector_load %arg7[%get3A_236, %get3A_237, %get3A_238] {strides = array<i32>} : memref<45x8x128xf32, #tpu.memory_space<vmem>>, vector<16xf32>,
      %exp3A_240 = math.exp %get3A_239 : vector<16xf32>
      %add3A_241 = arith.addf %add3A_213, %exp3A_240 : vector<16xf32>
      %get3A_242 = arith.constant 21 : i32
      %get3A_243 = arith.index_cast %get3A_242 : i32 to index
      %get3A_244 = arith.index_cast %select_n3A_81 : i32 to index
      %get3A_245 = arith.index_cast %mul3A_85 : i32 to index
      %get3A_246 = tpu.vector_load %arg7[%get3A_243, %get3A_244, %get3A_245] {strides = array<i32>} : memref<45x8x128xf32, #tpu.memory_space<vmem>>, vector<16xf32>,
      %exp3A_247 = math.exp %get3A_246 : vector<16xf32>
      %add3A_248 = arith.addf %add3A_220, %exp3A_247 : vector<16xf32>
      %get3A_249 = arith.constant 22 : i32
      %get3A_250 = arith.index_cast %get3A_249 : i32 to index
      %get3A_251 = arith.index_cast %select_n3A_81 : i32 to index
      %get3A_252 = arith.index_cast %mul3A_85 : i32 to index
      %get3A_253 = tpu.vector_load %arg7[%get3A_250, %get3A_251, %get3A_252] {strides = array<i32>} : memref<45x8x128xf32, #tpu.memory_space<vmem>>, vector<16xf32>,
      %exp3A_254 = math.exp %get3A_253 : vector<16xf32>
      %add3A_255 = arith.addf %add3A_227, %exp3A_254 : vector<16xf32>
      %get3A_256 = arith.constant 23 : i32
      %get3A_257 = arith.index_cast %get3A_256 : i32 to index
      %get3A_258 = arith.index_cast %select_n3A_81 : i32 to index
      %get3A_259 = arith.index_cast %mul3A_85 : i32 to index
      %get3A_260 = tpu.vector_load %arg7[%get3A_257, %get3A_258, %get3A_259] {strides = array<i32>} : memref<45x8x128xf32, #tpu.memory_space<vmem>>, vector<16xf32>,
      %exp3A_261 = math.exp %get3A_260 : vector<16xf32>
      %add3A_262 = arith.addf %add3A_234, %exp3A_261 : vector<16xf32>
      %get3A_263 = arith.constant 24 : i32
      %get3A_264 = arith.index_cast %get3A_263 : i32 to index
      %get3A_265 = arith.index_cast %select_n3A_81 : i32 to index
      %get3A_266 = arith.index_cast %mul3A_85 : i32 to index
      %get3A_267 = tpu.vector_load %arg7[%get3A_264, %get3A_265, %get3A_266] {strides = array<i32>} : memref<45x8x128xf32, #tpu.memory_space<vmem>>, vector<16xf32>,
      %exp3A_268 = math.exp %get3A_267 : vector<16xf32>
      %add3A_269 = arith.addf %add3A_241, %exp3A_268 : vector<16xf32>
      %get3A_270 = arith.constant 25 : i32
      %get3A_271 = arith.index_cast %get3A_270 : i32 to index
      %get3A_272 = arith.index_cast %select_n3A_81 : i32 to index
      %get3A_273 = arith.index_cast %mul3A_85 : i32 to index
      %get3A_274 = tpu.vector_load %arg7[%get3A_271, %get3A_272, %get3A_273] {strides = array<i32>} : memref<45x8x128xf32, #tpu.memory_space<vmem>>, vector<16xf32>,
      %exp3A_275 = math.exp %get3A_274 : vector<16xf32>
      %add3A_276 = arith.addf %add3A_248, %exp3A_275 : vector<16xf32>
      %get3A_277 = arith.constant 26 : i32
      %get3A_278 = arith.index_cast %get3A_277 : i32 to index
      %get3A_279 = arith.index_cast %select_n3A_81 : i32 to index
      %get3A_280 = arith.index_cast %mul3A_85 : i32 to index
      %get3A_281 = tpu.vector_load %arg7[%get3A_278, %get3A_279, %get3A_280] {strides = array<i32>} : memref<45x8x128xf32, #tpu.memory_space<vmem>>, vector<16xf32>,
      %exp3A_282 = math.exp %get3A_281 : vector<16xf32>
      %add3A_283 = arith.addf %add3A_255, %exp3A_282 : vector<16xf32>
      %get3A_284 = arith.constant 27 : i32
      %get3A_285 = arith.index_cast %get3A_284 : i32 to index
      %get3A_286 = arith.index_cast %select_n3A_81 : i32 to index
      %get3A_287 = arith.index_cast %mul3A_85 : i32 to index
      %get3A_288 = tpu.vector_load %arg7[%get3A_285, %get3A_286, %get3A_287] {strides = array<i32>} : memref<45x8x128xf32, #tpu.memory_space<vmem>>, vector<16xf32>,
      %exp3A_289 = math.exp %get3A_288 : vector<16xf32>
      %add3A_290 = arith.addf %add3A_262, %exp3A_289 : vector<16xf32>
      %get3A_291 = arith.constant 28 : i32
      %get3A_292 = arith.index_cast %get3A_291 : i32 to index
      %get3A_293 = arith.index_cast %select_n3A_81 : i32 to index
      %get3A_294 = arith.index_cast %mul3A_85 : i32 to index
      %get3A_295 = tpu.vector_load %arg7[%get3A_292, %get3A_293, %get3A_294] {strides = array<i32>} : memref<45x8x128xf32, #tpu.memory_space<vmem>>, vector<16xf32>,
      %exp3A_296 = math.exp %get3A_295 : vector<16xf32>
      %add3A_297 = arith.addf %add3A_269, %exp3A_296 : vector<16xf32>
      %get3A_298 = arith.constant 29 : i32
      %get3A_299 = arith.index_cast %get3A_298 : i32 to index
      %get3A_300 = arith.index_cast %select_n3A_81 : i32 to index
      %get3A_301 = arith.index_cast %mul3A_85 : i32 to index
      %get3A_302 = tpu.vector_load %arg7[%get3A_299, %get3A_300, %get3A_301] {strides = array<i32>} : memref<45x8x128xf32, #tpu.memory_space<vmem>>, vector<16xf32>,
      %exp3A_303 = math.exp %get3A_302 : vector<16xf32>
      %add3A_304 = arith.addf %add3A_276, %exp3A_303 : vector<16xf32>
      %get3A_305 = arith.constant 30 : i32
      %get3A_306 = arith.index_cast %get3A_305 : i32 to index
      %get3A_307 = arith.index_cast %select_n3A_81 : i32 to index
      %get3A_308 = arith.index_cast %mul3A_85 : i32 to index
      %get3A_309 = tpu.vector_load %arg7[%get3A_306, %get3A_307, %get3A_308] {strides = array<i32>} : memref<45x8x128xf32, #tpu.memory_space<vmem>>, vector<16xf32>,
      %exp3A_310 = math.exp %get3A_309 : vector<16xf32>
      %add3A_311 = arith.addf %add3A_283, %exp3A_310 : vector<16xf32>
      %get3A_312 = arith.constant 31 : i32
      %get3A_313 = arith.index_cast %get3A_312 : i32 to index
      %get3A_314 = arith.index_cast %select_n3A_81 : i32 to index
      %get3A_315 = arith.index_cast %mul3A_85 : i32 to index
      %get3A_316 = tpu.vector_load %arg7[%get3A_313, %get3A_314, %get3A_315] {strides = array<i32>} : memref<45x8x128xf32, #tpu.memory_space<vmem>>, vector<16xf32>,
      %exp3A_317 = math.exp %get3A_316 : vector<16xf32>
      %add3A_318 = arith.addf %add3A_290, %exp3A_317 : vector<16xf32>
      %get3A_319 = arith.constant 32 : i32
      %get3A_320 = arith.index_cast %get3A_319 : i32 to index
      %get3A_321 = arith.index_cast %select_n3A_81 : i32 to index
      %get3A_322 = arith.index_cast %mul3A_85 : i32 to index
      %get3A_323 = tpu.vector_load %arg7[%get3A_320, %get3A_321, %get3A_322] {strides = array<i32>} : memref<45x8x128xf32, #tpu.memory_space<vmem>>, vector<16xf32>,
      %exp3A_324 = math.exp %get3A_323 : vector<16xf32>
      %add3A_325 = arith.addf %add3A_297, %exp3A_324 : vector<16xf32>
      %get3A_326 = arith.constant 33 : i32
      %get3A_327 = arith.index_cast %get3A_326 : i32 to index
      %get3A_328 = arith.index_cast %select_n3A_81 : i32 to index
      %get3A_329 = arith.index_cast %mul3A_85 : i32 to index
      %get3A_330 = tpu.vector_load %arg7[%get3A_327, %get3A_328, %get3A_329] {strides = array<i32>} : memref<45x8x128xf32, #tpu.memory_space<vmem>>, vector<16xf32>,
      %exp3A_331 = math.exp %get3A_330 : vector<16xf32>
      %add3A_332 = arith.addf %add3A_304, %exp3A_331 : vector<16xf32>
      %get3A_333 = arith.constant 34 : i32
      %get3A_334 = arith.index_cast %get3A_333 : i32 to index
      %get3A_335 = arith.index_cast %select_n3A_81 : i32 to index
      %get3A_336 = arith.index_cast %mul3A_85 : i32 to index
      %get3A_337 = tpu.vector_load %arg7[%get3A_334, %get3A_335, %get3A_336] {strides = array<i32>} : memref<45x8x128xf32, #tpu.memory_space<vmem>>, vector<16xf32>,
      %exp3A_338 = math.exp %get3A_337 : vector<16xf32>
      %add3A_339 = arith.addf %add3A_311, %exp3A_338 : vector<16xf32>
      %get3A_340 = arith.constant 35 : i32
      %get3A_341 = arith.index_cast %get3A_340 : i32 to index
      %get3A_342 = arith.index_cast %select_n3A_81 : i32 to index
      %get3A_343 = arith.index_cast %mul3A_85 : i32 to index
      %get3A_344 = tpu.vector_load %arg7[%get3A_341, %get3A_342, %get3A_343] {strides = array<i32>} : memref<45x8x128xf32, #tpu.memory_space<vmem>>, vector<16xf32>,
      %exp3A_345 = math.exp %get3A_344 : vector<16xf32>
      %add3A_346 = arith.addf %add3A_318, %exp3A_345 : vector<16xf32>
      %get3A_347 = arith.constant 36 : i32
      %get3A_348 = arith.index_cast %get3A_347 : i32 to index
      %get3A_349 = arith.index_cast %select_n3A_81 : i32 to index
      %get3A_350 = arith.index_cast %mul3A_85 : i32 to index
      %get3A_351 = tpu.vector_load %arg7[%get3A_348, %get3A_349, %get3A_350] {strides = array<i32>} : memref<45x8x128xf32, #tpu.memory_space<vmem>>, vector<16xf32>,
      %exp3A_352 = math.exp %get3A_351 : vector<16xf32>
      %add3A_353 = arith.addf %add3A_325, %exp3A_352 : vector<16xf32>
      %get3A_354 = arith.constant 37 : i32
      %get3A_355 = arith.index_cast %get3A_354 : i32 to index
      %get3A_356 = arith.index_cast %select_n3A_81 : i32 to index
      %get3A_357 = arith.index_cast %mul3A_85 : i32 to index
      %get3A_358 = tpu.vector_load %arg7[%get3A_355, %get3A_356, %get3A_357] {strides = array<i32>} : memref<45x8x128xf32, #tpu.memory_space<vmem>>, vector<16xf32>,
      %exp3A_359 = math.exp %get3A_358 : vector<16xf32>
      %add3A_360 = arith.addf %add3A_332, %exp3A_359 : vector<16xf32>
      %get3A_361 = arith.constant 38 : i32
      %get3A_362 = arith.index_cast %get3A_361 : i32 to index
      %get3A_363 = arith.index_cast %select_n3A_81 : i32 to index
      %get3A_364 = arith.index_cast %mul3A_85 : i32 to index
      %get3A_365 = tpu.vector_load %arg7[%get3A_362, %get3A_363, %get3A_364] {strides = array<i32>} : memref<45x8x128xf32, #tpu.memory_space<vmem>>, vector<16xf32>,
      %exp3A_366 = math.exp %get3A_365 : vector<16xf32>
      %add3A_367 = arith.addf %add3A_339, %exp3A_366 : vector<16xf32>
      %get3A_368 = arith.constant 39 : i32
      %get3A_369 = arith.index_cast %get3A_368 : i32 to index
      %get3A_370 = arith.index_cast %select_n3A_81 : i32 to index
      %get3A_371 = arith.index_cast %mul3A_85 : i32 to index
      %get3A_372 = tpu.vector_load %arg7[%get3A_369, %get3A_370, %get3A_371] {strides = array<i32>} : memref<45x8x128xf32, #tpu.memory_space<vmem>>, vector<16xf32>,
      %exp3A_373 = math.exp %get3A_372 : vector<16xf32>
      %add3A_374 = arith.addf %add3A_346, %exp3A_373 : vector<16xf32>
      %get3A_375 = arith.constant 40 : i32
      %get3A_376 = arith.index_cast %get3A_375 : i32 to index
      %get3A_377 = arith.index_cast %select_n3A_81 : i32 to index
      %get3A_378 = arith.index_cast %mul3A_85 : i32 to index
      %get3A_379 = tpu.vector_load %arg7[%get3A_376, %get3A_377, %get3A_378] {strides = array<i32>} : memref<45x8x128xf32, #tpu.memory_space<vmem>>, vector<16xf32>,
      %exp3A_380 = math.exp %get3A_379 : vector<16xf32>
      %add3A_381 = arith.addf %add3A_353, %exp3A_380 : vector<16xf32>
      %get3A_382 = arith.constant 41 : i32
      %get3A_383 = arith.index_cast %get3A_382 : i32 to index
      %get3A_384 = arith.index_cast %select_n3A_81 : i32 to index
      %get3A_385 = arith.index_cast %mul3A_85 : i32 to index
      %get3A_386 = tpu.vector_load %arg7[%get3A_383, %get3A_384, %get3A_385] {strides = array<i32>} : memref<45x8x128xf32, #tpu.memory_space<vmem>>, vector<16xf32>,
      %exp3A_387 = math.exp %get3A_386 : vector<16xf32>
      %add3A_388 = arith.addf %add3A_360, %exp3A_387 : vector<16xf32>
      %get3A_389 = arith.constant 42 : i32
      %get3A_390 = arith.index_cast %get3A_389 : i32 to index
      %get3A_391 = arith.index_cast %select_n3A_81 : i32 to index
      %get3A_392 = arith.index_cast %mul3A_85 : i32 to index
      %get3A_393 = tpu.vector_load %arg7[%get3A_390, %get3A_391, %get3A_392] {strides = array<i32>} : memref<45x8x128xf32, #tpu.memory_space<vmem>>, vector<16xf32>,
      %exp3A_394 = math.exp %get3A_393 : vector<16xf32>
      %add3A_395 = arith.addf %add3A_367, %exp3A_394 : vector<16xf32>
      %get3A_396 = arith.constant 43 : i32
      %get3A_397 = arith.index_cast %get3A_396 : i32 to index
      %get3A_398 = arith.index_cast %select_n3A_81 : i32 to index
      %get3A_399 = arith.index_cast %mul3A_85 : i32 to index
      %get3A_400 = tpu.vector_load %arg7[%get3A_397, %get3A_398, %get3A_399] {strides = array<i32>} : memref<45x8x128xf32, #tpu.memory_space<vmem>>, vector<16xf32>,
      %exp3A_401 = math.exp %get3A_400 : vector<16xf32>
      %add3A_402 = arith.addf %add3A_374, %exp3A_401 : vector<16xf32>
      %get3A_403 = arith.constant 44 : i32
      %get3A_404 = arith.index_cast %get3A_403 : i32 to index
      %get3A_405 = arith.index_cast %select_n3A_81 : i32 to index
      %get3A_406 = arith.index_cast %mul3A_85 : i32 to index
      %get3A_407 = tpu.vector_load %arg7[%get3A_404, %get3A_405, %get3A_406] {strides = array<i32>} : memref<45x8x128xf32, #tpu.memory_space<vmem>>, vector<16xf32>,
      %exp3A_408 = math.exp %get3A_407 : vector<16xf32>
      %add3A_409 = arith.addf %add3A_381, %exp3A_408 : vector<16xf32>
      %get3A_410 = arith.index_cast %select_n3A_81 : i32 to index
      %get3A_411 = arith.index_cast %mul3A_85 : i32 to index
      %get3A_412 = tpu.vector_load %arg9[%get3A_410, %get3A_411] {strides = array<i32>} : memref<8x128xf32, #tpu.memory_space<vmem>>, vector<16xf32>,
      %add3A_413 = arith.addf %add3A_409, %add3A_388 : vector<16xf32>
      %add3A_414 = arith.addf %get3A_412, %add3A_413 : vector<16xf32>
      %add3A_415 = arith.addf %add3A_395, %add3A_402 : vector<16xf32>
      %add3A_416 = arith.addf %add3A_414, %add3A_415 : vector<16xf32>
      %get3A_417 = arith.index_cast %mul3A_85 : i32 to index
      %get3A_418 = tpu.vector_load %arg11[%get3A_417] {strides = array<i32>} : memref<128xi32, #tpu.memory_space<vmem>>, vector<16xi32>,
      %lt3A = arith.constant 46 : i32
      %lt3A_419 = vector.broadcast %lt3A : i32 to vector<16xi32>
      %lt3A_420 = arith.cmpi slt, %get3A_418, %lt3A_419 : vector<16xi32>
      %sub3A_421 = arith.constant 46 : i32
      %sub3A_422 = vector.broadcast %sub3A_421 : i32 to vector<16xi32>
      %sub3A_423 = arith.subi %get3A_418, %sub3A_422 : vector<16xi32>
      %jit3A_424 = arith.constant 0 : i32
      %broadcast_in_dim3A_425 = vector.broadcast %jit3A_424 : i32 to vector<16xi32>
      %select_n3A_426 = arith.select %lt3A_420, %broadcast_in_dim3A_425, %sub3A_423 : vector<16xi1>, vector<16xi32>
      %broadcast_in_dim3A_427 = vector.broadcast %select_n3A_81 : i32 to vector<16xi32>
      %add3A_428 = vector.broadcast %mul3A_85 : i32 to vector<16xi32>
      %add3A_429 = arith.addi %iota3A, %add3A_428 : vector<16xi32>
      %gather3A = tpu.vector_load_idx %arg7[%select_n3A_426, %broadcast_in_dim3A_427, %add3A_429] : memref<45x8x128xf32, #tpu.memory_space<vmem>>[vector<16xi32>, vector<16xi32>, vector<16xi32>], vector<16xf32>,
      %lt3A_430 = arith.constant 46 : i32
      %lt3A_431 = vector.broadcast %lt3A_430 : i32 to vector<16xi32>
      %lt3A_432 = arith.cmpi slt, %get3A_418, %lt3A_431 : vector<16xi32>
      %get3A_433 = arith.index_cast %select_n3A_81 : i32 to index
      %get3A_434 = arith.index_cast %mul3A_85 : i32 to index
      %get3A_435 = tpu.vector_load %arg10[%get3A_433, %get3A_434] {strides = array<i32>} : memref<8x128xf32, #tpu.memory_space<vmem>>, vector<16xf32>,
      %select_n3A_436 = arith.select %lt3A_432, %get3A_435, %gather3A : vector<16xi1>, vector<16xf32>
      %get3A_437 = arith.index_cast %select_n3A_81 : i32 to index
      %get3A_438 = arith.index_cast %mul3A_85 : i32 to index
      %get3A_439 = tpu.vector_load %arg8[%get3A_437, %get3A_438] {strides = array<i32>} : memref<8x128xf32, #tpu.memory_space<vmem>>, vector<16xf32>,
      %exp3A_440 = math.exp %select_n3A_436 : vector<16xf32>
      %neg3A = arith.constant 0.000000e+00 : f32
      %neg3A_441 = vector.broadcast %neg3A : f32 to vector<16xf32>
      %neg3A_442 = arith.subf %neg3A_441, %get3A_439 : vector<16xf32>
      %exp3A_443 = math.exp %neg3A_442 : vector<16xf32>
      %add3A_444 = arith.constant 1.000000e+00 : f32
      %add3A_445 = vector.broadcast %add3A_444 : f32 to vector<16xf32>
      %add3A_446 = arith.addf %add3A_445, %exp3A_443 : vector<16xf32>
      %mul3A_447 = arith.mulf %add3A_446, %add3A_416 : vector<16xf32>
      %div3A_448 = arith.divf %exp3A_440, %mul3A_447 : vector<16xf32>
      %gt3A = arith.cmpf ogt, %div3A_448, %get3A_86 : vector<16xf32>
      %add3A_449 = arith.constant 896 : i32
      %add3A_450 = arith.addi %add3A_449, %select_n3A_81 : i32
      %broadcast_in_dim3A_451 = vector.broadcast %add3A_450 : i32 to vector<16xi32>
      %select_n3A_452 = arith.select %gt3A, %div3A_448, %get3A_86 : vector<16xi1>, vector<16xf32>
      %swap3A = arith.index_cast %mul3A_85 : i32 to index
      %swap3A_453 = tpu.vector_load %arg12[%swap3A] {strides = array<i32>} : memref<128xf32, #tpu.memory_space<vmem>>, vector<16xf32>,
      tpu.vector_store %arg12[%swap3A], %select_n3A_452 {strides = array<i32>} : memref<128xf32, #tpu.memory_space<vmem>>, vector<16xf32>,
      %select_n3A_454 = arith.select %gt3A, %broadcast_in_dim3A_451, %get3A_88 : vector<16xi1>, vector<16xi32>
      %swap3A_455 = arith.index_cast %mul3A_85 : i32 to index
      %swap3A_456 = tpu.vector_load %arg13[%swap3A_455] {strides = array<i32>} : memref<128xi32, #tpu.memory_space<vmem>>, vector<16xi32>,
      tpu.vector_store %arg13[%swap3A_455], %select_n3A_454 {strides = array<i32>} : memref<128xi32, #tpu.memory_space<vmem>>, vector<16xi32>,
    }
    %scan3A_54 = arith.constant 32 : i32
    "tpu.region"() ({
      %run_scoped3A = tpu.sem_alloc : memref<!tpu.dma_semaphore, #tpu.memory_space<semaphore_mem>>
      %dma_start3A_57 = arith.constant 0 : i32
      %dma_start3A_58 = tpu.memref_slice %arg16[%arg1, %dma_start3A_57] : memref<16x128xf32, #tpu.memory_space<vmem_shared>> -> memref<1x128xf32, #tpu.memory_space<vmem_shared>>
      %dma_start3A_59 = tpu.memref_squeeze %dma_start3A_58 : memref<1x128xf32, #tpu.memory_space<vmem_shared>> -> memref<128xf32, #tpu.memory_space<vmem_shared>>
      %dma_start3A_60 = arith.constant 0 : i32
      %dma_start3A_61 = tpu.memref_slice %arg16[%arg1, %dma_start3A_60] : memref<16x128xf32, #tpu.memory_space<vmem_shared>> -> memref<1x128xf32, #tpu.memory_space<vmem_shared>>
      %dma_start3A_62 = tpu.memref_squeeze %dma_start3A_61 : memref<1x128xf32, #tpu.memory_space<vmem_shared>> -> memref<128xf32, #tpu.memory_space<vmem_shared>>
      tpu.enqueue_dma source(%arg12 : memref<128xf32, #tpu.memory_space<vmem>>) target(%dma_start3A_62 : memref<128xf32, #tpu.memory_space<vmem_shared>>) target_semaphore(%run_scoped3A : memref<!tpu.dma_semaphore, #tpu.memory_space<semaphore_mem>>)
      %dma_wait3A = arith.constant 0 : i32
      %dma_wait3A_63 = tpu.memref_slice %arg16[%arg1, %dma_wait3A] : memref<16x128xf32, #tpu.memory_space<vmem_shared>> -> memref<1x128xf32, #tpu.memory_space<vmem_shared>>
      %dma_wait3A_64 = tpu.memref_squeeze %dma_wait3A_63 : memref<1x128xf32, #tpu.memory_space<vmem_shared>> -> memref<128xf32, #tpu.memory_space<vmem_shared>>
      %dma_wait3A_65 = arith.constant 0 : i32
      %dma_wait3A_66 = tpu.memref_slice %arg16[%arg1, %dma_wait3A_65] : memref<16x128xf32, #tpu.memory_space<vmem_shared>> -> memref<1x128xf32, #tpu.memory_space<vmem_shared>>
      %dma_wait3A_67 = tpu.memref_squeeze %dma_wait3A_66 : memref<1x128xf32, #tpu.memory_space<vmem_shared>> -> memref<128xf32, #tpu.memory_space<vmem_shared>>
      tpu.wait_dma2 semaphore(%run_scoped3A : memref<!tpu.dma_semaphore, #tpu.memory_space<semaphore_mem>>) src(%arg12 : memref<128xf32, #tpu.memory_space<vmem>>) dst(%dma_wait3A_67 : memref<128xf32, #tpu.memory_space<vmem_shared>>)
      tpu.yield
    }) : () -> ()
    "tpu.region"() ({
      %run_scoped3A = tpu.sem_alloc : memref<!tpu.dma_semaphore, #tpu.memory_space<semaphore_mem>>
      %dma_start3A_57 = arith.constant 0 : i32
      %dma_start3A_58 = tpu.memref_slice %arg17[%arg1, %dma_start3A_57] : memref<16x128xi32, #tpu.memory_space<vmem_shared>> -> memref<1x128xi32, #tpu.memory_space<vmem_shared>>
      %dma_start3A_59 = tpu.memref_squeeze %dma_start3A_58 : memref<1x128xi32, #tpu.memory_space<vmem_shared>> -> memref<128xi32, #tpu.memory_space<vmem_shared>>
      %dma_start3A_60 = arith.constant 0 : i32
      %dma_start3A_61 = tpu.memref_slice %arg17[%arg1, %dma_start3A_60] : memref<16x128xi32, #tpu.memory_space<vmem_shared>> -> memref<1x128xi32, #tpu.memory_space<vmem_shared>>
      %dma_start3A_62 = tpu.memref_squeeze %dma_start3A_61 : memref<1x128xi32, #tpu.memory_space<vmem_shared>> -> memref<128xi32, #tpu.memory_space<vmem_shared>>
      tpu.enqueue_dma source(%arg13 : memref<128xi32, #tpu.memory_space<vmem>>) target(%dma_start3A_62 : memref<128xi32, #tpu.memory_space<vmem_shared>>) target_semaphore(%run_scoped3A : memref<!tpu.dma_semaphore, #tpu.memory_space<semaphore_mem>>)
      %dma_wait3A = arith.constant 0 : i32
      %dma_wait3A_63 = tpu.memref_slice %arg17[%arg1, %dma_wait3A] : memref<16x128xi32, #tpu.memory_space<vmem_shared>> -> memref<1x128xi32, #tpu.memory_space<vmem_shared>>
      %dma_wait3A_64 = tpu.memref_squeeze %dma_wait3A_63 : memref<1x128xi32, #tpu.memory_space<vmem_shared>> -> memref<128xi32, #tpu.memory_space<vmem_shared>>
      %dma_wait3A_65 = arith.constant 0 : i32
      %dma_wait3A_66 = tpu.memref_slice %arg17[%arg1, %dma_wait3A_65] : memref<16x128xi32, #tpu.memory_space<vmem_shared>> -> memref<1x128xi32, #tpu.memory_space<vmem_shared>>
      %dma_wait3A_67 = tpu.memref_squeeze %dma_wait3A_66 : memref<1x128xi32, #tpu.memory_space<vmem_shared>> -> memref<128xi32, #tpu.memory_space<vmem_shared>>
      tpu.wait_dma2 semaphore(%run_scoped3A : memref<!tpu.dma_semaphore, #tpu.memory_space<semaphore_mem>>) src(%arg13 : memref<128xi32, #tpu.memory_space<vmem>>) dst(%dma_wait3A_67 : memref<128xi32, #tpu.memory_space<vmem_shared>>)
      tpu.yield
    }) : () -> ()
    %barrier3A = arith.constant 0 : index
    tpu.barrier barrier_id(%barrier3A)
    %eq3A = arith.constant 0 : i32
    %eq3A_55 = arith.cmpi eq, %select_n3A, %eq3A : i32
    %convert_element_type3A = arith.extui %eq3A_55 : i1 to i32
    %cond3A = arith.constant 0 : i32
    %cond3A_56 = arith.cmpi ne, %convert_element_type3A, %cond3A : i32
    scf.if %cond3A_56 {
      %add3A_57 = arith.constant 4 : i32
      %add3A_58 = arith.addi %add3A_57, %rem3A_0 : i32
      "tpu.region"() ({
        %run_scoped3A = tpu.sem_alloc : memref<!tpu.dma_semaphore, #tpu.memory_space<semaphore_mem>>
        %dma_start3A_87 = arith.constant 0 : i32
        %dma_start3A_88 = tpu.memref_slice %arg16[%add3A_58, %dma_start3A_87] : memref<16x128xf32, #tpu.memory_space<vmem_shared>> -> memref<1x128xf32, #tpu.memory_space<vmem_shared>>
        %dma_start3A_89 = tpu.memref_squeeze %dma_start3A_88 : memref<1x128xf32, #tpu.memory_space<vmem_shared>> -> memref<128xf32, #tpu.memory_space<vmem_shared>>
        %dma_start3A_90 = arith.constant 0 : i32
        %dma_start3A_91 = tpu.memref_slice %arg16[%add3A_58, %dma_start3A_90] : memref<16x128xf32, #tpu.memory_space<vmem_shared>> -> memref<1x128xf32, #tpu.memory_space<vmem_shared>>
        %dma_start3A_92 = tpu.memref_squeeze %dma_start3A_91 : memref<1x128xf32, #tpu.memory_space<vmem_shared>> -> memref<128xf32, #tpu.memory_space<vmem_shared>>
        tpu.enqueue_dma source(%dma_start3A_92 : memref<128xf32, #tpu.memory_space<vmem_shared>>) target(%arg14 : memref<128xf32, #tpu.memory_space<vmem>>) target_semaphore(%run_scoped3A : memref<!tpu.dma_semaphore, #tpu.memory_space<semaphore_mem>>)
        %dma_wait3A = arith.constant 0 : i32
        %dma_wait3A_93 = tpu.memref_slice %arg16[%add3A_58, %dma_wait3A] : memref<16x128xf32, #tpu.memory_space<vmem_shared>> -> memref<1x128xf32, #tpu.memory_space<vmem_shared>>
        %dma_wait3A_94 = tpu.memref_squeeze %dma_wait3A_93 : memref<1x128xf32, #tpu.memory_space<vmem_shared>> -> memref<128xf32, #tpu.memory_space<vmem_shared>>
        %dma_wait3A_95 = arith.constant 0 : i32
        %dma_wait3A_96 = tpu.memref_slice %arg16[%add3A_58, %dma_wait3A_95] : memref<16x128xf32, #tpu.memory_space<vmem_shared>> -> memref<1x128xf32, #tpu.memory_space<vmem_shared>>
        %dma_wait3A_97 = tpu.memref_squeeze %dma_wait3A_96 : memref<1x128xf32, #tpu.memory_space<vmem_shared>> -> memref<128xf32, #tpu.memory_space<vmem_shared>>
        tpu.wait_dma2 semaphore(%run_scoped3A : memref<!tpu.dma_semaphore, #tpu.memory_space<semaphore_mem>>) src(%dma_wait3A_97 : memref<128xf32, #tpu.memory_space<vmem_shared>>) dst(%arg14 : memref<128xf32, #tpu.memory_space<vmem>>)
        tpu.yield
      }) : () -> ()
      %add3A_59 = arith.constant 4 : i32
      %add3A_60 = arith.addi %add3A_59, %rem3A_0 : i32
      "tpu.region"() ({
        %run_scoped3A = tpu.sem_alloc : memref<!tpu.dma_semaphore, #tpu.memory_space<semaphore_mem>>
        %dma_start3A_87 = arith.constant 0 : i32
        %dma_start3A_88 = tpu.memref_slice %arg17[%add3A_60, %dma_start3A_87] : memref<16x128xi32, #tpu.memory_space<vmem_shared>> -> memref<1x128xi32, #tpu.memory_space<vmem_shared>>
        %dma_start3A_89 = tpu.memref_squeeze %dma_start3A_88 : memref<1x128xi32, #tpu.memory_space<vmem_shared>> -> memref<128xi32, #tpu.memory_space<vmem_shared>>
        %dma_start3A_90 = arith.constant 0 : i32
        %dma_start3A_91 = tpu.memref_slice %arg17[%add3A_60, %dma_start3A_90] : memref<16x128xi32, #tpu.memory_space<vmem_shared>> -> memref<1x128xi32, #tpu.memory_space<vmem_shared>>
        %dma_start3A_92 = tpu.memref_squeeze %dma_start3A_91 : memref<1x128xi32, #tpu.memory_space<vmem_shared>> -> memref<128xi32, #tpu.memory_space<vmem_shared>>
        tpu.enqueue_dma source(%dma_start3A_92 : memref<128xi32, #tpu.memory_space<vmem_shared>>) target(%arg15 : memref<128xi32, #tpu.memory_space<vmem>>) target_semaphore(%run_scoped3A : memref<!tpu.dma_semaphore, #tpu.memory_space<semaphore_mem>>)
        %dma_wait3A = arith.constant 0 : i32
        %dma_wait3A_93 = tpu.memref_slice %arg17[%add3A_60, %dma_wait3A] : memref<16x128xi32, #tpu.memory_space<vmem_shared>> -> memref<1x128xi32, #tpu.memory_space<vmem_shared>>
        %dma_wait3A_94 = tpu.memref_squeeze %dma_wait3A_93 : memref<1x128xi32, #tpu.memory_space<vmem_shared>> -> memref<128xi32, #tpu.memory_space<vmem_shared>>
        %dma_wait3A_95 = arith.constant 0 : i32
        %dma_wait3A_96 = tpu.memref_slice %arg17[%add3A_60, %dma_wait3A_95] : memref<16x128xi32, #tpu.memory_space<vmem_shared>> -> memref<1x128xi32, #tpu.memory_space<vmem_shared>>
        %dma_wait3A_97 = tpu.memref_squeeze %dma_wait3A_96 : memref<1x128xi32, #tpu.memory_space<vmem_shared>> -> memref<128xi32, #tpu.memory_space<vmem_shared>>
        tpu.wait_dma2 semaphore(%run_scoped3A : memref<!tpu.dma_semaphore, #tpu.memory_space<semaphore_mem>>) src(%dma_wait3A_97 : memref<128xi32, #tpu.memory_space<vmem_shared>>) dst(%arg15 : memref<128xi32, #tpu.memory_space<vmem>>)
        tpu.yield
      }) : () -> ()
      %scan3A_61 = arith.constant 0 : i32
      %scan3A_62 = arith.constant 0 : i32
      %scan3A_63 = arith.constant 8 : i32
      %scan3A_64 = arith.addi %scan3A_62, %scan3A_63 : i32
      %scan3A_65 = arith.constant 1 : i32
      scf.for %scan3A_87 = %scan3A_62 to %scan3A_64 step %scan3A_65  : i32 {
        %mul3A_88 = arith.constant 16 : i32
        %mul3A_89 = arith.muli %mul3A_88, %scan3A_87 : i32
        %get3A = arith.index_cast %mul3A_89 : i32 to index
        %get3A_90 = tpu.vector_load %arg12[%get3A] {strides = array<i32>} : memref<128xf32, #tpu.memory_space<vmem>>, vector<16xf32>,
        %get3A_91 = arith.index_cast %mul3A_89 : i32 to index
        %get3A_92 = tpu.vector_load %arg13[%get3A_91] {strides = array<i32>} : memref<128xi32, #tpu.memory_space<vmem>>, vector<16xi32>,
        %get3A_93 = arith.index_cast %mul3A_89 : i32 to index
        %get3A_94 = tpu.vector_load %arg14[%get3A_93] {strides = array<i32>} : memref<128xf32, #tpu.memory_space<vmem>>, vector<16xf32>,
        %get3A_95 = arith.index_cast %mul3A_89 : i32 to index
        %get3A_96 = tpu.vector_load %arg15[%get3A_95] {strides = array<i32>} : memref<128xi32, #tpu.memory_space<vmem>>, vector<16xi32>,
        %gt3A = arith.cmpf ogt, %get3A_94, %get3A_90 : vector<16xf32>
        %eq3A_97 = arith.cmpf oeq, %get3A_94, %get3A_90 : vector<16xf32>
        %lt3A = arith.cmpi slt, %get3A_96, %get3A_92 : vector<16xi32>
        %and3A_98 = arith.andi %eq3A_97, %lt3A : vector<16xi1>
        %or3A = arith.ori %gt3A, %and3A_98 : vector<16xi1>
        %select_n3A_99 = arith.select %or3A, %get3A_94, %get3A_90 : vector<16xi1>, vector<16xf32>
        %swap3A = arith.index_cast %mul3A_89 : i32 to index
        %swap3A_100 = tpu.vector_load %arg12[%swap3A] {strides = array<i32>} : memref<128xf32, #tpu.memory_space<vmem>>, vector<16xf32>,
        tpu.vector_store %arg12[%swap3A], %select_n3A_99 {strides = array<i32>} : memref<128xf32, #tpu.memory_space<vmem>>, vector<16xf32>,
        %select_n3A_101 = arith.select %or3A, %get3A_96, %get3A_92 : vector<16xi1>, vector<16xi32>
        %swap3A_102 = arith.index_cast %mul3A_89 : i32 to index
        %swap3A_103 = tpu.vector_load %arg13[%swap3A_102] {strides = array<i32>} : memref<128xi32, #tpu.memory_space<vmem>>, vector<16xi32>,
        tpu.vector_store %arg13[%swap3A_102], %select_n3A_101 {strides = array<i32>} : memref<128xi32, #tpu.memory_space<vmem>>, vector<16xi32>,
      }
      %scan3A_66 = arith.constant 8 : i32
      %add3A_67 = arith.constant 8 : i32
      %add3A_68 = arith.addi %add3A_67, %rem3A_0 : i32
      "tpu.region"() ({
        %run_scoped3A = tpu.sem_alloc : memref<!tpu.dma_semaphore, #tpu.memory_space<semaphore_mem>>
        %dma_start3A_87 = arith.constant 0 : i32
        %dma_start3A_88 = tpu.memref_slice %arg16[%add3A_68, %dma_start3A_87] : memref<16x128xf32, #tpu.memory_space<vmem_shared>> -> memref<1x128xf32, #tpu.memory_space<vmem_shared>>
        %dma_start3A_89 = tpu.memref_squeeze %dma_start3A_88 : memref<1x128xf32, #tpu.memory_space<vmem_shared>> -> memref<128xf32, #tpu.memory_space<vmem_shared>>
        %dma_start3A_90 = arith.constant 0 : i32
        %dma_start3A_91 = tpu.memref_slice %arg16[%add3A_68, %dma_start3A_90] : memref<16x128xf32, #tpu.memory_space<vmem_shared>> -> memref<1x128xf32, #tpu.memory_space<vmem_shared>>
        %dma_start3A_92 = tpu.memref_squeeze %dma_start3A_91 : memref<1x128xf32, #tpu.memory_space<vmem_shared>> -> memref<128xf32, #tpu.memory_space<vmem_shared>>
        tpu.enqueue_dma source(%dma_start3A_92 : memref<128xf32, #tpu.memory_space<vmem_shared>>) target(%arg14 : memref<128xf32, #tpu.memory_space<vmem>>) target_semaphore(%run_scoped3A : memref<!tpu.dma_semaphore, #tpu.memory_space<semaphore_mem>>)
        %dma_wait3A = arith.constant 0 : i32
        %dma_wait3A_93 = tpu.memref_slice %arg16[%add3A_68, %dma_wait3A] : memref<16x128xf32, #tpu.memory_space<vmem_shared>> -> memref<1x128xf32, #tpu.memory_space<vmem_shared>>
        %dma_wait3A_94 = tpu.memref_squeeze %dma_wait3A_93 : memref<1x128xf32, #tpu.memory_space<vmem_shared>> -> memref<128xf32, #tpu.memory_space<vmem_shared>>
        %dma_wait3A_95 = arith.constant 0 : i32
        %dma_wait3A_96 = tpu.memref_slice %arg16[%add3A_68, %dma_wait3A_95] : memref<16x128xf32, #tpu.memory_space<vmem_shared>> -> memref<1x128xf32, #tpu.memory_space<vmem_shared>>
        %dma_wait3A_97 = tpu.memref_squeeze %dma_wait3A_96 : memref<1x128xf32, #tpu.memory_space<vmem_shared>> -> memref<128xf32, #tpu.memory_space<vmem_shared>>
        tpu.wait_dma2 semaphore(%run_scoped3A : memref<!tpu.dma_semaphore, #tpu.memory_space<semaphore_mem>>) src(%dma_wait3A_97 : memref<128xf32, #tpu.memory_space<vmem_shared>>) dst(%arg14 : memref<128xf32, #tpu.memory_space<vmem>>)
        tpu.yield
      }) : () -> ()
      %add3A_69 = arith.constant 8 : i32
      %add3A_70 = arith.addi %add3A_69, %rem3A_0 : i32
      "tpu.region"() ({
        %run_scoped3A = tpu.sem_alloc : memref<!tpu.dma_semaphore, #tpu.memory_space<semaphore_mem>>
        %dma_start3A_87 = arith.constant 0 : i32
        %dma_start3A_88 = tpu.memref_slice %arg17[%add3A_70, %dma_start3A_87] : memref<16x128xi32, #tpu.memory_space<vmem_shared>> -> memref<1x128xi32, #tpu.memory_space<vmem_shared>>
        %dma_start3A_89 = tpu.memref_squeeze %dma_start3A_88 : memref<1x128xi32, #tpu.memory_space<vmem_shared>> -> memref<128xi32, #tpu.memory_space<vmem_shared>>
        %dma_start3A_90 = arith.constant 0 : i32
        %dma_start3A_91 = tpu.memref_slice %arg17[%add3A_70, %dma_start3A_90] : memref<16x128xi32, #tpu.memory_space<vmem_shared>> -> memref<1x128xi32, #tpu.memory_space<vmem_shared>>
        %dma_start3A_92 = tpu.memref_squeeze %dma_start3A_91 : memref<1x128xi32, #tpu.memory_space<vmem_shared>> -> memref<128xi32, #tpu.memory_space<vmem_shared>>
        tpu.enqueue_dma source(%dma_start3A_92 : memref<128xi32, #tpu.memory_space<vmem_shared>>) target(%arg15 : memref<128xi32, #tpu.memory_space<vmem>>) target_semaphore(%run_scoped3A : memref<!tpu.dma_semaphore, #tpu.memory_space<semaphore_mem>>)
        %dma_wait3A = arith.constant 0 : i32
        %dma_wait3A_93 = tpu.memref_slice %arg17[%add3A_70, %dma_wait3A] : memref<16x128xi32, #tpu.memory_space<vmem_shared>> -> memref<1x128xi32, #tpu.memory_space<vmem_shared>>
        %dma_wait3A_94 = tpu.memref_squeeze %dma_wait3A_93 : memref<1x128xi32, #tpu.memory_space<vmem_shared>> -> memref<128xi32, #tpu.memory_space<vmem_shared>>
        %dma_wait3A_95 = arith.constant 0 : i32
        %dma_wait3A_96 = tpu.memref_slice %arg17[%add3A_70, %dma_wait3A_95] : memref<16x128xi32, #tpu.memory_space<vmem_shared>> -> memref<1x128xi32, #tpu.memory_space<vmem_shared>>
        %dma_wait3A_97 = tpu.memref_squeeze %dma_wait3A_96 : memref<1x128xi32, #tpu.memory_space<vmem_shared>> -> memref<128xi32, #tpu.memory_space<vmem_shared>>
        tpu.wait_dma2 semaphore(%run_scoped3A : memref<!tpu.dma_semaphore, #tpu.memory_space<semaphore_mem>>) src(%dma_wait3A_97 : memref<128xi32, #tpu.memory_space<vmem_shared>>) dst(%arg15 : memref<128xi32, #tpu.memory_space<vmem>>)
        tpu.yield
      }) : () -> ()
      %scan3A_71 = arith.constant 0 : i32
      %scan3A_72 = arith.constant 0 : i32
      %scan3A_73 = arith.constant 8 : i32
      %scan3A_74 = arith.addi %scan3A_72, %scan3A_73 : i32
      %scan3A_75 = arith.constant 1 : i32
      scf.for %scan3A_87 = %scan3A_72 to %scan3A_74 step %scan3A_75  : i32 {
        %mul3A_88 = arith.constant 16 : i32
        %mul3A_89 = arith.muli %mul3A_88, %scan3A_87 : i32
        %get3A = arith.index_cast %mul3A_89 : i32 to index
        %get3A_90 = tpu.vector_load %arg12[%get3A] {strides = array<i32>} : memref<128xf32, #tpu.memory_space<vmem>>, vector<16xf32>,
        %get3A_91 = arith.index_cast %mul3A_89 : i32 to index
        %get3A_92 = tpu.vector_load %arg13[%get3A_91] {strides = array<i32>} : memref<128xi32, #tpu.memory_space<vmem>>, vector<16xi32>,
        %get3A_93 = arith.index_cast %mul3A_89 : i32 to index
        %get3A_94 = tpu.vector_load %arg14[%get3A_93] {strides = array<i32>} : memref<128xf32, #tpu.memory_space<vmem>>, vector<16xf32>,
        %get3A_95 = arith.index_cast %mul3A_89 : i32 to index
        %get3A_96 = tpu.vector_load %arg15[%get3A_95] {strides = array<i32>} : memref<128xi32, #tpu.memory_space<vmem>>, vector<16xi32>,
        %gt3A = arith.cmpf ogt, %get3A_94, %get3A_90 : vector<16xf32>
        %eq3A_97 = arith.cmpf oeq, %get3A_94, %get3A_90 : vector<16xf32>
        %lt3A = arith.cmpi slt, %get3A_96, %get3A_92 : vector<16xi32>
        %and3A_98 = arith.andi %eq3A_97, %lt3A : vector<16xi1>
        %or3A = arith.ori %gt3A, %and3A_98 : vector<16xi1>
        %select_n3A_99 = arith.select %or3A, %get3A_94, %get3A_90 : vector<16xi1>, vector<16xf32>
        %swap3A = arith.index_cast %mul3A_89 : i32 to index
        %swap3A_100 = tpu.vector_load %arg12[%swap3A] {strides = array<i32>} : memref<128xf32, #tpu.memory_space<vmem>>, vector<16xf32>,
        tpu.vector_store %arg12[%swap3A], %select_n3A_99 {strides = array<i32>} : memref<128xf32, #tpu.memory_space<vmem>>, vector<16xf32>,
        %select_n3A_101 = arith.select %or3A, %get3A_96, %get3A_92 : vector<16xi1>, vector<16xi32>
        %swap3A_102 = arith.index_cast %mul3A_89 : i32 to index
        %swap3A_103 = tpu.vector_load %arg13[%swap3A_102] {strides = array<i32>} : memref<128xi32, #tpu.memory_space<vmem>>, vector<16xi32>,
        tpu.vector_store %arg13[%swap3A_102], %select_n3A_101 {strides = array<i32>} : memref<128xi32, #tpu.memory_space<vmem>>, vector<16xi32>,
      }
      %scan3A_76 = arith.constant 8 : i32
      %add3A_77 = arith.constant 12 : i32
      %add3A_78 = arith.addi %add3A_77, %rem3A_0 : i32
      "tpu.region"() ({
        %run_scoped3A = tpu.sem_alloc : memref<!tpu.dma_semaphore, #tpu.memory_space<semaphore_mem>>
        %dma_start3A_87 = arith.constant 0 : i32
        %dma_start3A_88 = tpu.memref_slice %arg16[%add3A_78, %dma_start3A_87] : memref<16x128xf32, #tpu.memory_space<vmem_shared>> -> memref<1x128xf32, #tpu.memory_space<vmem_shared>>
        %dma_start3A_89 = tpu.memref_squeeze %dma_start3A_88 : memref<1x128xf32, #tpu.memory_space<vmem_shared>> -> memref<128xf32, #tpu.memory_space<vmem_shared>>
        %dma_start3A_90 = arith.constant 0 : i32
        %dma_start3A_91 = tpu.memref_slice %arg16[%add3A_78, %dma_start3A_90] : memref<16x128xf32, #tpu.memory_space<vmem_shared>> -> memref<1x128xf32, #tpu.memory_space<vmem_shared>>
        %dma_start3A_92 = tpu.memref_squeeze %dma_start3A_91 : memref<1x128xf32, #tpu.memory_space<vmem_shared>> -> memref<128xf32, #tpu.memory_space<vmem_shared>>
        tpu.enqueue_dma source(%dma_start3A_92 : memref<128xf32, #tpu.memory_space<vmem_shared>>) target(%arg14 : memref<128xf32, #tpu.memory_space<vmem>>) target_semaphore(%run_scoped3A : memref<!tpu.dma_semaphore, #tpu.memory_space<semaphore_mem>>)
        %dma_wait3A = arith.constant 0 : i32
        %dma_wait3A_93 = tpu.memref_slice %arg16[%add3A_78, %dma_wait3A] : memref<16x128xf32, #tpu.memory_space<vmem_shared>> -> memref<1x128xf32, #tpu.memory_space<vmem_shared>>
        %dma_wait3A_94 = tpu.memref_squeeze %dma_wait3A_93 : memref<1x128xf32, #tpu.memory_space<vmem_shared>> -> memref<128xf32, #tpu.memory_space<vmem_shared>>
        %dma_wait3A_95 = arith.constant 0 : i32
        %dma_wait3A_96 = tpu.memref_slice %arg16[%add3A_78, %dma_wait3A_95] : memref<16x128xf32, #tpu.memory_space<vmem_shared>> -> memref<1x128xf32, #tpu.memory_space<vmem_shared>>
        %dma_wait3A_97 = tpu.memref_squeeze %dma_wait3A_96 : memref<1x128xf32, #tpu.memory_space<vmem_shared>> -> memref<128xf32, #tpu.memory_space<vmem_shared>>
        tpu.wait_dma2 semaphore(%run_scoped3A : memref<!tpu.dma_semaphore, #tpu.memory_space<semaphore_mem>>) src(%dma_wait3A_97 : memref<128xf32, #tpu.memory_space<vmem_shared>>) dst(%arg14 : memref<128xf32, #tpu.memory_space<vmem>>)
        tpu.yield
      }) : () -> ()
      %add3A_79 = arith.constant 12 : i32
      %add3A_80 = arith.addi %add3A_79, %rem3A_0 : i32
      "tpu.region"() ({
        %run_scoped3A = tpu.sem_alloc : memref<!tpu.dma_semaphore, #tpu.memory_space<semaphore_mem>>
        %dma_start3A_87 = arith.constant 0 : i32
        %dma_start3A_88 = tpu.memref_slice %arg17[%add3A_80, %dma_start3A_87] : memref<16x128xi32, #tpu.memory_space<vmem_shared>> -> memref<1x128xi32, #tpu.memory_space<vmem_shared>>
        %dma_start3A_89 = tpu.memref_squeeze %dma_start3A_88 : memref<1x128xi32, #tpu.memory_space<vmem_shared>> -> memref<128xi32, #tpu.memory_space<vmem_shared>>
        %dma_start3A_90 = arith.constant 0 : i32
        %dma_start3A_91 = tpu.memref_slice %arg17[%add3A_80, %dma_start3A_90] : memref<16x128xi32, #tpu.memory_space<vmem_shared>> -> memref<1x128xi32, #tpu.memory_space<vmem_shared>>
        %dma_start3A_92 = tpu.memref_squeeze %dma_start3A_91 : memref<1x128xi32, #tpu.memory_space<vmem_shared>> -> memref<128xi32, #tpu.memory_space<vmem_shared>>
        tpu.enqueue_dma source(%dma_start3A_92 : memref<128xi32, #tpu.memory_space<vmem_shared>>) target(%arg15 : memref<128xi32, #tpu.memory_space<vmem>>) target_semaphore(%run_scoped3A : memref<!tpu.dma_semaphore, #tpu.memory_space<semaphore_mem>>)
        %dma_wait3A = arith.constant 0 : i32
        %dma_wait3A_93 = tpu.memref_slice %arg17[%add3A_80, %dma_wait3A] : memref<16x128xi32, #tpu.memory_space<vmem_shared>> -> memref<1x128xi32, #tpu.memory_space<vmem_shared>>
        %dma_wait3A_94 = tpu.memref_squeeze %dma_wait3A_93 : memref<1x128xi32, #tpu.memory_space<vmem_shared>> -> memref<128xi32, #tpu.memory_space<vmem_shared>>
        %dma_wait3A_95 = arith.constant 0 : i32
        %dma_wait3A_96 = tpu.memref_slice %arg17[%add3A_80, %dma_wait3A_95] : memref<16x128xi32, #tpu.memory_space<vmem_shared>> -> memref<1x128xi32, #tpu.memory_space<vmem_shared>>
        %dma_wait3A_97 = tpu.memref_squeeze %dma_wait3A_96 : memref<1x128xi32, #tpu.memory_space<vmem_shared>> -> memref<128xi32, #tpu.memory_space<vmem_shared>>
        tpu.wait_dma2 semaphore(%run_scoped3A : memref<!tpu.dma_semaphore, #tpu.memory_space<semaphore_mem>>) src(%dma_wait3A_97 : memref<128xi32, #tpu.memory_space<vmem_shared>>) dst(%arg15 : memref<128xi32, #tpu.memory_space<vmem>>)
        tpu.yield
      }) : () -> ()
      %scan3A_81 = arith.constant 0 : i32
      %scan3A_82 = arith.constant 0 : i32
      %scan3A_83 = arith.constant 8 : i32
      %scan3A_84 = arith.addi %scan3A_82, %scan3A_83 : i32
      %scan3A_85 = arith.constant 1 : i32
      scf.for %scan3A_87 = %scan3A_82 to %scan3A_84 step %scan3A_85  : i32 {
        %mul3A_88 = arith.constant 16 : i32
        %mul3A_89 = arith.muli %mul3A_88, %scan3A_87 : i32
        %get3A = arith.index_cast %mul3A_89 : i32 to index
        %get3A_90 = tpu.vector_load %arg12[%get3A] {strides = array<i32>} : memref<128xf32, #tpu.memory_space<vmem>>, vector<16xf32>,
        %get3A_91 = arith.index_cast %mul3A_89 : i32 to index
        %get3A_92 = tpu.vector_load %arg13[%get3A_91] {strides = array<i32>} : memref<128xi32, #tpu.memory_space<vmem>>, vector<16xi32>,
        %get3A_93 = arith.index_cast %mul3A_89 : i32 to index
        %get3A_94 = tpu.vector_load %arg14[%get3A_93] {strides = array<i32>} : memref<128xf32, #tpu.memory_space<vmem>>, vector<16xf32>,
        %get3A_95 = arith.index_cast %mul3A_89 : i32 to index
        %get3A_96 = tpu.vector_load %arg15[%get3A_95] {strides = array<i32>} : memref<128xi32, #tpu.memory_space<vmem>>, vector<16xi32>,
        %gt3A = arith.cmpf ogt, %get3A_94, %get3A_90 : vector<16xf32>
        %eq3A_97 = arith.cmpf oeq, %get3A_94, %get3A_90 : vector<16xf32>
        %lt3A = arith.cmpi slt, %get3A_96, %get3A_92 : vector<16xi32>
        %and3A_98 = arith.andi %eq3A_97, %lt3A : vector<16xi1>
        %or3A = arith.ori %gt3A, %and3A_98 : vector<16xi1>
        %select_n3A_99 = arith.select %or3A, %get3A_94, %get3A_90 : vector<16xi1>, vector<16xf32>
        %swap3A = arith.index_cast %mul3A_89 : i32 to index
        %swap3A_100 = tpu.vector_load %arg12[%swap3A] {strides = array<i32>} : memref<128xf32, #tpu.memory_space<vmem>>, vector<16xf32>,
        tpu.vector_store %arg12[%swap3A], %select_n3A_99 {strides = array<i32>} : memref<128xf32, #tpu.memory_space<vmem>>, vector<16xf32>,
        %select_n3A_101 = arith.select %or3A, %get3A_96, %get3A_92 : vector<16xi1>, vector<16xi32>
        %swap3A_102 = arith.index_cast %mul3A_89 : i32 to index
        %swap3A_103 = tpu.vector_load %arg13[%swap3A_102] {strides = array<i32>} : memref<128xi32, #tpu.memory_space<vmem>>, vector<16xi32>,
        tpu.vector_store %arg13[%swap3A_102], %select_n3A_101 {strides = array<i32>} : memref<128xi32, #tpu.memory_space<vmem>>, vector<16xi32>,
      }
      %scan3A_86 = arith.constant 8 : i32
      "tpu.region"() ({
        %run_scoped3A = tpu.sem_alloc : memref<!tpu.dma_semaphore, #tpu.memory_space<semaphore_mem>>
        %dma_start3A_87 = tpu.memref_slice %arg5[%mul3A_20] : memref<1024xi32, #tpu.memory_space<hbm>> -> memref<128xi32, #tpu.memory_space<hbm>>
        %dma_start3A_88 = tpu.memref_slice %arg5[%mul3A_20] : memref<1024xi32, #tpu.memory_space<hbm>> -> memref<128xi32, #tpu.memory_space<hbm>>
        tpu.enqueue_dma source(%arg13 : memref<128xi32, #tpu.memory_space<vmem>>) target(%dma_start3A_88 : memref<128xi32, #tpu.memory_space<hbm>>) target_semaphore(%run_scoped3A : memref<!tpu.dma_semaphore, #tpu.memory_space<semaphore_mem>>)
        %dma_wait3A = tpu.memref_slice %arg5[%mul3A_20] : memref<1024xi32, #tpu.memory_space<hbm>> -> memref<128xi32, #tpu.memory_space<hbm>>
        %dma_wait3A_89 = tpu.memref_slice %arg5[%mul3A_20] : memref<1024xi32, #tpu.memory_space<hbm>> -> memref<128xi32, #tpu.memory_space<hbm>>
        tpu.wait_dma2 semaphore(%run_scoped3A : memref<!tpu.dma_semaphore, #tpu.memory_space<semaphore_mem>>) src(%arg13 : memref<128xi32, #tpu.memory_space<vmem>>) dst(%dma_wait3A_89 : memref<128xi32, #tpu.memory_space<hbm>>)
        tpu.yield
      }) : () -> ()
    } else {
    }
    return
  }
}

</mosaic_0001>

<sc_bundles>
// kernel: kernel.3.cloned.1.call-start
scs
__scs_entry_jumppad:
0x0: {  	(pc) =	sbr.rel $0x88, $3  }
0x1: {  	(tag) =	ssettag $0x0;
	lr =	simm.s32 $0x1  }
0x2: {  	[smem:$0x3F9E] =	sst lr;
	_ =	strace $0xD0000000  }
0x3: {  	_ = 	snop  }
0x4: {  	_ = 	snop  }
0x5: {  	_ = 	snop  }
0x6: {  	_ = 	snop  }
0x7: {  	_ = 	snop  }
__scs_overlays_trampoline_lowered:
0x8: {  	[smem:$0x3FAD] =	sst s0  }
0x9: {  	[smem:$0x3FAE] =	sst s1  }
0xa: {  	[smem:$0x3FAF] =	sst s2  }
0xb: {  	[smem:$0x3FB0] =	sst s3  }
0xc: {  	[smem:$0x3FB1] =	sst s4  }
0xd: {  	[smem:$0x3FB2] =	sst s5  }
0xe: {  	[smem:$0x3FB3] =	sst s6  }
0xf: {  	[smem:$0x3FB4] =	sst s7  }
0x10: {  	[smem:$0x3FB5] =	sst s8  }
0x11: {  	[smem:$0x3FB6] =	sst s9;
	s0 =	simm.s32 @!p0 $0x0  }
0x12: {  	s1 =	sld [smem:$0x3F9C];
	s0 =	simm.s32 @p0 $0x1  }
0x13: {  	[smem:$0x3FB7] =	sst s0;
	s0 =	simm.s32 @!p1 $0x0  }
0x14: {  	s2 =	sld [smem:$0x3F9B];
	s0 =	simm.s32 @p1 $0x1  }
0x15: {  	[smem:$0x3FB8] =	sst s0;
	s0 =	simm.s32 @!p2 $0x0  }
0x16: {  	s3 =	sld [smem:$0x3FDB];
	s0 =	simm.s32 @p2 $0x1  }
0x17: {  	s4 =	simm.s32 $0x1BF5;
	[smem:$0x3FBA] =	sst s0  }
0x18: {  	s0 =	sld [smem:$0x3F9D];
	_ =	swait.ge [sflag:s4], $0x0  }
0x19: {  	s7 =	sld [smem:$0x3F9E]  }
0x1a: {  	s8 =	sadd.s32 $0xFFFFE003, lr  }
0x1b: {  	s9 =	sadd.s32 $0xFFFFFEF7, lr;
	s5 =	simm.s32 $0xFFFFFFFF;
	p2 =	slt.u32 s8, $0xFFFFF086  }
0x1c: {  	p1 =	slt.u32 s9, $0xF7A;
	s5 =	simm.s32 @!p2 $0x0  }
0x1d: {  	s5 =	simm.s32 @p1 $0x1;
	p0 =	seq.s32 s7, s2  }
0x1e: {  	s7 =	smul.u32 @!p0 $0xF7A, s2;
	p2 =	seq.s32 @!p0 s5, $0x0  }
0x1f: {  	s9 =	smul.u32 $0xF7A, s1;
	s8 =	simm.s32 @!p0 $0x1BF5;
	p2 =	por !p2, p0  }
0x20: {  	[sflag:s8] =	ssyncset.s32 @!p0 $0xFFFFF086;
	s6 =	sadd.s32 @!p0 s3, s7;
	s7 =	simm.s32 @!p0 $0x108  }
0x21: {  	s3 =	sadd.s32 s3, s9;
	s6 =	sadd.s32 @!p0 $0x88, s6;
	s7 =	simm.s32 @p2 $0x1082  }
0x22: {  	[simem:s7], [sflag:s8] =	dma.local @!p0 [hbm:s6], $0xF7A  }
0x23: {  	s9 =	sor.u32 $0xD0000000, s2;
	s6 =	simm.s32 $0x108;
	_ =	swait.ge @!p0 [sflag:s8], $0x0  }
0x24: {  	s3 =	sadd.s32 $0x88, s3;
	s6 =	simm.s32 @!p1 $0x1082;
	[sflag:s4] =	ssyncset.s32 $0xFFFFF086  }
0x25: {  	[simem:s6], [sflag:s4] =	dma.local [hbm:s3], $0xF7A  }
0x26: {  	[smem:$0x3F9E] =	sst s1;
	(tag) =	ssettag s2;
	_ =	strace s9  }
0x27: {  	s1 =	sld [smem:$0x3FAE]  }
0x28: {  	s2 =	sld [smem:$0x3FAF]  }
0x29: {  	s4 =	sld [smem:$0x3FB1]  }
0x2a: {  	p0 =	seq.s32 s5, $0x0;
	s5 =	sld [smem:$0x3FB2]  }
0x2b: {  	s6 =	sld [smem:$0x3FB3]  }
0x2c: {  	s7 =	sld [smem:$0x3FB4]  }
0x2d: {  	s3 =	simm.s32 $0x108;
	s8 =	sld [smem:$0x3FB5]  }
0x2e: {  	s3 =	simm.s32 @!p0 $0x1082;
	s9 =	sld [smem:$0x3FB6]  }
0x2f: {  	lr =	sadd.s32 s0, s3;
	s0 =	sld [smem:$0x3FAD]  }
0x30: {  	s3 =	sld [smem:$0x3FB0]  }
0x31: {  	[smem:$0x3FB9] =	sst s10  }
0x32: {  	s10 =	sld [smem:$0x3FB7];
	_ =	sdelay $0x3  }
0x33: {  	p0 =	seq.s32 s10, $0x1;
	s10 =	sld [smem:$0x3FB9];
	_ =	sdelay $0x3  }
0x34: {  	[smem:$0x3FB9] =	sst s10  }
0x35: {  	s10 =	sld [smem:$0x3FB8];
	_ =	sdelay $0x3  }
0x36: {  	p1 =	seq.s32 s10, $0x1;
	s10 =	sld [smem:$0x3FB9];
	_ =	sdelay $0x3  }
0x37: {  	[smem:$0x3FB9] =	sst s10  }
0x38: {  	s10 =	sld [smem:$0x3FBA]  }
0x39: {  	_ = 	snop;
	(pc) =	sbr.ind lr, $3  }
0x3a: {  	_ = 	snop  }
0x3b: {  	_ = 	snop  }
0x3c: {  	p2 =	seq.s32 s10, $0x1;
	s10 =	sld [smem:$0x3FB9]  }
0x3d: {  	_ =	shalt  }
0x3e: {  	_ =	shalt  }
0x3f: {  	_ =	shalt  }
0x40: {  	_ =	shalt  }
0x41: {  	_ =	shalt  }
0x42: {  	_ =	shalt  }
0x43: {  	_ =	shalt  }
0x44: {  	_ =	shalt  }
0x45: {  	_ =	shalt  }
0x46: {  	_ =	shalt  }
0x47: {  	_ =	shalt  }
0x48: {  	_ =	shalt  }
0x49: {  	_ =	shalt  }
0x4a: {  	_ =	shalt  }
0x4b: {  	_ =	shalt  }
0x4c: {  	_ =	shalt  }
0x4d: {  	_ =	shalt  }
0x4e: {  	_ =	shalt  }
0x4f: {  	_ =	shalt  }
0x50: {  	_ =	shalt  }
0x51: {  	_ =	shalt  }
0x52: {  	_ =	shalt  }
0x53: {  	_ =	shalt  }
0x54: {  	_ =	shalt  }
0x55: {  	_ =	shalt  }
0x56: {  	_ =	shalt  }
0x57: {  	_ =	shalt  }
0x58: {  	_ =	shalt  }
0x59: {  	_ =	shalt  }
0x5a: {  	_ =	shalt  }
0x5b: {  	_ =	shalt  }
0x5c: {  	_ =	shalt  }
0x5d: {  	_ =	shalt  }
0x5e: {  	_ =	shalt  }
0x5f: {  	_ =	shalt  }
0x60: {  	_ =	shalt  }
0x61: {  	_ =	shalt  }
0x62: {  	_ =	shalt  }
0x63: {  	_ =	shalt  }
0x64: {  	_ =	shalt  }
0x65: {  	_ =	shalt  }
0x66: {  	_ =	shalt  }
0x67: {  	_ =	shalt  }
0x68: {  	_ =	shalt  }
0x69: {  	_ =	shalt  }
0x6a: {  	_ =	shalt  }
0x6b: {  	_ =	shalt  }
0x6c: {  	_ =	shalt  }
0x6d: {  	_ =	shalt  }
0x6e: {  	_ =	shalt  }
0x6f: {  	_ =	shalt  }
0x70: {  	_ =	shalt  }
0x71: {  	_ =	shalt  }
0x72: {  	_ =	shalt  }
0x73: {  	_ =	shalt  }
0x74: {  	_ =	shalt  }
0x75: {  	_ =	shalt  }
0x76: {  	_ =	shalt  }
0x77: {  	_ =	shalt  }
0x78: {  	_ =	shalt  }
0x79: {  	_ =	shalt  }
0x7a: {  	_ =	shalt  }
0x7b: {  	_ =	shalt  }
0x7c: {  	_ =	shalt  }
0x7d: {  	_ =	shalt  }
0x7e: {  	_ =	shalt  }
0x7f: {  	_ =	shalt  }
0x80: {  	_ =	shalt  }
0x81: {  	_ =	shalt  }
0x82: {  	_ =	shalt  }
0x83: {  	_ =	shalt  }
0x84: {  	_ =	shalt  }
0x85: {  	_ =	shalt  }
0x86: {  	_ =	shalt  }
0x87: {  	_ =	shalt  }
.Lfunc_end0:
.L_simem_size_0:
called_computation_lowered:
.L_overlay_start_0:
0x88: {  	s2 =	sld [smem:$0x3FD9]  }
0x89: {  	s3 =	sld [smem:$0x3FFE];
	_ =	sdelay $0x1  }
0x8a: {  	s1 =	srdreg.scid  }
0x8b: {  	s0 =	sand.u32 $0x1, s1  }
0x8c: {  	s18 =	sshll.u32 s0, $0xA;
	s2 =	sadd.s32 s3, s2  }
0x8d: {  	s2 =	sadd.s32 s2, s18  }
0x8e: {  	[smem:$0x3FC5] =	sst s2  }
0x8f: {  	_ = 	snop  }
0x90: {  	s2 =	sld [smem:$0x3FC9]  }
0x91: {  	s19 =	sld [smem:$0x3FC8]  }
0x92: {  	s4 =	sld [smem:$0x3FC7]  }
0x93: {  	s5 =	sld [smem:$0x3FD0];
	(tm) =	ssettm $0x1  }
0x94: {  	s6 =	sld [smem:$0x3FFB];
	_ =	sdelay $0x3  }
0x95: {  	_ =	strace s6  }
0x96: {  	s6 =	sld [smem:$0x3FFC];
	_ =	sdelay $0x3  }
0x97: {  	_ =	strace s6  }
0x98: {  	s6 =	sld [smem:$0x3FFD];
	_ =	sdelay $0x3  }
0x99: {  	_ =	strace s6  }
0x9a: {  	_ =	strace $0x8FFFFFFF  }
0x9b: {  	s20 =	sld [smem:$0x3FDB];
	_ =	sdelay $0x1  }
0x9c: {  	s7 =	simm.s32 $_scs_section_size  }
0x9d: {  	s8 =	simm.s32 $_size__tile_overlayer_lowered;
	s9 =	simm.s32 $_tile_overlayer_lowered  }
0x9e: {  	s23 =	simm.s32 $0x1BFF;
	s22 =	sshll.u32 s9, $0x1;
	s6 =	sadd.s32 s7, s20  }
0x9f: {  	s10 =	simm.s32 $0x0;
	s21 =	sshll.u32 s8, $0x1;
	s8 =	sadd.s32 s22, s6  }
0xa0: {  	[timem:s10], [sflag:s23] =	dma.local [hbm:s8], s21  }
0xa1: {  	_ =	swait.ge [sflag:s23], s21  }
0xa2: {  	s7 =	ssub.s32 $0x0, s21;
	[sflag:s23] =	ssyncset.done $0x0  }
0xa3: {  	[sflag:s23] =	ssyncadd.s32 s7;
	_ =	sdelay $0x1  }
0xa4: {  	s24 =	simm.s32 $0x1B8B  }
0xa5: {  	_ =	swait.ge [sflag:s24], $0x1  }
0xa6: {  	[sflag:s24] =	ssyncset.done $0x0  }
0xa7: {  	s25 =	simm.s32 $0x1B8E;
	[sflag:s24] =	ssyncadd.s32 $0xFFFFFFFF  }
0xa8: {  	s26 =	simm.s32 $execute0_lowered;
	[smem:$0x3FD2] =	sst s25  }
0xa9: {  	s7 =	sshll.u32 s26, $0x1;
	_ =	strace $0x80000046;
	[dreg:$0x1] =	wrdreg $0xFFFFFFFF  }
0xaa: {  	s28 =	simm.s32 $_size_execute0_lowered;
	s6 =	sadd.s32 s6, s7;
	[dreg:$0x0] =	wrdreg $0x0  }
0xab: {  	s7 =	sshll.u32 s28, $0x1;
	[dreg:$0x2] =	wrdreg s6  }
0xac: {  	[dreg:$0x3] =	wrdreg s7  }
0xad: {  	[dreg:$0x4] =	wrdreg $0xC0  }
0xae: {  	_ =	task [dreg:s10], $0x5FFFF  }
0xaf: {  	[dreg:$0x1] =	wrdreg $0xFFFFFFFF  }
0xb0: {  	[dreg:$0x0] =	wrdreg $0x60  }
0xb1: {  	[dreg:$0x2] =	wrdreg s2  }
0xb2: {  	[dreg:$0x3] =	wrdreg s19  }
0xb3: {  	[dreg:$0x4] =	wrdreg s4  }
0xb4: {  	[dreg:$0x5] =	wrdreg s5  }
0xb5: {  	[dreg:$0x6] =	wrdreg $0x17A800  }
0xb6: {  	[dreg:$0x7] =	wrdreg $0x17B000  }
0xb7: {  	[dreg:$0x8] =	wrdreg $0x9  }
0xb8: {  	_ =	task.clear_ibuf [dreg:s10], $0x9FFFF;
	_ =	strace $0x90000046  }
0xb9: {  	s29 =	simm.s32 $0x9;
	_ =	strace $0x80000048  }
0xba: {  	_ =	swait.ge [sflag:s29], $0x1  }
0xbb: {  	[sflag:s29] =	ssyncadd.s32 $0xFFFFFFFF  }
0xbc: {  	_ =	strace $0x90000048  }
0xbd: {  	_ =	sfence  }
0xbe: {  	s30 =	sld [smem:$0x0];
	_ =	sdelay $0x2  }
0xbf: {  	s31 =	sshll.u32 s1, $0xD;
	s1 =	sshrl.u32 s1, $0x2  }
0xc0: {  	s3 =	sand.u32 $0x4000, s31;
	s1 =	sadd.s32 s1, s30  }
0xc1: {  	s0 =	sor.u32 s3, s0;
	s1 =	sshll.u32 s1, $0x11  }
0xc2: {  	s0 =	sor.u32 s1, s0  }
0xc3: {  	s0 =	sadd.s32 $0x8F2B, s0  }
0xc4: {  	[sflag:s0] =	ssyncadd.remote.s32 $0x1  }
0xc5: {  	_ =	sfence.sel $0xFFFF  }
0xc6: {  	[dreg:$0x0] =	wrdreg $0xFFFFFFFF;
	(pc) =	sbr.abs _section_cstart, $3  }
0xc7: {  	[dreg:$0x1] =	wrdreg $0xFFFFFFFF  }
0xc8: {  	_ =	task.clear_ibuf [dreg:s10], $0x2FFFF;
	_ =	strace $0x9FFFFFFF  }
0xc9: {  	(tm) =	ssettm $0x7FFFFFFF  }
tec
execute0_lowered:
.L_overlay_start_1:
0x0: {  	(tag) =	ssettag $0x1  }
0x1: {  	s1 =	rddreg [dreg:$0x0]  }
0x2: {  	s2 =	rddreg [dreg:$0x1]  }
0x3: {  	s0 =	rddreg [dreg:$0x2]  }
0x4: {  	s4 =	rddreg [dreg:$0x3]  }
0x5: {  	s5 =	rddreg [dreg:$0x4]  }
0x6: {  	s7 =	rddreg [dreg:$0x5];
	s3 =	simm.s32 $0x0  }
0x7: {  	s6 =	srdreg.scid;
	s12 =	stileid.u32;
	s28 =	simm.s32 $0x1  }
0x8: {  	s29 =	simm.s32 $0xB800;
	s30 =	simm.s32 $0x16C00;
	s31 =	simm.s32 $0x2  }
0x9: {  	[smem:$0x7FF] =	sst s3;
	s6 =	sand.u32 $0x1, s6;
	s9 =	sand.u32 $0x3, s12  }
0xa: {  	s13 =	sshrl.u32 s12, $0x2;
	s17 =	sshll.u32 s12, $0x7;
	_ =	strace $0x80000047  }
0xb: {  	s8 =	ssub.s32 $0x2, s6;
	s6 =	sshll.u32 s6, $0x2;
	s11 =	smul.u32 $0x38000, s13  }
0xc: {  	s20 =	smul.u32 $0x1C, s13;
	s18 =	sadd.s32 s17, s5;
	s19 =	sor.u32 $0x200, s17  }
0xd: {  	s22 =	sor.u32 $0x400, s17;
	s24 =	sor.u32 $0x600, s17;
	p0 =	sne.s32 s13, $0x0  }
0xe: {  	s10 =	sshrl.u32 s8, $0x1;
	s9 =	sor.u32 s9, s6;
	[dreg:$0x9] =	wrdreg s18  }
0xf: {  	s21 =	sadd.s32 s19, s5;
	s23 =	sadd.s32 s22, s5;
	s25 =	sadd.s32 s22, s7  }
0x10: {  	s5 =	sadd.s32 s24, s5;
	s14 =	sshll.u32 s9, $0x4;
	[dreg:$0xb] =	wrdreg s21  }
0x11: {  	s6 =	sshll.u32 s9, $0xA;
	s15 =	ssub.s32 s8, s10;
	[dreg:$0xd] =	wrdreg s23  }
0x12: {  	s8 =	sadd.s32 $0x1C, s20;
	s9 =	sshll.u32 s9, $0x7;
	[dreg:$0xe] =	wrdreg s25  }
0x13: {  	[dreg:$0xf] =	wrdreg s5;
	s25 =	simm.s32 $0x400;
	s0 =	sadd.s32 s0, s14  }
0x14: {  	s11 =	sor.u32 s11, s6;
	s16 =	sor.u32 $0x1C000, s9;
	s9 =	sadd.s32 s9, s1  }
0x15: {  	s26 =	sadd.s32 s4, s14;
	s22 =	smax.u32 s15, $0x1;
	[dreg:$0x7] =	wrdreg s0  }
0x16: {  	s0 =	sshrl.u32 s11, $0x3;
	s10 =	sadd.s32 s1, s16;
	s12 =	sadd.s32 s2, s16  }
.Ltmp0:
0x17: {  	s16 =	sadd.s32 s17, s7;
	[dreg:$0x11] =	wrdreg s26;
	(pc) =	sbr.rel .LBB2_1-.Ltmp0, $4  }
0x18: {  	s11 =	sadd.s32 $0x52F800, s9;
	s0 =	sadd.s32 s1, s0;
	[dreg:$0xa] =	wrdreg s16  }
0x19: {  	s26 =	simm.s32 $0xE2000;
	[dreg:$0x8] =	wrdreg s0;
	s0 =	sadd.s32 s19, s7  }
0x1a: {  	s19 =	simm.s32 $0x0;
	[dreg:$0xc] =	wrdreg s0;
	s0 =	sadd.s32 s24, s7  }
0x1b: {  	v0 =	vimm.f32 $-1.000000000e+00;
	v1 =	vimm.s32 $0x0;
	v2 =	vlaneseq.u32;
	s24 =	simm.s32 $0x4;
	[dreg:$0x10] =	wrdreg s0;
	s0 =	simm.s32 $0x3  }
.LBB2_18:
0x1c: {  	s19 =	sadd.s32 $0x1, s19  }
0x1d: {  	p1 =	sne.s32 s19, s22  }
.Ltmp1:
0x1e: {  	_ = 	snop;
	(pc) =	sbr.rel @!p1 .LBB2_19-.Ltmp1, $1  }
0x1f: {  	_ =	sdelay $0x3  }
.LBB2_1:
0x20: {  	s4 =	rddreg [dreg:$0x7];
	s5 =	simm.s32 $0x17800  }
0x21: {  	[tilespmem:s5], [sflag:$0x4] =	stream.linear.gather [hbm4b:s4+s3], $0x80, $0x38;
	[tilespmem:$0x17B80] =	vst v63  }
0x22: {  	_ =	swait.ge [sflag:s24], $0x80  }
0x23: {  	[sflag:s24] =	ssyncset.done $0x0  }
0x24: {  	[sflag:s24] =	ssyncadd.s32 $0xFFFFFF80  }
0x25: {  	[tilespmem:$0x17880] =	vst v0  }
0x26: {  	[tilespmem:$0x17900] =	vst v1  }
0x27: {  	[tilespmem:$0x17890] =	vst v0  }
0x28: {  	[tilespmem:$0x17910] =	vst v1  }
0x29: {  	[tilespmem:$0x178A0] =	vst v0  }
0x2a: {  	[tilespmem:$0x17920] =	vst v1  }
0x2b: {  	[tilespmem:$0x178B0] =	vst v0  }
0x2c: {  	[tilespmem:$0x17930] =	vst v1  }
0x2d: {  	[tilespmem:$0x178C0] =	vst v0  }
0x2e: {  	[tilespmem:$0x17940] =	vst v1  }
0x2f: {  	[tilespmem:$0x178D0] =	vst v0  }
0x30: {  	[tilespmem:$0x17950] =	vst v1  }
0x31: {  	[tilespmem:$0x178E0] =	vst v0  }
0x32: {  	[tilespmem:$0x17960] =	vst v1  }
0x33: {  	[tilespmem:$0x178F0] =	vst v0  }
0x34: {  	s5 =	smov.u32 s20;
	s23 =	rddreg [dreg:$0x8];
	[tilespmem:$0x17970] =	vst v1  }
0x35: {  	[tilespmem:s3], [sflag:$0x1] =	stream.strided.gather [hbm4b:s23+s25], $0xB800, s26, s25, $0x38;
	[tilespmem:$0x17B80] =	vst v63  }
.LBB2_3:
0x36: {  	s4 =	sshll.u32 s5, $0xD  }
0x37: {  	s4 =	sor.u32 s6, s4  }
0x38: {  	_ =	swait.ge [sflag:s28], $0xB800;
	s4 =	sshrl.u32 s4, $0x3  }
0x39: {  	s16 =	simm.s32 $0x0;
	[sflag:s28] =	ssyncset.done $0x0;
	s7 =	sadd.s32 s1, s4  }
0x3a: {  	s17 =	simm.s32 $0x0;
	[sflag:s28] =	ssyncadd.s32 $0xFFFF4800;
	s7 =	sadd.s32 $0x513800, s7  }
0x3b: {  	[tilespmem:s29], [sflag:$0x2] =	stream.strided.gather [hbm4b:s7+s25], $0xB400, s26, s25, $0x38;
	[tilespmem:$0x17B80] =	vst v63  }
0x3c: {  	s21 =	sand.u32 $0x70, s16;
	s23 =	sand.u32 $0xFFFFFF80, s17;
	s4 =	sadd.s32 s2, s4  }
0x3d: {  	[tilespmem:s30], [sflag:$0x3] =	stream.linear.gather [hbm4b:s4+s16], $0x400, $0x38;
	[tilespmem:$0x17B80] =	vst v63  }
0x3e: {  	s4 =	sor.u32 s21, s23  }
0x3f: {  	v4 =	vld [tilespmem:s4+$0x7C00]  }
0x40: {  	v5 =	vld [tilespmem:s4+$0x3400]  }
0x41: {  	v6 =	vld [tilespmem:s4+$0x2000]  }
0x42: {  	v7 =	vld [tilespmem:s4+$0x1400]  }
0x43: {  	v8 =	vld [tilespmem:s4+$0x2400]  }
0x44: {  	v10 =	vld [tilespmem:s4+$0x4400]  }
0x45: {  	v3 =	vld [tilespmem:s4+$0x5400]  }
0x46: {  	v12 =	vld [tilespmem:s4+$0x7400]  }
0x47: {  	v13 =	vld [tilespmem:s4+$0x8400];
	v11 =	vmul.f32 $1.442695020e+00, v4;
	v6 =	vmul.f32 $1.442695020e+00, v6  }
0x48: {  	v18 =	vld [tilespmem:s4+$0x1000];
	v7 =	vmul.f32 $1.442695020e+00, v7;
	v8 =	vmul.f32 $1.442695020e+00, v8  }
0x49: {  	v4 =	vld [tilespmem:s4+$0x6400];
	v5 =	vmul.f32 $1.442695020e+00, v5;
	v14 =	vmul.f32 $1.442695020e+00, v10  }
0x4a: {  	v10 =	vld [tilespmem:s4+$0xA400];
	v3 =	vmul.f32 $1.442695020e+00, v3;
	(erf) = vpow2.f32 v6  }
0x4b: {  	v12 =	vmul.f32 $1.442695020e+00, v12;
	v6 =	vld [tilespmem:s4+$0x9400];
	(erf) = vpow2.f32 v8  }
0x4c: {  	v13 =	vmul.f32 $1.442695020e+00, v13;
	v8 =	vld [tilespmem:s4+$0x0];
	(erf) = vpow2.f32 v7  }
0x4d: {  	v18 =	vmul.f32 $1.442695020e+00, v18;
	v7 =	vld [tilespmem:s4+$0x1800];
	(erf) = vpow2.f32 v3  }
0x4e: {  	v4 =	vmul.f32 $1.442695020e+00, v4;
	v3 =	vld [tilespmem:s4+$0x800];
	(erf) = vpow2.f32 v5  }
0x4f: {  	v10 =	vmul.f32 $1.442695020e+00, v10;
	v5 =	vld [tilespmem:s4+$0xC00];
	(erf) = vpow2.f32 v12  }
0x50: {  	v12 =	vld [tilespmem:s4+$0x3000];
	v6 =	vmul.f32 $1.442695020e+00, v6;
	(erf) = vpow2.f32 v4  }
0x51: {  	v15 =	vld [tilespmem:s4+$0x2800];
	v8 =	vmul.f32 $1.442695020e+00, v8;
	(erf) = vpow2.f32 v10  }
0x52: {  	v4 =	vld [tilespmem:s4+$0x1C00];
	v7 =	vmul.f32 $1.442695020e+00, v7;
	(erf) = vpow2.f32 v6  }
0x53: {  	v3 =	vmul.f32 $1.442695020e+00, v3;
	v6 =	vld [tilespmem:s4+$0x3800];
	v10 =	vpop (erf);
	(erf) = vpow2.f32 v8  }
0x54: {  	v5 =	vmul.f32 $1.442695020e+00, v5;
	v8 =	vld [tilespmem:s4+$0x2C00];
	v16 =	vpop (erf);
	(erf) = vpow2.f32 v13  }
0x55: {  	v19 =	vld [tilespmem:s4+$0x3C00];
	v12 =	vmul.f32 $1.442695020e+00, v12;
	v17 =	vpop (erf);
	(erf) = vpow2.f32 v7  }
0x56: {  	v13 =	vld [tilespmem:s4+$0x4800];
	v7 =	vpop (erf);
	(erf) = vpow2.f32 v3;
	v3 =	vmul.f32 $1.442695020e+00, v15  }
0x57: {  	v21 =	vld [tilespmem:s4+$0x400];
	v4 =	vmul.f32 $1.442695020e+00, v4;
	v15 =	vpop (erf);
	(erf) = vpow2.f32 v5  }
0x58: {  	v5 =	vld [tilespmem:s4+$0x5800];
	v20 =	vmul.f32 $1.442695020e+00, v6;
	v6 =	vpop (erf);
	(erf) = vpow2.f32 v12  }
0x59: {  	v22 =	vld [tilespmem:s4+$0x4C00];
	v12 =	vmul.f32 $1.442695020e+00, v8;
	(erf) = vpow2.f32 v4;
	v8 =	vpop (erf)  }
0x5a: {  	v19 =	vmul.f32 $1.442695020e+00, v19;
	(erf) = vpow2.f32 v3;
	v3 =	vpop (erf)  }
0x5b: {  	v23 =	vld [tilespmem:s4+$0x8800];
	v13 =	vmul.f32 $1.442695020e+00, v13;
	(erf) = vpow2.f32 v20;
	v4 =	vpop (erf)  }
0x5c: {  	v21 =	vmul.f32 $1.442695020e+00, v21;
	v20 =	vld [tilespmem:s4+$0x5C00];
	v24 =	vpop (erf);
	(erf) = vpow2.f32 v12  }
0x5d: {  	v25 =	vmul.f32 $1.442695020e+00, v5;
	(erf) = vpow2.f32 v13;
	v5 =	vpop (erf)  }
0x5e: {  	v26 =	vld [tilespmem:s4+$0x4000];
	v22 =	vmul.f32 $1.442695020e+00, v22;
	(erf) = vpow2.f32 v18;
	v18 =	vpop (erf)  }
0x5f: {  	v12 =	vld [tilespmem:s4+$0x6800];
	v27 =	vpop (erf);
	(erf) = vpow2.f32 v19  }
0x60: {  	v23 =	vmul.f32 $1.442695020e+00, v23;
	v13 =	vld [tilespmem:s4+$0x6C00];
	(erf) = vpow2.f32 v21;
	v21 =	vpop (erf)  }
0x61: {  	v28 =	vld [tilespmem:s4+$0x9C00];
	v20 =	vmul.f32 $1.442695020e+00, v20;
	v29 =	vpop (erf);
	(erf) = vpow2.f32 v22  }
0x62: {  	v22 =	vpop (erf);
	(erf) = vpow2.f32 v23  }
0x63: {  	v19 =	vld [tilespmem:s4+$0x8C00];
	v21 =	vadd.f32 $0.0e+00, v21;
	v31 =	vpop (erf);
	(erf) = vpow2.f32 v20  }
0x64: {  	v9 =	vld [tilespmem:s4+$0x5000];
	v27 =	vadd.f32 $0.0e+00, v27;
	v12 =	vmul.f32 $1.442695020e+00, v12;
	v32 =	vpop (erf)  }
0x65: {  	v30 =	vld [tilespmem:s4+$0x6000];
	v26 =	vmul.f32 $1.442695020e+00, v26;
	v13 =	vmul.f32 $1.442695020e+00, v13;
	v21 =	vadd.f32 v22, v21;
	v22 =	vpop (erf)  }
0x66: {  	v23 =	vld [tilespmem:s4+$0xA000];
	v18 =	vadd.f32 v18, v27;
	v27 =	vmul.f32 $1.442695020e+00, v28;
	(erf) = vpow2.f32 v12;
	v28 =	vpop (erf)  }
0x67: {  	v33 =	vld [tilespmem:s4+$0x9000];
	v20 =	vadd.f32 $0.0e+00, v24;
	(erf) = vpow2.f32 v13;
	v21 =	vadd.f32 v22, v21;
	v22 =	vpop (erf)  }
0x68: {  	v24 =	vld [tilespmem:s4+$0x7000];
	v19 =	vmul.f32 $1.442695020e+00, v19;
	v18 =	vadd.f32 v31, v18;
	(erf) = vpow2.f32 v11;
	v31 =	vpop (erf)  }
0x69: {  	v9 =	vmul.f32 $1.442695020e+00, v9;
	v12 =	vld [tilespmem:s4+$0x8000];
	(erf) = vpow2.f32 v14;
	v21 =	vadd.f32 v31, v21;
	v31 =	vpop (erf)  }
0x6a: {  	v13 =	vld [tilespmem:s4+$0x7800];
	v20 =	vadd.f32 v22, v20;
	(erf) = vpow2.f32 v19;
	v22 =	vpop (erf);
	v31 =	vadd.f32 $0.0e+00, v31  }
0x6b: {  	v11 =	vmul.f32 $1.442695020e+00, v23;
	v23 =	vld [tilespmem:s4+$0x9800];
	(erf) = vpow2.f32 v26;
	v34 =	vpop (erf);
	v21 =	vadd.f32 v22, v21  }
0x6c: {  	v14 =	vmul.f32 $1.442695020e+00, v30;
	v26 =	vld [tilespmem:s4+$0xA800];
	(erf) = vpow2.f32 v27;
	v27 =	vpop (erf);
	v17 =	vadd.f32 v17, v31  }
0x6d: {  	s18 =	simm.s32 $0x10;
	s16 =	simm.s32 $0x10;
	v30 =	vld [tilespmem:s4+$0xAC00];
	v19 =	vmul.f32 $1.442695020e+00, v24;
	v21 =	vadd.f32 v27, v21  }
0x6e: {  	s17 =	sand.u32 $0xFFFFFF80, s18;
	s15 =	sand.u32 $0x70, s16;
	v24 =	vld [tilespmem:s4+$0xB000];
	v12 =	vmul.f32 $1.442695020e+00, v12;
	(erf) = vpow2.f32 v9;
	v16 =	vadd.f32 v16, v17  }
0x6f: {  	s18 =	sor.u32 s15, s17;
	v18 =	vadd.f32 v32, v18;
	v22 =	vld [tilespmem:s4+$0xB400];
	v9 =	vmul.f32 $1.442695020e+00, v33;
	v31 =	vpop (erf);
	(erf) = vpow2.f32 v14  }
0x70: {  	v10 =	vadd.f32 v10, v20;
	v20 =	vmul.f32 $1.442695020e+00, v23;
	v27 =	vld [tilespmem:s18+$0x5400];
	v14 =	vpop (erf);
	(erf) = vpow2.f32 v25  }
0x71: {  	v25 =	vmul.f32 $1.442695020e+00, v26;
	v26 =	vld [tilespmem:s18+$0x9400];
	v14 =	vadd.f32 v14, v21;
	v15 =	vadd.f32 v15, v16;
	v21 =	vpop (erf)  }
0x72: {  	v18 =	vadd.f32 v28, v18;
	v28 =	vmul.f32 $1.442695020e+00, v30;
	v30 =	vld [tilespmem:s18+$0x7C00];
	(erf) = vpow2.f32 v9;
	v16 =	vpop (erf)  }
0x73: {  	v17 =	vld [tilespmem:s18+$0x4400];
	(erf) = vpow2.f32 v19;
	v14 =	vadd.f32 v21, v14;
	v15 =	vadd.f32 v16, v15  }
0x74: {  	v13 =	vmul.f32 $1.442695020e+00, v13;
	v10 =	vadd.f32 v29, v10;
	v9 =	vld [tilespmem:s18+$0x3400];
	v21 =	vpop (erf);
	(erf) = vpow2.f32 v20  }
0x75: {  	v19 =	vld [tilespmem:s18+$0x2400];
	v27 =	vmul.f32 $1.442695020e+00, v27;
	(erf) = vpow2.f32 v12;
	v14 =	vadd.f32 v21, v14;
	v12 =	vpop (erf)  }
0x76: {  	v20 =	vld [tilespmem:s18+$0x2000];
	v21 =	vmul.f32 $1.442695020e+00, v24;
	v26 =	vmul.f32 $1.442695020e+00, v26;
	v10 =	vadd.f32 v12, v10;
	v23 =	vpop (erf)  }
0x77: {  	v16 =	vld [tilespmem:s18+$0x1400];
	(erf) = vpow2.f32 v13;
	v13 =	vmul.f32 $1.442695020e+00, v30;
	v7 =	vadd.f32 v7, v15;
	v15 =	vpop (erf)  }
0x78: {  	v24 =	vld [tilespmem:s18+$0x1000];
	(erf) = vpow2.f32 v28;
	v14 =	vadd.f32 v23, v14;
	v10 =	vadd.f32 v15, v10  }
0x79: {  	v23 =	vld [tilespmem:s18+$0x7400];
	v9 =	vmul.f32 $1.442695020e+00, v9;
	(erf) = vpow2.f32 v21;
	v7 =	vadd.f32 v8, v7;
	v15 =	vpop (erf)  }
0x7a: {  	v21 =	vld [tilespmem:s18+$0x0];
	v19 =	vmul.f32 $1.442695020e+00, v19;
	(erf) = vpow2.f32 v11;
	v10 =	vadd.f32 v15, v10  }
0x7b: {  	v11 =	vmul.f32 $1.442695020e+00, v22;
	v22 =	vld [tilespmem:s18+$0x6400];
	v20 =	vmul.f32 $1.442695020e+00, v20;
	v8 =	vpop (erf)  }
0x7c: {  	v12 =	vld [tilespmem:s18+$0x5000];
	v16 =	vmul.f32 $1.442695020e+00, v16;
	(erf) = vpow2.f32 v25;
	v8 =	vadd.f32 v8, v18;
	v18 =	vpop (erf)  }
0x7d: {  	v25 =	vld [tilespmem:s18+$0x8400];
	v6 =	vadd.f32 v6, v7;
	v24 =	vmul.f32 $1.442695020e+00, v24;
	v15 =	vmul.f32 $1.442695020e+00, v17;
	v7 =	vpop (erf)  }
0x7e: {  	(erf) = vpow2.f32 v11;
	v11 =	vld [tilespmem:s18+$0xA400];
	v23 =	vmul.f32 $1.442695020e+00, v23;
	v7 =	vadd.f32 v7, v10;
	v10 =	vpop (erf)  }
0x7f: {  	v5 =	vadd.f32 v5, v6;
	v6 =	vld [tilespmem:s18+$0x3000];
	v21 =	vmul.f32 $1.442695020e+00, v21;
	v17 =	vpop (erf);
	(erf) = vpow2.f32 v20  }
0x80: {  	v8 =	vadd.f32 v31, v8;
	v22 =	vmul.f32 $1.442695020e+00, v22;
	v20 =	vld [tilespmem:s18+$0x1800];
	(erf) = vpow2.f32 v19  }
0x81: {  	v4 =	vadd.f32 v4, v5;
	v7 =	vadd.f32 v17, v7;
	v17 =	vpop (erf);
	v19 =	vld [tilespmem:s18+$0x800];
	(erf) = vpow2.f32 v16  }
0x82: {  	v25 =	vmul.f32 $1.442695020e+00, v25;
	v8 =	vadd.f32 v17, v8;
	v16 =	vld [tilespmem:s18+$0xC00];
	v17 =	vpop (erf);
	(erf) = vpow2.f32 v27  }
0x83: {  	v11 =	vmul.f32 $1.442695020e+00, v11;
	v27 =	vpop (erf);
	v14 =	vadd.f32 v17, v14;
	v17 =	vld [tilespmem:s18+$0x6800];
	(erf) = vpow2.f32 v9  }
0x84: {  	v3 =	vadd.f32 v3, v4;
	v7 =	vadd.f32 v18, v7;
	v9 =	vld [tilespmem:s18+$0x1C00];
	v18 =	vpop (erf);
	(erf) = vpow2.f32 v23  }
0x85: {  	v28 =	vmul.f32 $1.442695020e+00, v6;
	v8 =	vadd.f32 v34, v8;
	v23 =	vld [tilespmem:s18+$0x2800];
	(erf) = vpow2.f32 v22  }
0x86: {  	v20 =	vmul.f32 $1.442695020e+00, v20;
	v7 =	vadd.f32 v18, v7;
	v18 =	vld [tilespmem:s18+$0x3800];
	v22 =	vpop (erf);
	(erf) = vpow2.f32 v11  }
0x87: {  	v19 =	vmul.f32 $1.442695020e+00, v19;
	v8 =	vadd.f32 v10, v8;
	v10 =	vld [tilespmem:s18+$0x2C00];
	v11 =	vpop (erf);
	(erf) = vpow2.f32 v26  }
0x88: {  	v16 =	vmul.f32 $1.442695020e+00, v16;
	v7 =	vadd.f32 v27, v7;
	v27 =	vld [tilespmem:s18+$0x4800];
	v29 =	vpop (erf);
	(erf) = vpow2.f32 v21  }
0x89: {  	v8 =	vadd.f32 v22, v8;
	v22 =	vld [tilespmem:s18+$0x3C00];
	v26 =	vmul.f32 $1.442695020e+00, v9;
	v9 =	vpop (erf);
	(erf) = vpow2.f32 v25  }
0x8a: {  	v17 =	vmul.f32 $1.442695020e+00, v17;
	v7 =	vadd.f32 v11, v7;
	v21 =	vld [tilespmem:s18+$0x5800];
	v11 =	vpop (erf);
	(erf) = vpow2.f32 v20  }
0x8b: {  	v23 =	vmul.f32 $1.442695020e+00, v23;
	v25 =	vld [tilespmem:s18+$0x4C00];
	v4 =	vadd.f32 v14, v8;
	v6 =	vpop (erf);
	(erf) = vpow2.f32 v19  }
0x8c: {  	v20 =	vmul.f32 $1.442695020e+00, v10;
	v7 =	vadd.f32 v7, v3;
	v10 =	vpop (erf);
	(erf) = vpow2.f32 v16;
	v16 =	vld [tilespmem:s18+$0x400]  }
0x8d: {  	v18 =	vmul.f32 $1.442695020e+00, v18;
	v19 =	vld [tilespmem:s18+$0x5C00];
	v5 =	vpop (erf);
	(erf) = vpow2.f32 v28  }
0x8e: {  	v27 =	vmul.f32 $1.442695020e+00, v27;
	v7 =	vadd.f32 v7, v4;
	v28 =	vld [tilespmem:s18+$0x6C00];
	(erf) = vpow2.f32 v26;
	v8 =	vpop (erf)  }
0x8f: {  	v14 =	vmul.f32 $1.442695020e+00, v21;
	v26 =	vld [tilespmem:s18+$0x8800];
	(erf) = vpow2.f32 v23;
	v3 =	vpop (erf)  }
0x90: {  	v21 =	vmul.f32 $1.442695020e+00, v25;
	v23 =	vld [tilespmem:s18+$0x4000];
	(erf) = vpow2.f32 v18;
	v4 =	vpop (erf)  }
0x91: {  	v18 =	vld [tilespmem:s18+$0x8C00];
	[tilespmem:s4+$0x17000] =	vst v7;
	v25 =	vpop (erf);
	(erf) = vpow2.f32 v20;
	v16 =	vmul.f32 $1.442695020e+00, v16  }
0x92: {  	v22 =	vmul.f32 $1.442695020e+00, v22;
	v20 =	vld [tilespmem:s21+$0x17800];
	(erf) = vpow2.f32 v27;
	v7 =	vpop (erf)  }
0x93: {  	v19 =	vmul.f32 $1.442695020e+00, v19;
	(erf) = vpow2.f32 v24;
	v24 =	vpop (erf)  }
0x94: {  	v26 =	vmul.f32 $1.442695020e+00, v26;
	v27 =	vpop (erf);
	(erf) = vpow2.f32 v22  }
0x95: {  	v30 =	vld [tilespmem:s18+$0x6000];
	v36 =	vmul.f32 $1.442695020e+00, v23;
	(erf) = vpow2.f32 v16;
	v16 =	vpop (erf)  }
0x96: {  	v60 =	vld [tilespmem:s18+$0x7000];
	v27 =	vadd.f32 $0.0e+00, v27;
	v31 =	vadd.f32 $0.0e+00, v16;
	v16 =	vpop (erf);
	(erf) = vpow2.f32 v21  }
0x97: {  	v22 =	vld [tilespmem:s18+$0x9C00];
	v61 =	vmul.f32 $1.442695020e+00, v18;
	vm0 =	vlt.s32 v20, $0x2D;
	v18 =	vpop (erf);
	(erf) = vpow2.f32 v26  }
0x98: {  	v62 =	vld [tilespmem:s18+$0x8000];
	v21 =	vadd.f32 v24, v27;
	v26 =	vadd.f32 v18, v31;
	v18 =	vnsel vm0, $0x2D, v20  }
0x99: {  	v23 =	vld [tilespmem:s18+$0x9800];
	v24 =	vpop (erf);
	v20 =	vmul.f32 $1.442695020e+00, v28;
	(erf) = vpow2.f32 v19;
	v19 =	vshll.u32 v18, $0xA  }
0x9a: {  	v28 =	vld [tilespmem:s18+$0xA000];
	v21 =	vadd.f32 v24, v21;
	v31 =	vpop (erf);
	(erf) = vpow2.f32 v17;
	v17 =	vadd.s32 s23, v19  }
0x9b: {  	v33 =	vmul.f32 $1.442695020e+00, v12;
	v25 =	vadd.f32 $0.0e+00, v25;
	v18 =	vld [tilespmem:s18+$0x7800];
	v35 =	vpop (erf);
	v17 =	vor.u32 s21, v17  }
0x9c: {  	v24 =	vld [tilespmem:s18+$0x9000];
	v27 =	vmul.f32 $1.442695020e+00, v22;
	(erf) = vpow2.f32 v20;
	v37 =	vpop (erf);
	v63 =	vor.u32 v2, v17  }
0x9d: {  	v22 =	vld [tilespmem:s18+$0xB000];
	v19 =	vadd.f32 v35, v26;
	v17 =	vadd.f32 v31, v21;
	v26 =	vpop (erf);
	(erf) = vpow2.f32 v13  }
0x9e: {  	v20 =	vld [tilespmem:s18+$0xA800];
	v31 =	vmul.f32 $1.442695020e+00, v30;
	v25 =	vadd.f32 v26, v25;
	v21 =	vpop (erf);
	(erf) = vpow2.f32 v15  }
0x9f: {  	v17 =	vadd.f32 v37, v17;
	v26 =	vadd.f32 v21, v19;
	v21 =	vmul.f32 $1.442695020e+00, v28;
	v19 =	vld [tilespmem:s18+$0xB400];
	v38 =	vpop (erf)  }
0xa0: {  	(erf) = vpow2.f32 v61;
	v28 =	vld [tilespmem:s18+$0xAC00];
	v30 =	vpop (erf);
	v13 =	vadd.f32 v29, v25;
	v29 =	vmul.f32 $1.442695020e+00, v60  }
0xa1: {  	s13 =	simm.s32 $0x2;
	v25 =	vmul.f32 $1.442695020e+00, v62;
	v32 =	vadd.f32 $0.0e+00, v38;
	(erf) = vpow2.f32 v36;
	v15 =	vpop (erf);
	v12 =	vld.idx.msk [tilespmem:v63+s3+$0x0], $0xffff  }
.LBB2_4:
0xa2: {  	s9 =	sshll.u32 s13, $0x4  }
0xa3: {  	v26 =	vadd.f32 v30, v26;
	v24 =	vmul.f32 $1.442695020e+00, v24;
	s16 =	sadd.s32 $0x10, s16;
	v30 =	vpop (erf);
	(erf) = vpow2.f32 v27;
	s7 =	smov.u32 s13;
	s21 =	sadd.s32 $0x1, s13  }
0xa4: {  	p1 =	sne.s32 s13, $0x3F;
	s7 =	sand.u32 $0x70, s16;
	s9 =	sand.u32 $0xFFFFFF80, s9;
	v32 =	vadd.f32 v11, v32;
	(erf) = vpow2.f32 v33;
	v27 =	vpop (erf)  }
0xa5: {  	v28 =	vmul.f32 $1.442695020e+00, v28;
	s13 =	sor.u32 s7, s9;
	v33 =	vadd.f32 v30, v26;
	(erf) = vpow2.f32 v31  }
0xa6: {  	v30 =	vld [tilespmem:s13+$0x5400];
	v9 =	vadd.f32 v9, v32;
	(erf) = vpow2.f32 v14;
	v11 =	vpop (erf)  }
0xa7: {  	v23 =	vmul.f32 $1.442695020e+00, v23;
	v14 =	vld [tilespmem:s13+$0x7C00];
	v11 =	vadd.f32 v11, v33;
	v26 =	vpop (erf);
	(erf) = vpow2.f32 v24  }
0xa8: {  	v24 =	vld [tilespmem:s13+$0x4400];
	v9 =	vadd.f32 v10, v9;
	v10 =	vpop (erf);
	(erf) = vpow2.f32 v29;
	[tilespmem:s4+$0x17400] =	vst v12;
	s4 =	smov.u32 s18;
	s18 =	smov.u32 s13  }
0xa9: {  	v12 =	vmul.f32 $1.442695020e+00, v18;
	v29 =	vld [tilespmem:s18+$0x3400];
	v11 =	vadd.f32 v26, v11;
	v18 =	vpop (erf);
	(erf) = vpow2.f32 v23  }
0xaa: {  	v26 =	vadd.f32 v16, v13;
	v23 =	vld [tilespmem:s18+$0x2400];
	v9 =	vadd.f32 v10, v9;
	(erf) = vpow2.f32 v25  }
0xab: {  	v10 =	vld [tilespmem:s18+$0x2000];
	v31 =	vadd.f32 v18, v11;
	v18 =	vmul.f32 $1.442695020e+00, v22;
	v22 =	vpop (erf);
	(erf) = vpow2.f32 v12  }
0xac: {  	v25 =	vld [tilespmem:s18+$0x1400];
	v13 =	vmul.f32 $1.442695020e+00, v14;
	v14 =	vadd.f32 v22, v26;
	v16 =	vpop (erf);
	(erf) = vpow2.f32 v28  }
0xad: {  	v6 =	vadd.f32 v6, v9;
	v9 =	vmul.f32 $1.442695020e+00, v20;
	v12 =	vld [tilespmem:s18+$0x5000];
	v20 =	vpop (erf);
	(erf) = vpow2.f32 v18  }
0xae: {  	v16 =	vadd.f32 v16, v31;
	v18 =	vld [tilespmem:s18+$0x1000];
	v22 =	vadd.f32 v20, v14;
	v11 =	vpop (erf);
	(erf) = vpow2.f32 v21  }
0xaf: {  	v26 =	vadd.f32 v8, v6;
	v8 =	vmul.f32 $1.442695020e+00, v19;
	v20 =	vld [tilespmem:s18+$0x0];
	v19 =	vpop (erf);
	(erf) = vpow2.f32 v9  }
0xb0: {  	v9 =	vmul.f32 $1.442695020e+00, v10;
	v10 =	vld [tilespmem:s18+$0x6400];
	v19 =	vadd.f32 v19, v17;
	v17 =	vadd.f32 v11, v22;
	v14 =	vpop (erf)  }
0xb1: {  	v22 =	vmul.f32 $1.442695020e+00, v23;
	v5 =	vadd.f32 v5, v26;
	v21 =	vmul.f32 $1.442695020e+00, v25;
	v23 =	vld [tilespmem:s18+$0x7400];
	v6 =	vpop (erf)  }
0xb2: {  	v25 =	vmul.f32 $1.442695020e+00, v29;
	v26 =	vld [tilespmem:s18+$0x8400];
	v6 =	vadd.f32 v6, v17;
	v11 =	vpop (erf)  }
0xb3: {  	v17 =	vmul.f32 $1.442695020e+00, v24;
	v31 =	vadd.f32 v27, v19;
	v24 =	vld [tilespmem:s18+$0x9400];
	v27 =	vpop (erf);
	(erf) = vpow2.f32 v8  }
0xb4: {  	v8 =	vmul.f32 $1.442695020e+00, v30;
	v28 =	vld [tilespmem:s18+$0xA400];
	(erf) = vpow2.f32 v9;
	v6 =	vadd.f32 v27, v6;
	v9 =	vpop (erf)  }
0xb5: {  	v27 =	vld [tilespmem:s18+$0x1800];
	v10 =	vmul.f32 $1.442695020e+00, v10;
	(erf) = vpow2.f32 v22;
	v22 =	vpop (erf)  }
0xb6: {  	v9 =	vadd.f32 v9, v31;
	v29 =	vld [tilespmem:s18+$0x800];
	v23 =	vmul.f32 $1.442695020e+00, v23;
	(erf) = vpow2.f32 v21;
	v19 =	vpop (erf)  }
0xb7: {  	v5 =	vadd.f32 v7, v5;
	v21 =	vld [tilespmem:s18+$0xC00];
	v26 =	vmul.f32 $1.442695020e+00, v26;
	(erf) = vpow2.f32 v8;
	v7 =	vpop (erf)  }
0xb8: {  	v6 =	vadd.f32 v14, v6;
	v8 =	vld [tilespmem:s18+$0x3000];
	v24 =	vmul.f32 $1.442695020e+00, v24;
	(erf) = vpow2.f32 v25;
	v14 =	vpop (erf)  }
0xb9: {  	v9 =	vadd.f32 v15, v9;
	v25 =	vld [tilespmem:s18+$0x1C00];
	v28 =	vmul.f32 $1.442695020e+00, v28;
	(erf) = vpow2.f32 v23  }
0xba: {  	v20 =	vmul.f32 $1.442695020e+00, v20;
	v6 =	vadd.f32 v7, v6;
	v23 =	vmul.f32 $1.442695020e+00, v27;
	v27 =	vld [tilespmem:s18+$0x2800]  }
0xbb: {  	v30 =	vadd.f32 v11, v9;
	v7 =	vmul.f32 $1.442695020e+00, v29;
	v29 =	vld [tilespmem:s18+$0x3800];
	(erf) = vpow2.f32 v10  }
0xbc: {  	v6 =	vadd.f32 v19, v6;
	v21 =	vmul.f32 $1.442695020e+00, v21;
	v10 =	vld [tilespmem:s18+$0x2C00];
	(erf) = vpow2.f32 v28;
	v11 =	vpop (erf)  }
0xbd: {  	v14 =	vadd.f32 v14, v30;
	v8 =	vmul.f32 $1.442695020e+00, v8;
	v19 =	vld [tilespmem:s18+$0x4800];
	v15 =	vpop (erf);
	(erf) = vpow2.f32 v24  }
0xbe: {  	v24 =	vmul.f32 $1.442695020e+00, v25;
	v25 =	vld [tilespmem:s18+$0x3C00];
	(erf) = vpow2.f32 v20;
	v9 =	vpop (erf);
	v20 =	vadd.f32 v11, v6  }
0xbf: {  	v4 =	vadd.f32 v4, v5;
	v27 =	vmul.f32 $1.442695020e+00, v27;
	v28 =	vld [tilespmem:s18+$0x5800];
	v11 =	vpop (erf);
	(erf) = vpow2.f32 v26  }
0xc0: {  	v16 =	vadd.f32 v22, v16;
	v26 =	vmul.f32 $1.442695020e+00, v29;
	v29 =	vld [tilespmem:s18+$0x4C00];
	(erf) = vpow2.f32 v23;
	v6 =	vpop (erf)  }
0xc1: {  	v3 =	vadd.f32 v3, v4;
	v22 =	vmul.f32 $1.442695020e+00, v10;
	v23 =	vld [tilespmem:s18+$0x6800];
	(erf) = vpow2.f32 v7;
	v10 =	vpop (erf)  }
0xc2: {  	v4 =	vadd.f32 v16, v14;
	v7 =	vmul.f32 $1.442695020e+00, v19;
	v19 =	vld [tilespmem:s18+$0x5C00];
	(erf) = vpow2.f32 v21;
	v5 =	vpop (erf)  }
0xc3: {  	v18 =	vmul.f32 $1.442695020e+00, v18;
	v20 =	vadd.f32 v20, v3;
	v16 =	vld [tilespmem:s18+$0x400];
	(erf) = vpow2.f32 v8  }
0xc4: {  	v21 =	vmul.f32 $1.442695020e+00, v25;
	v25 =	vld [tilespmem:s18+$0x6C00];
	(erf) = vpow2.f32 v24;
	v8 =	vpop (erf)  }
0xc5: {  	v20 =	vadd.f32 v20, v4;
	v14 =	vmul.f32 $1.442695020e+00, v28;
	v24 =	vld [tilespmem:s18+$0x8800];
	(erf) = vpow2.f32 v27;
	v3 =	vpop (erf)  }
0xc6: {  	v28 =	vmul.f32 $1.442695020e+00, v29;
	v27 =	vld [tilespmem:s18+$0x4000];
	(erf) = vpow2.f32 v26;
	v4 =	vpop (erf)  }
0xc7: {  	v26 =	vmul.f32 $1.442695020e+00, v23;
	v23 =	vld [tilespmem:s18+$0x8C00];
	v29 =	vpop (erf);
	(erf) = vpow2.f32 v22;
	[tilespmem:s4+$0x17000] =	vst v20  }
0xc8: {  	v32 =	vmul.f32 $1.442695020e+00, v16;
	(erf) = vpow2.f32 v7;
	v7 =	vpop (erf);
	v20 =	vld [tilespmem:s15+$0x17800]  }
0xc9: {  	v19 =	vmul.f32 $1.442695020e+00, v19;
	v22 =	vld [tilespmem:s18+$0x9C00];
	(erf) = vpow2.f32 v18;
	v30 =	vpop (erf)  }
0xca: {  	v31 =	vld [tilespmem:s18+$0x6000];
	v18 =	vpop (erf);
	(erf) = vpow2.f32 v21  }
0xcb: {  	v21 =	vadd.f32 $0.0e+00, v29;
	v24 =	vmul.f32 $1.442695020e+00, v24;
	v29 =	vld [tilespmem:s18+$0x7000];
	(erf) = vpow2.f32 v32;
	v16 =	vpop (erf)  }
0xcc: {  	v32 =	vadd.f32 $0.0e+00, v18;
	v36 =	vadd.f32 $0.0e+00, v16;
	v34 =	vld [tilespmem:s18+$0x8000];
	v16 =	vpop (erf);
	(erf) = vpow2.f32 v28  }
0xcd: {  	v35 =	vmul.f32 $1.442695020e+00, v23;
	v18 =	vld [tilespmem:s18+$0x7800];
	v23 =	vpop (erf);
	(erf) = vpow2.f32 v24;
	vm0 =	vlt.s32 v20, $0x2D  }
0xce: {  	v28 =	vadd.f32 v30, v32;
	v30 =	vadd.f32 v23, v36;
	v24 =	vld [tilespmem:s18+$0x9000];
	v23 =	vpop (erf);
	v36 =	vnsel vm0, $0x2D, v20  }
0xcf: {  	v25 =	vmul.f32 $1.442695020e+00, v25;
	v32 =	vld [tilespmem:s18+$0xA000];
	v33 =	vpop (erf);
	(erf) = vpow2.f32 v19;
	v19 =	vshll.u32 v36, $0xA  }
0xd0: {  	v28 =	vadd.f32 v23, v28;
	v23 =	vld [tilespmem:s18+$0x9800];
	v20 =	vpop (erf);
	(erf) = vpow2.f32 v26;
	v19 =	vadd.s32 s17, v19;
	s17 =	smov.u32 s9  }
0xd1: {  	v36 =	vmul.f32 $1.442695020e+00, v27;
	v27 =	vmul.f32 $1.442695020e+00, v22;
	v22 =	vld [tilespmem:s18+$0xB000];
	v37 =	vpop (erf);
	v19 =	vor.u32 s15, v19;
	s15 =	smov.u32 s7  }
0xd2: {  	v26 =	vadd.f32 v20, v30;
	v20 =	vld [tilespmem:s18+$0xA800];
	v30 =	vpop (erf);
	(erf) = vpow2.f32 v25;
	v38 =	vor.u32 v2, v19  }
.Ltmp2:
0xd3: {  	v33 =	vadd.f32 v33, v28;
	v25 =	vadd.f32 v30, v21;
	v19 =	vld [tilespmem:s18+$0xB400];
	v21 =	vpop (erf);
	(erf) = vpow2.f32 v13;
	(pc) =	sbr.rel @p1 .LBB2_4-.Ltmp2, $4  }
0xd4: {  	v26 =	vadd.f32 v21, v26;
	v21 =	vmul.f32 $1.442695020e+00, v32;
	v28 =	vld [tilespmem:s18+$0xAC00];
	v32 =	vpop (erf);
	(erf) = vpow2.f32 v17  }
0xd5: {  	v31 =	vmul.f32 $1.442695020e+00, v31;
	v17 =	vadd.f32 v37, v33;
	v30 =	vpop (erf);
	(erf) = vpow2.f32 v35  }
0xd6: {  	v29 =	vmul.f32 $1.442695020e+00, v29;
	v13 =	vadd.f32 v15, v25;
	v25 =	vmul.f32 $1.442695020e+00, v34;
	v15 =	vpop (erf)  }
0xd7: {  	s13 =	smov.u32 s21;
	v33 =	vmul.f32 $1.442695020e+00, v12;
	v32 =	vadd.f32 $0.0e+00, v32;
	(erf) = vpow2.f32 v36;
	v12 =	vld.idx.msk [tilespmem:v38+s3+$0x0], $0xffff  }
0xd8: {  	_ = 	snop  }
0xd9: {  	(erf) = vpow2.f32 v27  }
0xda: {  	v49 =	vpop (erf);
	(erf) = vpow2.f32 v33  }
0xdb: {  	v50 =	vpop (erf);
	(erf) = vpow2.f32 v31  }
0xdc: {  	v24 =	vmul.f32 $1.442695020e+00, v24;
	(erf) = vpow2.f32 v14;
	v14 =	vpop (erf)  }
0xdd: {  	v51 =	vpop (erf)  }
0xde: {  	(erf) = vpow2.f32 v24;
	v52 =	vpop (erf)  }
0xdf: {  	v13 =	vadd.f32 v16, v13;
	(erf) = vpow2.f32 v29;
	v54 =	vpop (erf)  }
0xe0: {  	v23 =	vmul.f32 $1.442695020e+00, v23;
	v11 =	vadd.f32 v11, v32;
	v55 =	vpop (erf)  }
0xe1: {  	v18 =	vmul.f32 $1.442695020e+00, v18;
	v13 =	vadd.f32 v55, v13  }
0xe2: {  	v16 =	vmul.f32 $1.442695020e+00, v22;
	v9 =	vadd.f32 v9, v11;
	(erf) = vpow2.f32 v23  }
0xe3: {  	v53 =	vmul.f32 $1.442695020e+00, v28;
	(erf) = vpow2.f32 v25;
	v56 =	vpop (erf)  }
0xe4: {  	v9 =	vadd.f32 v10, v9;
	v10 =	vmul.f32 $1.442695020e+00, v20;
	(erf) = vpow2.f32 v18;
	v11 =	vpop (erf)  }
0xe5: {  	(erf) = vpow2.f32 v53;
	v11 =	vadd.f32 v11, v13;
	v13 =	vpop (erf)  }
0xe6: {  	(erf) = vpow2.f32 v16;
	v16 =	vpop (erf)  }
0xe7: {  	(erf) = vpow2.f32 v21;
	v11 =	vadd.f32 v13, v11;
	v13 =	vpop (erf)  }
0xe8: {  	v57 =	vadd.f32 v30, v26;
	v9 =	vadd.f32 v52, v9;
	(erf) = vpow2.f32 v10;
	v10 =	vpop (erf)  }
0xe9: {  	v19 =	vmul.f32 $1.442695020e+00, v19;
	v16 =	vadd.f32 v16, v17;
	v10 =	vadd.f32 v10, v11  }
0xea: {  	v6 =	vadd.f32 v6, v9  }
0xeb: {  	v17 =	vadd.f32 v49, v57;
	v16 =	vadd.f32 v50, v16;
	v11 =	vpop (erf);
	(erf) = vpow2.f32 v19  }
0xec: {  	v6 =	vadd.f32 v8, v6;
	v9 =	vpop (erf)  }
0xed: {  	v14 =	vadd.f32 v14, v17;
	v9 =	vadd.f32 v9, v10;
	v10 =	vpop (erf)  }
0xee: {  	v5 =	vadd.f32 v5, v6;
	v8 =	vpop (erf);
	v10 =	vadd.f32 v10, v16  }
0xef: {  	v9 =	vadd.f32 v13, v9;
	v13 =	vadd.f32 v51, v14;
	v16 =	vpop (erf)  }
0xf0: {  	v5 =	vadd.f32 v7, v5;
	v6 =	vpop (erf);
	v10 =	vadd.f32 v15, v10  }
0xf1: {  	v6 =	vadd.f32 v6, v9;
	v9 =	vadd.f32 v54, v13  }
0xf2: {  	v4 =	vadd.f32 v4, v5;
	v10 =	vadd.f32 v11, v10  }
0xf3: {  	v7 =	vpop (erf);
	v6 =	vadd.f32 v16, v6;
	v9 =	vadd.f32 v56, v9  }
0xf4: {  	v3 =	vadd.f32 v3, v4;
	v11 =	vpop (erf);
	v5 =	vadd.f32 v7, v10  }
0xf5: {  	v6 =	vadd.f32 v11, v6;
	v7 =	vadd.f32 v8, v9;
	_ =	sdelay $0x1  }
0xf6: {  	v4 =	vadd.f32 v7, v5;
	v3 =	vadd.f32 v6, v3;
	_ =	sdelay $0x1  }
0xf7: {  	v3 =	vadd.f32 v3, v4  }
0xf8: {  	[tilespmem:s4+$0x17400] =	vst v12  }
0xf9: {  	[tilespmem:s18+$0x17000] =	vst v3  }
0xfa: {  	v3 =	vld [tilespmem:s15+$0x17800];
	_ =	sdelay $0x4  }
0xfb: {  	vm0 =	vlt.s32 v3, $0x2D  }
0xfc: {  	v3 =	vnsel vm0, $0x2D, v3  }
0xfd: {  	v3 =	vshll.u32 v3, $0xA  }
0xfe: {  	v3 =	vadd.s32 s17, v3  }
0xff: {  	v3 =	vor.u32 s15, v3  }
0x100: {  	v3 =	vor.u32 v2, v3;
	_ =	sdelay $0x4  }
0x101: {  	v3 =	vld.idx.msk [tilespmem:v3+s3+$0x0], $0xffff;
	_ =	sdelay $0x4  }
0x102: {  	s4 =	sshll.u32 s5, $0x3;
	s5 =	sadd.s32 $0x1, s5;
	[tilespmem:s18+$0x17400] =	vst v3  }
0x103: {  	p1 =	sge.u32 s5, s8;
	_ =	swait.ge [sflag:s31], $0xB400  }
0x104: {  	s23 =	simm.s32 $0x0;
	s7 =	sshll.u32 @!p1 s5, $0xD;
	[sflag:s31] =	ssyncset.done $0x0  }
0x105: {  	s9 =	simm.s32 @!p1 $0x400;
	s13 =	simm.s32 @!p1 $0xE2000;
	[sflag:s31] =	ssyncadd.s32 $0xFFFF4C00  }
0x106: {  	s14 =	simm.s32 @!p1 $0x0;
	s7 =	sor.u32 @!p1 s6, s7;
	_ =	swait.ge [sflag:s0], $0x400  }
0x107: {  	s7 =	sshrl.u32 @!p1 s7, $0x3;
	s17 =	simm.s32 $0x0;
	[sflag:s0] =	ssyncset.done $0x0  }
0x108: {  	s7 =	sadd.s32 @!p1 s1, s7;
	s15 =	sand.u32 $0x70, s17;
	[sflag:s0] =	ssyncadd.s32 $0xFFFFFC00  }
0x109: {  	[tilespmem:s14], [sflag:$0x1] =	stream.strided.gather @!p1 [hbm4b:s7+s9], $0xB800, s13, s9, $0x38;
	[tilespmem:$0x17B80] =	vst v63  }
0x10a: {  	s18 =	sor.u32 s15, s23;
	v3 =	vld [tilespmem:s15+$0x17800]  }
0x10b: {  	v4 =	vld [tilespmem:s18+$0x10C00]  }
0x10c: {  	v5 =	vld [tilespmem:s18+$0xE400]  }
0x10d: {  	v6 =	vld [tilespmem:s18+$0xFC00]  }
0x10e: {  	v7 =	vld [tilespmem:s18+$0xC400]  }
0x10f: {  	v8 =	vld [tilespmem:s18+$0xEC00]  }
0x110: {  	v9 =	vld [tilespmem:s18+$0xD800]  }
0x111: {  	v11 =	vld [tilespmem:s18+$0xF400]  }
0x112: {  	v10 =	vmov s23;
	v12 =	vld [tilespmem:s18+$0xE000]  }
0x113: {  	v10 =	vadd.s32 $0xFFFF4800, v10;
	v13 =	vld [tilespmem:s18+$0x10000];
	v7 =	vmul.f32 $1.442695020e+00, v7  }
0x114: {  	v10 =	vbroadcast v10, $0x0;
	v14 =	vld [tilespmem:s18+$0xCC00];
	v4 =	vmul.f32 $1.442695020e+00, v4  }
0x115: {  	v15 =	vld [tilespmem:s18+$0xE800];
	v5 =	vmul.f32 $1.442695020e+00, v5;
	(erf) = vpow2.f32 v7  }
0x116: {  	v16 =	vld [tilespmem:s18+$0x11C00];
	v6 =	vmul.f32 $1.442695020e+00, v6;
	(erf) = vpow2.f32 v4  }
0x117: {  	v59 =	vld [tilespmem:s18+$0x11400];
	v7 =	vmul.f32 $1.442695020e+00, v8;
	(erf) = vpow2.f32 v5  }
0x118: {  	v8 =	vld [tilespmem:s18+$0xD000];
	v5 =	vmul.f32 $1.442695020e+00, v9;
	(erf) = vpow2.f32 v6  }
0x119: {  	v12 =	vmul.f32 $1.442695020e+00, v12;
	(erf) = vpow2.f32 v7;
	v7 =	vld [tilespmem:s18+$0xF000]  }
0x11a: {  	(erf) = vpow2.f32 v5;
	v5 =	vmul.f32 $1.442695020e+00, v11;
	v11 =	vld [tilespmem:s18+$0xC000]  }
0x11b: {  	v13 =	vmul.f32 $1.442695020e+00, v13;
	v15 =	vmul.f32 $1.442695020e+00, v15;
	v6 =	vld [tilespmem:s18+$0xBC00]  }
0x11c: {  	v16 =	vmul.f32 $1.442695020e+00, v16;
	v9 =	vmul.f32 $1.442695020e+00, v14;
	v14 =	vld [tilespmem:s18+$0xC800]  }
0x11d: {  	v60 =	vld [tilespmem:s18+$0x12000];
	v19 =	vmul.f32 $1.442695020e+00, v59;
	v8 =	vmul.f32 $1.442695020e+00, v8  }
0x11e: {  	v4 =	vld [tilespmem:s18+$0xB800];
	(erf) = vpow2.f32 v12;
	v7 =	vmul.f32 $1.442695020e+00, v7  }
0x11f: {  	v62 =	vld [tilespmem:s18+$0x13000];
	(erf) = vpow2.f32 v9;
	v11 =	vmul.f32 $1.442695020e+00, v11  }
0x120: {  	v35 =	vld [tilespmem:s18+$0x13400];
	(erf) = vpow2.f32 v8;
	v6 =	vmul.f32 $1.442695020e+00, v6  }
0x121: {  	v39 =	vld [tilespmem:s18+$0xF800];
	v14 =	vmul.f32 $1.442695020e+00, v14;
	v17 =	vpop (erf);
	(erf) = vpow2.f32 v7  }
0x122: {  	v20 =	vmul.f32 $1.442695020e+00, v60;
	v12 =	vld [tilespmem:s18+$0xDC00];
	(erf) = vpow2.f32 v11;
	v7 =	vpop (erf)  }
0x123: {  	v58 =	vld [tilespmem:s18+$0x11000];
	v4 =	vmul.f32 $1.442695020e+00, v4;
	(erf) = vpow2.f32 v6;
	v11 =	vpop (erf)  }
0x124: {  	v22 =	vmul.f32 $1.442695020e+00, v62;
	v9 =	vld [tilespmem:s18+$0x10400];
	(erf) = vpow2.f32 v14;
	v6 =	vpop (erf)  }
0x125: {  	v49 =	vld [tilespmem:s18+$0x13C00];
	v18 =	vmul.f32 $1.442695020e+00, v35;
	(erf) = vpow2.f32 v4;
	v14 =	vpop (erf)  }
0x126: {  	v51 =	vld [tilespmem:s18+$0x12800];
	v26 =	vmul.f32 $1.442695020e+00, v39;
	(erf) = vpow2.f32 v15;
	v63 =	vpop (erf)  }
0x127: {  	v36 =	vld [tilespmem:s18+$0xD400];
	v12 =	vmul.f32 $1.442695020e+00, v12;
	(erf) = vpow2.f32 v13;
	v15 =	vpop (erf)  }
0x128: {  	v4 =	vmul.f32 $1.442695020e+00, v58;
	v13 =	vld [tilespmem:s18+$0x14000];
	(erf) = vpow2.f32 v5;
	v37 =	vpop (erf)  }
0x129: {  	vm0 =	vlt.s32 v3, $0x2E;
	v9 =	vmul.f32 $1.442695020e+00, v9;
	v38 =	vpop (erf);
	(erf) = vpow2.f32 v12;
	v12 =	vld [tilespmem:s18+$0x15000]  }
0x12a: {  	v56 =	vmul.f32 $1.442695020e+00, v49;
	v3 =	vsel vm0, $0x2E, v3;
	v40 =	vpop (erf);
	(erf) = vpow2.f32 v4;
	v4 =	vld [tilespmem:s18+$0x14400]  }
0x12b: {  	v61 =	vld [tilespmem:s18+$0x12400];
	v21 =	vmul.f32 $1.442695020e+00, v51;
	v3 =	vshll.u32 v3, $0xA;
	v41 =	vpop (erf);
	(erf) = vpow2.f32 v9  }
0x12c: {  	v3 =	vadd.s32 v10, v3;
	v10 =	vmul.f32 $1.442695020e+00, v36;
	v8 =	vld [tilespmem:s18+$0x10800];
	v42 =	vpop (erf);
	(erf) = vpow2.f32 v19  }
0x12d: {  	v13 =	vmul.f32 $1.442695020e+00, v13;
	v44 =	vpop (erf);
	(erf) = vpow2.f32 v22  }
0x12e: {  	v9 =	vld [tilespmem:s18+$0x12C00];
	v46 =	vpop (erf);
	(erf) = vpow2.f32 v10;
	v10 =	vmul.f32 $1.442695020e+00, v12;
	v12 =	vadd.f32 $0.0e+00, v41  }
0x12f: {  	v48 =	vpop (erf);
	(erf) = vpow2.f32 v13;
	v13 =	vmul.f32 $1.442695020e+00, v4;
	v4 =	vadd.f32 $0.0e+00, v42  }
0x130: {  	v45 =	vld [tilespmem:s18+$0x11800];
	v5 =	vmul.f32 $1.442695020e+00, v61;
	(erf) = vpow2.f32 v26;
	v50 =	vpop (erf);
	v12 =	vadd.f32 v38, v12  }
0x131: {  	v8 =	vmul.f32 $1.442695020e+00, v8;
	v52 =	vpop (erf);
	(erf) = vpow2.f32 v10;
	v10 =	vadd.f32 v37, v4  }
0x132: {  	v53 =	vpop (erf);
	(erf) = vpow2.f32 v5;
	v5 =	vadd.f32 $0.0e+00, v46;
	v12 =	vadd.f32 v15, v12;
	v15 =	vld [tilespmem:s18+$0x14800]  }
0x133: {  	v17 =	vadd.f32 $0.0e+00, v17;
	v9 =	vmul.f32 $1.442695020e+00, v9;
	v54 =	vpop (erf);
	(erf) = vpow2.f32 v20  }
0x134: {  	v10 =	vadd.f32 v53, v10;
	v55 =	vpop (erf);
	(erf) = vpow2.f32 v18;
	v5 =	vadd.f32 v44, v5  }
0x135: {  	v22 =	vmul.f32 $1.442695020e+00, v45;
	v12 =	vadd.f32 v40, v12;
	v57 =	vpop (erf);
	(erf) = vpow2.f32 v16;
	v16 =	vld [tilespmem:s18+$0x16000]  }
0x136: {  	v43 =	vld [tilespmem:s18+$0x15400];
	v10 =	vadd.f32 v14, v10;
	(erf) = vpow2.f32 v9;
	v58 =	vpop (erf);
	v5 =	vadd.f32 v63, v5  }
0x137: {  	v9 =	vld [tilespmem:s18+$0x13800];
	v12 =	vadd.f32 v50, v12;
	v59 =	vpop (erf);
	(erf) = vpow2.f32 v22;
	v14 =	vmul.f32 $1.442695020e+00, v15  }
0x138: {  	v6 =	vadd.f32 v6, v10;
	(erf) = vpow2.f32 v21;
	v60 =	vpop (erf);
	v17 =	vadd.f32 v59, v17  }
0x139: {  	v61 =	vld [tilespmem:s18+$0x14C00];
	v12 =	vadd.f32 v54, v12;
	v15 =	vpop (erf);
	(erf) = vpow2.f32 v8;
	v8 =	vadd.f32 v48, v5  }
0x13a: {  	v10 =	vld [tilespmem:s18+$0x15800];
	(erf) = vpow2.f32 v56;
	v5 =	vpop (erf);
	v16 =	vmul.f32 $1.442695020e+00, v16;
	v11 =	vadd.f32 v11, v17  }
0x13b: {  	v19 =	vmul.f32 $1.442695020e+00, v43;
	v7 =	vadd.f32 v7, v6;
	v62 =	vpop (erf);
	(erf) = vpow2.f32 v14;
	v14 =	vld [tilespmem:s18+$0x15C00]  }
0x13c: {  	v9 =	vmul.f32 $1.442695020e+00, v9;
	v17 =	vpop (erf);
	(erf) = vpow2.f32 v16;
	v11 =	vadd.f32 v52, v11  }
0x13d: {  	v63 =	vld [tilespmem:s18+$0x16800];
	v15 =	vadd.f32 v15, v8;
	v6 =	vpop (erf);
	v8 =	vadd.f32 v17, v12;
	(erf) = vpow2.f32 v19  }
0x13e: {  	v47 =	vld [tilespmem:s18+$0x16400];
	v16 =	vmul.f32 $1.442695020e+00, v61;
	v12 =	vpop (erf);
	(erf) = vpow2.f32 v13;
	v11 =	vadd.f32 v55, v11  }
0x13f: {  	v10 =	vmul.f32 $1.442695020e+00, v10;
	v7 =	vadd.f32 v12, v7;
	v12 =	vpop (erf);
	(erf) = vpow2.f32 v9  }
0x140: {  	v9 =	vpop (erf);
	v13 =	vmul.f32 $1.442695020e+00, v14;
	(erf) = vpow2.f32 v16;
	v11 =	vadd.f32 v57, v11  }
0x141: {  	v3 =	vor.u32 s15, v3;
	v14 =	vadd.f32 v58, v8;
	v8 =	vpop (erf);
	(erf) = vpow2.f32 v10  }
0x142: {  	v3 =	vor.u32 v2, v3;
	v16 =	vmul.f32 $1.442695020e+00, v63;
	v17 =	vpop (erf);
	(erf) = vpow2.f32 v13;
	v13 =	vld [tilespmem:s18+$0x16C00]  }
0x143: {  	v4 =	vmul.f32 $1.442695020e+00, v47;
	v10 =	vadd.f32 v12, v7;
	v7 =	vadd.f32 v60, v14;
	v12 =	vpop (erf)  }
0x144: {  	s21 =	simm.s32 $0x1;
	s16 =	simm.s32 $0x0;
	v14 =	vadd.f32 v62, v11;
	(erf) = vpow2.f32 v16;
	v15 =	vadd.f32 v17, v15;
	v11 =	vpop (erf)  }
.LBB2_6:
0x145: {  	p1 =	seq.s32 s21, $0x3F  }
0x146: {  	s17 =	sadd.s32 $0x10, s17;
	v16 =	vpop (erf);
	s7 =	smov.u32 s21;
	s21 =	sadd.s32 $0x1, s21  }
0x147: {  	v9 =	vadd.f32 v9, v15;
	v13 =	vsub.f32 $0.0e+00, v13;
	v15 =	vpop (erf);
	(erf) = vpow2.f32 v4  }
0x148: {  	v4 =	vadd.f32 v6, v14;
	v6 =	vpop (erf)  }
0x149: {  	v14 =	vadd.f32 v12, v10;
	v8 =	vadd.f32 v8, v9;
	v13 =	vmul.f32 $1.442695020e+00, v13;
	v12 =	vpop (erf)  }
0x14a: {  	v4 =	vadd.f32 v6, v4;
	v6 =	vpop (erf)  }
0x14b: {  	v8 =	vadd.f32 v12, v8;
	v6 =	vadd.f32 v6, v14;
	v9 =	vpop (erf);
	(erf) = vpow2.f32 v13  }
0x14c: {  	v4 =	vadd.f32 v15, v4;
	v10 =	vpop (erf)  }
0x14d: {  	v8 =	vadd.f32 v11, v8;
	v6 =	vadd.f32 v10, v6;
	v10 =	vpop (erf)  }
0x14e: {  	v11 =	vld [tilespmem:s18+$0x17000]  }
0x14f: {  	v8 =	vadd.f32 v9, v8  }
0x150: {  	v5 =	vadd.f32 v5, v7;
	v3 =	vld.idx.msk [tilespmem:v3+s29+$0x0], $0xffff;
	v7 =	vpop (erf)  }
0x151: {  	v4 =	vadd.f32 v7, v4;
	v7 =	vadd.f32 v10, v8;
	v8 =	vld [tilespmem:s18+$0x17400]  }
0x152: {  	v9 =	vadd.f32 v16, v5  }
0x153: {  	v6 =	vadd.f32 v7, v6  }
0x154: {  	v4 =	vadd.f32 v4, v9;
	v5 =	vpop (erf)  }
0x155: {  	v6 =	vadd.f32 v6, v11;
	v5 =	vadd.f32 $1.000000000e+00, v5  }
0x156: {  	v3 =	vsel vm0, v8, v3  }
0x157: {  	v4 =	vadd.f32 v6, v4;
	v3 =	vmul.f32 $1.442695020e+00, v3;
	_ =	sdelay $0x1  }
0x158: {  	v4 =	vmul.f32 v5, v4  }
0x159: {  	(erf) = vpow2.f32 v3  }
0x15a: {  	(erf) = vrcp.f32 v4;
	_ =	sdelay $0x6  }
0x15b: {  	v3 =	vld [tilespmem:s15+$0x17880]  }
0x15c: {  	v4 =	vld [tilespmem:s15+$0x17900];
	v5 =	vpop (erf)  }
0x15d: {  	v6 =	vpop (erf)  }
0x15e: {  	s7 =	sshrl.u32 s7, $0x3;
	v5 =	vmul.f32 v6, v5  }
0x15f: {  	s9 =	sand.u32 $0x70, s17;
	s13 =	sshll.u32 s7, $0x7  }
0x160: {  	s18 =	sor.u32 s9, s13;
	v7 =	vmov s13;
	s13 =	sadd.s32 s4, s16;
	s16 =	smov.u32 s7;
	v6 =	vld [tilespmem:s9+$0x17800];
	vm0 =	vgt.f32 v5, v3  }
0x161: {  	v7 =	vadd.s32 $0xFFFF4800, v7;
	v3 =	vsel vm0, v5, v3;
	v4 =	vsel vm0, s13, v4  }
0x162: {  	[tilespmem:s15+$0x17880] =	vst v3  }
0x163: {  	[tilespmem:s15+$0x17900] =	vst v4;
	s15 =	smov.u32 s9  }
0x164: {  	v3 =	vld [tilespmem:s18+$0x10C00]  }
0x165: {  	v4 =	vld [tilespmem:s18+$0xE400];
	vm0 =	vlt.s32 v6, $0x2E  }
0x166: {  	v7 =	vbroadcast v7, $0x0;
	v5 =	vld [tilespmem:s18+$0xFC00];
	v6 =	vsel vm0, $0x2E, v6  }
0x167: {  	v8 =	vld [tilespmem:s18+$0xC400];
	v6 =	vshll.u32 v6, $0xA  }
0x168: {  	v9 =	vld [tilespmem:s18+$0xEC00];
	v6 =	vadd.s32 v7, v6  }
0x169: {  	v7 =	vld [tilespmem:s18+$0xD800];
	v10 =	vmul.f32 $1.442695020e+00, v3;
	v3 =	vor.u32 s15, v6  }
0x16a: {  	v4 =	vmul.f32 $1.442695020e+00, v4;
	v6 =	vld [tilespmem:s18+$0xF400];
	v3 =	vor.u32 v2, v3  }
0x16b: {  	v5 =	vmul.f32 $1.442695020e+00, v5;
	v11 =	vld [tilespmem:s18+$0x10000]  }
0x16c: {  	v8 =	vmul.f32 $1.442695020e+00, v8;
	v12 =	vld [tilespmem:s18+$0xE000]  }
0x16d: {  	v13 =	vld [tilespmem:s18+$0xE800];
	v9 =	vmul.f32 $1.442695020e+00, v9  }
0x16e: {  	v14 =	vld [tilespmem:s18+$0xCC00];
	(erf) = vpow2.f32 v8  }
0x16f: {  	v8 =	vld [tilespmem:s18+$0xB800]  }
0x170: {  	v15 =	vld [tilespmem:s18+$0xD000];
	(erf) = vpow2.f32 v10  }
0x171: {  	v10 =	vld [tilespmem:s18+$0xC800];
	v12 =	vmul.f32 $1.442695020e+00, v12;
	(erf) = vpow2.f32 v4  }
0x172: {  	v4 =	vmul.f32 $1.442695020e+00, v7;
	v16 =	vld [tilespmem:s18+$0x11C00];
	(erf) = vpow2.f32 v5  }
0x173: {  	v5 =	vld [tilespmem:s18+$0xBC00];
	v7 =	vmul.f32 $1.442695020e+00, v14;
	(erf) = vpow2.f32 v9  }
0x174: {  	v9 =	vld [tilespmem:s18+$0xDC00];
	(erf) = vpow2.f32 v4  }
0x175: {  	v14 =	vmul.f32 $1.442695020e+00, v6;
	v4 =	vld [tilespmem:s18+$0xF000];
	(erf) = vpow2.f32 v12  }
0x176: {  	v11 =	vmul.f32 $1.442695020e+00, v11;
	v20 =	vmul.f32 $1.442695020e+00, v15;
	v12 =	vld [tilespmem:s18+$0xC000]  }
0x177: {  	v13 =	vmul.f32 $1.442695020e+00, v13;
	v15 =	vld [tilespmem:s18+$0x10400];
	v17 =	vpop (erf);
	(erf) = vpow2.f32 v7  }
0x178: {  	v8 =	vmul.f32 $1.442695020e+00, v8;
	v18 =	vld [tilespmem:s18+$0x10800];
	(erf) = vpow2.f32 v20  }
0x179: {  	v10 =	vmul.f32 $1.442695020e+00, v10;
	v5 =	vmul.f32 $1.442695020e+00, v5;
	v19 =	vld [tilespmem:s18+$0x11000];
	v6 =	vpop (erf)  }
0x17a: {  	v9 =	vmul.f32 $1.442695020e+00, v9;
	v4 =	vmul.f32 $1.442695020e+00, v4;
	v20 =	vld [tilespmem:s18+$0x11400];
	v7 =	vpop (erf)  }
0x17b: {  	v16 =	vmul.f32 $1.442695020e+00, v16;
	v25 =	vmul.f32 $1.442695020e+00, v12;
	v21 =	vld [tilespmem:s18+$0x12000];
	v22 =	vpop (erf)  }
0x17c: {  	v15 =	vmul.f32 $1.442695020e+00, v15;
	v23 =	vld [tilespmem:s18+$0x12400];
	v24 =	vpop (erf);
	(erf) = vpow2.f32 v4  }
0x17d: {  	v18 =	vmul.f32 $1.442695020e+00, v18;
	v4 =	vld [tilespmem:s18+$0x13000];
	(erf) = vpow2.f32 v25;
	v12 =	vpop (erf)  }
0x17e: {  	v19 =	vmul.f32 $1.442695020e+00, v19;
	v25 =	vld [tilespmem:s18+$0x13400];
	(erf) = vpow2.f32 v5;
	v5 =	vpop (erf)  }
0x17f: {  	v20 =	vmul.f32 $1.442695020e+00, v20;
	v26 =	vld [tilespmem:s18+$0x14000];
	(erf) = vpow2.f32 v10  }
0x180: {  	v10 =	vmul.f32 $1.442695020e+00, v21;
	v21 =	vld [tilespmem:s18+$0x14400];
	(erf) = vpow2.f32 v8;
	v8 =	vpop (erf)  }
0x181: {  	v23 =	vmul.f32 $1.442695020e+00, v23;
	v27 =	vld [tilespmem:s18+$0x15000];
	v28 =	vpop (erf);
	(erf) = vpow2.f32 v13  }
0x182: {  	v13 =	vld [tilespmem:s18+$0xD400];
	v4 =	vmul.f32 $1.442695020e+00, v4;
	(erf) = vpow2.f32 v11  }
0x183: {  	v11 =	vld [tilespmem:s18+$0xF800];
	v25 =	vmul.f32 $1.442695020e+00, v25;
	(erf) = vpow2.f32 v14  }
0x184: {  	v14 =	vld [tilespmem:s18+$0x12C00];
	v26 =	vmul.f32 $1.442695020e+00, v26;
	(erf) = vpow2.f32 v9  }
0x185: {  	v9 =	vmul.f32 $1.442695020e+00, v21;
	v21 =	vld [tilespmem:s18+$0x15400];
	v29 =	vpop (erf);
	(erf) = vpow2.f32 v19  }
0x186: {  	v19 =	vld [tilespmem:s18+$0x11800];
	v27 =	vmul.f32 $1.442695020e+00, v27;
	v30 =	vpop (erf);
	(erf) = vpow2.f32 v15  }
0x187: {  	v33 =	vadd.f32 $0.0e+00, v30;
	v13 =	vmul.f32 $1.442695020e+00, v13;
	v30 =	vld [tilespmem:s18+$0x16400];
	v31 =	vpop (erf);
	(erf) = vpow2.f32 v20  }
0x188: {  	v34 =	vadd.f32 $0.0e+00, v31;
	v35 =	vmul.f32 $1.442695020e+00, v11;
	v31 =	vld [tilespmem:s18+$0x13C00];
	v32 =	vpop (erf);
	(erf) = vpow2.f32 v4  }
0x189: {  	v4 =	vadd.f32 v28, v33;
	v14 =	vmul.f32 $1.442695020e+00, v14;
	v15 =	vpop (erf);
	(erf) = vpow2.f32 v13  }
0x18a: {  	v8 =	vadd.f32 v8, v34;
	v13 =	vmul.f32 $1.442695020e+00, v21;
	v20 =	vpop (erf);
	(erf) = vpow2.f32 v26  }
0x18b: {  	v15 =	vadd.f32 $0.0e+00, v15;
	v19 =	vmul.f32 $1.442695020e+00, v19;
	v21 =	vld [tilespmem:s18+$0x12800];
	(erf) = vpow2.f32 v35;
	v11 =	vpop (erf)  }
0x18c: {  	v5 =	vadd.f32 v5, v4;
	v4 =	vmul.f32 $1.442695020e+00, v30;
	v26 =	vpop (erf);
	(erf) = vpow2.f32 v27  }
0x18d: {  	v27 =	vld [tilespmem:s18+$0x13800];
	v28 =	vmul.f32 $1.442695020e+00, v31;
	v30 =	vpop (erf);
	(erf) = vpow2.f32 v23  }
0x18e: {  	v15 =	vadd.f32 v32, v15;
	v5 =	vadd.f32 v29, v5;
	v23 =	vld [tilespmem:s18+$0x16000];
	v29 =	vpop (erf);
	(erf) = vpow2.f32 v10  }
0x18f: {  	v10 =	vadd.f32 $0.0e+00, v17;
	v8 =	vadd.f32 v30, v8;
	v17 =	vld [tilespmem:s18+$0x14800];
	v30 =	vpop (erf);
	(erf) = vpow2.f32 v25  }
0x190: {  	v25 =	vadd.f32 v11, v5;
	v31 =	vmul.f32 $1.442695020e+00, v21;
	v21 =	vpop (erf);
	(erf) = vpow2.f32 v16  }
0x191: {  	v12 =	vadd.f32 v12, v15;
	v8 =	vadd.f32 v24, v8;
	(erf) = vpow2.f32 v14;
	v14 =	vpop (erf)  }
0x192: {  	v15 =	vadd.f32 v29, v25;
	v16 =	vmul.f32 $1.442695020e+00, v27;
	v5 =	vpop (erf);
	(erf) = vpow2.f32 v19  }
0x193: {  	v12 =	vadd.f32 v20, v12;
	v8 =	vadd.f32 v22, v8;
	(erf) = vpow2.f32 v31;
	v11 =	vpop (erf)  }
0x194: {  	v10 =	vadd.f32 v5, v10;
	v24 =	vmul.f32 $1.442695020e+00, v17;
	v19 =	vld [tilespmem:s18+$0x14C00];
	v20 =	vpop (erf);
	(erf) = vpow2.f32 v18  }
0x195: {  	v22 =	vmul.f32 $1.442695020e+00, v23;
	v18 =	vld [tilespmem:s18+$0x15800];
	(erf) = vpow2.f32 v28;
	v5 =	vpop (erf)  }
0x196: {  	v20 =	vadd.f32 v20, v12;
	v12 =	vld [tilespmem:s18+$0x15C00];
	v23 =	vpop (erf);
	(erf) = vpow2.f32 v24  }
0x197: {  	v7 =	vadd.f32 v7, v10;
	v10 =	vld [tilespmem:s18+$0x16800];
	v17 =	vpop (erf);
	(erf) = vpow2.f32 v22  }
0x198: {  	v8 =	vadd.f32 v6, v8;
	v15 =	vadd.f32 v17, v15;
	v6 =	vpop (erf);
	(erf) = vpow2.f32 v13  }
0x199: {  	v7 =	vadd.f32 v26, v7;
	v13 =	vmul.f32 $1.442695020e+00, v19;
	v17 =	vpop (erf);
	(erf) = vpow2.f32 v9  }
0x19a: {  	v22 =	vadd.f32 v17, v8;
	v18 =	vmul.f32 $1.442695020e+00, v18;
	v19 =	vpop (erf);
	(erf) = vpow2.f32 v16  }
.Ltmp3:
0x19b: {  	v7 =	vadd.f32 v30, v7;
	v24 =	vmul.f32 $1.442695020e+00, v12;
	v9 =	vpop (erf);
	(erf) = vpow2.f32 v13;
	(pc) =	sbr.rel @!p1 .LBB2_6-.Ltmp3, $4  }
0x19c: {  	v14 =	vadd.f32 v14, v15;
	v15 =	vmul.f32 $1.442695020e+00, v10;
	v13 =	vld [tilespmem:s18+$0x16C00];
	v8 =	vpop (erf);
	(erf) = vpow2.f32 v18  }
0x19d: {  	v16 =	vadd.f32 v21, v7;
	v10 =	vadd.f32 v19, v22;
	v17 =	vpop (erf);
	(erf) = vpow2.f32 v24  }
0x19e: {  	v7 =	vadd.f32 v11, v14;
	v12 =	vpop (erf);
	(erf) = vpow2.f32 v15  }
0x19f: {  	v14 =	vadd.f32 v23, v16;
	v15 =	vadd.f32 v17, v20;
	v11 =	vpop (erf)  }
0x1a0: {  	_ = 	snop  }
0x1a1: {  	v16 =	vpop (erf);
	v9 =	vadd.f32 v9, v15  }
0x1a2: {  	v45 =	vpop (erf)  }
0x1a3: {  	(erf) = vpow2.f32 v4;
	v46 =	vsub.f32 $0.0e+00, v13;
	v47 =	vpop (erf);
	v8 =	vadd.f32 v8, v9  }
0x1a4: {  	v48 =	vpop (erf)  }
0x1a5: {  	v4 =	vmul.f32 $1.442695020e+00, v46;
	v8 =	vadd.f32 v48, v8  }
0x1a6: {  	v6 =	vadd.f32 v6, v14  }
0x1a7: {  	v49 =	vadd.f32 v12, v10;
	v50 =	vpop (erf);
	(erf) = vpow2.f32 v4;
	v51 =	vadd.f32 v11, v8  }
0x1a8: {  	v6 =	vadd.f32 v47, v6;
	v53 =	vpop (erf)  }
0x1a9: {  	v52 =	vadd.f32 v50, v49;
	v54 =	vpop (erf);
	v4 =	vadd.f32 v53, v51  }
0x1aa: {  	v56 =	vld [tilespmem:s18+$0x17000];
	v5 =	vadd.f32 v5, v7;
	v6 =	vadd.f32 v45, v6;
	v55 =	vpop (erf)  }
0x1ab: {  	v3 =	vld.idx.msk [tilespmem:v3+s29+$0x0], $0xffff;
	v8 =	vadd.f32 v54, v52;
	v4 =	vadd.f32 v55, v4  }
0x1ac: {  	v58 =	vld [tilespmem:s18+$0x17400];
	v5 =	vadd.f32 v16, v5;
	v57 =	vpop (erf)  }
0x1ad: {  	v6 =	vadd.f32 v57, v6;
	v4 =	vadd.f32 v4, v8;
	_ =	sdelay $0x1  }
0x1ae: {  	v5 =	vadd.f32 v6, v5;
	v4 =	vadd.f32 v4, v56  }
0x1af: {  	v59 =	vpop (erf)  }
0x1b0: {  	v3 =	vsel vm0, v58, v3;
	v6 =	vadd.f32 $1.000000000e+00, v59;
	v4 =	vadd.f32 v4, v5  }
0x1b1: {  	v3 =	vmul.f32 $1.442695020e+00, v3  }
0x1b2: {  	v4 =	vmul.f32 v6, v4  }
0x1b3: {  	(erf) = vpow2.f32 v3  }
0x1b4: {  	(erf) = vrcp.f32 v4;
	_ =	sdelay $0x6  }
0x1b5: {  	v3 =	vld [tilespmem:s15+$0x17880]  }
0x1b6: {  	v60 =	vpop (erf)  }
0x1b7: {  	v61 =	vld [tilespmem:s15+$0x17900];
	v62 =	vpop (erf)  }
0x1b8: {  	v4 =	vmul.f32 v62, v60;
	_ =	sdelay $0x1  }
0x1b9: {  	vm15 =	vgt.f32 v4, v3  }
0x1ba: {  	s4 =	sadd.s32 s4, s16;
	v3 =	vsel vm15, v4, v3  }
0x1bb: {  	v63 =	vsel vm15, s4, v61;
	[tilespmem:s15+$0x17880] =	vst v3  }
0x1bc: {  	[tilespmem:s15+$0x17900] =	vst v63  }
0x1bd: {  	p1 =	seq.s32 s5, s8  }
.Ltmp4:
0x1be: {  	_ = 	snop;
	(pc) =	sbr.rel @!p1 .LBB2_3-.Ltmp4, $1  }
0x1bf: {  	_ =	sdelay $0x3  }
0x1c0: {  	s4 =	simm.s32 $0x1000  }
0x1c1: {  	s9 =	simm.s32 $0x0;
	s5 =	sadd.s32 $0x1C400, s10;
	s7 =	smov.u32 s10  }
.LBB2_9:
0x1c2: {  	[tilespmem:s9], [sflag:$0x4] =	stream.linear.gather [hbm4b:s7+s3], $0x200, $0x38;
	[tilespmem:$0x17B80] =	vst v63  }
0x1c3: {  	s9 =	smov.u32 s4;
	s7 =	smov.u32 s5;
	p1 =	sne.s32 s4, $0x2D000  }
.Ltmp5:
0x1c4: {  	s4 =	sadd.s32 $0x1000, s4;
	(pc) =	sbr.rel @p1 .LBB2_9-.Ltmp5, $2  }
0x1c5: {  	_ =	sdelay $0x2  }
0x1c6: {  	s5 =	sadd.s32 $0x1C400, s5;
	s9 =	sshra.s32 s9, $0x2  }
0x1c7: {  	[tilespmem:s9], [sflag:$0x4] =	stream.linear.gather [hbm4b:s7+s3], $0x200, $0x38;
	[tilespmem:$0x17B80] =	vst v63  }
0x1c8: {  	_ =	swait.ge [sflag:s24], $0x5C00  }
0x1c9: {  	[sflag:s24] =	ssyncset.done $0x0  }
0x1ca: {  	s4 =	simm.s32 $0xB800;
	[sflag:s24] =	ssyncadd.s32 $0xFFFFA400  }
0x1cb: {  	[tilespmem:s4], [sflag:$0x4] =	stream.linear.gather [hbm4b:s11+s3], $0x200, $0x38;
	[tilespmem:$0x17B80] =	vst v63  }
0x1cc: {  	s5 =	smov.u32 s11;
	s4 =	simm.s32 $0x1000  }
.LBB2_11:
0x1cd: {  	p1 =	sne.s32 s4, $0x2C000  }
.Ltmp6:
0x1ce: {  	_ = 	snop;
	(pc) =	sbr.rel @p1 .LBB2_11-.Ltmp6, $4  }
0x1cf: {  	_ = 	snop  }
0x1d0: {  	s7 =	sshra.s32 s4, $0x2;
	s4 =	sadd.s32 $0x1000, s4  }
0x1d1: {  	s5 =	sadd.s32 $0x1C400, s5;
	s7 =	sadd.s32 $0xB800, s7  }
0x1d2: {  	[tilespmem:s7], [sflag:$0x4] =	stream.linear.gather [hbm4b:s5+s3], $0x200, $0x38;
	[tilespmem:$0x17B80] =	vst v63  }
0x1d3: {  	_ =	swait.ge [sflag:s24], $0x5A00  }
0x1d4: {  	[sflag:s24] =	ssyncset.done $0x0  }
0x1d5: {  	s4 =	simm.s32 $0x2000;
	[sflag:s24] =	ssyncadd.s32 $0xFFFFA600  }
0x1d6: {  	[tilespmem:s30], [sflag:$0x4] =	stream.strided.gather [hbm4b:s12+s25], $0x0, s4, s25, $0x38;
	[tilespmem:$0x17B80] =	vst v63  }
0x1d7: {  	s21 =	simm.s32 $0x0  }
0x1d8: {  	[tilespmem:s30], [sflag:$0x4] =	stream.linear.gather [hbm4b:s12+s21], $0x200, $0x38;
	[tilespmem:$0x17B80] =	vst v63  }
0x1d9: {  	s23 =	simm.s32 $0x0;
	_ =	swait.ge [sflag:s24], $0x200  }
0x1da: {  	s5 =	sand.u32 $0x70, s21;
	s23 =	sand.u32 $0xFFFFFF80, s23;
	[sflag:s24] =	ssyncset.done $0x0  }
0x1db: {  	s4 =	sor.u32 s5, s23;
	[sflag:s24] =	ssyncadd.s32 $0xFFFFFE00  }
0x1dc: {  	v4 =	vld [tilespmem:s4+$0x7C00]  }
0x1dd: {  	v5 =	vld [tilespmem:s4+$0x3400]  }
0x1de: {  	v6 =	vld [tilespmem:s4+$0x2000]  }
0x1df: {  	v7 =	vld [tilespmem:s4+$0x1400]  }
0x1e0: {  	v8 =	vld [tilespmem:s4+$0x2400]  }
0x1e1: {  	v10 =	vld [tilespmem:s4+$0x4400]  }
0x1e2: {  	v3 =	vld [tilespmem:s4+$0x5400]  }
0x1e3: {  	v12 =	vld [tilespmem:s4+$0x7400]  }
0x1e4: {  	v13 =	vld [tilespmem:s4+$0x8400];
	v11 =	vmul.f32 $1.442695020e+00, v4;
	v6 =	vmul.f32 $1.442695020e+00, v6  }
0x1e5: {  	v18 =	vld [tilespmem:s4+$0x1000];
	v7 =	vmul.f32 $1.442695020e+00, v7;
	v8 =	vmul.f32 $1.442695020e+00, v8  }
0x1e6: {  	v4 =	vld [tilespmem:s4+$0x6400];
	v5 =	vmul.f32 $1.442695020e+00, v5;
	v14 =	vmul.f32 $1.442695020e+00, v10  }
0x1e7: {  	v10 =	vld [tilespmem:s4+$0xA400];
	v3 =	vmul.f32 $1.442695020e+00, v3;
	(erf) = vpow2.f32 v6  }
0x1e8: {  	v12 =	vmul.f32 $1.442695020e+00, v12;
	v6 =	vld [tilespmem:s4+$0x9400];
	(erf) = vpow2.f32 v8  }
0x1e9: {  	v13 =	vmul.f32 $1.442695020e+00, v13;
	v8 =	vld [tilespmem:s4+$0x0];
	(erf) = vpow2.f32 v7  }
0x1ea: {  	v18 =	vmul.f32 $1.442695020e+00, v18;
	v7 =	vld [tilespmem:s4+$0x1800];
	(erf) = vpow2.f32 v3  }
0x1eb: {  	v4 =	vmul.f32 $1.442695020e+00, v4;
	v3 =	vld [tilespmem:s4+$0x800];
	(erf) = vpow2.f32 v5  }
0x1ec: {  	v10 =	vmul.f32 $1.442695020e+00, v10;
	v5 =	vld [tilespmem:s4+$0xC00];
	(erf) = vpow2.f32 v12  }
0x1ed: {  	v12 =	vld [tilespmem:s4+$0x3000];
	v6 =	vmul.f32 $1.442695020e+00, v6;
	(erf) = vpow2.f32 v4  }
0x1ee: {  	v15 =	vld [tilespmem:s4+$0x2800];
	v8 =	vmul.f32 $1.442695020e+00, v8;
	(erf) = vpow2.f32 v10  }
0x1ef: {  	v4 =	vld [tilespmem:s4+$0x1C00];
	v7 =	vmul.f32 $1.442695020e+00, v7;
	(erf) = vpow2.f32 v6  }
0x1f0: {  	v3 =	vmul.f32 $1.442695020e+00, v3;
	v6 =	vld [tilespmem:s4+$0x3800];
	v10 =	vpop (erf);
	(erf) = vpow2.f32 v8  }
0x1f1: {  	v5 =	vmul.f32 $1.442695020e+00, v5;
	v8 =	vld [tilespmem:s4+$0x2C00];
	v16 =	vpop (erf);
	(erf) = vpow2.f32 v13  }
0x1f2: {  	v19 =	vld [tilespmem:s4+$0x3C00];
	v12 =	vmul.f32 $1.442695020e+00, v12;
	v17 =	vpop (erf);
	(erf) = vpow2.f32 v7  }
0x1f3: {  	v13 =	vld [tilespmem:s4+$0x4800];
	v7 =	vpop (erf);
	(erf) = vpow2.f32 v3;
	v3 =	vmul.f32 $1.442695020e+00, v15  }
0x1f4: {  	v21 =	vld [tilespmem:s4+$0x400];
	v4 =	vmul.f32 $1.442695020e+00, v4;
	v15 =	vpop (erf);
	(erf) = vpow2.f32 v5  }
0x1f5: {  	v5 =	vld [tilespmem:s4+$0x5800];
	v20 =	vmul.f32 $1.442695020e+00, v6;
	v6 =	vpop (erf);
	(erf) = vpow2.f32 v12  }
0x1f6: {  	v22 =	vld [tilespmem:s4+$0x4C00];
	v12 =	vmul.f32 $1.442695020e+00, v8;
	(erf) = vpow2.f32 v4;
	v8 =	vpop (erf)  }
0x1f7: {  	v19 =	vmul.f32 $1.442695020e+00, v19;
	(erf) = vpow2.f32 v3;
	v3 =	vpop (erf)  }
0x1f8: {  	v23 =	vld [tilespmem:s4+$0x8800];
	v13 =	vmul.f32 $1.442695020e+00, v13;
	(erf) = vpow2.f32 v20;
	v4 =	vpop (erf)  }
0x1f9: {  	v21 =	vmul.f32 $1.442695020e+00, v21;
	v20 =	vld [tilespmem:s4+$0x5C00];
	v24 =	vpop (erf);
	(erf) = vpow2.f32 v12  }
0x1fa: {  	v25 =	vmul.f32 $1.442695020e+00, v5;
	(erf) = vpow2.f32 v13;
	v5 =	vpop (erf)  }
0x1fb: {  	v26 =	vld [tilespmem:s4+$0x4000];
	v22 =	vmul.f32 $1.442695020e+00, v22;
	(erf) = vpow2.f32 v18;
	v18 =	vpop (erf)  }
0x1fc: {  	v12 =	vld [tilespmem:s4+$0x6800];
	v27 =	vpop (erf);
	(erf) = vpow2.f32 v19  }
0x1fd: {  	v23 =	vmul.f32 $1.442695020e+00, v23;
	v13 =	vld [tilespmem:s4+$0x6C00];
	(erf) = vpow2.f32 v21;
	v21 =	vpop (erf)  }
0x1fe: {  	v28 =	vld [tilespmem:s4+$0x9C00];
	v20 =	vmul.f32 $1.442695020e+00, v20;
	v29 =	vpop (erf);
	(erf) = vpow2.f32 v22  }
0x1ff: {  	v22 =	vpop (erf);
	(erf) = vpow2.f32 v23  }
0x200: {  	v19 =	vld [tilespmem:s4+$0x8C00];
	v21 =	vadd.f32 $0.0e+00, v21;
	v31 =	vpop (erf);
	(erf) = vpow2.f32 v20  }
0x201: {  	v9 =	vld [tilespmem:s4+$0x5000];
	v27 =	vadd.f32 $0.0e+00, v27;
	v12 =	vmul.f32 $1.442695020e+00, v12;
	v32 =	vpop (erf)  }
0x202: {  	v30 =	vld [tilespmem:s4+$0x6000];
	v26 =	vmul.f32 $1.442695020e+00, v26;
	v13 =	vmul.f32 $1.442695020e+00, v13;
	v21 =	vadd.f32 v22, v21;
	v22 =	vpop (erf)  }
0x203: {  	v23 =	vld [tilespmem:s4+$0xA000];
	v18 =	vadd.f32 v18, v27;
	v27 =	vmul.f32 $1.442695020e+00, v28;
	(erf) = vpow2.f32 v12;
	v28 =	vpop (erf)  }
0x204: {  	v33 =	vld [tilespmem:s4+$0x9000];
	v20 =	vadd.f32 $0.0e+00, v24;
	(erf) = vpow2.f32 v13;
	v21 =	vadd.f32 v22, v21;
	v22 =	vpop (erf)  }
0x205: {  	v24 =	vld [tilespmem:s4+$0x7000];
	v19 =	vmul.f32 $1.442695020e+00, v19;
	v18 =	vadd.f32 v31, v18;
	(erf) = vpow2.f32 v11;
	v31 =	vpop (erf)  }
0x206: {  	v9 =	vmul.f32 $1.442695020e+00, v9;
	v12 =	vld [tilespmem:s4+$0x8000];
	(erf) = vpow2.f32 v14;
	v21 =	vadd.f32 v31, v21;
	v31 =	vpop (erf)  }
0x207: {  	v13 =	vld [tilespmem:s4+$0x7800];
	v20 =	vadd.f32 v22, v20;
	(erf) = vpow2.f32 v19;
	v22 =	vpop (erf);
	v31 =	vadd.f32 $0.0e+00, v31  }
0x208: {  	v11 =	vmul.f32 $1.442695020e+00, v23;
	v23 =	vld [tilespmem:s4+$0x9800];
	(erf) = vpow2.f32 v26;
	v34 =	vpop (erf);
	v21 =	vadd.f32 v22, v21  }
0x209: {  	v14 =	vmul.f32 $1.442695020e+00, v30;
	v26 =	vld [tilespmem:s4+$0xA800];
	(erf) = vpow2.f32 v27;
	v27 =	vpop (erf);
	v17 =	vadd.f32 v17, v31  }
0x20a: {  	s7 =	simm.s32 $0x10;
	s16 =	simm.s32 $0x10;
	v30 =	vld [tilespmem:s4+$0xAC00];
	v19 =	vmul.f32 $1.442695020e+00, v24;
	v21 =	vadd.f32 v27, v21  }
0x20b: {  	s15 =	sand.u32 $0x70, s16;
	s17 =	sand.u32 $0xFFFFFF80, s7;
	v24 =	vld [tilespmem:s4+$0xB000];
	v12 =	vmul.f32 $1.442695020e+00, v12;
	(erf) = vpow2.f32 v9;
	v16 =	vadd.f32 v16, v17  }
0x20c: {  	s18 =	sor.u32 s15, s17;
	v18 =	vadd.f32 v32, v18;
	v22 =	vld [tilespmem:s4+$0xB400];
	v9 =	vmul.f32 $1.442695020e+00, v33;
	v31 =	vpop (erf);
	(erf) = vpow2.f32 v14  }
0x20d: {  	v10 =	vadd.f32 v10, v20;
	v20 =	vmul.f32 $1.442695020e+00, v23;
	v27 =	vld [tilespmem:s18+$0x5400];
	v14 =	vpop (erf);
	(erf) = vpow2.f32 v25  }
0x20e: {  	v25 =	vmul.f32 $1.442695020e+00, v26;
	v26 =	vld [tilespmem:s18+$0x9400];
	v14 =	vadd.f32 v14, v21;
	v15 =	vadd.f32 v15, v16;
	v21 =	vpop (erf)  }
0x20f: {  	v18 =	vadd.f32 v28, v18;
	v28 =	vmul.f32 $1.442695020e+00, v30;
	v30 =	vld [tilespmem:s18+$0x7C00];
	(erf) = vpow2.f32 v9;
	v16 =	vpop (erf)  }
0x210: {  	v17 =	vld [tilespmem:s18+$0x4400];
	(erf) = vpow2.f32 v19;
	v14 =	vadd.f32 v21, v14;
	v15 =	vadd.f32 v16, v15  }
0x211: {  	v13 =	vmul.f32 $1.442695020e+00, v13;
	v10 =	vadd.f32 v29, v10;
	v9 =	vld [tilespmem:s18+$0x3400];
	v21 =	vpop (erf);
	(erf) = vpow2.f32 v20  }
0x212: {  	v19 =	vld [tilespmem:s18+$0x2400];
	v27 =	vmul.f32 $1.442695020e+00, v27;
	(erf) = vpow2.f32 v12;
	v14 =	vadd.f32 v21, v14;
	v12 =	vpop (erf)  }
0x213: {  	v20 =	vld [tilespmem:s18+$0x2000];
	v21 =	vmul.f32 $1.442695020e+00, v24;
	v26 =	vmul.f32 $1.442695020e+00, v26;
	v10 =	vadd.f32 v12, v10;
	v23 =	vpop (erf)  }
0x214: {  	v16 =	vld [tilespmem:s18+$0x1400];
	(erf) = vpow2.f32 v13;
	v13 =	vmul.f32 $1.442695020e+00, v30;
	v7 =	vadd.f32 v7, v15;
	v15 =	vpop (erf)  }
0x215: {  	v24 =	vld [tilespmem:s18+$0x1000];
	(erf) = vpow2.f32 v28;
	v14 =	vadd.f32 v23, v14;
	v10 =	vadd.f32 v15, v10  }
0x216: {  	v23 =	vld [tilespmem:s18+$0x7400];
	v9 =	vmul.f32 $1.442695020e+00, v9;
	(erf) = vpow2.f32 v21;
	v7 =	vadd.f32 v8, v7;
	v15 =	vpop (erf)  }
0x217: {  	v21 =	vld [tilespmem:s18+$0x0];
	v19 =	vmul.f32 $1.442695020e+00, v19;
	(erf) = vpow2.f32 v11;
	v10 =	vadd.f32 v15, v10  }
0x218: {  	v11 =	vmul.f32 $1.442695020e+00, v22;
	v22 =	vld [tilespmem:s18+$0x6400];
	v20 =	vmul.f32 $1.442695020e+00, v20;
	v8 =	vpop (erf)  }
0x219: {  	v12 =	vld [tilespmem:s18+$0x5000];
	v16 =	vmul.f32 $1.442695020e+00, v16;
	(erf) = vpow2.f32 v25;
	v8 =	vadd.f32 v8, v18;
	v18 =	vpop (erf)  }
0x21a: {  	v25 =	vld [tilespmem:s18+$0x8400];
	v6 =	vadd.f32 v6, v7;
	v24 =	vmul.f32 $1.442695020e+00, v24;
	v15 =	vmul.f32 $1.442695020e+00, v17;
	v7 =	vpop (erf)  }
0x21b: {  	(erf) = vpow2.f32 v11;
	v11 =	vld [tilespmem:s18+$0xA400];
	v23 =	vmul.f32 $1.442695020e+00, v23;
	v7 =	vadd.f32 v7, v10;
	v10 =	vpop (erf)  }
0x21c: {  	v5 =	vadd.f32 v5, v6;
	v6 =	vld [tilespmem:s18+$0x3000];
	v21 =	vmul.f32 $1.442695020e+00, v21;
	v17 =	vpop (erf);
	(erf) = vpow2.f32 v20  }
0x21d: {  	v8 =	vadd.f32 v31, v8;
	v22 =	vmul.f32 $1.442695020e+00, v22;
	v20 =	vld [tilespmem:s18+$0x1800];
	(erf) = vpow2.f32 v19  }
0x21e: {  	v4 =	vadd.f32 v4, v5;
	v7 =	vadd.f32 v17, v7;
	v17 =	vpop (erf);
	v19 =	vld [tilespmem:s18+$0x800];
	(erf) = vpow2.f32 v16  }
0x21f: {  	v25 =	vmul.f32 $1.442695020e+00, v25;
	v8 =	vadd.f32 v17, v8;
	v16 =	vld [tilespmem:s18+$0xC00];
	v17 =	vpop (erf);
	(erf) = vpow2.f32 v27  }
0x220: {  	v11 =	vmul.f32 $1.442695020e+00, v11;
	v27 =	vpop (erf);
	v14 =	vadd.f32 v17, v14;
	v17 =	vld [tilespmem:s18+$0x6800];
	(erf) = vpow2.f32 v9  }
0x221: {  	v3 =	vadd.f32 v3, v4;
	v7 =	vadd.f32 v18, v7;
	v9 =	vld [tilespmem:s18+$0x1C00];
	v18 =	vpop (erf);
	(erf) = vpow2.f32 v23  }
0x222: {  	v28 =	vmul.f32 $1.442695020e+00, v6;
	v8 =	vadd.f32 v34, v8;
	v23 =	vld [tilespmem:s18+$0x2800];
	(erf) = vpow2.f32 v22  }
0x223: {  	v20 =	vmul.f32 $1.442695020e+00, v20;
	v7 =	vadd.f32 v18, v7;
	v18 =	vld [tilespmem:s18+$0x3800];
	v22 =	vpop (erf);
	(erf) = vpow2.f32 v11  }
0x224: {  	v19 =	vmul.f32 $1.442695020e+00, v19;
	v8 =	vadd.f32 v10, v8;
	v10 =	vld [tilespmem:s18+$0x2C00];
	v11 =	vpop (erf);
	(erf) = vpow2.f32 v26  }
0x225: {  	v16 =	vmul.f32 $1.442695020e+00, v16;
	v7 =	vadd.f32 v27, v7;
	v27 =	vld [tilespmem:s18+$0x4800];
	v29 =	vpop (erf);
	(erf) = vpow2.f32 v21  }
0x226: {  	v8 =	vadd.f32 v22, v8;
	v22 =	vld [tilespmem:s18+$0x3C00];
	v26 =	vmul.f32 $1.442695020e+00, v9;
	v9 =	vpop (erf);
	(erf) = vpow2.f32 v25  }
0x227: {  	v17 =	vmul.f32 $1.442695020e+00, v17;
	v7 =	vadd.f32 v11, v7;
	v21 =	vld [tilespmem:s18+$0x5800];
	v11 =	vpop (erf);
	(erf) = vpow2.f32 v20  }
0x228: {  	v23 =	vmul.f32 $1.442695020e+00, v23;
	v25 =	vld [tilespmem:s18+$0x4C00];
	v4 =	vadd.f32 v14, v8;
	v6 =	vpop (erf);
	(erf) = vpow2.f32 v19  }
0x229: {  	v20 =	vmul.f32 $1.442695020e+00, v10;
	v7 =	vadd.f32 v7, v3;
	v10 =	vpop (erf);
	(erf) = vpow2.f32 v16;
	v16 =	vld [tilespmem:s18+$0x400]  }
0x22a: {  	v18 =	vmul.f32 $1.442695020e+00, v18;
	v19 =	vld [tilespmem:s18+$0x5C00];
	v5 =	vpop (erf);
	(erf) = vpow2.f32 v28  }
0x22b: {  	v27 =	vmul.f32 $1.442695020e+00, v27;
	v7 =	vadd.f32 v7, v4;
	v28 =	vld [tilespmem:s18+$0x6C00];
	(erf) = vpow2.f32 v26;
	v8 =	vpop (erf)  }
0x22c: {  	v14 =	vmul.f32 $1.442695020e+00, v21;
	v26 =	vld [tilespmem:s18+$0x8800];
	(erf) = vpow2.f32 v23;
	v3 =	vpop (erf)  }
0x22d: {  	v21 =	vmul.f32 $1.442695020e+00, v25;
	v23 =	vld [tilespmem:s18+$0x4000];
	(erf) = vpow2.f32 v18;
	v4 =	vpop (erf)  }
0x22e: {  	v18 =	vld [tilespmem:s18+$0x8C00];
	[tilespmem:s4+$0x17000] =	vst v7;
	v25 =	vpop (erf);
	(erf) = vpow2.f32 v20;
	v16 =	vmul.f32 $1.442695020e+00, v16  }
0x22f: {  	v22 =	vmul.f32 $1.442695020e+00, v22;
	v20 =	vld [tilespmem:s5+$0x17800];
	(erf) = vpow2.f32 v27;
	v7 =	vpop (erf)  }
0x230: {  	v19 =	vmul.f32 $1.442695020e+00, v19;
	(erf) = vpow2.f32 v24;
	v24 =	vpop (erf)  }
0x231: {  	v26 =	vmul.f32 $1.442695020e+00, v26;
	v27 =	vpop (erf);
	(erf) = vpow2.f32 v22  }
0x232: {  	v30 =	vld [tilespmem:s18+$0x6000];
	v36 =	vmul.f32 $1.442695020e+00, v23;
	(erf) = vpow2.f32 v16;
	v16 =	vpop (erf)  }
0x233: {  	v60 =	vld [tilespmem:s18+$0x7000];
	v27 =	vadd.f32 $0.0e+00, v27;
	v31 =	vadd.f32 $0.0e+00, v16;
	v16 =	vpop (erf);
	(erf) = vpow2.f32 v21  }
0x234: {  	v22 =	vld [tilespmem:s18+$0x9C00];
	v61 =	vmul.f32 $1.442695020e+00, v18;
	vm0 =	vlt.s32 v20, $0x2D;
	v18 =	vpop (erf);
	(erf) = vpow2.f32 v26  }
0x235: {  	v62 =	vld [tilespmem:s18+$0x8000];
	v21 =	vadd.f32 v24, v27;
	v26 =	vadd.f32 v18, v31;
	v18 =	vnsel vm0, $0x2D, v20  }
0x236: {  	v23 =	vld [tilespmem:s18+$0x9800];
	v24 =	vpop (erf);
	v20 =	vmul.f32 $1.442695020e+00, v28;
	(erf) = vpow2.f32 v19;
	v19 =	vshll.u32 v18, $0xA  }
0x237: {  	v28 =	vld [tilespmem:s18+$0xA000];
	v21 =	vadd.f32 v24, v21;
	v31 =	vpop (erf);
	(erf) = vpow2.f32 v17;
	v17 =	vadd.s32 s23, v19  }
0x238: {  	v33 =	vmul.f32 $1.442695020e+00, v12;
	v25 =	vadd.f32 $0.0e+00, v25;
	v18 =	vld [tilespmem:s18+$0x7800];
	v35 =	vpop (erf);
	v17 =	vor.u32 s5, v17  }
0x239: {  	v24 =	vld [tilespmem:s18+$0x9000];
	v27 =	vmul.f32 $1.442695020e+00, v22;
	(erf) = vpow2.f32 v20;
	v37 =	vpop (erf);
	v63 =	vor.u32 v2, v17  }
0x23a: {  	v22 =	vld [tilespmem:s18+$0xB000];
	v19 =	vadd.f32 v35, v26;
	v17 =	vadd.f32 v31, v21;
	v26 =	vpop (erf);
	(erf) = vpow2.f32 v13  }
0x23b: {  	v20 =	vld [tilespmem:s18+$0xA800];
	v31 =	vmul.f32 $1.442695020e+00, v30;
	v25 =	vadd.f32 v26, v25;
	v21 =	vpop (erf);
	(erf) = vpow2.f32 v15  }
0x23c: {  	v17 =	vadd.f32 v37, v17;
	v26 =	vadd.f32 v21, v19;
	v21 =	vmul.f32 $1.442695020e+00, v28;
	v19 =	vld [tilespmem:s18+$0xB400];
	v38 =	vpop (erf)  }
0x23d: {  	(erf) = vpow2.f32 v61;
	v28 =	vld [tilespmem:s18+$0xAC00];
	v30 =	vpop (erf);
	v13 =	vadd.f32 v29, v25;
	v29 =	vmul.f32 $1.442695020e+00, v60  }
0x23e: {  	s7 =	simm.s32 $0x2;
	s23 =	simm.s32 $0x1;
	v25 =	vmul.f32 $1.442695020e+00, v62;
	v32 =	vadd.f32 $0.0e+00, v38;
	(erf) = vpow2.f32 v36;
	v15 =	vpop (erf);
	v12 =	vld.idx.msk [tilespmem:v63+s21+$0x0], $0xffff  }
.LBB2_13:
0x23f: {  	s13 =	sshll.u32 s7, $0x4  }
0x240: {  	v26 =	vadd.f32 v30, v26;
	v24 =	vmul.f32 $1.442695020e+00, v24;
	s16 =	sadd.s32 $0x10, s16;
	v30 =	vpop (erf);
	(erf) = vpow2.f32 v27;
	s9 =	smov.u32 s7;
	s14 =	sadd.s32 $0x1, s7  }
0x241: {  	p1 =	sne.s32 s7, $0x1F;
	s9 =	sand.u32 $0x70, s16;
	s13 =	sand.u32 $0xFFFFFF80, s13;
	v32 =	vadd.f32 v11, v32;
	(erf) = vpow2.f32 v33;
	v27 =	vpop (erf)  }
0x242: {  	v28 =	vmul.f32 $1.442695020e+00, v28;
	s7 =	sor.u32 s9, s13;
	v33 =	vadd.f32 v30, v26;
	(erf) = vpow2.f32 v31  }
0x243: {  	v30 =	vld [tilespmem:s7+$0x5400];
	v9 =	vadd.f32 v9, v32;
	(erf) = vpow2.f32 v14;
	v11 =	vpop (erf)  }
0x244: {  	v23 =	vmul.f32 $1.442695020e+00, v23;
	v14 =	vld [tilespmem:s7+$0x7C00];
	v11 =	vadd.f32 v11, v33;
	v26 =	vpop (erf);
	(erf) = vpow2.f32 v24  }
0x245: {  	v24 =	vld [tilespmem:s7+$0x4400];
	v9 =	vadd.f32 v10, v9;
	v10 =	vpop (erf);
	(erf) = vpow2.f32 v29;
	[tilespmem:s4+$0x17400] =	vst v12;
	s4 =	smov.u32 s18;
	s18 =	smov.u32 s7  }
0x246: {  	v12 =	vmul.f32 $1.442695020e+00, v18;
	v29 =	vld [tilespmem:s18+$0x3400];
	v11 =	vadd.f32 v26, v11;
	v18 =	vpop (erf);
	(erf) = vpow2.f32 v23  }
0x247: {  	v26 =	vadd.f32 v16, v13;
	v23 =	vld [tilespmem:s18+$0x2400];
	v9 =	vadd.f32 v10, v9;
	(erf) = vpow2.f32 v25  }
0x248: {  	v10 =	vld [tilespmem:s18+$0x2000];
	v31 =	vadd.f32 v18, v11;
	v18 =	vmul.f32 $1.442695020e+00, v22;
	v22 =	vpop (erf);
	(erf) = vpow2.f32 v12  }
0x249: {  	v25 =	vld [tilespmem:s18+$0x1400];
	v13 =	vmul.f32 $1.442695020e+00, v14;
	v14 =	vadd.f32 v22, v26;
	v16 =	vpop (erf);
	(erf) = vpow2.f32 v28  }
0x24a: {  	v6 =	vadd.f32 v6, v9;
	v9 =	vmul.f32 $1.442695020e+00, v20;
	v12 =	vld [tilespmem:s18+$0x5000];
	v20 =	vpop (erf);
	(erf) = vpow2.f32 v18  }
0x24b: {  	v16 =	vadd.f32 v16, v31;
	v18 =	vld [tilespmem:s18+$0x1000];
	v22 =	vadd.f32 v20, v14;
	v11 =	vpop (erf);
	(erf) = vpow2.f32 v21  }
0x24c: {  	v26 =	vadd.f32 v8, v6;
	v8 =	vmul.f32 $1.442695020e+00, v19;
	v20 =	vld [tilespmem:s18+$0x0];
	v19 =	vpop (erf);
	(erf) = vpow2.f32 v9  }
0x24d: {  	v9 =	vmul.f32 $1.442695020e+00, v10;
	v10 =	vld [tilespmem:s18+$0x6400];
	v19 =	vadd.f32 v19, v17;
	v17 =	vadd.f32 v11, v22;
	v14 =	vpop (erf)  }
0x24e: {  	v22 =	vmul.f32 $1.442695020e+00, v23;
	v5 =	vadd.f32 v5, v26;
	v21 =	vmul.f32 $1.442695020e+00, v25;
	v23 =	vld [tilespmem:s18+$0x7400];
	v6 =	vpop (erf)  }
0x24f: {  	v25 =	vmul.f32 $1.442695020e+00, v29;
	v26 =	vld [tilespmem:s18+$0x8400];
	v6 =	vadd.f32 v6, v17;
	v11 =	vpop (erf)  }
0x250: {  	v17 =	vmul.f32 $1.442695020e+00, v24;
	v31 =	vadd.f32 v27, v19;
	v24 =	vld [tilespmem:s18+$0x9400];
	v27 =	vpop (erf);
	(erf) = vpow2.f32 v8  }
0x251: {  	v8 =	vmul.f32 $1.442695020e+00, v30;
	v28 =	vld [tilespmem:s18+$0xA400];
	(erf) = vpow2.f32 v9;
	v6 =	vadd.f32 v27, v6;
	v9 =	vpop (erf)  }
0x252: {  	v27 =	vld [tilespmem:s18+$0x1800];
	v10 =	vmul.f32 $1.442695020e+00, v10;
	(erf) = vpow2.f32 v22;
	v22 =	vpop (erf)  }
0x253: {  	v9 =	vadd.f32 v9, v31;
	v29 =	vld [tilespmem:s18+$0x800];
	v23 =	vmul.f32 $1.442695020e+00, v23;
	(erf) = vpow2.f32 v21;
	v19 =	vpop (erf)  }
0x254: {  	v5 =	vadd.f32 v7, v5;
	v21 =	vld [tilespmem:s18+$0xC00];
	v26 =	vmul.f32 $1.442695020e+00, v26;
	(erf) = vpow2.f32 v8;
	v7 =	vpop (erf)  }
0x255: {  	v6 =	vadd.f32 v14, v6;
	v8 =	vld [tilespmem:s18+$0x3000];
	v24 =	vmul.f32 $1.442695020e+00, v24;
	(erf) = vpow2.f32 v25;
	v14 =	vpop (erf)  }
0x256: {  	v9 =	vadd.f32 v15, v9;
	v25 =	vld [tilespmem:s18+$0x1C00];
	v28 =	vmul.f32 $1.442695020e+00, v28;
	(erf) = vpow2.f32 v23  }
0x257: {  	v20 =	vmul.f32 $1.442695020e+00, v20;
	v6 =	vadd.f32 v7, v6;
	v23 =	vmul.f32 $1.442695020e+00, v27;
	v27 =	vld [tilespmem:s18+$0x2800]  }
0x258: {  	v30 =	vadd.f32 v11, v9;
	v7 =	vmul.f32 $1.442695020e+00, v29;
	v29 =	vld [tilespmem:s18+$0x3800];
	(erf) = vpow2.f32 v10  }
0x259: {  	v6 =	vadd.f32 v19, v6;
	v21 =	vmul.f32 $1.442695020e+00, v21;
	v10 =	vld [tilespmem:s18+$0x2C00];
	(erf) = vpow2.f32 v28;
	v11 =	vpop (erf)  }
0x25a: {  	v14 =	vadd.f32 v14, v30;
	v8 =	vmul.f32 $1.442695020e+00, v8;
	v19 =	vld [tilespmem:s18+$0x4800];
	v15 =	vpop (erf);
	(erf) = vpow2.f32 v24  }
0x25b: {  	v24 =	vmul.f32 $1.442695020e+00, v25;
	v25 =	vld [tilespmem:s18+$0x3C00];
	(erf) = vpow2.f32 v20;
	v9 =	vpop (erf);
	v20 =	vadd.f32 v11, v6  }
0x25c: {  	v4 =	vadd.f32 v4, v5;
	v27 =	vmul.f32 $1.442695020e+00, v27;
	v28 =	vld [tilespmem:s18+$0x5800];
	v11 =	vpop (erf);
	(erf) = vpow2.f32 v26  }
0x25d: {  	v16 =	vadd.f32 v22, v16;
	v26 =	vmul.f32 $1.442695020e+00, v29;
	v29 =	vld [tilespmem:s18+$0x4C00];
	(erf) = vpow2.f32 v23;
	v6 =	vpop (erf)  }
0x25e: {  	v3 =	vadd.f32 v3, v4;
	v22 =	vmul.f32 $1.442695020e+00, v10;
	v23 =	vld [tilespmem:s18+$0x6800];
	(erf) = vpow2.f32 v7;
	v10 =	vpop (erf)  }
0x25f: {  	v4 =	vadd.f32 v16, v14;
	v7 =	vmul.f32 $1.442695020e+00, v19;
	v19 =	vld [tilespmem:s18+$0x5C00];
	(erf) = vpow2.f32 v21;
	v5 =	vpop (erf)  }
0x260: {  	v18 =	vmul.f32 $1.442695020e+00, v18;
	v20 =	vadd.f32 v20, v3;
	v16 =	vld [tilespmem:s18+$0x400];
	(erf) = vpow2.f32 v8  }
0x261: {  	v21 =	vmul.f32 $1.442695020e+00, v25;
	v25 =	vld [tilespmem:s18+$0x6C00];
	(erf) = vpow2.f32 v24;
	v8 =	vpop (erf)  }
0x262: {  	v20 =	vadd.f32 v20, v4;
	v14 =	vmul.f32 $1.442695020e+00, v28;
	v24 =	vld [tilespmem:s18+$0x8800];
	(erf) = vpow2.f32 v27;
	v3 =	vpop (erf)  }
0x263: {  	v28 =	vmul.f32 $1.442695020e+00, v29;
	v27 =	vld [tilespmem:s18+$0x4000];
	(erf) = vpow2.f32 v26;
	v4 =	vpop (erf)  }
0x264: {  	v26 =	vmul.f32 $1.442695020e+00, v23;
	v23 =	vld [tilespmem:s18+$0x8C00];
	v29 =	vpop (erf);
	(erf) = vpow2.f32 v22;
	[tilespmem:s4+$0x17000] =	vst v20  }
0x265: {  	v32 =	vmul.f32 $1.442695020e+00, v16;
	(erf) = vpow2.f32 v7;
	v7 =	vpop (erf);
	v20 =	vld [tilespmem:s15+$0x17800]  }
0x266: {  	v19 =	vmul.f32 $1.442695020e+00, v19;
	v22 =	vld [tilespmem:s18+$0x9C00];
	(erf) = vpow2.f32 v18;
	v30 =	vpop (erf)  }
0x267: {  	v31 =	vld [tilespmem:s18+$0x6000];
	v18 =	vpop (erf);
	(erf) = vpow2.f32 v21  }
0x268: {  	v21 =	vadd.f32 $0.0e+00, v29;
	v24 =	vmul.f32 $1.442695020e+00, v24;
	v29 =	vld [tilespmem:s18+$0x7000];
	(erf) = vpow2.f32 v32;
	v16 =	vpop (erf)  }
0x269: {  	v32 =	vadd.f32 $0.0e+00, v18;
	v36 =	vadd.f32 $0.0e+00, v16;
	v34 =	vld [tilespmem:s18+$0x8000];
	v16 =	vpop (erf);
	(erf) = vpow2.f32 v28  }
0x26a: {  	v35 =	vmul.f32 $1.442695020e+00, v23;
	v18 =	vld [tilespmem:s18+$0x7800];
	v23 =	vpop (erf);
	(erf) = vpow2.f32 v24;
	vm0 =	vlt.s32 v20, $0x2D  }
0x26b: {  	v28 =	vadd.f32 v30, v32;
	v30 =	vadd.f32 v23, v36;
	v24 =	vld [tilespmem:s18+$0x9000];
	v23 =	vpop (erf);
	v36 =	vnsel vm0, $0x2D, v20  }
0x26c: {  	v25 =	vmul.f32 $1.442695020e+00, v25;
	v32 =	vld [tilespmem:s18+$0xA000];
	v33 =	vpop (erf);
	(erf) = vpow2.f32 v19;
	v19 =	vshll.u32 v36, $0xA  }
0x26d: {  	v28 =	vadd.f32 v23, v28;
	v23 =	vld [tilespmem:s18+$0x9800];
	v20 =	vpop (erf);
	(erf) = vpow2.f32 v26;
	v19 =	vadd.s32 s17, v19;
	s17 =	smov.u32 s13  }
0x26e: {  	v36 =	vmul.f32 $1.442695020e+00, v27;
	v27 =	vmul.f32 $1.442695020e+00, v22;
	v22 =	vld [tilespmem:s18+$0xB000];
	v37 =	vpop (erf);
	v19 =	vor.u32 s15, v19;
	s15 =	smov.u32 s9  }
0x26f: {  	v26 =	vadd.f32 v20, v30;
	v20 =	vld [tilespmem:s18+$0xA800];
	v30 =	vpop (erf);
	(erf) = vpow2.f32 v25;
	v38 =	vor.u32 v2, v19  }
.Ltmp7:
0x270: {  	v33 =	vadd.f32 v33, v28;
	v25 =	vadd.f32 v30, v21;
	v19 =	vld [tilespmem:s18+$0xB400];
	v21 =	vpop (erf);
	(erf) = vpow2.f32 v13;
	(pc) =	sbr.rel @p1 .LBB2_13-.Ltmp7, $4  }
0x271: {  	v26 =	vadd.f32 v21, v26;
	v21 =	vmul.f32 $1.442695020e+00, v32;
	v28 =	vld [tilespmem:s18+$0xAC00];
	v32 =	vpop (erf);
	(erf) = vpow2.f32 v17  }
0x272: {  	v31 =	vmul.f32 $1.442695020e+00, v31;
	v17 =	vadd.f32 v37, v33;
	v30 =	vpop (erf);
	(erf) = vpow2.f32 v35  }
0x273: {  	v29 =	vmul.f32 $1.442695020e+00, v29;
	v13 =	vadd.f32 v15, v25;
	v25 =	vmul.f32 $1.442695020e+00, v34;
	v15 =	vpop (erf)  }
0x274: {  	s7 =	smov.u32 s14;
	v33 =	vmul.f32 $1.442695020e+00, v12;
	v32 =	vadd.f32 $0.0e+00, v32;
	(erf) = vpow2.f32 v36;
	v12 =	vld.idx.msk [tilespmem:v38+s21+$0x0], $0xffff  }
0x275: {  	_ = 	snop  }
0x276: {  	(erf) = vpow2.f32 v27  }
0x277: {  	v49 =	vpop (erf);
	(erf) = vpow2.f32 v33  }
0x278: {  	v50 =	vpop (erf);
	(erf) = vpow2.f32 v31  }
0x279: {  	v24 =	vmul.f32 $1.442695020e+00, v24;
	(erf) = vpow2.f32 v14;
	v14 =	vpop (erf)  }
0x27a: {  	v51 =	vpop (erf)  }
0x27b: {  	(erf) = vpow2.f32 v24;
	v52 =	vpop (erf)  }
0x27c: {  	v13 =	vadd.f32 v16, v13;
	(erf) = vpow2.f32 v29;
	v54 =	vpop (erf)  }
0x27d: {  	v23 =	vmul.f32 $1.442695020e+00, v23;
	v11 =	vadd.f32 v11, v32;
	v55 =	vpop (erf)  }
0x27e: {  	v18 =	vmul.f32 $1.442695020e+00, v18;
	v13 =	vadd.f32 v55, v13  }
0x27f: {  	v16 =	vmul.f32 $1.442695020e+00, v22;
	v9 =	vadd.f32 v9, v11;
	(erf) = vpow2.f32 v23  }
0x280: {  	v53 =	vmul.f32 $1.442695020e+00, v28;
	(erf) = vpow2.f32 v25;
	v56 =	vpop (erf)  }
0x281: {  	v9 =	vadd.f32 v10, v9;
	v10 =	vmul.f32 $1.442695020e+00, v20;
	(erf) = vpow2.f32 v18;
	v11 =	vpop (erf)  }
0x282: {  	(erf) = vpow2.f32 v53;
	v11 =	vadd.f32 v11, v13;
	v13 =	vpop (erf)  }
0x283: {  	(erf) = vpow2.f32 v16;
	v16 =	vpop (erf)  }
0x284: {  	(erf) = vpow2.f32 v21;
	v11 =	vadd.f32 v13, v11;
	v13 =	vpop (erf)  }
0x285: {  	v57 =	vadd.f32 v30, v26;
	v9 =	vadd.f32 v52, v9;
	(erf) = vpow2.f32 v10;
	v10 =	vpop (erf)  }
0x286: {  	v19 =	vmul.f32 $1.442695020e+00, v19;
	v16 =	vadd.f32 v16, v17;
	v10 =	vadd.f32 v10, v11  }
0x287: {  	v6 =	vadd.f32 v6, v9  }
0x288: {  	v17 =	vadd.f32 v49, v57;
	v16 =	vadd.f32 v50, v16;
	v11 =	vpop (erf);
	(erf) = vpow2.f32 v19  }
0x289: {  	v6 =	vadd.f32 v8, v6;
	v9 =	vpop (erf)  }
0x28a: {  	v14 =	vadd.f32 v14, v17;
	v9 =	vadd.f32 v9, v10;
	v10 =	vpop (erf)  }
0x28b: {  	v5 =	vadd.f32 v5, v6;
	v8 =	vpop (erf);
	v10 =	vadd.f32 v10, v16  }
0x28c: {  	v9 =	vadd.f32 v13, v9;
	v13 =	vadd.f32 v51, v14;
	v16 =	vpop (erf)  }
0x28d: {  	v5 =	vadd.f32 v7, v5;
	v6 =	vpop (erf);
	v10 =	vadd.f32 v15, v10  }
0x28e: {  	v6 =	vadd.f32 v6, v9;
	v9 =	vadd.f32 v54, v13  }
0x28f: {  	v4 =	vadd.f32 v4, v5;
	v10 =	vadd.f32 v11, v10  }
0x290: {  	v7 =	vpop (erf);
	v6 =	vadd.f32 v16, v6;
	v9 =	vadd.f32 v56, v9  }
0x291: {  	v3 =	vadd.f32 v3, v4;
	v11 =	vpop (erf);
	v5 =	vadd.f32 v7, v10  }
0x292: {  	v6 =	vadd.f32 v11, v6;
	v7 =	vadd.f32 v8, v9;
	_ =	sdelay $0x1  }
0x293: {  	v4 =	vadd.f32 v7, v5;
	v3 =	vadd.f32 v6, v3;
	_ =	sdelay $0x1  }
0x294: {  	v3 =	vadd.f32 v3, v4  }
0x295: {  	[tilespmem:s4+$0x17400] =	vst v12  }
0x296: {  	[tilespmem:s18+$0x17000] =	vst v3  }
0x297: {  	v3 =	vld [tilespmem:s15+$0x17800];
	_ =	sdelay $0x4  }
0x298: {  	vm0 =	vlt.s32 v3, $0x2D  }
0x299: {  	v3 =	vnsel vm0, $0x2D, v3  }
0x29a: {  	v3 =	vshll.u32 v3, $0xA  }
0x29b: {  	v3 =	vadd.s32 s17, v3  }
0x29c: {  	v3 =	vor.u32 s15, v3  }
0x29d: {  	v3 =	vor.u32 v2, v3;
	_ =	sdelay $0x4  }
0x29e: {  	v3 =	vld.idx.msk [tilespmem:v3+s21+$0x0], $0xffff;
	_ =	sdelay $0x4  }
0x29f: {  	s7 =	simm.s32 $0x0;
	[tilespmem:s18+$0x17400] =	vst v3  }
0x2a0: {  	s4 =	sor.u32 s5, s7;
	v3 =	vld [tilespmem:s5+$0x17800]  }
0x2a1: {  	v4 =	vld [tilespmem:s4+$0x10C00]  }
0x2a2: {  	v5 =	vld [tilespmem:s4+$0xE400]  }
0x2a3: {  	v6 =	vld [tilespmem:s4+$0xFC00]  }
0x2a4: {  	v7 =	vld [tilespmem:s4+$0xC400]  }
0x2a5: {  	v8 =	vld [tilespmem:s4+$0xEC00]  }
0x2a6: {  	v9 =	vld [tilespmem:s4+$0xD800]  }
0x2a7: {  	v11 =	vld [tilespmem:s4+$0xF400]  }
0x2a8: {  	v10 =	vmov s7;
	v12 =	vld [tilespmem:s4+$0xE000]  }
0x2a9: {  	v10 =	vadd.s32 $0xFFFF4800, v10;
	v13 =	vld [tilespmem:s4+$0x10000];
	v7 =	vmul.f32 $1.442695020e+00, v7  }
0x2aa: {  	v10 =	vbroadcast v10, $0x0;
	v14 =	vld [tilespmem:s4+$0xCC00];
	v4 =	vmul.f32 $1.442695020e+00, v4  }
0x2ab: {  	v15 =	vld [tilespmem:s4+$0xE800];
	v5 =	vmul.f32 $1.442695020e+00, v5;
	(erf) = vpow2.f32 v7  }
0x2ac: {  	v16 =	vld [tilespmem:s4+$0x11C00];
	v6 =	vmul.f32 $1.442695020e+00, v6;
	(erf) = vpow2.f32 v4  }
0x2ad: {  	v59 =	vld [tilespmem:s4+$0x11400];
	v7 =	vmul.f32 $1.442695020e+00, v8;
	(erf) = vpow2.f32 v5  }
0x2ae: {  	v8 =	vld [tilespmem:s4+$0xD000];
	v5 =	vmul.f32 $1.442695020e+00, v9;
	(erf) = vpow2.f32 v6  }
0x2af: {  	v12 =	vmul.f32 $1.442695020e+00, v12;
	(erf) = vpow2.f32 v7;
	v7 =	vld [tilespmem:s4+$0xF000]  }
0x2b0: {  	(erf) = vpow2.f32 v5;
	v5 =	vmul.f32 $1.442695020e+00, v11;
	v11 =	vld [tilespmem:s4+$0xC000]  }
0x2b1: {  	v13 =	vmul.f32 $1.442695020e+00, v13;
	v15 =	vmul.f32 $1.442695020e+00, v15;
	v6 =	vld [tilespmem:s4+$0xBC00]  }
0x2b2: {  	v16 =	vmul.f32 $1.442695020e+00, v16;
	v9 =	vmul.f32 $1.442695020e+00, v14;
	v14 =	vld [tilespmem:s4+$0xC800]  }
0x2b3: {  	v60 =	vld [tilespmem:s4+$0x12000];
	v19 =	vmul.f32 $1.442695020e+00, v59;
	v8 =	vmul.f32 $1.442695020e+00, v8  }
0x2b4: {  	v4 =	vld [tilespmem:s4+$0xB800];
	(erf) = vpow2.f32 v12;
	v7 =	vmul.f32 $1.442695020e+00, v7  }
0x2b5: {  	v62 =	vld [tilespmem:s4+$0x13000];
	(erf) = vpow2.f32 v9;
	v11 =	vmul.f32 $1.442695020e+00, v11  }
0x2b6: {  	v35 =	vld [tilespmem:s4+$0x13400];
	(erf) = vpow2.f32 v8;
	v6 =	vmul.f32 $1.442695020e+00, v6  }
0x2b7: {  	v39 =	vld [tilespmem:s4+$0xF800];
	v14 =	vmul.f32 $1.442695020e+00, v14;
	v17 =	vpop (erf);
	(erf) = vpow2.f32 v7  }
0x2b8: {  	v20 =	vmul.f32 $1.442695020e+00, v60;
	v12 =	vld [tilespmem:s4+$0xDC00];
	(erf) = vpow2.f32 v11;
	v7 =	vpop (erf)  }
0x2b9: {  	v58 =	vld [tilespmem:s4+$0x11000];
	v4 =	vmul.f32 $1.442695020e+00, v4;
	(erf) = vpow2.f32 v6;
	v11 =	vpop (erf)  }
0x2ba: {  	v22 =	vmul.f32 $1.442695020e+00, v62;
	v9 =	vld [tilespmem:s4+$0x10400];
	(erf) = vpow2.f32 v14;
	v6 =	vpop (erf)  }
0x2bb: {  	v49 =	vld [tilespmem:s4+$0x13C00];
	v18 =	vmul.f32 $1.442695020e+00, v35;
	(erf) = vpow2.f32 v4;
	v14 =	vpop (erf)  }
0x2bc: {  	v51 =	vld [tilespmem:s4+$0x12800];
	v26 =	vmul.f32 $1.442695020e+00, v39;
	(erf) = vpow2.f32 v15;
	v63 =	vpop (erf)  }
0x2bd: {  	v36 =	vld [tilespmem:s4+$0xD400];
	v12 =	vmul.f32 $1.442695020e+00, v12;
	(erf) = vpow2.f32 v13;
	v15 =	vpop (erf)  }
0x2be: {  	v4 =	vmul.f32 $1.442695020e+00, v58;
	v13 =	vld [tilespmem:s4+$0x14000];
	(erf) = vpow2.f32 v5;
	v37 =	vpop (erf)  }
0x2bf: {  	vm0 =	vlt.s32 v3, $0x2E;
	v9 =	vmul.f32 $1.442695020e+00, v9;
	v38 =	vpop (erf);
	(erf) = vpow2.f32 v12;
	v12 =	vld [tilespmem:s4+$0x15000]  }
0x2c0: {  	v56 =	vmul.f32 $1.442695020e+00, v49;
	v3 =	vsel vm0, $0x2E, v3;
	v40 =	vpop (erf);
	(erf) = vpow2.f32 v4;
	v4 =	vld [tilespmem:s4+$0x14400]  }
0x2c1: {  	v61 =	vld [tilespmem:s4+$0x12400];
	v21 =	vmul.f32 $1.442695020e+00, v51;
	v3 =	vshll.u32 v3, $0xA;
	v41 =	vpop (erf);
	(erf) = vpow2.f32 v9  }
0x2c2: {  	v3 =	vadd.s32 v10, v3;
	v10 =	vmul.f32 $1.442695020e+00, v36;
	v8 =	vld [tilespmem:s4+$0x10800];
	v42 =	vpop (erf);
	(erf) = vpow2.f32 v19  }
0x2c3: {  	v13 =	vmul.f32 $1.442695020e+00, v13;
	v44 =	vpop (erf);
	(erf) = vpow2.f32 v22  }
0x2c4: {  	v9 =	vld [tilespmem:s4+$0x12C00];
	v46 =	vpop (erf);
	(erf) = vpow2.f32 v10;
	v10 =	vmul.f32 $1.442695020e+00, v12;
	v12 =	vadd.f32 $0.0e+00, v41  }
0x2c5: {  	v48 =	vpop (erf);
	(erf) = vpow2.f32 v13;
	v13 =	vmul.f32 $1.442695020e+00, v4;
	v4 =	vadd.f32 $0.0e+00, v42  }
0x2c6: {  	v45 =	vld [tilespmem:s4+$0x11800];
	v5 =	vmul.f32 $1.442695020e+00, v61;
	(erf) = vpow2.f32 v26;
	v50 =	vpop (erf);
	v12 =	vadd.f32 v38, v12  }
0x2c7: {  	v8 =	vmul.f32 $1.442695020e+00, v8;
	v52 =	vpop (erf);
	(erf) = vpow2.f32 v10;
	v10 =	vadd.f32 v37, v4  }
0x2c8: {  	v53 =	vpop (erf);
	(erf) = vpow2.f32 v5;
	v5 =	vadd.f32 $0.0e+00, v46;
	v12 =	vadd.f32 v15, v12;
	v15 =	vld [tilespmem:s4+$0x14800]  }
0x2c9: {  	v17 =	vadd.f32 $0.0e+00, v17;
	v9 =	vmul.f32 $1.442695020e+00, v9;
	v54 =	vpop (erf);
	(erf) = vpow2.f32 v20  }
0x2ca: {  	v10 =	vadd.f32 v53, v10;
	v55 =	vpop (erf);
	(erf) = vpow2.f32 v18;
	v5 =	vadd.f32 v44, v5  }
0x2cb: {  	v22 =	vmul.f32 $1.442695020e+00, v45;
	v12 =	vadd.f32 v40, v12;
	v57 =	vpop (erf);
	(erf) = vpow2.f32 v16;
	v16 =	vld [tilespmem:s4+$0x16000]  }
0x2cc: {  	v43 =	vld [tilespmem:s4+$0x15400];
	v10 =	vadd.f32 v14, v10;
	(erf) = vpow2.f32 v9;
	v58 =	vpop (erf);
	v5 =	vadd.f32 v63, v5  }
0x2cd: {  	v9 =	vld [tilespmem:s4+$0x13800];
	v12 =	vadd.f32 v50, v12;
	v59 =	vpop (erf);
	(erf) = vpow2.f32 v22;
	v14 =	vmul.f32 $1.442695020e+00, v15  }
0x2ce: {  	v6 =	vadd.f32 v6, v10;
	(erf) = vpow2.f32 v21;
	v60 =	vpop (erf);
	v17 =	vadd.f32 v59, v17  }
0x2cf: {  	v61 =	vld [tilespmem:s4+$0x14C00];
	v12 =	vadd.f32 v54, v12;
	v15 =	vpop (erf);
	(erf) = vpow2.f32 v8;
	v8 =	vadd.f32 v48, v5  }
0x2d0: {  	v10 =	vld [tilespmem:s4+$0x15800];
	(erf) = vpow2.f32 v56;
	v5 =	vpop (erf);
	v16 =	vmul.f32 $1.442695020e+00, v16;
	v11 =	vadd.f32 v11, v17  }
0x2d1: {  	v19 =	vmul.f32 $1.442695020e+00, v43;
	v7 =	vadd.f32 v7, v6;
	v62 =	vpop (erf);
	(erf) = vpow2.f32 v14;
	v14 =	vld [tilespmem:s4+$0x15C00]  }
0x2d2: {  	v9 =	vmul.f32 $1.442695020e+00, v9;
	v17 =	vpop (erf);
	(erf) = vpow2.f32 v16;
	v11 =	vadd.f32 v52, v11  }
0x2d3: {  	v63 =	vld [tilespmem:s4+$0x16800];
	v15 =	vadd.f32 v15, v8;
	v6 =	vpop (erf);
	v8 =	vadd.f32 v17, v12;
	(erf) = vpow2.f32 v19  }
0x2d4: {  	v47 =	vld [tilespmem:s4+$0x16400];
	v16 =	vmul.f32 $1.442695020e+00, v61;
	v12 =	vpop (erf);
	(erf) = vpow2.f32 v13;
	v11 =	vadd.f32 v55, v11  }
0x2d5: {  	v10 =	vmul.f32 $1.442695020e+00, v10;
	v7 =	vadd.f32 v12, v7;
	v12 =	vpop (erf);
	(erf) = vpow2.f32 v9  }
0x2d6: {  	v9 =	vpop (erf);
	v13 =	vmul.f32 $1.442695020e+00, v14;
	(erf) = vpow2.f32 v16;
	v11 =	vadd.f32 v57, v11  }
0x2d7: {  	v3 =	vor.u32 s5, v3;
	v14 =	vadd.f32 v58, v8;
	v8 =	vpop (erf);
	(erf) = vpow2.f32 v10  }
0x2d8: {  	v3 =	vor.u32 v2, v3;
	v16 =	vmul.f32 $1.442695020e+00, v63;
	v17 =	vpop (erf);
	(erf) = vpow2.f32 v13;
	v13 =	vld [tilespmem:s4+$0x16C00]  }
0x2d9: {  	v4 =	vmul.f32 $1.442695020e+00, v47;
	v10 =	vadd.f32 v12, v7;
	v7 =	vadd.f32 v60, v14;
	v12 =	vpop (erf)  }
0x2da: {  	s15 =	simm.s32 $0x0;
	v14 =	vadd.f32 v62, v11;
	(erf) = vpow2.f32 v16;
	v15 =	vadd.f32 v17, v15;
	v11 =	vpop (erf)  }
.LBB2_15:
0x2db: {  	p1 =	sne.s32 s23, $0x1F  }
0x2dc: {  	s21 =	sadd.s32 $0x10, s21;
	v16 =	vpop (erf);
	s7 =	smov.u32 s23;
	s23 =	sadd.s32 $0x1, s23  }
0x2dd: {  	v9 =	vadd.f32 v9, v15;
	v13 =	vsub.f32 $0.0e+00, v13;
	v15 =	vpop (erf);
	(erf) = vpow2.f32 v4  }
0x2de: {  	v4 =	vadd.f32 v6, v14;
	v6 =	vpop (erf)  }
0x2df: {  	v14 =	vadd.f32 v12, v10;
	v8 =	vadd.f32 v8, v9;
	v13 =	vmul.f32 $1.442695020e+00, v13;
	v12 =	vpop (erf)  }
0x2e0: {  	v4 =	vadd.f32 v6, v4;
	v6 =	vpop (erf)  }
0x2e1: {  	v8 =	vadd.f32 v12, v8;
	v6 =	vadd.f32 v6, v14;
	v9 =	vpop (erf);
	(erf) = vpow2.f32 v13  }
0x2e2: {  	v4 =	vadd.f32 v15, v4;
	v10 =	vpop (erf)  }
0x2e3: {  	v8 =	vadd.f32 v11, v8;
	v6 =	vadd.f32 v10, v6;
	v10 =	vpop (erf)  }
0x2e4: {  	v11 =	vld [tilespmem:s4+$0x17000]  }
0x2e5: {  	v8 =	vadd.f32 v9, v8  }
0x2e6: {  	v5 =	vadd.f32 v5, v7;
	v3 =	vld.idx.msk [tilespmem:v3+s29+$0x0], $0xffff;
	v7 =	vpop (erf)  }
0x2e7: {  	v4 =	vadd.f32 v7, v4;
	v7 =	vadd.f32 v10, v8;
	v8 =	vld [tilespmem:s4+$0x17400]  }
0x2e8: {  	v9 =	vadd.f32 v16, v5  }
0x2e9: {  	v6 =	vadd.f32 v7, v6  }
0x2ea: {  	v4 =	vadd.f32 v4, v9;
	v5 =	vpop (erf)  }
0x2eb: {  	v6 =	vadd.f32 v6, v11;
	v5 =	vadd.f32 $1.000000000e+00, v5  }
0x2ec: {  	v3 =	vsel vm0, v8, v3  }
0x2ed: {  	v4 =	vadd.f32 v6, v4;
	v3 =	vmul.f32 $1.442695020e+00, v3;
	_ =	sdelay $0x1  }
0x2ee: {  	v4 =	vmul.f32 v5, v4  }
0x2ef: {  	(erf) = vpow2.f32 v3  }
0x2f0: {  	(erf) = vrcp.f32 v4;
	_ =	sdelay $0x6  }
0x2f1: {  	v3 =	vld [tilespmem:s5+$0x17880]  }
0x2f2: {  	v4 =	vld [tilespmem:s5+$0x17900];
	v5 =	vpop (erf)  }
0x2f3: {  	v6 =	vpop (erf)  }
0x2f4: {  	s7 =	sshrl.u32 s7, $0x3;
	v5 =	vmul.f32 v6, v5  }
0x2f5: {  	s9 =	sand.u32 $0x70, s21;
	s13 =	sshll.u32 s7, $0x7  }
0x2f6: {  	s4 =	sor.u32 s9, s13;
	v7 =	vmov s13;
	s13 =	sor.u32 $0x380, s15;
	s15 =	smov.u32 s7;
	v6 =	vld [tilespmem:s9+$0x17800];
	vm0 =	vgt.f32 v5, v3  }
0x2f7: {  	v7 =	vadd.s32 $0xFFFF4800, v7;
	v3 =	vsel vm0, v5, v3;
	v4 =	vsel vm0, s13, v4  }
0x2f8: {  	[tilespmem:s5+$0x17880] =	vst v3  }
0x2f9: {  	[tilespmem:s5+$0x17900] =	vst v4;
	s5 =	smov.u32 s9  }
0x2fa: {  	v3 =	vld [tilespmem:s4+$0x10C00]  }
0x2fb: {  	v4 =	vld [tilespmem:s4+$0xE400];
	vm0 =	vlt.s32 v6, $0x2E  }
0x2fc: {  	v7 =	vbroadcast v7, $0x0;
	v5 =	vld [tilespmem:s4+$0xFC00];
	v6 =	vsel vm0, $0x2E, v6  }
0x2fd: {  	v8 =	vld [tilespmem:s4+$0xC400];
	v6 =	vshll.u32 v6, $0xA  }
0x2fe: {  	v9 =	vld [tilespmem:s4+$0xEC00];
	v6 =	vadd.s32 v7, v6  }
0x2ff: {  	v7 =	vld [tilespmem:s4+$0xD800];
	v10 =	vmul.f32 $1.442695020e+00, v3;
	v3 =	vor.u32 s5, v6  }
0x300: {  	v4 =	vmul.f32 $1.442695020e+00, v4;
	v6 =	vld [tilespmem:s4+$0xF400];
	v3 =	vor.u32 v2, v3  }
0x301: {  	v5 =	vmul.f32 $1.442695020e+00, v5;
	v11 =	vld [tilespmem:s4+$0x10000]  }
0x302: {  	v8 =	vmul.f32 $1.442695020e+00, v8;
	v12 =	vld [tilespmem:s4+$0xE000]  }
0x303: {  	v13 =	vld [tilespmem:s4+$0xE800];
	v9 =	vmul.f32 $1.442695020e+00, v9  }
0x304: {  	v14 =	vld [tilespmem:s4+$0xCC00];
	(erf) = vpow2.f32 v8  }
0x305: {  	v8 =	vld [tilespmem:s4+$0xB800]  }
0x306: {  	v15 =	vld [tilespmem:s4+$0xD000];
	(erf) = vpow2.f32 v10  }
0x307: {  	v10 =	vld [tilespmem:s4+$0xC800];
	v12 =	vmul.f32 $1.442695020e+00, v12;
	(erf) = vpow2.f32 v4  }
0x308: {  	v4 =	vmul.f32 $1.442695020e+00, v7;
	v16 =	vld [tilespmem:s4+$0x11C00];
	(erf) = vpow2.f32 v5  }
0x309: {  	v5 =	vld [tilespmem:s4+$0xBC00];
	v7 =	vmul.f32 $1.442695020e+00, v14;
	(erf) = vpow2.f32 v9  }
0x30a: {  	v9 =	vld [tilespmem:s4+$0xDC00];
	(erf) = vpow2.f32 v4  }
0x30b: {  	v14 =	vmul.f32 $1.442695020e+00, v6;
	v4 =	vld [tilespmem:s4+$0xF000];
	(erf) = vpow2.f32 v12  }
0x30c: {  	v11 =	vmul.f32 $1.442695020e+00, v11;
	v20 =	vmul.f32 $1.442695020e+00, v15;
	v12 =	vld [tilespmem:s4+$0xC000]  }
0x30d: {  	v13 =	vmul.f32 $1.442695020e+00, v13;
	v15 =	vld [tilespmem:s4+$0x10400];
	v17 =	vpop (erf);
	(erf) = vpow2.f32 v7  }
0x30e: {  	v8 =	vmul.f32 $1.442695020e+00, v8;
	v18 =	vld [tilespmem:s4+$0x10800];
	(erf) = vpow2.f32 v20  }
0x30f: {  	v10 =	vmul.f32 $1.442695020e+00, v10;
	v5 =	vmul.f32 $1.442695020e+00, v5;
	v19 =	vld [tilespmem:s4+$0x11000];
	v6 =	vpop (erf)  }
0x310: {  	v9 =	vmul.f32 $1.442695020e+00, v9;
	v4 =	vmul.f32 $1.442695020e+00, v4;
	v20 =	vld [tilespmem:s4+$0x11400];
	v7 =	vpop (erf)  }
0x311: {  	v16 =	vmul.f32 $1.442695020e+00, v16;
	v25 =	vmul.f32 $1.442695020e+00, v12;
	v21 =	vld [tilespmem:s4+$0x12000];
	v22 =	vpop (erf)  }
0x312: {  	v15 =	vmul.f32 $1.442695020e+00, v15;
	v23 =	vld [tilespmem:s4+$0x12400];
	v24 =	vpop (erf);
	(erf) = vpow2.f32 v4  }
0x313: {  	v18 =	vmul.f32 $1.442695020e+00, v18;
	v4 =	vld [tilespmem:s4+$0x13000];
	(erf) = vpow2.f32 v25;
	v12 =	vpop (erf)  }
0x314: {  	v19 =	vmul.f32 $1.442695020e+00, v19;
	v25 =	vld [tilespmem:s4+$0x13400];
	(erf) = vpow2.f32 v5;
	v5 =	vpop (erf)  }
0x315: {  	v20 =	vmul.f32 $1.442695020e+00, v20;
	v26 =	vld [tilespmem:s4+$0x14000];
	(erf) = vpow2.f32 v10  }
0x316: {  	v10 =	vmul.f32 $1.442695020e+00, v21;
	v21 =	vld [tilespmem:s4+$0x14400];
	(erf) = vpow2.f32 v8;
	v8 =	vpop (erf)  }
0x317: {  	v23 =	vmul.f32 $1.442695020e+00, v23;
	v27 =	vld [tilespmem:s4+$0x15000];
	v28 =	vpop (erf);
	(erf) = vpow2.f32 v13  }
0x318: {  	v13 =	vld [tilespmem:s4+$0xD400];
	v4 =	vmul.f32 $1.442695020e+00, v4;
	(erf) = vpow2.f32 v11  }
0x319: {  	v11 =	vld [tilespmem:s4+$0xF800];
	v25 =	vmul.f32 $1.442695020e+00, v25;
	(erf) = vpow2.f32 v14  }
0x31a: {  	v14 =	vld [tilespmem:s4+$0x12C00];
	v26 =	vmul.f32 $1.442695020e+00, v26;
	(erf) = vpow2.f32 v9  }
0x31b: {  	v9 =	vmul.f32 $1.442695020e+00, v21;
	v21 =	vld [tilespmem:s4+$0x15400];
	v29 =	vpop (erf);
	(erf) = vpow2.f32 v19  }
0x31c: {  	v19 =	vld [tilespmem:s4+$0x11800];
	v27 =	vmul.f32 $1.442695020e+00, v27;
	v30 =	vpop (erf);
	(erf) = vpow2.f32 v15  }
0x31d: {  	v33 =	vadd.f32 $0.0e+00, v30;
	v13 =	vmul.f32 $1.442695020e+00, v13;
	v30 =	vld [tilespmem:s4+$0x16400];
	v31 =	vpop (erf);
	(erf) = vpow2.f32 v20  }
0x31e: {  	v34 =	vadd.f32 $0.0e+00, v31;
	v35 =	vmul.f32 $1.442695020e+00, v11;
	v31 =	vld [tilespmem:s4+$0x13C00];
	v32 =	vpop (erf);
	(erf) = vpow2.f32 v4  }
0x31f: {  	v4 =	vadd.f32 v28, v33;
	v14 =	vmul.f32 $1.442695020e+00, v14;
	v15 =	vpop (erf);
	(erf) = vpow2.f32 v13  }
0x320: {  	v8 =	vadd.f32 v8, v34;
	v13 =	vmul.f32 $1.442695020e+00, v21;
	v20 =	vpop (erf);
	(erf) = vpow2.f32 v26  }
0x321: {  	v15 =	vadd.f32 $0.0e+00, v15;
	v19 =	vmul.f32 $1.442695020e+00, v19;
	v21 =	vld [tilespmem:s4+$0x12800];
	(erf) = vpow2.f32 v35;
	v11 =	vpop (erf)  }
0x322: {  	v5 =	vadd.f32 v5, v4;
	v4 =	vmul.f32 $1.442695020e+00, v30;
	v26 =	vpop (erf);
	(erf) = vpow2.f32 v27  }
0x323: {  	v27 =	vld [tilespmem:s4+$0x13800];
	v28 =	vmul.f32 $1.442695020e+00, v31;
	v30 =	vpop (erf);
	(erf) = vpow2.f32 v23  }
0x324: {  	v15 =	vadd.f32 v32, v15;
	v5 =	vadd.f32 v29, v5;
	v23 =	vld [tilespmem:s4+$0x16000];
	v29 =	vpop (erf);
	(erf) = vpow2.f32 v10  }
0x325: {  	v10 =	vadd.f32 $0.0e+00, v17;
	v8 =	vadd.f32 v30, v8;
	v17 =	vld [tilespmem:s4+$0x14800];
	v30 =	vpop (erf);
	(erf) = vpow2.f32 v25  }
0x326: {  	v25 =	vadd.f32 v11, v5;
	v31 =	vmul.f32 $1.442695020e+00, v21;
	v21 =	vpop (erf);
	(erf) = vpow2.f32 v16  }
0x327: {  	v12 =	vadd.f32 v12, v15;
	v8 =	vadd.f32 v24, v8;
	(erf) = vpow2.f32 v14;
	v14 =	vpop (erf)  }
0x328: {  	v15 =	vadd.f32 v29, v25;
	v16 =	vmul.f32 $1.442695020e+00, v27;
	v5 =	vpop (erf);
	(erf) = vpow2.f32 v19  }
0x329: {  	v12 =	vadd.f32 v20, v12;
	v8 =	vadd.f32 v22, v8;
	(erf) = vpow2.f32 v31;
	v11 =	vpop (erf)  }
0x32a: {  	v10 =	vadd.f32 v5, v10;
	v24 =	vmul.f32 $1.442695020e+00, v17;
	v19 =	vld [tilespmem:s4+$0x14C00];
	v20 =	vpop (erf);
	(erf) = vpow2.f32 v18  }
0x32b: {  	v22 =	vmul.f32 $1.442695020e+00, v23;
	v18 =	vld [tilespmem:s4+$0x15800];
	(erf) = vpow2.f32 v28;
	v5 =	vpop (erf)  }
0x32c: {  	v20 =	vadd.f32 v20, v12;
	v12 =	vld [tilespmem:s4+$0x15C00];
	v23 =	vpop (erf);
	(erf) = vpow2.f32 v24  }
0x32d: {  	v7 =	vadd.f32 v7, v10;
	v10 =	vld [tilespmem:s4+$0x16800];
	v17 =	vpop (erf);
	(erf) = vpow2.f32 v22  }
0x32e: {  	v8 =	vadd.f32 v6, v8;
	v15 =	vadd.f32 v17, v15;
	v6 =	vpop (erf);
	(erf) = vpow2.f32 v13  }
0x32f: {  	v7 =	vadd.f32 v26, v7;
	v13 =	vmul.f32 $1.442695020e+00, v19;
	v17 =	vpop (erf);
	(erf) = vpow2.f32 v9  }
0x330: {  	v22 =	vadd.f32 v17, v8;
	v18 =	vmul.f32 $1.442695020e+00, v18;
	v19 =	vpop (erf);
	(erf) = vpow2.f32 v16  }
.Ltmp8:
0x331: {  	v7 =	vadd.f32 v30, v7;
	v24 =	vmul.f32 $1.442695020e+00, v12;
	v9 =	vpop (erf);
	(erf) = vpow2.f32 v13;
	(pc) =	sbr.rel @p1 .LBB2_15-.Ltmp8, $4  }
0x332: {  	v14 =	vadd.f32 v14, v15;
	v15 =	vmul.f32 $1.442695020e+00, v10;
	v13 =	vld [tilespmem:s4+$0x16C00];
	v8 =	vpop (erf);
	(erf) = vpow2.f32 v18  }
0x333: {  	v16 =	vadd.f32 v21, v7;
	v10 =	vadd.f32 v19, v22;
	v17 =	vpop (erf);
	(erf) = vpow2.f32 v24  }
0x334: {  	v7 =	vadd.f32 v11, v14;
	v12 =	vpop (erf);
	(erf) = vpow2.f32 v15  }
0x335: {  	v14 =	vadd.f32 v23, v16;
	v15 =	vadd.f32 v17, v20;
	v11 =	vpop (erf)  }
0x336: {  	_ = 	snop  }
0x337: {  	v16 =	vpop (erf);
	v9 =	vadd.f32 v9, v15  }
0x338: {  	v45 =	vpop (erf)  }
0x339: {  	(erf) = vpow2.f32 v4;
	v46 =	vsub.f32 $0.0e+00, v13;
	v47 =	vpop (erf);
	v8 =	vadd.f32 v8, v9  }
0x33a: {  	v48 =	vpop (erf)  }
0x33b: {  	v4 =	vmul.f32 $1.442695020e+00, v46;
	v8 =	vadd.f32 v48, v8  }
0x33c: {  	v6 =	vadd.f32 v6, v14  }
0x33d: {  	v49 =	vadd.f32 v12, v10;
	v50 =	vpop (erf);
	(erf) = vpow2.f32 v4;
	v51 =	vadd.f32 v11, v8  }
0x33e: {  	v6 =	vadd.f32 v47, v6;
	v53 =	vpop (erf)  }
0x33f: {  	v52 =	vadd.f32 v50, v49;
	v54 =	vpop (erf);
	v4 =	vadd.f32 v53, v51  }
0x340: {  	v56 =	vld [tilespmem:s4+$0x17000];
	v5 =	vadd.f32 v5, v7;
	v6 =	vadd.f32 v45, v6;
	v55 =	vpop (erf)  }
0x341: {  	v3 =	vld.idx.msk [tilespmem:v3+s29+$0x0], $0xffff;
	v8 =	vadd.f32 v54, v52;
	v4 =	vadd.f32 v55, v4  }
0x342: {  	v58 =	vld [tilespmem:s4+$0x17400];
	v5 =	vadd.f32 v16, v5;
	v57 =	vpop (erf)  }
0x343: {  	v6 =	vadd.f32 v57, v6;
	v4 =	vadd.f32 v4, v8;
	_ =	sdelay $0x1  }
0x344: {  	v5 =	vadd.f32 v6, v5;
	v4 =	vadd.f32 v4, v56  }
0x345: {  	v59 =	vpop (erf)  }
0x346: {  	v3 =	vsel vm0, v58, v3;
	v6 =	vadd.f32 $1.000000000e+00, v59;
	v4 =	vadd.f32 v4, v5  }
0x347: {  	v3 =	vmul.f32 $1.442695020e+00, v3  }
0x348: {  	v4 =	vmul.f32 v6, v4  }
0x349: {  	(erf) = vpow2.f32 v3  }
0x34a: {  	(erf) = vrcp.f32 v4;
	_ =	sdelay $0x6  }
0x34b: {  	v3 =	vld [tilespmem:s5+$0x17880]  }
0x34c: {  	v60 =	vpop (erf)  }
0x34d: {  	v61 =	vld [tilespmem:s5+$0x17900];
	v62 =	vpop (erf)  }
0x34e: {  	v4 =	vmul.f32 v62, v60;
	_ =	sdelay $0x1  }
0x34f: {  	vm15 =	vgt.f32 v4, v3  }
0x350: {  	s16 =	sor.u32 $0x380, s15;
	v3 =	vsel vm15, v4, v3  }
0x351: {  	v63 =	vsel vm15, s16, v61;
	[tilespmem:s5+$0x17880] =	vst v3  }
0x352: {  	s17 =	rddreg [dreg:$0x9];
	s18 =	simm.s32 $0x17880;
	[tilespmem:s5+$0x17900] =	vst v63  }
0x353: {  	[spmem:s17] =	stream.linear.scatter [tilespmem:s18], [sflag:$0x4], $0x80, $0x38;
	[tilespmem:$0x17B80] =	vst v63  }
0x354: {  	_ =	swait.ge [sflag:s24], $0x80  }
0x355: {  	[sflag:s24] =	ssyncset.done $0x0  }
0x356: {  	s23 =	simm.s32 $0x17900;
	s21 =	rddreg [dreg:$0xa];
	[sflag:s24] =	ssyncadd.s32 $0xFFFFFF80  }
0x357: {  	[spmem:s21] =	stream.linear.scatter [tilespmem:s23], [sflag:$0x4], $0x80, $0x38;
	[tilespmem:$0x17B80] =	vst v63  }
.Ltmp9:
0x358: {  	_ =	swait.ge [sflag:s24], $0x80;
	(pc) =	sbr.rel @p0 .LBB2_18-.Ltmp9, $3  }
0x359: {  	[sflag:s24] =	ssyncset.done $0x0  }
0x35a: {  	[sflag:s24] =	ssyncadd.s32 $0xFFFFFF80  }
0x35b: {  	[bflag:$0x0] =	sbarrier.arrive $0xFFFF;
	_ =	sdelay $0x1  }
0x35c: {  	s4 =	rddreg [dreg:$0xb];
	s5 =	simm.s32 $0x17980  }
0x35d: {  	[tilespmem:s5], [sflag:$0x4] =	stream.linear.gather [spmem:s4], $0x80, $0x38;
	[tilespmem:$0x17B80] =	vst v63  }
0x35e: {  	_ =	swait.ge [sflag:s24], $0x80  }
0x35f: {  	[sflag:s24] =	ssyncset.done $0x0  }
0x360: {  	s7 =	simm.s32 $0x17A00;
	s14 =	rddreg [dreg:$0xc];
	[sflag:s24] =	ssyncadd.s32 $0xFFFFFF80  }
0x361: {  	[tilespmem:s7], [sflag:$0x4] =	stream.linear.gather [spmem:s14], $0x80, $0x38;
	[tilespmem:$0x17B80] =	vst v63  }
0x362: {  	_ =	swait.ge [sflag:s24], $0x80  }
0x363: {  	[sflag:s24] =	ssyncset.done $0x0  }
0x364: {  	[sflag:s24] =	ssyncadd.s32 $0xFFFFFF80  }
0x365: {  	v3 =	vld [tilespmem:$0x17880]  }
0x366: {  	v4 =	vld [tilespmem:$0x17900]  }
0x367: {  	v5 =	vld [tilespmem:$0x17980]  }
0x368: {  	v6 =	vld [tilespmem:$0x17A00]  }
0x369: {  	v7 =	vld [tilespmem:$0x17890]  }
0x36a: {  	v8 =	vld [tilespmem:$0x17910]  }
0x36b: {  	v9 =	vld [tilespmem:$0x17990]  }
0x36c: {  	v10 =	vld [tilespmem:$0x17A10]  }
0x36d: {  	v11 =	vld [tilespmem:$0x178A0]  }
0x36e: {  	v12 =	vld [tilespmem:$0x17920]  }
0x36f: {  	v13 =	vld [tilespmem:$0x179A0]  }
0x370: {  	v14 =	vld [tilespmem:$0x17A20]  }
0x371: {  	v15 =	vld [tilespmem:$0x178B0]  }
0x372: {  	v16 =	vld [tilespmem:$0x17930]  }
0x373: {  	v17 =	vld [tilespmem:$0x179B0]  }
0x374: {  	v18 =	vld [tilespmem:$0x17A30]  }
0x375: {  	v19 =	vld [tilespmem:$0x178C0]  }
0x376: {  	v20 =	vld [tilespmem:$0x17940]  }
0x377: {  	v21 =	vld [tilespmem:$0x179C0]  }
0x378: {  	v22 =	vld [tilespmem:$0x17A40]  }
0x379: {  	v23 =	vld [tilespmem:$0x178D0];
	vm0 =	veq.f32 v5, v3  }
0x37a: {  	v24 =	vld [tilespmem:$0x17950];
	vm1 =	vlt.s32 v6, v4;
	vm2 =	vgt.f32 v5, v3;
	vm12 =	vgt.f32 v9, v7  }
0x37b: {  	v45 =	vld [tilespmem:$0x179D0];
	vm13 =	veq.f32 v9, v7;
	vm14 =	vlt.s32 v10, v8;
	vm15 =	veq.f32 v13, v11  }
0x37c: {  	v46 =	vld [tilespmem:$0x17A50];
	vm3 =	vlt.s32 v14, v12;
	vm5 =	vgt.f32 v13, v11;
	vm0 =	vmand vm0, vm1  }
0x37d: {  	v25 =	vld [tilespmem:$0x178E0];
	vm6 =	veq.f32 v17, v15;
	vm7 =	vlt.s32 v18, v16;
	vm0 =	vmor vm2, vm0  }
0x37e: {  	v26 =	vld [tilespmem:$0x17960];
	vm8 =	vgt.f32 v17, v15;
	vm1 =	vmand vm13, vm14;
	v3 =	vsel vm0, v5, v3  }
0x37f: {  	v48 =	vld [tilespmem:$0x17A60];
	vm10 =	vgt.f32 v21, v19;
	v4 =	vsel vm0, v6, v4;
	vm0 =	vmor vm12, vm1;
	[tilespmem:$0x17880] =	vst v3  }
0x380: {  	v51 =	vld [tilespmem:$0x178F0];
	vm11 =	veq.f32 v21, v19;
	vm2 =	vmand vm15, vm3;
	[tilespmem:$0x17900] =	vst v4;
	v47 =	vsel vm0, v9, v7  }
0x381: {  	v56 =	vld [tilespmem:$0x179F0];
	vm13 =	veq.f32 v45, v23;
	vm1 =	vmor vm5, vm2;
	v49 =	vsel vm0, v10, v8;
	[tilespmem:$0x17890] =	vst v47  }
0x382: {  	vm14 =	vlt.s32 v46, v24;
	vm2 =	vmand vm6, vm7;
	v3 =	vld [tilespmem:$0x179E0];
	v50 =	vsel vm1, v13, v11;
	[tilespmem:$0x17910] =	vst v49  }
0x383: {  	v55 =	vld [tilespmem:$0x17970];
	vm12 =	vlt.s32 v22, v20;
	vm9 =	vmor vm8, vm2;
	v52 =	vsel vm1, v14, v12;
	[tilespmem:$0x178A0] =	vst v50  }
0x384: {  	v57 =	vld [tilespmem:$0x17A70];
	vm15 =	vgt.f32 v45, v23;
	vm1 =	vmand vm11, vm12;
	v53 =	vsel vm9, v17, v15;
	[tilespmem:$0x17920] =	vst v52  }
0x385: {  	vm6 =	vlt.s32 v48, v26;
	v54 =	vsel vm9, v18, v16;
	vm0 =	vmor vm10, vm1;
	[tilespmem:$0x178B0] =	vst v53  }
0x386: {  	vm2 =	vmand vm13, vm14;
	vm8 =	veq.f32 v56, v51;
	[tilespmem:$0x17930] =	vst v54;
	v58 =	vsel vm0, v21, v19  }
0x387: {  	vm4 =	vmor vm15, vm2;
	v59 =	vsel vm0, v22, v20;
	[tilespmem:$0x178C0] =	vst v58;
	vm5 =	veq.f32 v3, v25  }
0x388: {  	v5 =	vsel vm4, v45, v23;
	[tilespmem:$0x17940] =	vst v59;
	vm7 =	vgt.f32 v3, v25;
	vm1 =	vmand vm5, vm6  }
0x389: {  	vm9 =	vlt.s32 v57, v55;
	v6 =	vsel vm4, v46, v24;
	[tilespmem:$0x178D0] =	vst v5;
	vm0 =	vmor vm7, vm1  }
0x38a: {  	vm10 =	vgt.f32 v56, v51;
	[tilespmem:$0x17950] =	vst v6;
	vm1 =	vmand vm8, vm9;
	v3 =	vsel vm0, v3, v25  }
0x38b: {  	vm11 =	vmor vm10, vm1;
	[tilespmem:$0x178E0] =	vst v3;
	v3 =	vsel vm0, v48, v26  }
0x38c: {  	[tilespmem:$0x17960] =	vst v3;
	v3 =	vsel vm11, v56, v51  }
0x38d: {  	[tilespmem:$0x178F0] =	vst v3;
	v3 =	vsel vm11, v57, v55  }
0x38e: {  	s15 =	rddreg [dreg:$0xd];
	[tilespmem:$0x17970] =	vst v3  }
0x38f: {  	[tilespmem:s5], [sflag:$0x4] =	stream.linear.gather [spmem:s15], $0x80, $0x38;
	[tilespmem:$0x17B80] =	vst v63  }
0x390: {  	_ =	swait.ge [sflag:s24], $0x80  }
0x391: {  	[sflag:s24] =	ssyncset.done $0x0  }
0x392: {  	s16 =	rddreg [dreg:$0xe];
	[sflag:s24] =	ssyncadd.s32 $0xFFFFFF80  }
0x393: {  	[tilespmem:s7], [sflag:$0x4] =	stream.linear.gather [spmem:s16], $0x80, $0x38;
	[tilespmem:$0x17B80] =	vst v63  }
0x394: {  	_ =	swait.ge [sflag:s24], $0x80  }
0x395: {  	[sflag:s24] =	ssyncset.done $0x0  }
0x396: {  	[sflag:s24] =	ssyncadd.s32 $0xFFFFFF80  }
0x397: {  	v3 =	vld [tilespmem:$0x17880]  }
0x398: {  	v60 =	vld [tilespmem:$0x17900]  }
0x399: {  	v61 =	vld [tilespmem:$0x17980]  }
0x39a: {  	v62 =	vld [tilespmem:$0x17A00]  }
0x39b: {  	v63 =	vld [tilespmem:$0x17890]  }
0x39c: {  	v28 =	vld [tilespmem:$0x17910]  }
0x39d: {  	v29 =	vld [tilespmem:$0x17990]  }
0x39e: {  	v30 =	vld [tilespmem:$0x17A10]  }
0x39f: {  	v31 =	vld [tilespmem:$0x178A0]  }
0x3a0: {  	v32 =	vld [tilespmem:$0x17920]  }
0x3a1: {  	v33 =	vld [tilespmem:$0x179A0]  }
0x3a2: {  	v34 =	vld [tilespmem:$0x17A20]  }
0x3a3: {  	v35 =	vld [tilespmem:$0x178B0]  }
0x3a4: {  	v36 =	vld [tilespmem:$0x17930]  }
0x3a5: {  	v37 =	vld [tilespmem:$0x179B0]  }
0x3a6: {  	v38 =	vld [tilespmem:$0x17A30]  }
0x3a7: {  	v39 =	vld [tilespmem:$0x178C0]  }
0x3a8: {  	v40 =	vld [tilespmem:$0x17940]  }
0x3a9: {  	v41 =	vld [tilespmem:$0x179C0]  }
0x3aa: {  	v42 =	vld [tilespmem:$0x17A40]  }
0x3ab: {  	v43 =	vld [tilespmem:$0x178D0];
	vm12 =	veq.f32 v61, v3  }
0x3ac: {  	v44 =	vld [tilespmem:$0x17950];
	vm13 =	vlt.s32 v62, v60;
	vm14 =	vgt.f32 v61, v3;
	vm15 =	vgt.f32 v29, v63  }
0x3ad: {  	v45 =	vld [tilespmem:$0x179D0];
	vm6 =	veq.f32 v29, v63;
	vm7 =	vlt.s32 v30, v28;
	vm8 =	veq.f32 v33, v31  }
0x3ae: {  	v46 =	vld [tilespmem:$0x17A50];
	vm9 =	vlt.s32 v34, v32;
	vm10 =	vgt.f32 v33, v31;
	vm0 =	vmand vm12, vm13  }
0x3af: {  	v47 =	vld [tilespmem:$0x178E0];
	vm11 =	veq.f32 v37, v35;
	vm5 =	veq.f32 v41, v39;
	vm0 =	vmor vm14, vm0  }
0x3b0: {  	v48 =	vld [tilespmem:$0x17960];
	vm1 =	vmand vm6, vm7;
	vm2 =	vmand vm8, vm9;
	v3 =	vsel vm0, v61, v3  }
0x3b1: {  	v50 =	vld [tilespmem:$0x17A60];
	vm12 =	vlt.s32 v38, v36;
	v4 =	vsel vm0, v62, v60;
	vm0 =	vmor vm15, vm1;
	[tilespmem:$0x17880] =	vst v3  }
0x3b2: {  	v53 =	vld [tilespmem:$0x178F0];
	vm13 =	vgt.f32 v37, v35;
	vm6 =	vlt.s32 v42, v40;
	[tilespmem:$0x17900] =	vst v4;
	v49 =	vsel vm0, v29, v63  }
0x3b3: {  	v58 =	vld [tilespmem:$0x179F0];
	vm7 =	veq.f32 v45, v43;
	vm1 =	vmor vm10, vm2;
	v51 =	vsel vm0, v30, v28;
	[tilespmem:$0x17890] =	vst v49  }
0x3b4: {  	vm8 =	vlt.s32 v46, v44;
	vm2 =	vmand vm11, vm12;
	v3 =	vld [tilespmem:$0x179E0];
	v52 =	vsel vm1, v33, v31;
	[tilespmem:$0x17910] =	vst v51  }
0x3b5: {  	v57 =	vld [tilespmem:$0x17970];
	vm9 =	vgt.f32 v45, v43;
	vm14 =	vmor vm13, vm2;
	v54 =	vsel vm1, v34, v32;
	[tilespmem:$0x178A0] =	vst v52  }
0x3b6: {  	v59 =	vld [tilespmem:$0x17A70];
	vm15 =	vgt.f32 v41, v39;
	vm1 =	vmand vm5, vm6;
	v55 =	vsel vm14, v37, v35;
	[tilespmem:$0x17920] =	vst v54  }
0x3b7: {  	vm2 =	vmand vm7, vm8;
	v56 =	vsel vm14, v38, v36;
	vm0 =	vmor vm15, vm1;
	[tilespmem:$0x178B0] =	vst v55  }
0x3b8: {  	vm12 =	vlt.s32 v50, v48;
	vm10 =	vmor vm9, vm2;
	[tilespmem:$0x17930] =	vst v56;
	v60 =	vsel vm0, v41, v39  }
0x3b9: {  	vm14 =	veq.f32 v58, v53;
	v61 =	vsel vm0, v42, v40;
	[tilespmem:$0x178C0] =	vst v60;
	vm11 =	veq.f32 v3, v47  }
0x3ba: {  	v5 =	vsel vm10, v45, v43;
	[tilespmem:$0x17940] =	vst v61;
	vm13 =	vgt.f32 v3, v47;
	vm1 =	vmand vm11, vm12  }
0x3bb: {  	vm15 =	vlt.s32 v59, v57;
	v6 =	vsel vm10, v46, v44;
	[tilespmem:$0x178D0] =	vst v5;
	vm0 =	vmor vm13, vm1  }
0x3bc: {  	vm6 =	vgt.f32 v58, v53;
	[tilespmem:$0x17950] =	vst v6;
	vm1 =	vmand vm14, vm15;
	v3 =	vsel vm0, v3, v47  }
0x3bd: {  	vm7 =	vmor vm6, vm1;
	[tilespmem:$0x178E0] =	vst v3;
	v3 =	vsel vm0, v50, v48  }
0x3be: {  	[tilespmem:$0x17960] =	vst v3;
	v3 =	vsel vm7, v58, v53  }
0x3bf: {  	[tilespmem:$0x178F0] =	vst v3;
	v3 =	vsel vm7, v59, v57  }
0x3c0: {  	s17 =	rddreg [dreg:$0xf];
	[tilespmem:$0x17970] =	vst v3  }
0x3c1: {  	[tilespmem:s5], [sflag:$0x4] =	stream.linear.gather [spmem:s17], $0x80, $0x38;
	[tilespmem:$0x17B80] =	vst v63  }
0x3c2: {  	_ =	swait.ge [sflag:s24], $0x80  }
0x3c3: {  	[sflag:s24] =	ssyncset.done $0x0  }
0x3c4: {  	s18 =	rddreg [dreg:$0x10];
	[sflag:s24] =	ssyncadd.s32 $0xFFFFFF80  }
0x3c5: {  	[tilespmem:s7], [sflag:$0x4] =	stream.linear.gather [spmem:s18], $0x80, $0x38;
	[tilespmem:$0x17B80] =	vst v63  }
0x3c6: {  	_ =	swait.ge [sflag:s24], $0x80  }
0x3c7: {  	[sflag:s24] =	ssyncset.done $0x0  }
0x3c8: {  	[sflag:s24] =	ssyncadd.s32 $0xFFFFFF80  }
0x3c9: {  	v3 =	vld [tilespmem:$0x17880]  }
0x3ca: {  	v62 =	vld [tilespmem:$0x17900]  }
0x3cb: {  	v63 =	vld [tilespmem:$0x17980]  }
0x3cc: {  	v28 =	vld [tilespmem:$0x17A00]  }
0x3cd: {  	v29 =	vld [tilespmem:$0x17890]  }
0x3ce: {  	v30 =	vld [tilespmem:$0x17910]  }
0x3cf: {  	v31 =	vld [tilespmem:$0x17990]  }
0x3d0: {  	v32 =	vld [tilespmem:$0x17A10]  }
0x3d1: {  	v33 =	vld [tilespmem:$0x178A0]  }
0x3d2: {  	v34 =	vld [tilespmem:$0x17920]  }
0x3d3: {  	v35 =	vld [tilespmem:$0x179A0]  }
0x3d4: {  	v36 =	vld [tilespmem:$0x17A20]  }
0x3d5: {  	v37 =	vld [tilespmem:$0x178B0]  }
0x3d6: {  	v38 =	vld [tilespmem:$0x17930]  }
0x3d7: {  	v39 =	vld [tilespmem:$0x179B0]  }
0x3d8: {  	v40 =	vld [tilespmem:$0x17A30]  }
0x3d9: {  	v41 =	vld [tilespmem:$0x178C0]  }
0x3da: {  	v42 =	vld [tilespmem:$0x17940]  }
0x3db: {  	v43 =	vld [tilespmem:$0x179C0]  }
0x3dc: {  	v44 =	vld [tilespmem:$0x17A40]  }
0x3dd: {  	v45 =	vld [tilespmem:$0x178D0];
	vm8 =	veq.f32 v63, v3  }
0x3de: {  	v46 =	vld [tilespmem:$0x17950];
	vm9 =	vlt.s32 v28, v62;
	vm10 =	vgt.f32 v63, v3;
	vm11 =	vgt.f32 v31, v29  }
0x3df: {  	v47 =	vld [tilespmem:$0x179D0];
	vm12 =	veq.f32 v31, v29;
	vm13 =	vlt.s32 v32, v30;
	vm14 =	veq.f32 v35, v33  }
0x3e0: {  	v48 =	vld [tilespmem:$0x17A50];
	vm15 =	vlt.s32 v36, v34;
	vm6 =	vgt.f32 v35, v33;
	vm0 =	vmand vm8, vm9  }
0x3e1: {  	v49 =	vld [tilespmem:$0x178E0];
	vm7 =	veq.f32 v39, v37;
	vm1 =	vmand vm12, vm13;
	vm0 =	vmor vm10, vm0  }
0x3e2: {  	v50 =	vld [tilespmem:$0x17960];
	vm2 =	vmand vm14, vm15;
	vm8 =	vlt.s32 v40, v38;
	v3 =	vsel vm0, v63, v3  }
0x3e3: {  	v52 =	vld [tilespmem:$0x17A60];
	vm9 =	vgt.f32 v39, v37;
	v4 =	vsel vm0, v28, v62;
	vm0 =	vmor vm11, vm1;
	[tilespmem:$0x17880] =	vst v3  }
0x3e4: {  	v55 =	vld [tilespmem:$0x178F0];
	vm12 =	veq.f32 v43, v41;
	vm13 =	vlt.s32 v44, v42;
	[tilespmem:$0x17900] =	vst v4;
	v51 =	vsel vm0, v31, v29  }
0x3e5: {  	v60 =	vld [tilespmem:$0x179F0];
	vm14 =	veq.f32 v47, v45;
	vm1 =	vmor vm6, vm2;
	v53 =	vsel vm0, v32, v30;
	[tilespmem:$0x17890] =	vst v51  }
0x3e6: {  	vm15 =	vlt.s32 v48, v46;
	vm2 =	vmand vm7, vm8;
	v3 =	vld [tilespmem:$0x179E0];
	v54 =	vsel vm1, v35, v33;
	[tilespmem:$0x17910] =	vst v53  }
0x3e7: {  	v59 =	vld [tilespmem:$0x17970];
	vm5 =	vmand vm14, vm15;
	vm10 =	vmor vm9, vm2;
	v56 =	vsel vm1, v36, v34;
	[tilespmem:$0x178A0] =	vst v54  }
0x3e8: {  	v61 =	vld [tilespmem:$0x17A70];
	vm11 =	vgt.f32 v43, v41;
	vm6 =	vgt.f32 v47, v45;
	v57 =	vsel vm10, v39, v37;
	[tilespmem:$0x17920] =	vst v56  }
0x3e9: {  	vm1 =	vmand vm12, vm13;
	vm7 =	vmor vm6, vm5;
	v58 =	vsel vm10, v40, v38;
	[tilespmem:$0x178B0] =	vst v57  }
0x3ea: {  	vm9 =	vlt.s32 v52, v50;
	vm12 =	veq.f32 v60, v55;
	v5 =	vsel vm7, v47, v45;
	[tilespmem:$0x17930] =	vst v58  }
0x3eb: {  	vm0 =	vmor vm11, vm1;
	v6 =	vsel vm7, v48, v46;
	[tilespmem:$0x178D0] =	vst v5;
	vm8 =	veq.f32 v3, v49  }
0x3ec: {  	v62 =	vsel vm0, v43, v41;
	[tilespmem:$0x17950] =	vst v6;
	vm11 =	vgt.f32 v3, v49;
	vm10 =	vmand vm8, vm9  }
0x3ed: {  	vm13 =	vlt.s32 v61, v59;
	v63 =	vsel vm0, v44, v42;
	[tilespmem:$0x178C0] =	vst v62;
	vm0 =	vmor vm11, vm10  }
0x3ee: {  	vm14 =	vgt.f32 v60, v55;
	vm1 =	vmand vm12, vm13;
	[tilespmem:$0x17940] =	vst v63;
	v3 =	vsel vm0, v3, v49  }
0x3ef: {  	vm15 =	vmor vm14, vm1;
	[tilespmem:$0x178E0] =	vst v3;
	v3 =	vsel vm0, v52, v50  }
0x3f0: {  	[tilespmem:$0x17960] =	vst v3;
	v3 =	vsel vm15, v60, v55  }
0x3f1: {  	[tilespmem:$0x178F0] =	vst v3;
	v3 =	vsel vm15, v61, v59  }
.Ltmp10:
0x3f2: {  	s23 =	simm.s32 $0x17900;
	s21 =	rddreg [dreg:$0x11];
	[tilespmem:$0x17970] =	vst v3;
	(pc) =	sbr.rel .LBB2_18-.Ltmp10, $4  }
0x3f3: {  	[hbm4b:s21+s3] =	stream.linear.scatter [tilespmem:s23], [sflag:$0x4], $0x80, $0x38;
	[tilespmem:$0x17B80] =	vst v63  }
0x3f4: {  	_ =	swait.ge [sflag:s24], $0x80  }
0x3f5: {  	[sflag:s24] =	ssyncset.done $0x0  }
0x3f6: {  	[sflag:s24] =	ssyncadd.s32 $0xFFFFFF80  }
.LBB2_19:
0x3f7: {  	_ =	sfence.sel $0x180000  }
0x3f8: {  	[bflag:$0x0] =	sbarrier.arrive $0xFFFF  }
0x3f9: {  	_ =	strace $0x90000047  }
0x3fa: {  	s0 =	stileid.u32;
	[bflag:$0x2] =	sbarrier.arrive $0xFFFF  }
0x3fb: {  	p0 =	sne.s32 s0, $0x0;
	s0 =	rddreg [dreg:$0x6]  }
0x3fc: {  	s0 =	sadd.s32 @!p0 $0x100000, s0  }
0x3fd: {  	[sflag:s0] =	ssyncadd.tile.s32 @!p0 $0x1;
	_ =	shalt  }
.Lfunc_end2:
_tile_overlayer_lowered:
.L_overlay_start_2:
0x3fe: {  	(tag) =	ssettag $0x2  }
0x3ff: {  	s0 =	rddreg [dreg:$0x0];
	s2 =	stileid.u32  }
0x400: {  	s1 =	rddreg [dreg:$0x1];
	p0 =	sne.s32 s2, $0x0  }
0x401: {  	s3 =	rddreg [dreg:$0x2];
	[bflag:$0x3] =	sbarrier.arrive $0xFFFF;
	s2 =	simm.s32 @!p0 $0x1C04  }
0x402: {  	[timem:s3], [sflag:s2] =	dma.local @!p0 [hbm:s0], s1  }
0x403: {  	s0 =	simm.s32 @!p0 $0x4  }
0x404: {  	_ =	swait.ge @!p0 [sflag:s0], s1  }
0x405: {  	s1 =	ssub.s32 @!p0 $0x0, s1;
	[sflag:s0] =	ssyncset.done @!p0 $0x0  }
0x406: {  	[sflag:s0] =	ssyncadd.s32 @!p0 s1  }
0x407: {  	[bflag:$0x3] =	sbarrier.arrive $0xFFFF  }
0x408: {  	_ =	shalt  }

</sc_bundles>
